<compile_context>
chip_gen: v7x
topology: tpu7x:2x2x1
jax: 0.10.2.dev20260603
libtpu: 0.0.44.dev20260713+nightly
codegen_flags: <defaults>
</compile_context>

<pallas_src>
import functools

import jax
import jax.numpy as jnp
from jax import lax
from jax.experimental import pallas as pl
from jax.experimental.pallas import tpu as pltpu
from jax.experimental.pallas import tpu_sc as plsc

N = 10000
F = 128
E = 320000
C = 10

NPAD = 10240
TRASH = N
NC = 2
NS = 16
NW = NC * NS
EPW = 10240
EPAD = NW * EPW
CHUNK = 32
NCH = EPW // CHUNK
NBUF = 8
NPH = 2
DCHUNK = 128
DNCH = EPW // DCHUNK
RPW = NPAD // NS

@functools.lru_cache(maxsize=None)
def _mesh():
    return plsc.VectorSubcoreMesh(core_axis_name="c", subcore_axis_name="s",
                                  num_cores=NC, num_subcores=NS)


def _deg_body(dst_hbm, out_hbm, idx_v, ones_v, zeros_v, deg_sh):
    cid = lax.axis_index("c")
    sid = lax.axis_index("s")
    wid = cid * NS + sid

    def fill_ones(i, _):
        ones_v[pl.ds(i * 16, 16)] = jnp.full((16,), 1.0, jnp.float32)
        return 0

    lax.fori_loop(0, DCHUNK // 16, fill_ones, 0)

    def fill_zeros(i, _):
        zeros_v[pl.ds(i * 16, 16)] = jnp.zeros((16,), jnp.float32)
        return 0

    lax.fori_loop(0, RPW // 16, fill_zeros, 0)

    pltpu.sync_copy(zeros_v, deg_sh.at[pl.ds(sid * RPW, RPW)])
    pltpu.sync_copy(dst_hbm.at[wid], idx_v)
    plsc.subcore_barrier()

    def scatter(j, _):
        pltpu.sync_copy(ones_v, deg_sh.at[idx_v.at[j]], add=True)
        return 0

    lax.fori_loop(0, DNCH, scatter, 0)
    plsc.subcore_barrier()
    pltpu.sync_copy(deg_sh.at[pl.ds(sid * RPW, RPW)],
                    out_hbm.at[cid, pl.ds(sid * RPW, RPW)])


@functools.lru_cache(maxsize=None)
def _deg_call():
    return pl.kernel(
        _deg_body,
        out_type=jax.ShapeDtypeStruct((NC, NPAD), jnp.float32),
        mesh=_mesh(),
        scratch_types=[
            pltpu.VMEM((DNCH, DCHUNK), jnp.int32),
            pltpu.VMEM((DCHUNK,), jnp.float32),
            pltpu.VMEM((RPW,), jnp.float32),
            pltpu.VMEM_SHARED((NPAD,), jnp.float32),
        ],
    )


def _msg_body(hs_hbm, src_hbm, dst_hbm, out_hbm, src_v, dst_v, rows_v,
              acc_sh, sem):
    cid = lax.axis_index("c")
    sid = lax.axis_index("s")
    wid = cid * NS + sid

    def fill_zeros(i, _):
        rows_v[0, i // 8, pl.ds((i % 8) * 16, 16)] = jnp.zeros((16,),
                                                               jnp.float32)
        return 0

    lax.fori_loop(0, CHUNK * 8, fill_zeros, 0)

    def zero_acc(i, _):
        pltpu.sync_copy(rows_v.at[0],
                        acc_sh.at[pl.ds(sid * RPW + i * CHUNK, CHUNK)])
        return 0

    lax.fori_loop(0, RPW // CHUNK, zero_acc, 0)

    plsc.subcore_barrier()

    KPH = NCH // NPH

    for ph in range(NPH):
        pltpu.sync_copy(src_hbm.at[wid, pl.ds(ph * KPH * CHUNK, KPH * CHUNK)],
                        src_v)
        pltpu.sync_copy(dst_hbm.at[wid, pl.ds(ph * KPH * CHUNK, KPH * CHUNK)],
                        dst_v)

        def issue(k, buf):
            pltpu.async_copy(hs_hbm.at[src_v.at[pl.ds(k * CHUNK, CHUNK)]],
                             rows_v.at[buf], sem.at[buf])

        for j in range(NBUF):
            issue(j, j)

        def group(g, _):
            base = g * NBUF
            for j in range(NBUF):
                pltpu.make_async_copy(
                    hs_hbm.at[src_v.at[pl.ds((base + j) * CHUNK, CHUNK)]],
                    rows_v.at[j], sem.at[j]).wait()
                pltpu.sync_copy(
                    rows_v.at[j],
                    acc_sh.at[dst_v.at[pl.ds((base + j) * CHUNK, CHUNK)]],
                    add=True)

                @pl.when(base + NBUF + j < KPH)
                def _():
                    issue(base + NBUF + j, j)

            return 0

        lax.fori_loop(0, KPH // NBUF, group, 0)

    plsc.subcore_barrier()
    pltpu.sync_copy(acc_sh.at[pl.ds(sid * RPW, RPW)],
                    out_hbm.at[cid, pl.ds(sid * RPW, RPW)])


@functools.lru_cache(maxsize=None)
def _msg_call():
    return pl.kernel(
        _msg_body,
        out_type=jax.ShapeDtypeStruct((NC, NPAD, F), jnp.float32),
        mesh=_mesh(),
        scratch_types=[
            pltpu.VMEM((EPW // NPH,), jnp.int32),
            pltpu.VMEM((EPW // NPH,), jnp.int32),
            pltpu.VMEM((NBUF, CHUNK, F), jnp.float32),
            pltpu.VMEM_SHARED((NPAD, F), jnp.float32),
            pltpu.SemaphoreType.DMA((NBUF,)),
        ],
    )


def _gru_h1_body(x_ref, w0a, wihTa, whhTa, biha, bhha,
                 w0b, wihTb, whhTb, bihb, bhhb,
                 h1_ref, w2_ref):
    def evolve(w0, wihT, whhT, bih, bhh):
        gi = jnp.dot(w0[...], wihT[...], preferred_element_type=jnp.float32)
        gi = gi + bih[...]
        gh = jnp.dot(w0[...], whhT[...], preferred_element_type=jnp.float32)
        gh = gh + bhh[...]
        r = jax.nn.sigmoid(gi[:, 0:F] + gh[:, 0:F])
        z = jax.nn.sigmoid(gi[:, F:2 * F] + gh[:, F:2 * F])
        n = jnp.tanh(gi[:, 2 * F:3 * F] + r * gh[:, 2 * F:3 * F])
        return (1.0 - z) * n + z * w0[...]

    w1 = evolve(w0a, wihTa, whhTa, biha, bhha)
    w2_ref[...] = evolve(w0b, wihTb, whhTb, bihb, bhhb)
    h1_ref[...] = jnp.dot(x_ref[...], w1, preferred_element_type=jnp.float32)


def _scale_body(deg_ref, h1_ref, hs_ref, dinv_ref):
    deg = deg_ref[0] + deg_ref[1] + 1.0
    dinv = lax.rsqrt(deg)
    dinv_ref[...] = dinv
    hs_ref[...] = h1_ref[...] * dinv[:, :, None]


def _mid_body(acc_ref, hs_ref, dinv_ref, w2_ref, out_ref):
    h = (acc_ref[0] + acc_ref[1] + hs_ref[...]) * dinv_ref[...]
    h = jnp.maximum(h, 0.0)
    h2 = jnp.dot(h, w2_ref[...], preferred_element_type=jnp.float32)
    out_ref[...] = h2 * dinv_ref[...]


def _final_body(acc_ref, hs_ref, dinv_ref, wlinT_ref, blin_ref, out_ref):
    h = (acc_ref[0] + acc_ref[1] + hs_ref[...]) * dinv_ref[...]
    h = jnp.maximum(h, 0.0)
    logits = jnp.dot(h, wlinT_ref[...], preferred_element_type=jnp.float32)
    logits = logits + blin_ref[...]
    col = lax.broadcasted_iota(jnp.int32, logits.shape, 1)
    l = jnp.where(col < C, logits, -1e30)
    m = jnp.max(l, axis=1, keepdims=True)
    ex = jnp.exp(l - m)
    lse = jnp.log(jnp.sum(ex, axis=1, keepdims=True))
    out_ref[...] = l - m - lse


_RB = 1024
_GRID = NPAD // _RB


def _spec(shape, row_dim=None):
    if row_dim is None:
        return pl.BlockSpec(shape, lambda i: (0,) * len(shape))
    blk = tuple(_RB if d == row_dim else s for d, s in enumerate(shape))
    idx = lambda i: tuple(i if d == row_dim else 0 for d in range(len(shape)))
    return pl.BlockSpec(blk, idx)


def _tc_rows_call(body, specs, out_shape):
    return pl.pallas_call(
        body,
        grid=(_GRID,),
        in_specs=[_spec(s, r) for s, r in specs],
        out_specs=_spec(out_shape, 0),
        out_shape=jax.ShapeDtypeStruct(out_shape, jnp.float32),
    )


def kernel(x, edge_index, w0_1, wih_1, whh_1, bih_1, bhh_1,
           w0_2, wih_2, whh_2, bih_2, bhh_2, w_lin, b_lin):
    src = edge_index[0]
    dst = edge_index[1]
    pad = EPAD - E
    trash = TRASH + jnp.arange(pad, dtype=jnp.int32) % (NPAD - N)
    src_pad = jnp.arange(pad, dtype=jnp.int32) % N
    src_p = jnp.concatenate([src, src_pad])
    dst_p = jnp.concatenate([dst, trash])
    src_r = src_p.reshape(NW, EPW)
    dst_r = dst_p.reshape(NW, EPW)
    dst_d = dst_p.reshape(NW, DNCH, DCHUNK)
    x_pad = jnp.pad(x, ((0, NPAD - N), (0, 0)))
    wlinT = jnp.zeros((F, F), jnp.float32).at[:C].set(w_lin).T
    blin = jnp.zeros((1, F), jnp.float32).at[0, :C].set(b_lin)

    deg2 = _deg_call()(dst_d)

    gru_in = (
        x_pad,
        w0_1, wih_1.T, whh_1.T, bih_1.reshape(1, 3 * F), bhh_1.reshape(1, 3 * F),
        w0_2, wih_2.T, whh_2.T, bih_2.reshape(1, 3 * F), bhh_2.reshape(1, 3 * F),
    )
    h1, w2 = pl.pallas_call(
        _gru_h1_body,
        out_shape=[
            jax.ShapeDtypeStruct((NPAD, F), jnp.float32),
            jax.ShapeDtypeStruct((F, F), jnp.float32),
        ],
    )(*gru_in)

    hs1g, dinv_t = pl.pallas_call(
        _scale_body,
        out_shape=[
            jax.ShapeDtypeStruct((NPAD // F, F, F), jnp.float32),
            jax.ShapeDtypeStruct((NPAD // F, F), jnp.float32),
        ],
    )(deg2.reshape(NC, NPAD // F, F), h1.reshape(NPAD // F, F, F))
    hs1 = hs1g.reshape(NPAD, F)
    dinv = dinv_t.reshape(NPAD, 1)

    acc1 = _msg_call()(hs1, src_r, dst_r)

    hs2 = _tc_rows_call(
        _mid_body,
        [((NC, NPAD, F), 1), ((NPAD, F), 0), ((NPAD, 1), 0), ((F, F), None)],
        (NPAD, F),
    )(acc1, hs1, dinv, w2)
    acc2 = _msg_call()(hs2, src_r, dst_r)

    out = _tc_rows_call(
        _final_body,
        [((NC, NPAD, F), 1), ((NPAD, F), 0), ((NPAD, 1), 0), ((F, F), None),
         ((1, F), None)],
        (NPAD, F),
    )(acc2, hs2, dinv, wlinT, blin)
    return out[:N, :C]

# --- scband reference (transcript-rebuilt; emitter-appended) ---
"""Pipeline reference for scband-recurrent-gcn-45792941310536 (READ-ONLY COPY).

The authoritative reference and input builder live on the scoring server;
editing this copy changes nothing except your own understanding.
"""

import jax, jax.numpy as jnp
import numpy as np

N = 10000
F_DIM = 128
E = 320000
C = 10


def _gru_evolve(w, wih, whh, bih, bhh):
    # EvolveGCN-O: W_t = GRU(input=W_{t-1}, hidden=W_{t-1}); seq_len=1, batch=F, feat=F
    gi = w @ wih.T + bih
    gh = w @ whh.T + bhh
    i_r, i_z, i_n = jnp.split(gi, 3, axis=1)
    h_r, h_z, h_n = jnp.split(gh, 3, axis=1)
    r = jax.nn.sigmoid(i_r + h_r)
    z = jax.nn.sigmoid(i_z + h_z)
    n = jnp.tanh(i_n + r * h_n)
    return (1.0 - z) * n + z * w


def _gcn_conv(x, w, edge_index, n_nodes):
    # GCNConv with fixed (evolved) weight: sym-normalized adjacency with self loops
    src = edge_index[0]
    dst = edge_index[1]
    loop = jnp.arange(n_nodes, dtype=src.dtype)
    src = jnp.concatenate([src, loop])
    dst = jnp.concatenate([dst, loop])
    ew = jnp.ones(src.shape[0], dtype=x.dtype)
    deg = jnp.zeros(n_nodes, dtype=x.dtype).at[dst].add(ew)
    dinv = jnp.where(deg > 0, jax.lax.rsqrt(deg), 0.0)
    norm = dinv[src] * dinv[dst]
    h = x @ w
    msg = h[src] * norm[:, None]
    out = jnp.zeros((n_nodes, h.shape[1]), dtype=x.dtype).at[dst].add(msg)
    return out


def setup_inputs(seed: int = 0):
    key = jax.random.key(seed)
    ks = jax.random.split(key, 14)
    s = 1.0 / np.sqrt(F_DIM)
    x = jax.random.normal(ks[0], (N, F_DIM), dtype=jnp.float32)
    edge_index = jax.random.randint(ks[1], (2, E), 0, N, dtype=jnp.int32)

    def u(k, shape):
        return jax.random.uniform(k, shape, dtype=jnp.float32, minval=-s, maxval=s)

    return {
        'x': x,
        'edge_index': edge_index,
        'w0_1': u(ks[2], (F_DIM, F_DIM)),
        'wih_1': u(ks[3], (3 * F_DIM, F_DIM)),
        'whh_1': u(ks[4], (3 * F_DIM, F_DIM)),
        'bih_1': u(ks[5], (3 * F_DIM,)),
        'bhh_1': u(ks[6], (3 * F_DIM,)),
        'w0_2': u(ks[7], (F_DIM, F_DIM)),
        'wih_2': u(ks[8], (3 * F_DIM, F_DIM)),
        'whh_2': u(ks[9], (3 * F_DIM, F_DIM)),
        'bih_2': u(ks[10], (3 * F_DIM,)),
        'bhh_2': u(ks[11], (3 * F_DIM,)),
        'w_lin': u(ks[12], (C, F_DIM)),
        'b_lin': u(ks[13], (C,)),
    }


def reference(x, edge_index, w0_1, wih_1, whh_1, bih_1, bhh_1, w0_2, wih_2, whh_2, bih_2, bhh_2, w_lin, b_lin):
    n_nodes = x.shape[0]
    w1 = _gru_evolve(w0_1, wih_1, whh_1, bih_1, bhh_1)
    h = _gcn_conv(x, w1, edge_index, n_nodes)
    h = jax.nn.relu(h)
    # dropout is identity in eval mode
    w2 = _gru_evolve(w0_2, wih_2, whh_2, bih_2, bhh_2)
    h = _gcn_conv(h, w2, edge_index, n_nodes)
    h = jax.nn.relu(h)
    h = h @ w_lin.T + b_lin
    return jax.nn.log_softmax(h, axis=1)

if __name__ == "__main__":
    import jax
    _d = setup_inputs()
    print(jax.jit(kernel)(*tuple(_d.values())))

</pallas_src>

<mosaic_0001>
#map = affine_map<(d0, d1) -> (0, 0, 0)>
#map1 = affine_map<(d0, d1) -> (0, 0)>
module attributes {stable_mosaic.version = 14 : i64} {
  func.func @_deg_body(%arg0: i32, %arg1: i32, %arg2: memref<32x80x128xi32, #tpu.memory_space<hbm>>, %arg3: memref<2x10240xf32, #tpu.memory_space<hbm>>, %arg4: memref<80x128xi32, #tpu.memory_space<vmem>>, %arg5: memref<128xf32, #tpu.memory_space<vmem>>, %arg6: memref<640xf32, #tpu.memory_space<vmem>>, %arg7: memref<10240xf32, #tpu.memory_space<vmem_shared>>) attributes {dimension_semantics = [#tpu.dimension_semantics<core_parallel>, #tpu.dimension_semantics<subcore_parallel>], iteration_bounds = array<i64: 2, 16>, scalar_prefetch = 0 : i64, scratch_operands = 4 : i64, tpu.core_type = #tpu.core_type<sc_vector_subcore>, window_params = [{transform_indices = #map}, {transform_indices = #map1}]} {
    %mul3A = arith.constant 16 : i32
    %mul3A_0 = arith.muli %arg0, %mul3A : i32
    %add3A = arith.addi %mul3A_0, %arg1 : i32
    %scan3A = arith.constant 0 : i32
    %scan3A_1 = arith.constant 0 : i32
    %scan3A_2 = arith.constant 8 : i32
    %scan3A_3 = arith.addi %scan3A_1, %scan3A_2 : i32
    %scan3A_4 = arith.constant 1 : i32
    %scan3A_5 = scf.for %scan3A_28 = %scan3A_1 to %scan3A_3 step %scan3A_4 iter_args(%scan3A_29 = %scan3A) -> (i32)  : i32 {
      %broadcast_in_dim3A = arith.constant 1.000000e+00 : f32
      %broadcast_in_dim3A_30 = vector.broadcast %broadcast_in_dim3A : f32 to vector<16xf32>
      %mul3A_31 = arith.constant 16 : i32
      %mul3A_32 = arith.muli %scan3A_28, %mul3A_31 : i32
      %swap3A = arith.index_cast %mul3A_32 : i32 to index
      %swap3A_33 = tpu.vector_load %arg5[%swap3A] {strides = array<i32>} : memref<128xf32, #tpu.memory_space<vmem>>, vector<16xf32>,
      %swap3A_34 = vector.shape_cast %swap3A_33 : vector<16xf32> to vector<16xf32>
      %swap3A_35 = vector.shape_cast %broadcast_in_dim3A_30 : vector<16xf32> to vector<16xf32>
      tpu.vector_store %arg5[%swap3A], %swap3A_35 {strides = array<i32>} : memref<128xf32, #tpu.memory_space<vmem>>, vector<16xf32>,
      %scan3A_36 = arith.constant 0 : i32
      scf.yield %scan3A_36 : i32
    }
    %scan3A_6 = arith.constant 8 : i32
    %scan3A_7 = arith.constant 0 : i32
    %scan3A_8 = arith.constant 0 : i32
    %scan3A_9 = arith.constant 40 : i32
    %scan3A_10 = arith.addi %scan3A_8, %scan3A_9 : i32
    %scan3A_11 = arith.constant 1 : i32
    %scan3A_12 = scf.for %scan3A_28 = %scan3A_8 to %scan3A_10 step %scan3A_11 iter_args(%scan3A_29 = %scan3A_7) -> (i32)  : i32 {
      %broadcast_in_dim3A = arith.constant 0.000000e+00 : f32
      %broadcast_in_dim3A_30 = vector.broadcast %broadcast_in_dim3A : f32 to vector<16xf32>
      %mul3A_31 = arith.constant 16 : i32
      %mul3A_32 = arith.muli %scan3A_28, %mul3A_31 : i32
      %swap3A = arith.index_cast %mul3A_32 : i32 to index
      %swap3A_33 = tpu.vector_load %arg6[%swap3A] {strides = array<i32>} : memref<640xf32, #tpu.memory_space<vmem>>, vector<16xf32>,
      %swap3A_34 = vector.shape_cast %swap3A_33 : vector<16xf32> to vector<16xf32>
      %swap3A_35 = vector.shape_cast %broadcast_in_dim3A_30 : vector<16xf32> to vector<16xf32>
      tpu.vector_store %arg6[%swap3A], %swap3A_35 {strides = array<i32>} : memref<640xf32, #tpu.memory_space<vmem>>, vector<16xf32>,
      %scan3A_36 = arith.constant 0 : i32
      scf.yield %scan3A_36 : i32
    }
    %scan3A_13 = arith.constant 40 : i32
    %mul3A_14 = arith.constant 640 : i32
    %mul3A_15 = arith.muli %arg1, %mul3A_14 : i32
    "tpu.region"() ({
      %run_scoped3A = tpu.sem_alloc : memref<!tpu.dma_semaphore, #tpu.memory_space<semaphore_mem>>
      %dma_start3A = tpu.memref_slice %arg7[%mul3A_15] : memref<10240xf32, #tpu.memory_space<vmem_shared>> -> memref<640xf32, #tpu.memory_space<vmem_shared>>
      %dma_start3A_28 = tpu.memref_slice %arg7[%mul3A_15] : memref<10240xf32, #tpu.memory_space<vmem_shared>> -> memref<640xf32, #tpu.memory_space<vmem_shared>>
      tpu.enqueue_dma source(%arg6 : memref<640xf32, #tpu.memory_space<vmem>>) target(%dma_start3A_28 : memref<640xf32, #tpu.memory_space<vmem_shared>>) target_semaphore(%run_scoped3A : memref<!tpu.dma_semaphore, #tpu.memory_space<semaphore_mem>>)
      %dma_wait3A = tpu.memref_slice %arg7[%mul3A_15] : memref<10240xf32, #tpu.memory_space<vmem_shared>> -> memref<640xf32, #tpu.memory_space<vmem_shared>>
      %dma_wait3A_29 = tpu.memref_slice %arg7[%mul3A_15] : memref<10240xf32, #tpu.memory_space<vmem_shared>> -> memref<640xf32, #tpu.memory_space<vmem_shared>>
      tpu.wait_dma2 semaphore(%run_scoped3A : memref<!tpu.dma_semaphore, #tpu.memory_space<semaphore_mem>>) src(%arg6 : memref<640xf32, #tpu.memory_space<vmem>>) dst(%dma_wait3A_29 : memref<640xf32, #tpu.memory_space<vmem_shared>>)
      tpu.yield
    }) : () -> ()
    "tpu.region"() ({
      %run_scoped3A = tpu.sem_alloc : memref<!tpu.dma_semaphore, #tpu.memory_space<semaphore_mem>>
      %dma_start3A = arith.constant 0 : i32
      %dma_start3A_28 = arith.constant 0 : i32
      %dma_start3A_29 = tpu.memref_slice %arg2[%add3A, %dma_start3A, %dma_start3A_28] : memref<32x80x128xi32, #tpu.memory_space<hbm>> -> memref<1x80x128xi32, #tpu.memory_space<hbm>>
      %dma_start3A_30 = tpu.memref_squeeze %dma_start3A_29 : memref<1x80x128xi32, #tpu.memory_space<hbm>> -> memref<80x128xi32, #tpu.memory_space<hbm>>
      %dma_start3A_31 = arith.constant 0 : i32
      %dma_start3A_32 = arith.constant 0 : i32
      %dma_start3A_33 = tpu.memref_slice %arg2[%add3A, %dma_start3A_31, %dma_start3A_32] : memref<32x80x128xi32, #tpu.memory_space<hbm>> -> memref<1x80x128xi32, #tpu.memory_space<hbm>>
      %dma_start3A_34 = tpu.memref_squeeze %dma_start3A_33 : memref<1x80x128xi32, #tpu.memory_space<hbm>> -> memref<80x128xi32, #tpu.memory_space<hbm>>
      tpu.enqueue_dma source(%dma_start3A_34 : memref<80x128xi32, #tpu.memory_space<hbm>>) target(%arg4 : memref<80x128xi32, #tpu.memory_space<vmem>>) target_semaphore(%run_scoped3A : memref<!tpu.dma_semaphore, #tpu.memory_space<semaphore_mem>>)
      %dma_wait3A = arith.constant 0 : i32
      %dma_wait3A_35 = arith.constant 0 : i32
      %dma_wait3A_36 = tpu.memref_slice %arg2[%add3A, %dma_wait3A, %dma_wait3A_35] : memref<32x80x128xi32, #tpu.memory_space<hbm>> -> memref<1x80x128xi32, #tpu.memory_space<hbm>>
      %dma_wait3A_37 = tpu.memref_squeeze %dma_wait3A_36 : memref<1x80x128xi32, #tpu.memory_space<hbm>> -> memref<80x128xi32, #tpu.memory_space<hbm>>
      %dma_wait3A_38 = arith.constant 0 : i32
      %dma_wait3A_39 = arith.constant 0 : i32
      %dma_wait3A_40 = tpu.memref_slice %arg2[%add3A, %dma_wait3A_38, %dma_wait3A_39] : memref<32x80x128xi32, #tpu.memory_space<hbm>> -> memref<1x80x128xi32, #tpu.memory_space<hbm>>
      %dma_wait3A_41 = tpu.memref_squeeze %dma_wait3A_40 : memref<1x80x128xi32, #tpu.memory_space<hbm>> -> memref<80x128xi32, #tpu.memory_space<hbm>>
      tpu.wait_dma2 semaphore(%run_scoped3A : memref<!tpu.dma_semaphore, #tpu.memory_space<semaphore_mem>>) src(%dma_wait3A_41 : memref<80x128xi32, #tpu.memory_space<hbm>>) dst(%arg4 : memref<80x128xi32, #tpu.memory_space<vmem>>)
      tpu.yield
    }) : () -> ()
    %barrier3A = arith.constant 0 : index
    tpu.barrier barrier_id(%barrier3A)
    %scan3A_16 = arith.constant 0 : i32
    %scan3A_17 = arith.constant 0 : i32
    %scan3A_18 = arith.constant 80 : i32
    %scan3A_19 = arith.addi %scan3A_17, %scan3A_18 : i32
    %scan3A_20 = arith.constant 1 : i32
    %scan3A_21 = scf.for %scan3A_28 = %scan3A_17 to %scan3A_19 step %scan3A_20 iter_args(%scan3A_29 = %scan3A_16) -> (i32)  : i32 {
      "tpu.region"() ({
        %run_scoped3A = tpu.sem_alloc : memref<!tpu.dma_semaphore, #tpu.memory_space<semaphore_mem>>
        %dma_start3A = arith.constant 0 : i32
        %dma_start3A_31 = tpu.memref_slice %arg4[%scan3A_28, %dma_start3A] : memref<80x128xi32, #tpu.memory_space<vmem>> -> memref<1x128xi32, #tpu.memory_space<vmem>>
        %dma_start3A_32 = tpu.memref_squeeze %dma_start3A_31 : memref<1x128xi32, #tpu.memory_space<vmem>> -> memref<128xi32, #tpu.memory_space<vmem>>
        %dma_start3A_33 = arith.constant 0 : i32
        %dma_start3A_34 = tpu.memref_slice %arg7[%dma_start3A_33] : memref<10240xf32, #tpu.memory_space<vmem_shared>> -> memref<10240xf32, #tpu.memory_space<vmem_shared>>
        tpu.enqueue_indirect_dma source(%arg5 : memref<128xf32, #tpu.memory_space<vmem>>) target(%dma_start3A_34 : memref<10240xf32, #tpu.memory_space<vmem_shared>>) offsets(%dma_start3A_32 : memref<128xi32, #tpu.memory_space<vmem>>) semaphore(%run_scoped3A : memref<!tpu.dma_semaphore, #tpu.memory_space<semaphore_mem>>) {add = true}
        %dma_wait3A = arith.constant 0 : i32
        %dma_wait3A_35 = tpu.memref_slice %arg4[%scan3A_28, %dma_wait3A] : memref<80x128xi32, #tpu.memory_space<vmem>> -> memref<1x128xi32, #tpu.memory_space<vmem>>
        %dma_wait3A_36 = tpu.memref_squeeze %dma_wait3A_35 : memref<1x128xi32, #tpu.memory_space<vmem>> -> memref<128xi32, #tpu.memory_space<vmem>>
        %dma_wait3A_37 = arith.constant 0 : i32
        %dma_wait3A_38 = tpu.memref_slice %arg7[%dma_wait3A_37] : memref<10240xf32, #tpu.memory_space<vmem_shared>> -> memref<10240xf32, #tpu.memory_space<vmem_shared>>
        tpu.wait_indirect_dma semaphore(%run_scoped3A : memref<!tpu.dma_semaphore, #tpu.memory_space<semaphore_mem>>) src(%arg5 : memref<128xf32, #tpu.memory_space<vmem>>) dst(%dma_wait3A_38 : memref<10240xf32, #tpu.memory_space<vmem_shared>>)
        tpu.yield
      }) : () -> ()
      %scan3A_30 = arith.constant 0 : i32
      scf.yield %scan3A_30 : i32
    }
    %scan3A_22 = arith.constant 80 : i32
    %barrier3A_23 = arith.constant 0 : index
    tpu.barrier barrier_id(%barrier3A_23)
    %mul3A_24 = arith.constant 640 : i32
    %mul3A_25 = arith.muli %arg1, %mul3A_24 : i32
    %mul3A_26 = arith.constant 640 : i32
    %mul3A_27 = arith.muli %arg1, %mul3A_26 : i32
    "tpu.region"() ({
      %run_scoped3A = tpu.sem_alloc : memref<!tpu.dma_semaphore, #tpu.memory_space<semaphore_mem>>
      %dma_start3A = tpu.memref_slice %arg3[%arg0, %mul3A_27] : memref<2x10240xf32, #tpu.memory_space<hbm>> -> memref<1x640xf32, #tpu.memory_space<hbm>>
      %dma_start3A_28 = tpu.memref_squeeze %dma_start3A : memref<1x640xf32, #tpu.memory_space<hbm>> -> memref<640xf32, #tpu.memory_space<hbm>>
      %dma_start3A_29 = tpu.memref_slice %arg7[%mul3A_25] : memref<10240xf32, #tpu.memory_space<vmem_shared>> -> memref<640xf32, #tpu.memory_space<vmem_shared>>
      tpu.enqueue_dma source(%dma_start3A_29 : memref<640xf32, #tpu.memory_space<vmem_shared>>) target(%dma_start3A_28 : memref<640xf32, #tpu.memory_space<hbm>>) target_semaphore(%run_scoped3A : memref<!tpu.dma_semaphore, #tpu.memory_space<semaphore_mem>>)
      %dma_wait3A = tpu.memref_slice %arg3[%arg0, %mul3A_27] : memref<2x10240xf32, #tpu.memory_space<hbm>> -> memref<1x640xf32, #tpu.memory_space<hbm>>
      %dma_wait3A_30 = tpu.memref_squeeze %dma_wait3A : memref<1x640xf32, #tpu.memory_space<hbm>> -> memref<640xf32, #tpu.memory_space<hbm>>
      %dma_wait3A_31 = tpu.memref_slice %arg7[%mul3A_25] : memref<10240xf32, #tpu.memory_space<vmem_shared>> -> memref<640xf32, #tpu.memory_space<vmem_shared>>
      tpu.wait_dma2 semaphore(%run_scoped3A : memref<!tpu.dma_semaphore, #tpu.memory_space<semaphore_mem>>) src(%dma_wait3A_31 : memref<640xf32, #tpu.memory_space<vmem_shared>>) dst(%dma_wait3A_30 : memref<640xf32, #tpu.memory_space<hbm>>)
      tpu.yield
    }) : () -> ()
    return
  }
}

#map = affine_map<(d0, d1) -> (0, 0)>
#map1 = affine_map<(d0, d1) -> (0, 0, 0)>
module attributes {stable_mosaic.version = 14 : i64} {
  func.func @_msg_body(%arg0: i32, %arg1: i32, %arg2: memref<10240x128xf32, #tpu.memory_space<hbm>>, %arg3: memref<32x10240xi32, #tpu.memory_space<hbm>>, %arg4: memref<32x10240xi32, #tpu.memory_space<hbm>>, %arg5: memref<2x10240x128xf32, #tpu.memory_space<hbm>>, %arg6: memref<5120xi32, #tpu.memory_space<vmem>>, %arg7: memref<5120xi32, #tpu.memory_space<vmem>>, %arg8: memref<8x32x128xf32, #tpu.memory_space<vmem>>, %arg9: memref<10240x128xf32, #tpu.memory_space<vmem_shared>>, %arg10: memref<8x!tpu.dma_semaphore, #tpu.memory_space<semaphore_mem>>) attributes {dimension_semantics = [#tpu.dimension_semantics<core_parallel>, #tpu.dimension_semantics<subcore_parallel>], iteration_bounds = array<i64: 2, 16>, scalar_prefetch = 0 : i64, scratch_operands = 5 : i64, tpu.core_type = #tpu.core_type<sc_vector_subcore>, window_params = [{transform_indices = #map}, {transform_indices = #map}, {transform_indices = #map}, {transform_indices = #map1}]} {
    %mul3A = arith.constant 16 : i32
    %mul3A_0 = arith.muli %arg0, %mul3A : i32
    %add3A = arith.addi %mul3A_0, %arg1 : i32
    %scan3A = arith.constant 0 : i32
    %scan3A_1 = arith.constant 0 : i32
    %scan3A_2 = arith.constant 256 : i32
    %scan3A_3 = arith.addi %scan3A_1, %scan3A_2 : i32
    %scan3A_4 = arith.constant 1 : i32
    %scan3A_5 = scf.for %scan3A_240 = %scan3A_1 to %scan3A_3 step %scan3A_4 iter_args(%scan3A_241 = %scan3A) -> (i32)  : i32 {
      %broadcast_in_dim3A = arith.constant 0.000000e+00 : f32
      %broadcast_in_dim3A_242 = vector.broadcast %broadcast_in_dim3A : f32 to vector<16xf32>
      %jit3A = arith.constant 8 : i32
      %div3A = arith.divsi %scan3A_240, %jit3A : i32
      %sign3A = arith.constant 0 : i32
      %sign3A_243 = arith.cmpi sgt, %scan3A_240, %sign3A : i32
      %sign3A_244 = arith.extui %sign3A_243 : i1 to i32
      %sign3A_245 = arith.constant 0 : i32
      %sign3A_246 = arith.cmpi slt, %scan3A_240, %sign3A_245 : i32
      %sign3A_247 = arith.extui %sign3A_246 : i1 to i32
      %sign3A_248 = arith.subi %sign3A_244, %sign3A_247 : i32
      %sign3A_249 = arith.constant 0 : i32
      %sign3A_250 = arith.cmpi sgt, %jit3A, %sign3A_249 : i32
      %sign3A_251 = arith.extui %sign3A_250 : i1 to i32
      %sign3A_252 = arith.constant 0 : i32
      %sign3A_253 = arith.cmpi slt, %jit3A, %sign3A_252 : i32
      %sign3A_254 = arith.extui %sign3A_253 : i1 to i32
      %sign3A_255 = arith.subi %sign3A_251, %sign3A_254 : i32
      %ne3A = arith.cmpi ne, %sign3A_248, %sign3A_255 : i32
      %rem3A = arith.remsi %scan3A_240, %jit3A : i32
      %ne3A_256 = arith.constant 0 : i32
      %ne3A_257 = arith.cmpi ne, %rem3A, %ne3A_256 : i32
      %and3A = arith.andi %ne3A, %ne3A_257 : i1
      %sub3A = arith.constant 1 : i32
      %sub3A_258 = arith.subi %div3A, %sub3A : i32
      %select_n3A = arith.select %and3A, %sub3A_258, %div3A : i32
      %jit3A_259 = arith.constant 8 : i32
      %eq3A = arith.constant 0 : i32
      %eq3A_260 = arith.cmpi eq, %jit3A_259, %eq3A : i32
      %jit3A_261 = arith.constant 1 : i32
      %select_n3A_262 = arith.select %eq3A_260, %jit3A_261, %jit3A_259 : i32
      %rem3A_263 = arith.remsi %scan3A_240, %select_n3A_262 : i32
      %ne3A_264 = arith.constant 0 : i32
      %ne3A_265 = arith.cmpi ne, %rem3A_263, %ne3A_264 : i32
      %lt3A = arith.constant 0 : i32
      %lt3A_266 = arith.cmpi slt, %rem3A_263, %lt3A : i32
      %lt3A_267 = arith.constant 0 : i32
      %lt3A_268 = arith.cmpi slt, %select_n3A_262, %lt3A_267 : i32
      %ne3A_269 = arith.xori %lt3A_266, %lt3A_268 : i1
      %and3A_270 = arith.andi %ne3A_269, %ne3A_265 : i1
      %add3A_271 = arith.addi %rem3A_263, %select_n3A_262 : i32
      %select_n3A_272 = arith.select %and3A_270, %add3A_271, %rem3A_263 : i32
      %mul3A_273 = arith.constant 16 : i32
      %mul3A_274 = arith.muli %select_n3A_272, %mul3A_273 : i32
      %swap3A = arith.constant 0 : i32
      %swap3A_275 = arith.index_cast %swap3A : i32 to index
      %swap3A_276 = arith.index_cast %select_n3A : i32 to index
      %swap3A_277 = arith.index_cast %mul3A_274 : i32 to index
      %swap3A_278 = tpu.vector_load %arg8[%swap3A_275, %swap3A_276, %swap3A_277] {strides = array<i32>} : memref<8x32x128xf32, #tpu.memory_space<vmem>>, vector<1x1x16xf32>,
      %swap3A_279 = vector.shape_cast %swap3A_278 : vector<1x1x16xf32> to vector<16xf32>
      %swap3A_280 = vector.shape_cast %broadcast_in_dim3A_242 : vector<16xf32> to vector<1x1x16xf32>
      tpu.vector_store %arg8[%swap3A_275, %swap3A_276, %swap3A_277], %swap3A_280 {strides = array<i32>} : memref<8x32x128xf32, #tpu.memory_space<vmem>>, vector<1x1x16xf32>,
      %scan3A_281 = arith.constant 0 : i32
      scf.yield %scan3A_281 : i32
    }
    %scan3A_6 = arith.constant 256 : i32
    %scan3A_7 = arith.constant 0 : i32
    %scan3A_8 = arith.constant 0 : i32
    %scan3A_9 = arith.constant 20 : i32
    %scan3A_10 = arith.addi %scan3A_8, %scan3A_9 : i32
    %scan3A_11 = arith.constant 1 : i32
    %scan3A_12 = scf.for %scan3A_240 = %scan3A_8 to %scan3A_10 step %scan3A_11 iter_args(%scan3A_241 = %scan3A_7) -> (i32)  : i32 {
      %mul3A_242 = arith.constant 640 : i32
      %mul3A_243 = arith.muli %arg1, %mul3A_242 : i32
      %mul3A_244 = arith.constant 32 : i32
      %mul3A_245 = arith.muli %scan3A_240, %mul3A_244 : i32
      %add3A_246 = arith.addi %mul3A_243, %mul3A_245 : i32
      %run_scoped3A = arith.constant 0 : i32
      "tpu.region"() ({
        %run_scoped3A_248 = tpu.sem_alloc : memref<!tpu.dma_semaphore, #tpu.memory_space<semaphore_mem>>
        %dma_start3A_249 = arith.constant 0 : i32
        %dma_start3A_250 = arith.constant 0 : i32
        %dma_start3A_251 = tpu.memref_slice %arg8[%run_scoped3A, %dma_start3A_249, %dma_start3A_250] : memref<8x32x128xf32, #tpu.memory_space<vmem>> -> memref<1x32x128xf32, #tpu.memory_space<vmem>>
        %dma_start3A_252 = tpu.memref_squeeze %dma_start3A_251 : memref<1x32x128xf32, #tpu.memory_space<vmem>> -> memref<32x128xf32, #tpu.memory_space<vmem>>
        %dma_start3A_253 = arith.constant 0 : i32
        %dma_start3A_254 = tpu.memref_slice %arg9[%add3A_246, %dma_start3A_253] : memref<10240x128xf32, #tpu.memory_space<vmem_shared>> -> memref<32x128xf32, #tpu.memory_space<vmem_shared>>
        %dma_start3A_255 = arith.constant 0 : i32
        %dma_start3A_256 = tpu.memref_slice %arg9[%add3A_246, %dma_start3A_255] : memref<10240x128xf32, #tpu.memory_space<vmem_shared>> -> memref<32x128xf32, #tpu.memory_space<vmem_shared>>
        %dma_start3A_257 = arith.constant 0 : i32
        %dma_start3A_258 = arith.constant 0 : i32
        %dma_start3A_259 = tpu.memref_slice %arg8[%run_scoped3A, %dma_start3A_257, %dma_start3A_258] : memref<8x32x128xf32, #tpu.memory_space<vmem>> -> memref<1x32x128xf32, #tpu.memory_space<vmem>>
        %dma_start3A_260 = tpu.memref_squeeze %dma_start3A_259 : memref<1x32x128xf32, #tpu.memory_space<vmem>> -> memref<32x128xf32, #tpu.memory_space<vmem>>
        tpu.enqueue_dma source(%dma_start3A_260 : memref<32x128xf32, #tpu.memory_space<vmem>>) target(%dma_start3A_256 : memref<32x128xf32, #tpu.memory_space<vmem_shared>>) target_semaphore(%run_scoped3A_248 : memref<!tpu.dma_semaphore, #tpu.memory_space<semaphore_mem>>)
        %dma_wait3A = arith.constant 0 : i32
        %dma_wait3A_261 = arith.constant 0 : i32
        %dma_wait3A_262 = tpu.memref_slice %arg8[%run_scoped3A, %dma_wait3A, %dma_wait3A_261] : memref<8x32x128xf32, #tpu.memory_space<vmem>> -> memref<1x32x128xf32, #tpu.memory_space<vmem>>
        %dma_wait3A_263 = tpu.memref_squeeze %dma_wait3A_262 : memref<1x32x128xf32, #tpu.memory_space<vmem>> -> memref<32x128xf32, #tpu.memory_space<vmem>>
        %dma_wait3A_264 = arith.constant 0 : i32
        %dma_wait3A_265 = tpu.memref_slice %arg9[%add3A_246, %dma_wait3A_264] : memref<10240x128xf32, #tpu.memory_space<vmem_shared>> -> memref<32x128xf32, #tpu.memory_space<vmem_shared>>
        %dma_wait3A_266 = arith.constant 0 : i32
        %dma_wait3A_267 = tpu.memref_slice %arg9[%add3A_246, %dma_wait3A_266] : memref<10240x128xf32, #tpu.memory_space<vmem_shared>> -> memref<32x128xf32, #tpu.memory_space<vmem_shared>>
        %dma_wait3A_268 = arith.constant 0 : i32
        %dma_wait3A_269 = arith.constant 0 : i32
        %dma_wait3A_270 = tpu.memref_slice %arg8[%run_scoped3A, %dma_wait3A_268, %dma_wait3A_269] : memref<8x32x128xf32, #tpu.memory_space<vmem>> -> memref<1x32x128xf32, #tpu.memory_space<vmem>>
        %dma_wait3A_271 = tpu.memref_squeeze %dma_wait3A_270 : memref<1x32x128xf32, #tpu.memory_space<vmem>> -> memref<32x128xf32, #tpu.memory_space<vmem>>
        tpu.wait_dma2 semaphore(%run_scoped3A_248 : memref<!tpu.dma_semaphore, #tpu.memory_space<semaphore_mem>>) src(%dma_wait3A_271 : memref<32x128xf32, #tpu.memory_space<vmem>>) dst(%dma_wait3A_267 : memref<32x128xf32, #tpu.memory_space<vmem_shared>>)
        tpu.yield
      }) : () -> ()
      %scan3A_247 = arith.constant 0 : i32
      scf.yield %scan3A_247 : i32
    }
    %scan3A_13 = arith.constant 20 : i32
    %barrier3A = arith.constant 0 : index
    tpu.barrier barrier_id(%barrier3A)
    "tpu.region"() ({
      %run_scoped3A = tpu.sem_alloc : memref<!tpu.dma_semaphore, #tpu.memory_space<semaphore_mem>>
      %dma_start3A_240 = arith.constant 0 : i32
      %dma_start3A_241 = tpu.memref_slice %arg3[%add3A, %dma_start3A_240] : memref<32x10240xi32, #tpu.memory_space<hbm>> -> memref<1x5120xi32, #tpu.memory_space<hbm>>
      %dma_start3A_242 = tpu.memref_squeeze %dma_start3A_241 : memref<1x5120xi32, #tpu.memory_space<hbm>> -> memref<5120xi32, #tpu.memory_space<hbm>>
      %dma_start3A_243 = arith.constant 0 : i32
      %dma_start3A_244 = tpu.memref_slice %arg3[%add3A, %dma_start3A_243] : memref<32x10240xi32, #tpu.memory_space<hbm>> -> memref<1x5120xi32, #tpu.memory_space<hbm>>
      %dma_start3A_245 = tpu.memref_squeeze %dma_start3A_244 : memref<1x5120xi32, #tpu.memory_space<hbm>> -> memref<5120xi32, #tpu.memory_space<hbm>>
      tpu.enqueue_dma source(%dma_start3A_245 : memref<5120xi32, #tpu.memory_space<hbm>>) target(%arg6 : memref<5120xi32, #tpu.memory_space<vmem>>) target_semaphore(%run_scoped3A : memref<!tpu.dma_semaphore, #tpu.memory_space<semaphore_mem>>)
      %dma_wait3A = arith.constant 0 : i32
      %dma_wait3A_246 = tpu.memref_slice %arg3[%add3A, %dma_wait3A] : memref<32x10240xi32, #tpu.memory_space<hbm>> -> memref<1x5120xi32, #tpu.memory_space<hbm>>
      %dma_wait3A_247 = tpu.memref_squeeze %dma_wait3A_246 : memref<1x5120xi32, #tpu.memory_space<hbm>> -> memref<5120xi32, #tpu.memory_space<hbm>>
      %dma_wait3A_248 = arith.constant 0 : i32
      %dma_wait3A_249 = tpu.memref_slice %arg3[%add3A, %dma_wait3A_248] : memref<32x10240xi32, #tpu.memory_space<hbm>> -> memref<1x5120xi32, #tpu.memory_space<hbm>>
      %dma_wait3A_250 = tpu.memref_squeeze %dma_wait3A_249 : memref<1x5120xi32, #tpu.memory_space<hbm>> -> memref<5120xi32, #tpu.memory_space<hbm>>
      tpu.wait_dma2 semaphore(%run_scoped3A : memref<!tpu.dma_semaphore, #tpu.memory_space<semaphore_mem>>) src(%dma_wait3A_250 : memref<5120xi32, #tpu.memory_space<hbm>>) dst(%arg6 : memref<5120xi32, #tpu.memory_space<vmem>>)
      tpu.yield
    }) : () -> ()
    "tpu.region"() ({
      %run_scoped3A = tpu.sem_alloc : memref<!tpu.dma_semaphore, #tpu.memory_space<semaphore_mem>>
      %dma_start3A_240 = arith.constant 0 : i32
      %dma_start3A_241 = tpu.memref_slice %arg4[%add3A, %dma_start3A_240] : memref<32x10240xi32, #tpu.memory_space<hbm>> -> memref<1x5120xi32, #tpu.memory_space<hbm>>
      %dma_start3A_242 = tpu.memref_squeeze %dma_start3A_241 : memref<1x5120xi32, #tpu.memory_space<hbm>> -> memref<5120xi32, #tpu.memory_space<hbm>>
      %dma_start3A_243 = arith.constant 0 : i32
      %dma_start3A_244 = tpu.memref_slice %arg4[%add3A, %dma_start3A_243] : memref<32x10240xi32, #tpu.memory_space<hbm>> -> memref<1x5120xi32, #tpu.memory_space<hbm>>
      %dma_start3A_245 = tpu.memref_squeeze %dma_start3A_244 : memref<1x5120xi32, #tpu.memory_space<hbm>> -> memref<5120xi32, #tpu.memory_space<hbm>>
      tpu.enqueue_dma source(%dma_start3A_245 : memref<5120xi32, #tpu.memory_space<hbm>>) target(%arg7 : memref<5120xi32, #tpu.memory_space<vmem>>) target_semaphore(%run_scoped3A : memref<!tpu.dma_semaphore, #tpu.memory_space<semaphore_mem>>)
      %dma_wait3A = arith.constant 0 : i32
      %dma_wait3A_246 = tpu.memref_slice %arg4[%add3A, %dma_wait3A] : memref<32x10240xi32, #tpu.memory_space<hbm>> -> memref<1x5120xi32, #tpu.memory_space<hbm>>
      %dma_wait3A_247 = tpu.memref_squeeze %dma_wait3A_246 : memref<1x5120xi32, #tpu.memory_space<hbm>> -> memref<5120xi32, #tpu.memory_space<hbm>>
      %dma_wait3A_248 = arith.constant 0 : i32
      %dma_wait3A_249 = tpu.memref_slice %arg4[%add3A, %dma_wait3A_248] : memref<32x10240xi32, #tpu.memory_space<hbm>> -> memref<1x5120xi32, #tpu.memory_space<hbm>>
      %dma_wait3A_250 = tpu.memref_squeeze %dma_wait3A_249 : memref<1x5120xi32, #tpu.memory_space<hbm>> -> memref<5120xi32, #tpu.memory_space<hbm>>
      tpu.wait_dma2 semaphore(%run_scoped3A : memref<!tpu.dma_semaphore, #tpu.memory_space<semaphore_mem>>) src(%dma_wait3A_250 : memref<5120xi32, #tpu.memory_space<hbm>>) dst(%arg7 : memref<5120xi32, #tpu.memory_space<vmem>>)
      tpu.yield
    }) : () -> ()
    %dma_start3A = arith.constant 0 : i32
    %dma_start3A_14 = arith.constant 0 : i32
    %dma_start3A_15 = arith.constant 0 : i32
    %dma_start3A_16 = arith.constant 0 : i32
    %dma_start3A_17 = tpu.memref_slice %arg8[%dma_start3A, %dma_start3A_15, %dma_start3A_16] : memref<8x32x128xf32, #tpu.memory_space<vmem>> -> memref<1x32x128xf32, #tpu.memory_space<vmem>>
    %dma_start3A_18 = tpu.memref_squeeze %dma_start3A_17 : memref<1x32x128xf32, #tpu.memory_space<vmem>> -> memref<32x128xf32, #tpu.memory_space<vmem>>
    %dma_start3A_19 = arith.constant 0 : i32
    %dma_start3A_20 = tpu.memref_slice %arg6[%dma_start3A_19] : memref<5120xi32, #tpu.memory_space<vmem>> -> memref<32xi32, #tpu.memory_space<vmem>>
    %dma_start3A_21 = arith.constant 0 : i32
    %dma_start3A_22 = arith.constant 0 : i32
    %dma_start3A_23 = tpu.memref_slice %arg2[%dma_start3A_21, %dma_start3A_22] : memref<10240x128xf32, #tpu.memory_space<hbm>> -> memref<10240x128xf32, #tpu.memory_space<hbm>>
    %dma_start3A_24 = tpu.memref_slice %arg10[%dma_start3A_14] : memref<8x!tpu.dma_semaphore, #tpu.memory_space<semaphore_mem>> -> memref<1x!tpu.dma_semaphore, #tpu.memory_space<semaphore_mem>>
    %dma_start3A_25 = tpu.memref_squeeze %dma_start3A_24 : memref<1x!tpu.dma_semaphore, #tpu.memory_space<semaphore_mem>> -> memref<!tpu.dma_semaphore, #tpu.memory_space<semaphore_mem>>
    tpu.enqueue_indirect_dma source(%dma_start3A_23 : memref<10240x128xf32, #tpu.memory_space<hbm>>) target(%dma_start3A_18 : memref<32x128xf32, #tpu.memory_space<vmem>>) offsets(%dma_start3A_20 : memref<32xi32, #tpu.memory_space<vmem>>) semaphore(%dma_start3A_25 : memref<!tpu.dma_semaphore, #tpu.memory_space<semaphore_mem>>)
    %dma_start3A_26 = arith.constant 1 : i32
    %dma_start3A_27 = arith.constant 1 : i32
    %dma_start3A_28 = arith.constant 0 : i32
    %dma_start3A_29 = arith.constant 0 : i32
    %dma_start3A_30 = tpu.memref_slice %arg8[%dma_start3A_26, %dma_start3A_28, %dma_start3A_29] : memref<8x32x128xf32, #tpu.memory_space<vmem>> -> memref<1x32x128xf32, #tpu.memory_space<vmem>>
    %dma_start3A_31 = tpu.memref_squeeze %dma_start3A_30 : memref<1x32x128xf32, #tpu.memory_space<vmem>> -> memref<32x128xf32, #tpu.memory_space<vmem>>
    %dma_start3A_32 = arith.constant 32 : i32
    %dma_start3A_33 = tpu.memref_slice %arg6[%dma_start3A_32] : memref<5120xi32, #tpu.memory_space<vmem>> -> memref<32xi32, #tpu.memory_space<vmem>>
    %dma_start3A_34 = arith.constant 0 : i32
    %dma_start3A_35 = arith.constant 0 : i32
    %dma_start3A_36 = tpu.memref_slice %arg2[%dma_start3A_34, %dma_start3A_35] : memref<10240x128xf32, #tpu.memory_space<hbm>> -> memref<10240x128xf32, #tpu.memory_space<hbm>>
    %dma_start3A_37 = tpu.memref_slice %arg10[%dma_start3A_27] : memref<8x!tpu.dma_semaphore, #tpu.memory_space<semaphore_mem>> -> memref<1x!tpu.dma_semaphore, #tpu.memory_space<semaphore_mem>>
    %dma_start3A_38 = tpu.memref_squeeze %dma_start3A_37 : memref<1x!tpu.dma_semaphore, #tpu.memory_space<semaphore_mem>> -> memref<!tpu.dma_semaphore, #tpu.memory_space<semaphore_mem>>
    tpu.enqueue_indirect_dma source(%dma_start3A_36 : memref<10240x128xf32, #tpu.memory_space<hbm>>) target(%dma_start3A_31 : memref<32x128xf32, #tpu.memory_space<vmem>>) offsets(%dma_start3A_33 : memref<32xi32, #tpu.memory_space<vmem>>) semaphore(%dma_start3A_38 : memref<!tpu.dma_semaphore, #tpu.memory_space<semaphore_mem>>)
    %dma_start3A_39 = arith.constant 2 : i32
    %dma_start3A_40 = arith.constant 2 : i32
    %dma_start3A_41 = arith.constant 0 : i32
    %dma_start3A_42 = arith.constant 0 : i32
    %dma_start3A_43 = tpu.memref_slice %arg8[%dma_start3A_39, %dma_start3A_41, %dma_start3A_42] : memref<8x32x128xf32, #tpu.memory_space<vmem>> -> memref<1x32x128xf32, #tpu.memory_space<vmem>>
    %dma_start3A_44 = tpu.memref_squeeze %dma_start3A_43 : memref<1x32x128xf32, #tpu.memory_space<vmem>> -> memref<32x128xf32, #tpu.memory_space<vmem>>
    %dma_start3A_45 = arith.constant 64 : i32
    %dma_start3A_46 = tpu.memref_slice %arg6[%dma_start3A_45] : memref<5120xi32, #tpu.memory_space<vmem>> -> memref<32xi32, #tpu.memory_space<vmem>>
    %dma_start3A_47 = arith.constant 0 : i32
    %dma_start3A_48 = arith.constant 0 : i32
    %dma_start3A_49 = tpu.memref_slice %arg2[%dma_start3A_47, %dma_start3A_48] : memref<10240x128xf32, #tpu.memory_space<hbm>> -> memref<10240x128xf32, #tpu.memory_space<hbm>>
    %dma_start3A_50 = tpu.memref_slice %arg10[%dma_start3A_40] : memref<8x!tpu.dma_semaphore, #tpu.memory_space<semaphore_mem>> -> memref<1x!tpu.dma_semaphore, #tpu.memory_space<semaphore_mem>>
    %dma_start3A_51 = tpu.memref_squeeze %dma_start3A_50 : memref<1x!tpu.dma_semaphore, #tpu.memory_space<semaphore_mem>> -> memref<!tpu.dma_semaphore, #tpu.memory_space<semaphore_mem>>
    tpu.enqueue_indirect_dma source(%dma_start3A_49 : memref<10240x128xf32, #tpu.memory_space<hbm>>) target(%dma_start3A_44 : memref<32x128xf32, #tpu.memory_space<vmem>>) offsets(%dma_start3A_46 : memref<32xi32, #tpu.memory_space<vmem>>) semaphore(%dma_start3A_51 : memref<!tpu.dma_semaphore, #tpu.memory_space<semaphore_mem>>)
    %dma_start3A_52 = arith.constant 3 : i32
    %dma_start3A_53 = arith.constant 3 : i32
    %dma_start3A_54 = arith.constant 0 : i32
    %dma_start3A_55 = arith.constant 0 : i32
    %dma_start3A_56 = tpu.memref_slice %arg8[%dma_start3A_52, %dma_start3A_54, %dma_start3A_55] : memref<8x32x128xf32, #tpu.memory_space<vmem>> -> memref<1x32x128xf32, #tpu.memory_space<vmem>>
    %dma_start3A_57 = tpu.memref_squeeze %dma_start3A_56 : memref<1x32x128xf32, #tpu.memory_space<vmem>> -> memref<32x128xf32, #tpu.memory_space<vmem>>
    %dma_start3A_58 = arith.constant 96 : i32
    %dma_start3A_59 = tpu.memref_slice %arg6[%dma_start3A_58] : memref<5120xi32, #tpu.memory_space<vmem>> -> memref<32xi32, #tpu.memory_space<vmem>>
    %dma_start3A_60 = arith.constant 0 : i32
    %dma_start3A_61 = arith.constant 0 : i32
    %dma_start3A_62 = tpu.memref_slice %arg2[%dma_start3A_60, %dma_start3A_61] : memref<10240x128xf32, #tpu.memory_space<hbm>> -> memref<10240x128xf32, #tpu.memory_space<hbm>>
    %dma_start3A_63 = tpu.memref_slice %arg10[%dma_start3A_53] : memref<8x!tpu.dma_semaphore, #tpu.memory_space<semaphore_mem>> -> memref<1x!tpu.dma_semaphore, #tpu.memory_space<semaphore_mem>>
    %dma_start3A_64 = tpu.memref_squeeze %dma_start3A_63 : memref<1x!tpu.dma_semaphore, #tpu.memory_space<semaphore_mem>> -> memref<!tpu.dma_semaphore, #tpu.memory_space<semaphore_mem>>
    tpu.enqueue_indirect_dma source(%dma_start3A_62 : memref<10240x128xf32, #tpu.memory_space<hbm>>) target(%dma_start3A_57 : memref<32x128xf32, #tpu.memory_space<vmem>>) offsets(%dma_start3A_59 : memref<32xi32, #tpu.memory_space<vmem>>) semaphore(%dma_start3A_64 : memref<!tpu.dma_semaphore, #tpu.memory_space<semaphore_mem>>)
    %dma_start3A_65 = arith.constant 4 : i32
    %dma_start3A_66 = arith.constant 4 : i32
    %dma_start3A_67 = arith.constant 0 : i32
    %dma_start3A_68 = arith.constant 0 : i32
    %dma_start3A_69 = tpu.memref_slice %arg8[%dma_start3A_65, %dma_start3A_67, %dma_start3A_68] : memref<8x32x128xf32, #tpu.memory_space<vmem>> -> memref<1x32x128xf32, #tpu.memory_space<vmem>>
    %dma_start3A_70 = tpu.memref_squeeze %dma_start3A_69 : memref<1x32x128xf32, #tpu.memory_space<vmem>> -> memref<32x128xf32, #tpu.memory_space<vmem>>
    %dma_start3A_71 = arith.constant 128 : i32
    %dma_start3A_72 = tpu.memref_slice %arg6[%dma_start3A_71] : memref<5120xi32, #tpu.memory_space<vmem>> -> memref<32xi32, #tpu.memory_space<vmem>>
    %dma_start3A_73 = arith.constant 0 : i32
    %dma_start3A_74 = arith.constant 0 : i32
    %dma_start3A_75 = tpu.memref_slice %arg2[%dma_start3A_73, %dma_start3A_74] : memref<10240x128xf32, #tpu.memory_space<hbm>> -> memref<10240x128xf32, #tpu.memory_space<hbm>>
    %dma_start3A_76 = tpu.memref_slice %arg10[%dma_start3A_66] : memref<8x!tpu.dma_semaphore, #tpu.memory_space<semaphore_mem>> -> memref<1x!tpu.dma_semaphore, #tpu.memory_space<semaphore_mem>>
    %dma_start3A_77 = tpu.memref_squeeze %dma_start3A_76 : memref<1x!tpu.dma_semaphore, #tpu.memory_space<semaphore_mem>> -> memref<!tpu.dma_semaphore, #tpu.memory_space<semaphore_mem>>
    tpu.enqueue_indirect_dma source(%dma_start3A_75 : memref<10240x128xf32, #tpu.memory_space<hbm>>) target(%dma_start3A_70 : memref<32x128xf32, #tpu.memory_space<vmem>>) offsets(%dma_start3A_72 : memref<32xi32, #tpu.memory_space<vmem>>) semaphore(%dma_start3A_77 : memref<!tpu.dma_semaphore, #tpu.memory_space<semaphore_mem>>)
    %dma_start3A_78 = arith.constant 5 : i32
    %dma_start3A_79 = arith.constant 5 : i32
    %dma_start3A_80 = arith.constant 0 : i32
    %dma_start3A_81 = arith.constant 0 : i32
    %dma_start3A_82 = tpu.memref_slice %arg8[%dma_start3A_78, %dma_start3A_80, %dma_start3A_81] : memref<8x32x128xf32, #tpu.memory_space<vmem>> -> memref<1x32x128xf32, #tpu.memory_space<vmem>>
    %dma_start3A_83 = tpu.memref_squeeze %dma_start3A_82 : memref<1x32x128xf32, #tpu.memory_space<vmem>> -> memref<32x128xf32, #tpu.memory_space<vmem>>
    %dma_start3A_84 = arith.constant 160 : i32
    %dma_start3A_85 = tpu.memref_slice %arg6[%dma_start3A_84] : memref<5120xi32, #tpu.memory_space<vmem>> -> memref<32xi32, #tpu.memory_space<vmem>>
    %dma_start3A_86 = arith.constant 0 : i32
    %dma_start3A_87 = arith.constant 0 : i32
    %dma_start3A_88 = tpu.memref_slice %arg2[%dma_start3A_86, %dma_start3A_87] : memref<10240x128xf32, #tpu.memory_space<hbm>> -> memref<10240x128xf32, #tpu.memory_space<hbm>>
    %dma_start3A_89 = tpu.memref_slice %arg10[%dma_start3A_79] : memref<8x!tpu.dma_semaphore, #tpu.memory_space<semaphore_mem>> -> memref<1x!tpu.dma_semaphore, #tpu.memory_space<semaphore_mem>>
    %dma_start3A_90 = tpu.memref_squeeze %dma_start3A_89 : memref<1x!tpu.dma_semaphore, #tpu.memory_space<semaphore_mem>> -> memref<!tpu.dma_semaphore, #tpu.memory_space<semaphore_mem>>
    tpu.enqueue_indirect_dma source(%dma_start3A_88 : memref<10240x128xf32, #tpu.memory_space<hbm>>) target(%dma_start3A_83 : memref<32x128xf32, #tpu.memory_space<vmem>>) offsets(%dma_start3A_85 : memref<32xi32, #tpu.memory_space<vmem>>) semaphore(%dma_start3A_90 : memref<!tpu.dma_semaphore, #tpu.memory_space<semaphore_mem>>)
    %dma_start3A_91 = arith.constant 6 : i32
    %dma_start3A_92 = arith.constant 6 : i32
    %dma_start3A_93 = arith.constant 0 : i32
    %dma_start3A_94 = arith.constant 0 : i32
    %dma_start3A_95 = tpu.memref_slice %arg8[%dma_start3A_91, %dma_start3A_93, %dma_start3A_94] : memref<8x32x128xf32, #tpu.memory_space<vmem>> -> memref<1x32x128xf32, #tpu.memory_space<vmem>>
    %dma_start3A_96 = tpu.memref_squeeze %dma_start3A_95 : memref<1x32x128xf32, #tpu.memory_space<vmem>> -> memref<32x128xf32, #tpu.memory_space<vmem>>
    %dma_start3A_97 = arith.constant 192 : i32
    %dma_start3A_98 = tpu.memref_slice %arg6[%dma_start3A_97] : memref<5120xi32, #tpu.memory_space<vmem>> -> memref<32xi32, #tpu.memory_space<vmem>>
    %dma_start3A_99 = arith.constant 0 : i32
    %dma_start3A_100 = arith.constant 0 : i32
    %dma_start3A_101 = tpu.memref_slice %arg2[%dma_start3A_99, %dma_start3A_100] : memref<10240x128xf32, #tpu.memory_space<hbm>> -> memref<10240x128xf32, #tpu.memory_space<hbm>>
    %dma_start3A_102 = tpu.memref_slice %arg10[%dma_start3A_92] : memref<8x!tpu.dma_semaphore, #tpu.memory_space<semaphore_mem>> -> memref<1x!tpu.dma_semaphore, #tpu.memory_space<semaphore_mem>>
    %dma_start3A_103 = tpu.memref_squeeze %dma_start3A_102 : memref<1x!tpu.dma_semaphore, #tpu.memory_space<semaphore_mem>> -> memref<!tpu.dma_semaphore, #tpu.memory_space<semaphore_mem>>
    tpu.enqueue_indirect_dma source(%dma_start3A_101 : memref<10240x128xf32, #tpu.memory_space<hbm>>) target(%dma_start3A_96 : memref<32x128xf32, #tpu.memory_space<vmem>>) offsets(%dma_start3A_98 : memref<32xi32, #tpu.memory_space<vmem>>) semaphore(%dma_start3A_103 : memref<!tpu.dma_semaphore, #tpu.memory_space<semaphore_mem>>)
    %dma_start3A_104 = arith.constant 7 : i32
    %dma_start3A_105 = arith.constant 7 : i32
    %dma_start3A_106 = arith.constant 0 : i32
    %dma_start3A_107 = arith.constant 0 : i32
    %dma_start3A_108 = tpu.memref_slice %arg8[%dma_start3A_104, %dma_start3A_106, %dma_start3A_107] : memref<8x32x128xf32, #tpu.memory_space<vmem>> -> memref<1x32x128xf32, #tpu.memory_space<vmem>>
    %dma_start3A_109 = tpu.memref_squeeze %dma_start3A_108 : memref<1x32x128xf32, #tpu.memory_space<vmem>> -> memref<32x128xf32, #tpu.memory_space<vmem>>
    %dma_start3A_110 = arith.constant 224 : i32
    %dma_start3A_111 = tpu.memref_slice %arg6[%dma_start3A_110] : memref<5120xi32, #tpu.memory_space<vmem>> -> memref<32xi32, #tpu.memory_space<vmem>>
    %dma_start3A_112 = arith.constant 0 : i32
    %dma_start3A_113 = arith.constant 0 : i32
    %dma_start3A_114 = tpu.memref_slice %arg2[%dma_start3A_112, %dma_start3A_113] : memref<10240x128xf32, #tpu.memory_space<hbm>> -> memref<10240x128xf32, #tpu.memory_space<hbm>>
    %dma_start3A_115 = tpu.memref_slice %arg10[%dma_start3A_105] : memref<8x!tpu.dma_semaphore, #tpu.memory_space<semaphore_mem>> -> memref<1x!tpu.dma_semaphore, #tpu.memory_space<semaphore_mem>>
    %dma_start3A_116 = tpu.memref_squeeze %dma_start3A_115 : memref<1x!tpu.dma_semaphore, #tpu.memory_space<semaphore_mem>> -> memref<!tpu.dma_semaphore, #tpu.memory_space<semaphore_mem>>
    tpu.enqueue_indirect_dma source(%dma_start3A_114 : memref<10240x128xf32, #tpu.memory_space<hbm>>) target(%dma_start3A_109 : memref<32x128xf32, #tpu.memory_space<vmem>>) offsets(%dma_start3A_111 : memref<32xi32, #tpu.memory_space<vmem>>) semaphore(%dma_start3A_116 : memref<!tpu.dma_semaphore, #tpu.memory_space<semaphore_mem>>)
    %scan3A_117 = arith.constant 0 : i32
    %scan3A_118 = arith.constant 0 : i32
    %scan3A_119 = arith.constant 20 : i32
    %scan3A_120 = arith.addi %scan3A_118, %scan3A_119 : i32
    %scan3A_121 = arith.constant 1 : i32
    %scan3A_122 = scf.for %scan3A_240 = %scan3A_118 to %scan3A_120 step %scan3A_121 iter_args(%scan3A_241 = %scan3A_117) -> (i32)  : i32 {
      %mul3A_242 = arith.constant 8 : i32
      %mul3A_243 = arith.muli %scan3A_240, %mul3A_242 : i32
      %add3A_244 = arith.constant 0 : i32
      %add3A_245 = arith.addi %mul3A_243, %add3A_244 : i32
      %mul3A_246 = arith.constant 32 : i32
      %mul3A_247 = arith.muli %add3A_245, %mul3A_246 : i32
      %dma_wait3A = arith.constant 0 : i32
      %dma_wait3A_248 = arith.constant 0 : i32
      %dma_wait3A_249 = arith.constant 0 : i32
      %dma_wait3A_250 = arith.constant 0 : i32
      %dma_wait3A_251 = tpu.memref_slice %arg8[%dma_wait3A, %dma_wait3A_249, %dma_wait3A_250] : memref<8x32x128xf32, #tpu.memory_space<vmem>> -> memref<1x32x128xf32, #tpu.memory_space<vmem>>
      %dma_wait3A_252 = tpu.memref_squeeze %dma_wait3A_251 : memref<1x32x128xf32, #tpu.memory_space<vmem>> -> memref<32x128xf32, #tpu.memory_space<vmem>>
      %dma_wait3A_253 = tpu.memref_slice %arg6[%mul3A_247] : memref<5120xi32, #tpu.memory_space<vmem>> -> memref<32xi32, #tpu.memory_space<vmem>>
      %dma_wait3A_254 = arith.constant 0 : i32
      %dma_wait3A_255 = arith.constant 0 : i32
      %dma_wait3A_256 = tpu.memref_slice %arg2[%dma_wait3A_254, %dma_wait3A_255] : memref<10240x128xf32, #tpu.memory_space<hbm>> -> memref<10240x128xf32, #tpu.memory_space<hbm>>
      %dma_wait3A_257 = tpu.memref_slice %arg10[%dma_wait3A_248] : memref<8x!tpu.dma_semaphore, #tpu.memory_space<semaphore_mem>> -> memref<1x!tpu.dma_semaphore, #tpu.memory_space<semaphore_mem>>
      %dma_wait3A_258 = tpu.memref_squeeze %dma_wait3A_257 : memref<1x!tpu.dma_semaphore, #tpu.memory_space<semaphore_mem>> -> memref<!tpu.dma_semaphore, #tpu.memory_space<semaphore_mem>>
      tpu.wait_indirect_dma semaphore(%dma_wait3A_258 : memref<!tpu.dma_semaphore, #tpu.memory_space<semaphore_mem>>) src(%dma_wait3A_256 : memref<10240x128xf32, #tpu.memory_space<hbm>>) dst(%dma_wait3A_252 : memref<32x128xf32, #tpu.memory_space<vmem>>)
      %add3A_259 = arith.constant 0 : i32
      %add3A_260 = arith.addi %mul3A_243, %add3A_259 : i32
      %mul3A_261 = arith.constant 32 : i32
      %mul3A_262 = arith.muli %add3A_260, %mul3A_261 : i32
      %run_scoped3A = arith.constant 0 : i32
      "tpu.region"() ({
        %run_scoped3A_480 = tpu.sem_alloc : memref<!tpu.dma_semaphore, #tpu.memory_space<semaphore_mem>>
        %dma_start3A_481 = arith.constant 0 : i32
        %dma_start3A_482 = arith.constant 0 : i32
        %dma_start3A_483 = tpu.memref_slice %arg8[%run_scoped3A, %dma_start3A_481, %dma_start3A_482] : memref<8x32x128xf32, #tpu.memory_space<vmem>> -> memref<1x32x128xf32, #tpu.memory_space<vmem>>
        %dma_start3A_484 = tpu.memref_squeeze %dma_start3A_483 : memref<1x32x128xf32, #tpu.memory_space<vmem>> -> memref<32x128xf32, #tpu.memory_space<vmem>>
        %dma_start3A_485 = tpu.memref_slice %arg7[%mul3A_262] : memref<5120xi32, #tpu.memory_space<vmem>> -> memref<32xi32, #tpu.memory_space<vmem>>
        %dma_start3A_486 = arith.constant 0 : i32
        %dma_start3A_487 = arith.constant 0 : i32
        %dma_start3A_488 = tpu.memref_slice %arg9[%dma_start3A_486, %dma_start3A_487] : memref<10240x128xf32, #tpu.memory_space<vmem_shared>> -> memref<10240x128xf32, #tpu.memory_space<vmem_shared>>
        tpu.enqueue_indirect_dma source(%dma_start3A_484 : memref<32x128xf32, #tpu.memory_space<vmem>>) target(%dma_start3A_488 : memref<10240x128xf32, #tpu.memory_space<vmem_shared>>) offsets(%dma_start3A_485 : memref<32xi32, #tpu.memory_space<vmem>>) semaphore(%run_scoped3A_480 : memref<!tpu.dma_semaphore, #tpu.memory_space<semaphore_mem>>) {add = true}
        %dma_wait3A_489 = arith.constant 0 : i32
        %dma_wait3A_490 = arith.constant 0 : i32
        %dma_wait3A_491 = tpu.memref_slice %arg8[%run_scoped3A, %dma_wait3A_489, %dma_wait3A_490] : memref<8x32x128xf32, #tpu.memory_space<vmem>> -> memref<1x32x128xf32, #tpu.memory_space<vmem>>
        %dma_wait3A_492 = tpu.memref_squeeze %dma_wait3A_491 : memref<1x32x128xf32, #tpu.memory_space<vmem>> -> memref<32x128xf32, #tpu.memory_space<vmem>>
        %dma_wait3A_493 = tpu.memref_slice %arg7[%mul3A_262] : memref<5120xi32, #tpu.memory_space<vmem>> -> memref<32xi32, #tpu.memory_space<vmem>>
        %dma_wait3A_494 = arith.constant 0 : i32
        %dma_wait3A_495 = arith.constant 0 : i32
        %dma_wait3A_496 = tpu.memref_slice %arg9[%dma_wait3A_494, %dma_wait3A_495] : memref<10240x128xf32, #tpu.memory_space<vmem_shared>> -> memref<10240x128xf32, #tpu.memory_space<vmem_shared>>
        tpu.wait_indirect_dma semaphore(%run_scoped3A_480 : memref<!tpu.dma_semaphore, #tpu.memory_space<semaphore_mem>>) src(%dma_wait3A_492 : memref<32x128xf32, #tpu.memory_space<vmem>>) dst(%dma_wait3A_496 : memref<10240x128xf32, #tpu.memory_space<vmem_shared>>)
        tpu.yield
      }) : () -> ()
      %add3A_263 = arith.constant 8 : i32
      %add3A_264 = arith.addi %mul3A_243, %add3A_263 : i32
      %add3A_265 = arith.constant 0 : i32
      %add3A_266 = arith.addi %add3A_264, %add3A_265 : i32
      %lt3A = arith.constant 160 : i32
      %lt3A_267 = arith.cmpi slt, %add3A_266, %lt3A : i32
      %convert_element_type3A = arith.extui %lt3A_267 : i1 to i32
      %cond3A = arith.constant 0 : i32
      %cond3A_268 = arith.cmpi ne, %convert_element_type3A, %cond3A : i32
      scf.if %cond3A_268 {
        %add3A_480 = arith.constant 8 : i32
        %add3A_481 = arith.addi %mul3A_243, %add3A_480 : i32
        %add3A_482 = arith.constant 0 : i32
        %add3A_483 = arith.addi %add3A_481, %add3A_482 : i32
        %mul3A_484 = arith.constant 32 : i32
        %mul3A_485 = arith.muli %add3A_483, %mul3A_484 : i32
        %dma_start3A_486 = arith.constant 0 : i32
        %dma_start3A_487 = arith.constant 0 : i32
        %dma_start3A_488 = arith.constant 0 : i32
        %dma_start3A_489 = arith.constant 0 : i32
        %dma_start3A_490 = tpu.memref_slice %arg8[%dma_start3A_486, %dma_start3A_488, %dma_start3A_489] : memref<8x32x128xf32, #tpu.memory_space<vmem>> -> memref<1x32x128xf32, #tpu.memory_space<vmem>>
        %dma_start3A_491 = tpu.memref_squeeze %dma_start3A_490 : memref<1x32x128xf32, #tpu.memory_space<vmem>> -> memref<32x128xf32, #tpu.memory_space<vmem>>
        %dma_start3A_492 = tpu.memref_slice %arg6[%mul3A_485] : memref<5120xi32, #tpu.memory_space<vmem>> -> memref<32xi32, #tpu.memory_space<vmem>>
        %dma_start3A_493 = arith.constant 0 : i32
        %dma_start3A_494 = arith.constant 0 : i32
        %dma_start3A_495 = tpu.memref_slice %arg2[%dma_start3A_493, %dma_start3A_494] : memref<10240x128xf32, #tpu.memory_space<hbm>> -> memref<10240x128xf32, #tpu.memory_space<hbm>>
        %dma_start3A_496 = tpu.memref_slice %arg10[%dma_start3A_487] : memref<8x!tpu.dma_semaphore, #tpu.memory_space<semaphore_mem>> -> memref<1x!tpu.dma_semaphore, #tpu.memory_space<semaphore_mem>>
        %dma_start3A_497 = tpu.memref_squeeze %dma_start3A_496 : memref<1x!tpu.dma_semaphore, #tpu.memory_space<semaphore_mem>> -> memref<!tpu.dma_semaphore, #tpu.memory_space<semaphore_mem>>
        tpu.enqueue_indirect_dma source(%dma_start3A_495 : memref<10240x128xf32, #tpu.memory_space<hbm>>) target(%dma_start3A_491 : memref<32x128xf32, #tpu.memory_space<vmem>>) offsets(%dma_start3A_492 : memref<32xi32, #tpu.memory_space<vmem>>) semaphore(%dma_start3A_497 : memref<!tpu.dma_semaphore, #tpu.memory_space<semaphore_mem>>)
      } else {
      }
      %add3A_269 = arith.constant 1 : i32
      %add3A_270 = arith.addi %mul3A_243, %add3A_269 : i32
      %mul3A_271 = arith.constant 32 : i32
      %mul3A_272 = arith.muli %add3A_270, %mul3A_271 : i32
      %dma_wait3A_273 = arith.constant 1 : i32
      %dma_wait3A_274 = arith.constant 1 : i32
      %dma_wait3A_275 = arith.constant 0 : i32
      %dma_wait3A_276 = arith.constant 0 : i32
      %dma_wait3A_277 = tpu.memref_slice %arg8[%dma_wait3A_273, %dma_wait3A_275, %dma_wait3A_276] : memref<8x32x128xf32, #tpu.memory_space<vmem>> -> memref<1x32x128xf32, #tpu.memory_space<vmem>>
      %dma_wait3A_278 = tpu.memref_squeeze %dma_wait3A_277 : memref<1x32x128xf32, #tpu.memory_space<vmem>> -> memref<32x128xf32, #tpu.memory_space<vmem>>
      %dma_wait3A_279 = tpu.memref_slice %arg6[%mul3A_272] : memref<5120xi32, #tpu.memory_space<vmem>> -> memref<32xi32, #tpu.memory_space<vmem>>
      %dma_wait3A_280 = arith.constant 0 : i32
      %dma_wait3A_281 = arith.constant 0 : i32
      %dma_wait3A_282 = tpu.memref_slice %arg2[%dma_wait3A_280, %dma_wait3A_281] : memref<10240x128xf32, #tpu.memory_space<hbm>> -> memref<10240x128xf32, #tpu.memory_space<hbm>>
      %dma_wait3A_283 = tpu.memref_slice %arg10[%dma_wait3A_274] : memref<8x!tpu.dma_semaphore, #tpu.memory_space<semaphore_mem>> -> memref<1x!tpu.dma_semaphore, #tpu.memory_space<semaphore_mem>>
      %dma_wait3A_284 = tpu.memref_squeeze %dma_wait3A_283 : memref<1x!tpu.dma_semaphore, #tpu.memory_space<semaphore_mem>> -> memref<!tpu.dma_semaphore, #tpu.memory_space<semaphore_mem>>
      tpu.wait_indirect_dma semaphore(%dma_wait3A_284 : memref<!tpu.dma_semaphore, #tpu.memory_space<semaphore_mem>>) src(%dma_wait3A_282 : memref<10240x128xf32, #tpu.memory_space<hbm>>) dst(%dma_wait3A_278 : memref<32x128xf32, #tpu.memory_space<vmem>>)
      %add3A_285 = arith.constant 1 : i32
      %add3A_286 = arith.addi %mul3A_243, %add3A_285 : i32
      %mul3A_287 = arith.constant 32 : i32
      %mul3A_288 = arith.muli %add3A_286, %mul3A_287 : i32
      %run_scoped3A_289 = arith.constant 1 : i32
      "tpu.region"() ({
        %run_scoped3A_480 = tpu.sem_alloc : memref<!tpu.dma_semaphore, #tpu.memory_space<semaphore_mem>>
        %dma_start3A_481 = arith.constant 0 : i32
        %dma_start3A_482 = arith.constant 0 : i32
        %dma_start3A_483 = tpu.memref_slice %arg8[%run_scoped3A_289, %dma_start3A_481, %dma_start3A_482] : memref<8x32x128xf32, #tpu.memory_space<vmem>> -> memref<1x32x128xf32, #tpu.memory_space<vmem>>
        %dma_start3A_484 = tpu.memref_squeeze %dma_start3A_483 : memref<1x32x128xf32, #tpu.memory_space<vmem>> -> memref<32x128xf32, #tpu.memory_space<vmem>>
        %dma_start3A_485 = tpu.memref_slice %arg7[%mul3A_288] : memref<5120xi32, #tpu.memory_space<vmem>> -> memref<32xi32, #tpu.memory_space<vmem>>
        %dma_start3A_486 = arith.constant 0 : i32
        %dma_start3A_487 = arith.constant 0 : i32
        %dma_start3A_488 = tpu.memref_slice %arg9[%dma_start3A_486, %dma_start3A_487] : memref<10240x128xf32, #tpu.memory_space<vmem_shared>> -> memref<10240x128xf32, #tpu.memory_space<vmem_shared>>
        tpu.enqueue_indirect_dma source(%dma_start3A_484 : memref<32x128xf32, #tpu.memory_space<vmem>>) target(%dma_start3A_488 : memref<10240x128xf32, #tpu.memory_space<vmem_shared>>) offsets(%dma_start3A_485 : memref<32xi32, #tpu.memory_space<vmem>>) semaphore(%run_scoped3A_480 : memref<!tpu.dma_semaphore, #tpu.memory_space<semaphore_mem>>) {add = true}
        %dma_wait3A_489 = arith.constant 0 : i32
        %dma_wait3A_490 = arith.constant 0 : i32
        %dma_wait3A_491 = tpu.memref_slice %arg8[%run_scoped3A_289, %dma_wait3A_489, %dma_wait3A_490] : memref<8x32x128xf32, #tpu.memory_space<vmem>> -> memref<1x32x128xf32, #tpu.memory_space<vmem>>
        %dma_wait3A_492 = tpu.memref_squeeze %dma_wait3A_491 : memref<1x32x128xf32, #tpu.memory_space<vmem>> -> memref<32x128xf32, #tpu.memory_space<vmem>>
        %dma_wait3A_493 = tpu.memref_slice %arg7[%mul3A_288] : memref<5120xi32, #tpu.memory_space<vmem>> -> memref<32xi32, #tpu.memory_space<vmem>>
        %dma_wait3A_494 = arith.constant 0 : i32
        %dma_wait3A_495 = arith.constant 0 : i32
        %dma_wait3A_496 = tpu.memref_slice %arg9[%dma_wait3A_494, %dma_wait3A_495] : memref<10240x128xf32, #tpu.memory_space<vmem_shared>> -> memref<10240x128xf32, #tpu.memory_space<vmem_shared>>
        tpu.wait_indirect_dma semaphore(%run_scoped3A_480 : memref<!tpu.dma_semaphore, #tpu.memory_space<semaphore_mem>>) src(%dma_wait3A_492 : memref<32x128xf32, #tpu.memory_space<vmem>>) dst(%dma_wait3A_496 : memref<10240x128xf32, #tpu.memory_space<vmem_shared>>)
        tpu.yield
      }) : () -> ()
      %add3A_290 = arith.constant 8 : i32
      %add3A_291 = arith.addi %mul3A_243, %add3A_290 : i32
      %add3A_292 = arith.constant 1 : i32
      %add3A_293 = arith.addi %add3A_291, %add3A_292 : i32
      %lt3A_294 = arith.constant 160 : i32
      %lt3A_295 = arith.cmpi slt, %add3A_293, %lt3A_294 : i32
      %convert_element_type3A_296 = arith.extui %lt3A_295 : i1 to i32
      %cond3A_297 = arith.constant 0 : i32
      %cond3A_298 = arith.cmpi ne, %convert_element_type3A_296, %cond3A_297 : i32
      scf.if %cond3A_298 {
        %add3A_480 = arith.constant 8 : i32
        %add3A_481 = arith.addi %mul3A_243, %add3A_480 : i32
        %add3A_482 = arith.constant 1 : i32
        %add3A_483 = arith.addi %add3A_481, %add3A_482 : i32
        %mul3A_484 = arith.constant 32 : i32
        %mul3A_485 = arith.muli %add3A_483, %mul3A_484 : i32
        %dma_start3A_486 = arith.constant 1 : i32
        %dma_start3A_487 = arith.constant 1 : i32
        %dma_start3A_488 = arith.constant 0 : i32
        %dma_start3A_489 = arith.constant 0 : i32
        %dma_start3A_490 = tpu.memref_slice %arg8[%dma_start3A_486, %dma_start3A_488, %dma_start3A_489] : memref<8x32x128xf32, #tpu.memory_space<vmem>> -> memref<1x32x128xf32, #tpu.memory_space<vmem>>
        %dma_start3A_491 = tpu.memref_squeeze %dma_start3A_490 : memref<1x32x128xf32, #tpu.memory_space<vmem>> -> memref<32x128xf32, #tpu.memory_space<vmem>>
        %dma_start3A_492 = tpu.memref_slice %arg6[%mul3A_485] : memref<5120xi32, #tpu.memory_space<vmem>> -> memref<32xi32, #tpu.memory_space<vmem>>
        %dma_start3A_493 = arith.constant 0 : i32
        %dma_start3A_494 = arith.constant 0 : i32
        %dma_start3A_495 = tpu.memref_slice %arg2[%dma_start3A_493, %dma_start3A_494] : memref<10240x128xf32, #tpu.memory_space<hbm>> -> memref<10240x128xf32, #tpu.memory_space<hbm>>
        %dma_start3A_496 = tpu.memref_slice %arg10[%dma_start3A_487] : memref<8x!tpu.dma_semaphore, #tpu.memory_space<semaphore_mem>> -> memref<1x!tpu.dma_semaphore, #tpu.memory_space<semaphore_mem>>
        %dma_start3A_497 = tpu.memref_squeeze %dma_start3A_496 : memref<1x!tpu.dma_semaphore, #tpu.memory_space<semaphore_mem>> -> memref<!tpu.dma_semaphore, #tpu.memory_space<semaphore_mem>>
        tpu.enqueue_indirect_dma source(%dma_start3A_495 : memref<10240x128xf32, #tpu.memory_space<hbm>>) target(%dma_start3A_491 : memref<32x128xf32, #tpu.memory_space<vmem>>) offsets(%dma_start3A_492 : memref<32xi32, #tpu.memory_space<vmem>>) semaphore(%dma_start3A_497 : memref<!tpu.dma_semaphore, #tpu.memory_space<semaphore_mem>>)
      } else {
      }
      %add3A_299 = arith.constant 2 : i32
      %add3A_300 = arith.addi %mul3A_243, %add3A_299 : i32
      %mul3A_301 = arith.constant 32 : i32
      %mul3A_302 = arith.muli %add3A_300, %mul3A_301 : i32
      %dma_wait3A_303 = arith.constant 2 : i32
      %dma_wait3A_304 = arith.constant 2 : i32
      %dma_wait3A_305 = arith.constant 0 : i32
      %dma_wait3A_306 = arith.constant 0 : i32
      %dma_wait3A_307 = tpu.memref_slice %arg8[%dma_wait3A_303, %dma_wait3A_305, %dma_wait3A_306] : memref<8x32x128xf32, #tpu.memory_space<vmem>> -> memref<1x32x128xf32, #tpu.memory_space<vmem>>
      %dma_wait3A_308 = tpu.memref_squeeze %dma_wait3A_307 : memref<1x32x128xf32, #tpu.memory_space<vmem>> -> memref<32x128xf32, #tpu.memory_space<vmem>>
      %dma_wait3A_309 = tpu.memref_slice %arg6[%mul3A_302] : memref<5120xi32, #tpu.memory_space<vmem>> -> memref<32xi32, #tpu.memory_space<vmem>>
      %dma_wait3A_310 = arith.constant 0 : i32
      %dma_wait3A_311 = arith.constant 0 : i32
      %dma_wait3A_312 = tpu.memref_slice %arg2[%dma_wait3A_310, %dma_wait3A_311] : memref<10240x128xf32, #tpu.memory_space<hbm>> -> memref<10240x128xf32, #tpu.memory_space<hbm>>
      %dma_wait3A_313 = tpu.memref_slice %arg10[%dma_wait3A_304] : memref<8x!tpu.dma_semaphore, #tpu.memory_space<semaphore_mem>> -> memref<1x!tpu.dma_semaphore, #tpu.memory_space<semaphore_mem>>
      %dma_wait3A_314 = tpu.memref_squeeze %dma_wait3A_313 : memref<1x!tpu.dma_semaphore, #tpu.memory_space<semaphore_mem>> -> memref<!tpu.dma_semaphore, #tpu.memory_space<semaphore_mem>>
      tpu.wait_indirect_dma semaphore(%dma_wait3A_314 : memref<!tpu.dma_semaphore, #tpu.memory_space<semaphore_mem>>) src(%dma_wait3A_312 : memref<10240x128xf32, #tpu.memory_space<hbm>>) dst(%dma_wait3A_308 : memref<32x128xf32, #tpu.memory_space<vmem>>)
      %add3A_315 = arith.constant 2 : i32
      %add3A_316 = arith.addi %mul3A_243, %add3A_315 : i32
      %mul3A_317 = arith.constant 32 : i32
      %mul3A_318 = arith.muli %add3A_316, %mul3A_317 : i32
      %run_scoped3A_319 = arith.constant 2 : i32
      "tpu.region"() ({
        %run_scoped3A_480 = tpu.sem_alloc : memref<!tpu.dma_semaphore, #tpu.memory_space<semaphore_mem>>
        %dma_start3A_481 = arith.constant 0 : i32
        %dma_start3A_482 = arith.constant 0 : i32
        %dma_start3A_483 = tpu.memref_slice %arg8[%run_scoped3A_319, %dma_start3A_481, %dma_start3A_482] : memref<8x32x128xf32, #tpu.memory_space<vmem>> -> memref<1x32x128xf32, #tpu.memory_space<vmem>>
        %dma_start3A_484 = tpu.memref_squeeze %dma_start3A_483 : memref<1x32x128xf32, #tpu.memory_space<vmem>> -> memref<32x128xf32, #tpu.memory_space<vmem>>
        %dma_start3A_485 = tpu.memref_slice %arg7[%mul3A_318] : memref<5120xi32, #tpu.memory_space<vmem>> -> memref<32xi32, #tpu.memory_space<vmem>>
        %dma_start3A_486 = arith.constant 0 : i32
        %dma_start3A_487 = arith.constant 0 : i32
        %dma_start3A_488 = tpu.memref_slice %arg9[%dma_start3A_486, %dma_start3A_487] : memref<10240x128xf32, #tpu.memory_space<vmem_shared>> -> memref<10240x128xf32, #tpu.memory_space<vmem_shared>>
        tpu.enqueue_indirect_dma source(%dma_start3A_484 : memref<32x128xf32, #tpu.memory_space<vmem>>) target(%dma_start3A_488 : memref<10240x128xf32, #tpu.memory_space<vmem_shared>>) offsets(%dma_start3A_485 : memref<32xi32, #tpu.memory_space<vmem>>) semaphore(%run_scoped3A_480 : memref<!tpu.dma_semaphore, #tpu.memory_space<semaphore_mem>>) {add = true}
        %dma_wait3A_489 = arith.constant 0 : i32
        %dma_wait3A_490 = arith.constant 0 : i32
        %dma_wait3A_491 = tpu.memref_slice %arg8[%run_scoped3A_319, %dma_wait3A_489, %dma_wait3A_490] : memref<8x32x128xf32, #tpu.memory_space<vmem>> -> memref<1x32x128xf32, #tpu.memory_space<vmem>>
        %dma_wait3A_492 = tpu.memref_squeeze %dma_wait3A_491 : memref<1x32x128xf32, #tpu.memory_space<vmem>> -> memref<32x128xf32, #tpu.memory_space<vmem>>
        %dma_wait3A_493 = tpu.memref_slice %arg7[%mul3A_318] : memref<5120xi32, #tpu.memory_space<vmem>> -> memref<32xi32, #tpu.memory_space<vmem>>
        %dma_wait3A_494 = arith.constant 0 : i32
        %dma_wait3A_495 = arith.constant 0 : i32
        %dma_wait3A_496 = tpu.memref_slice %arg9[%dma_wait3A_494, %dma_wait3A_495] : memref<10240x128xf32, #tpu.memory_space<vmem_shared>> -> memref<10240x128xf32, #tpu.memory_space<vmem_shared>>
        tpu.wait_indirect_dma semaphore(%run_scoped3A_480 : memref<!tpu.dma_semaphore, #tpu.memory_space<semaphore_mem>>) src(%dma_wait3A_492 : memref<32x128xf32, #tpu.memory_space<vmem>>) dst(%dma_wait3A_496 : memref<10240x128xf32, #tpu.memory_space<vmem_shared>>)
        tpu.yield
      }) : () -> ()
      %add3A_320 = arith.constant 8 : i32
      %add3A_321 = arith.addi %mul3A_243, %add3A_320 : i32
      %add3A_322 = arith.constant 2 : i32
      %add3A_323 = arith.addi %add3A_321, %add3A_322 : i32
      %lt3A_324 = arith.constant 160 : i32
      %lt3A_325 = arith.cmpi slt, %add3A_323, %lt3A_324 : i32
      %convert_element_type3A_326 = arith.extui %lt3A_325 : i1 to i32
      %cond3A_327 = arith.constant 0 : i32
      %cond3A_328 = arith.cmpi ne, %convert_element_type3A_326, %cond3A_327 : i32
      scf.if %cond3A_328 {
        %add3A_480 = arith.constant 8 : i32
        %add3A_481 = arith.addi %mul3A_243, %add3A_480 : i32
        %add3A_482 = arith.constant 2 : i32
        %add3A_483 = arith.addi %add3A_481, %add3A_482 : i32
        %mul3A_484 = arith.constant 32 : i32
        %mul3A_485 = arith.muli %add3A_483, %mul3A_484 : i32
        %dma_start3A_486 = arith.constant 2 : i32
        %dma_start3A_487 = arith.constant 2 : i32
        %dma_start3A_488 = arith.constant 0 : i32
        %dma_start3A_489 = arith.constant 0 : i32
        %dma_start3A_490 = tpu.memref_slice %arg8[%dma_start3A_486, %dma_start3A_488, %dma_start3A_489] : memref<8x32x128xf32, #tpu.memory_space<vmem>> -> memref<1x32x128xf32, #tpu.memory_space<vmem>>
        %dma_start3A_491 = tpu.memref_squeeze %dma_start3A_490 : memref<1x32x128xf32, #tpu.memory_space<vmem>> -> memref<32x128xf32, #tpu.memory_space<vmem>>
        %dma_start3A_492 = tpu.memref_slice %arg6[%mul3A_485] : memref<5120xi32, #tpu.memory_space<vmem>> -> memref<32xi32, #tpu.memory_space<vmem>>
        %dma_start3A_493 = arith.constant 0 : i32
        %dma_start3A_494 = arith.constant 0 : i32
        %dma_start3A_495 = tpu.memref_slice %arg2[%dma_start3A_493, %dma_start3A_494] : memref<10240x128xf32, #tpu.memory_space<hbm>> -> memref<10240x128xf32, #tpu.memory_space<hbm>>
        %dma_start3A_496 = tpu.memref_slice %arg10[%dma_start3A_487] : memref<8x!tpu.dma_semaphore, #tpu.memory_space<semaphore_mem>> -> memref<1x!tpu.dma_semaphore, #tpu.memory_space<semaphore_mem>>
        %dma_start3A_497 = tpu.memref_squeeze %dma_start3A_496 : memref<1x!tpu.dma_semaphore, #tpu.memory_space<semaphore_mem>> -> memref<!tpu.dma_semaphore, #tpu.memory_space<semaphore_mem>>
        tpu.enqueue_indirect_dma source(%dma_start3A_495 : memref<10240x128xf32, #tpu.memory_space<hbm>>) target(%dma_start3A_491 : memref<32x128xf32, #tpu.memory_space<vmem>>) offsets(%dma_start3A_492 : memref<32xi32, #tpu.memory_space<vmem>>) semaphore(%dma_start3A_497 : memref<!tpu.dma_semaphore, #tpu.memory_space<semaphore_mem>>)
      } else {
      }
      %add3A_329 = arith.constant 3 : i32
      %add3A_330 = arith.addi %mul3A_243, %add3A_329 : i32
      %mul3A_331 = arith.constant 32 : i32
      %mul3A_332 = arith.muli %add3A_330, %mul3A_331 : i32
      %dma_wait3A_333 = arith.constant 3 : i32
      %dma_wait3A_334 = arith.constant 3 : i32
      %dma_wait3A_335 = arith.constant 0 : i32
      %dma_wait3A_336 = arith.constant 0 : i32
      %dma_wait3A_337 = tpu.memref_slice %arg8[%dma_wait3A_333, %dma_wait3A_335, %dma_wait3A_336] : memref<8x32x128xf32, #tpu.memory_space<vmem>> -> memref<1x32x128xf32, #tpu.memory_space<vmem>>
      %dma_wait3A_338 = tpu.memref_squeeze %dma_wait3A_337 : memref<1x32x128xf32, #tpu.memory_space<vmem>> -> memref<32x128xf32, #tpu.memory_space<vmem>>
      %dma_wait3A_339 = tpu.memref_slice %arg6[%mul3A_332] : memref<5120xi32, #tpu.memory_space<vmem>> -> memref<32xi32, #tpu.memory_space<vmem>>
      %dma_wait3A_340 = arith.constant 0 : i32
      %dma_wait3A_341 = arith.constant 0 : i32
      %dma_wait3A_342 = tpu.memref_slice %arg2[%dma_wait3A_340, %dma_wait3A_341] : memref<10240x128xf32, #tpu.memory_space<hbm>> -> memref<10240x128xf32, #tpu.memory_space<hbm>>
      %dma_wait3A_343 = tpu.memref_slice %arg10[%dma_wait3A_334] : memref<8x!tpu.dma_semaphore, #tpu.memory_space<semaphore_mem>> -> memref<1x!tpu.dma_semaphore, #tpu.memory_space<semaphore_mem>>
      %dma_wait3A_344 = tpu.memref_squeeze %dma_wait3A_343 : memref<1x!tpu.dma_semaphore, #tpu.memory_space<semaphore_mem>> -> memref<!tpu.dma_semaphore, #tpu.memory_space<semaphore_mem>>
      tpu.wait_indirect_dma semaphore(%dma_wait3A_344 : memref<!tpu.dma_semaphore, #tpu.memory_space<semaphore_mem>>) src(%dma_wait3A_342 : memref<10240x128xf32, #tpu.memory_space<hbm>>) dst(%dma_wait3A_338 : memref<32x128xf32, #tpu.memory_space<vmem>>)
      %add3A_345 = arith.constant 3 : i32
      %add3A_346 = arith.addi %mul3A_243, %add3A_345 : i32
      %mul3A_347 = arith.constant 32 : i32
      %mul3A_348 = arith.muli %add3A_346, %mul3A_347 : i32
      %run_scoped3A_349 = arith.constant 3 : i32
      "tpu.region"() ({
        %run_scoped3A_480 = tpu.sem_alloc : memref<!tpu.dma_semaphore, #tpu.memory_space<semaphore_mem>>
        %dma_start3A_481 = arith.constant 0 : i32
        %dma_start3A_482 = arith.constant 0 : i32
        %dma_start3A_483 = tpu.memref_slice %arg8[%run_scoped3A_349, %dma_start3A_481, %dma_start3A_482] : memref<8x32x128xf32, #tpu.memory_space<vmem>> -> memref<1x32x128xf32, #tpu.memory_space<vmem>>
        %dma_start3A_484 = tpu.memref_squeeze %dma_start3A_483 : memref<1x32x128xf32, #tpu.memory_space<vmem>> -> memref<32x128xf32, #tpu.memory_space<vmem>>
        %dma_start3A_485 = tpu.memref_slice %arg7[%mul3A_348] : memref<5120xi32, #tpu.memory_space<vmem>> -> memref<32xi32, #tpu.memory_space<vmem>>
        %dma_start3A_486 = arith.constant 0 : i32
        %dma_start3A_487 = arith.constant 0 : i32
        %dma_start3A_488 = tpu.memref_slice %arg9[%dma_start3A_486, %dma_start3A_487] : memref<10240x128xf32, #tpu.memory_space<vmem_shared>> -> memref<10240x128xf32, #tpu.memory_space<vmem_shared>>
        tpu.enqueue_indirect_dma source(%dma_start3A_484 : memref<32x128xf32, #tpu.memory_space<vmem>>) target(%dma_start3A_488 : memref<10240x128xf32, #tpu.memory_space<vmem_shared>>) offsets(%dma_start3A_485 : memref<32xi32, #tpu.memory_space<vmem>>) semaphore(%run_scoped3A_480 : memref<!tpu.dma_semaphore, #tpu.memory_space<semaphore_mem>>) {add = true}
        %dma_wait3A_489 = arith.constant 0 : i32
        %dma_wait3A_490 = arith.constant 0 : i32
        %dma_wait3A_491 = tpu.memref_slice %arg8[%run_scoped3A_349, %dma_wait3A_489, %dma_wait3A_490] : memref<8x32x128xf32, #tpu.memory_space<vmem>> -> memref<1x32x128xf32, #tpu.memory_space<vmem>>
        %dma_wait3A_492 = tpu.memref_squeeze %dma_wait3A_491 : memref<1x32x128xf32, #tpu.memory_space<vmem>> -> memref<32x128xf32, #tpu.memory_space<vmem>>
        %dma_wait3A_493 = tpu.memref_slice %arg7[%mul3A_348] : memref<5120xi32, #tpu.memory_space<vmem>> -> memref<32xi32, #tpu.memory_space<vmem>>
        %dma_wait3A_494 = arith.constant 0 : i32
        %dma_wait3A_495 = arith.constant 0 : i32
        %dma_wait3A_496 = tpu.memref_slice %arg9[%dma_wait3A_494, %dma_wait3A_495] : memref<10240x128xf32, #tpu.memory_space<vmem_shared>> -> memref<10240x128xf32, #tpu.memory_space<vmem_shared>>
        tpu.wait_indirect_dma semaphore(%run_scoped3A_480 : memref<!tpu.dma_semaphore, #tpu.memory_space<semaphore_mem>>) src(%dma_wait3A_492 : memref<32x128xf32, #tpu.memory_space<vmem>>) dst(%dma_wait3A_496 : memref<10240x128xf32, #tpu.memory_space<vmem_shared>>)
        tpu.yield
      }) : () -> ()
      %add3A_350 = arith.constant 8 : i32
      %add3A_351 = arith.addi %mul3A_243, %add3A_350 : i32
      %add3A_352 = arith.constant 3 : i32
      %add3A_353 = arith.addi %add3A_351, %add3A_352 : i32
      %lt3A_354 = arith.constant 160 : i32
      %lt3A_355 = arith.cmpi slt, %add3A_353, %lt3A_354 : i32
      %convert_element_type3A_356 = arith.extui %lt3A_355 : i1 to i32
      %cond3A_357 = arith.constant 0 : i32
      %cond3A_358 = arith.cmpi ne, %convert_element_type3A_356, %cond3A_357 : i32
      scf.if %cond3A_358 {
        %add3A_480 = arith.constant 8 : i32
        %add3A_481 = arith.addi %mul3A_243, %add3A_480 : i32
        %add3A_482 = arith.constant 3 : i32
        %add3A_483 = arith.addi %add3A_481, %add3A_482 : i32
        %mul3A_484 = arith.constant 32 : i32
        %mul3A_485 = arith.muli %add3A_483, %mul3A_484 : i32
        %dma_start3A_486 = arith.constant 3 : i32
        %dma_start3A_487 = arith.constant 3 : i32
        %dma_start3A_488 = arith.constant 0 : i32
        %dma_start3A_489 = arith.constant 0 : i32
        %dma_start3A_490 = tpu.memref_slice %arg8[%dma_start3A_486, %dma_start3A_488, %dma_start3A_489] : memref<8x32x128xf32, #tpu.memory_space<vmem>> -> memref<1x32x128xf32, #tpu.memory_space<vmem>>
        %dma_start3A_491 = tpu.memref_squeeze %dma_start3A_490 : memref<1x32x128xf32, #tpu.memory_space<vmem>> -> memref<32x128xf32, #tpu.memory_space<vmem>>
        %dma_start3A_492 = tpu.memref_slice %arg6[%mul3A_485] : memref<5120xi32, #tpu.memory_space<vmem>> -> memref<32xi32, #tpu.memory_space<vmem>>
        %dma_start3A_493 = arith.constant 0 : i32
        %dma_start3A_494 = arith.constant 0 : i32
        %dma_start3A_495 = tpu.memref_slice %arg2[%dma_start3A_493, %dma_start3A_494] : memref<10240x128xf32, #tpu.memory_space<hbm>> -> memref<10240x128xf32, #tpu.memory_space<hbm>>
        %dma_start3A_496 = tpu.memref_slice %arg10[%dma_start3A_487] : memref<8x!tpu.dma_semaphore, #tpu.memory_space<semaphore_mem>> -> memref<1x!tpu.dma_semaphore, #tpu.memory_space<semaphore_mem>>
        %dma_start3A_497 = tpu.memref_squeeze %dma_start3A_496 : memref<1x!tpu.dma_semaphore, #tpu.memory_space<semaphore_mem>> -> memref<!tpu.dma_semaphore, #tpu.memory_space<semaphore_mem>>
        tpu.enqueue_indirect_dma source(%dma_start3A_495 : memref<10240x128xf32, #tpu.memory_space<hbm>>) target(%dma_start3A_491 : memref<32x128xf32, #tpu.memory_space<vmem>>) offsets(%dma_start3A_492 : memref<32xi32, #tpu.memory_space<vmem>>) semaphore(%dma_start3A_497 : memref<!tpu.dma_semaphore, #tpu.memory_space<semaphore_mem>>)
      } else {
      }
      %add3A_359 = arith.constant 4 : i32
      %add3A_360 = arith.addi %mul3A_243, %add3A_359 : i32
      %mul3A_361 = arith.constant 32 : i32
      %mul3A_362 = arith.muli %add3A_360, %mul3A_361 : i32
      %dma_wait3A_363 = arith.constant 4 : i32
      %dma_wait3A_364 = arith.constant 4 : i32
      %dma_wait3A_365 = arith.constant 0 : i32
      %dma_wait3A_366 = arith.constant 0 : i32
      %dma_wait3A_367 = tpu.memref_slice %arg8[%dma_wait3A_363, %dma_wait3A_365, %dma_wait3A_366] : memref<8x32x128xf32, #tpu.memory_space<vmem>> -> memref<1x32x128xf32, #tpu.memory_space<vmem>>
      %dma_wait3A_368 = tpu.memref_squeeze %dma_wait3A_367 : memref<1x32x128xf32, #tpu.memory_space<vmem>> -> memref<32x128xf32, #tpu.memory_space<vmem>>
      %dma_wait3A_369 = tpu.memref_slice %arg6[%mul3A_362] : memref<5120xi32, #tpu.memory_space<vmem>> -> memref<32xi32, #tpu.memory_space<vmem>>
      %dma_wait3A_370 = arith.constant 0 : i32
      %dma_wait3A_371 = arith.constant 0 : i32
      %dma_wait3A_372 = tpu.memref_slice %arg2[%dma_wait3A_370, %dma_wait3A_371] : memref<10240x128xf32, #tpu.memory_space<hbm>> -> memref<10240x128xf32, #tpu.memory_space<hbm>>
      %dma_wait3A_373 = tpu.memref_slice %arg10[%dma_wait3A_364] : memref<8x!tpu.dma_semaphore, #tpu.memory_space<semaphore_mem>> -> memref<1x!tpu.dma_semaphore, #tpu.memory_space<semaphore_mem>>
      %dma_wait3A_374 = tpu.memref_squeeze %dma_wait3A_373 : memref<1x!tpu.dma_semaphore, #tpu.memory_space<semaphore_mem>> -> memref<!tpu.dma_semaphore, #tpu.memory_space<semaphore_mem>>
      tpu.wait_indirect_dma semaphore(%dma_wait3A_374 : memref<!tpu.dma_semaphore, #tpu.memory_space<semaphore_mem>>) src(%dma_wait3A_372 : memref<10240x128xf32, #tpu.memory_space<hbm>>) dst(%dma_wait3A_368 : memref<32x128xf32, #tpu.memory_space<vmem>>)
      %add3A_375 = arith.constant 4 : i32
      %add3A_376 = arith.addi %mul3A_243, %add3A_375 : i32
      %mul3A_377 = arith.constant 32 : i32
      %mul3A_378 = arith.muli %add3A_376, %mul3A_377 : i32
      %run_scoped3A_379 = arith.constant 4 : i32
      "tpu.region"() ({
        %run_scoped3A_480 = tpu.sem_alloc : memref<!tpu.dma_semaphore, #tpu.memory_space<semaphore_mem>>
        %dma_start3A_481 = arith.constant 0 : i32
        %dma_start3A_482 = arith.constant 0 : i32
        %dma_start3A_483 = tpu.memref_slice %arg8[%run_scoped3A_379, %dma_start3A_481, %dma_start3A_482] : memref<8x32x128xf32, #tpu.memory_space<vmem>> -> memref<1x32x128xf32, #tpu.memory_space<vmem>>
        %dma_start3A_484 = tpu.memref_squeeze %dma_start3A_483 : memref<1x32x128xf32, #tpu.memory_space<vmem>> -> memref<32x128xf32, #tpu.memory_space<vmem>>
        %dma_start3A_485 = tpu.memref_slice %arg7[%mul3A_378] : memref<5120xi32, #tpu.memory_space<vmem>> -> memref<32xi32, #tpu.memory_space<vmem>>
        %dma_start3A_486 = arith.constant 0 : i32
        %dma_start3A_487 = arith.constant 0 : i32
        %dma_start3A_488 = tpu.memref_slice %arg9[%dma_start3A_486, %dma_start3A_487] : memref<10240x128xf32, #tpu.memory_space<vmem_shared>> -> memref<10240x128xf32, #tpu.memory_space<vmem_shared>>
        tpu.enqueue_indirect_dma source(%dma_start3A_484 : memref<32x128xf32, #tpu.memory_space<vmem>>) target(%dma_start3A_488 : memref<10240x128xf32, #tpu.memory_space<vmem_shared>>) offsets(%dma_start3A_485 : memref<32xi32, #tpu.memory_space<vmem>>) semaphore(%run_scoped3A_480 : memref<!tpu.dma_semaphore, #tpu.memory_space<semaphore_mem>>) {add = true}
        %dma_wait3A_489 = arith.constant 0 : i32
        %dma_wait3A_490 = arith.constant 0 : i32
        %dma_wait3A_491 = tpu.memref_slice %arg8[%run_scoped3A_379, %dma_wait3A_489, %dma_wait3A_490] : memref<8x32x128xf32, #tpu.memory_space<vmem>> -> memref<1x32x128xf32, #tpu.memory_space<vmem>>
        %dma_wait3A_492 = tpu.memref_squeeze %dma_wait3A_491 : memref<1x32x128xf32, #tpu.memory_space<vmem>> -> memref<32x128xf32, #tpu.memory_space<vmem>>
        %dma_wait3A_493 = tpu.memref_slice %arg7[%mul3A_378] : memref<5120xi32, #tpu.memory_space<vmem>> -> memref<32xi32, #tpu.memory_space<vmem>>
        %dma_wait3A_494 = arith.constant 0 : i32
        %dma_wait3A_495 = arith.constant 0 : i32
        %dma_wait3A_496 = tpu.memref_slice %arg9[%dma_wait3A_494, %dma_wait3A_495] : memref<10240x128xf32, #tpu.memory_space<vmem_shared>> -> memref<10240x128xf32, #tpu.memory_space<vmem_shared>>
        tpu.wait_indirect_dma semaphore(%run_scoped3A_480 : memref<!tpu.dma_semaphore, #tpu.memory_space<semaphore_mem>>) src(%dma_wait3A_492 : memref<32x128xf32, #tpu.memory_space<vmem>>) dst(%dma_wait3A_496 : memref<10240x128xf32, #tpu.memory_space<vmem_shared>>)
        tpu.yield
      }) : () -> ()
      %add3A_380 = arith.constant 8 : i32
      %add3A_381 = arith.addi %mul3A_243, %add3A_380 : i32
      %add3A_382 = arith.constant 4 : i32
      %add3A_383 = arith.addi %add3A_381, %add3A_382 : i32
      %lt3A_384 = arith.constant 160 : i32
      %lt3A_385 = arith.cmpi slt, %add3A_383, %lt3A_384 : i32
      %convert_element_type3A_386 = arith.extui %lt3A_385 : i1 to i32
      %cond3A_387 = arith.constant 0 : i32
      %cond3A_388 = arith.cmpi ne, %convert_element_type3A_386, %cond3A_387 : i32
      scf.if %cond3A_388 {
        %add3A_480 = arith.constant 8 : i32
        %add3A_481 = arith.addi %mul3A_243, %add3A_480 : i32
        %add3A_482 = arith.constant 4 : i32
        %add3A_483 = arith.addi %add3A_481, %add3A_482 : i32
        %mul3A_484 = arith.constant 32 : i32
        %mul3A_485 = arith.muli %add3A_483, %mul3A_484 : i32
        %dma_start3A_486 = arith.constant 4 : i32
        %dma_start3A_487 = arith.constant 4 : i32
        %dma_start3A_488 = arith.constant 0 : i32
        %dma_start3A_489 = arith.constant 0 : i32
        %dma_start3A_490 = tpu.memref_slice %arg8[%dma_start3A_486, %dma_start3A_488, %dma_start3A_489] : memref<8x32x128xf32, #tpu.memory_space<vmem>> -> memref<1x32x128xf32, #tpu.memory_space<vmem>>
        %dma_start3A_491 = tpu.memref_squeeze %dma_start3A_490 : memref<1x32x128xf32, #tpu.memory_space<vmem>> -> memref<32x128xf32, #tpu.memory_space<vmem>>
        %dma_start3A_492 = tpu.memref_slice %arg6[%mul3A_485] : memref<5120xi32, #tpu.memory_space<vmem>> -> memref<32xi32, #tpu.memory_space<vmem>>
        %dma_start3A_493 = arith.constant 0 : i32
        %dma_start3A_494 = arith.constant 0 : i32
        %dma_start3A_495 = tpu.memref_slice %arg2[%dma_start3A_493, %dma_start3A_494] : memref<10240x128xf32, #tpu.memory_space<hbm>> -> memref<10240x128xf32, #tpu.memory_space<hbm>>
        %dma_start3A_496 = tpu.memref_slice %arg10[%dma_start3A_487] : memref<8x!tpu.dma_semaphore, #tpu.memory_space<semaphore_mem>> -> memref<1x!tpu.dma_semaphore, #tpu.memory_space<semaphore_mem>>
        %dma_start3A_497 = tpu.memref_squeeze %dma_start3A_496 : memref<1x!tpu.dma_semaphore, #tpu.memory_space<semaphore_mem>> -> memref<!tpu.dma_semaphore, #tpu.memory_space<semaphore_mem>>
        tpu.enqueue_indirect_dma source(%dma_start3A_495 : memref<10240x128xf32, #tpu.memory_space<hbm>>) target(%dma_start3A_491 : memref<32x128xf32, #tpu.memory_space<vmem>>) offsets(%dma_start3A_492 : memref<32xi32, #tpu.memory_space<vmem>>) semaphore(%dma_start3A_497 : memref<!tpu.dma_semaphore, #tpu.memory_space<semaphore_mem>>)
      } else {
      }
      %add3A_389 = arith.constant 5 : i32
      %add3A_390 = arith.addi %mul3A_243, %add3A_389 : i32
      %mul3A_391 = arith.constant 32 : i32
      %mul3A_392 = arith.muli %add3A_390, %mul3A_391 : i32
      %dma_wait3A_393 = arith.constant 5 : i32
      %dma_wait3A_394 = arith.constant 5 : i32
      %dma_wait3A_395 = arith.constant 0 : i32
      %dma_wait3A_396 = arith.constant 0 : i32
      %dma_wait3A_397 = tpu.memref_slice %arg8[%dma_wait3A_393, %dma_wait3A_395, %dma_wait3A_396] : memref<8x32x128xf32, #tpu.memory_space<vmem>> -> memref<1x32x128xf32, #tpu.memory_space<vmem>>
      %dma_wait3A_398 = tpu.memref_squeeze %dma_wait3A_397 : memref<1x32x128xf32, #tpu.memory_space<vmem>> -> memref<32x128xf32, #tpu.memory_space<vmem>>
      %dma_wait3A_399 = tpu.memref_slice %arg6[%mul3A_392] : memref<5120xi32, #tpu.memory_space<vmem>> -> memref<32xi32, #tpu.memory_space<vmem>>
      %dma_wait3A_400 = arith.constant 0 : i32
      %dma_wait3A_401 = arith.constant 0 : i32
      %dma_wait3A_402 = tpu.memref_slice %arg2[%dma_wait3A_400, %dma_wait3A_401] : memref<10240x128xf32, #tpu.memory_space<hbm>> -> memref<10240x128xf32, #tpu.memory_space<hbm>>
      %dma_wait3A_403 = tpu.memref_slice %arg10[%dma_wait3A_394] : memref<8x!tpu.dma_semaphore, #tpu.memory_space<semaphore_mem>> -> memref<1x!tpu.dma_semaphore, #tpu.memory_space<semaphore_mem>>
      %dma_wait3A_404 = tpu.memref_squeeze %dma_wait3A_403 : memref<1x!tpu.dma_semaphore, #tpu.memory_space<semaphore_mem>> -> memref<!tpu.dma_semaphore, #tpu.memory_space<semaphore_mem>>
      tpu.wait_indirect_dma semaphore(%dma_wait3A_404 : memref<!tpu.dma_semaphore, #tpu.memory_space<semaphore_mem>>) src(%dma_wait3A_402 : memref<10240x128xf32, #tpu.memory_space<hbm>>) dst(%dma_wait3A_398 : memref<32x128xf32, #tpu.memory_space<vmem>>)
      %add3A_405 = arith.constant 5 : i32
      %add3A_406 = arith.addi %mul3A_243, %add3A_405 : i32
      %mul3A_407 = arith.constant 32 : i32
      %mul3A_408 = arith.muli %add3A_406, %mul3A_407 : i32
      %run_scoped3A_409 = arith.constant 5 : i32
      "tpu.region"() ({
        %run_scoped3A_480 = tpu.sem_alloc : memref<!tpu.dma_semaphore, #tpu.memory_space<semaphore_mem>>
        %dma_start3A_481 = arith.constant 0 : i32
        %dma_start3A_482 = arith.constant 0 : i32
        %dma_start3A_483 = tpu.memref_slice %arg8[%run_scoped3A_409, %dma_start3A_481, %dma_start3A_482] : memref<8x32x128xf32, #tpu.memory_space<vmem>> -> memref<1x32x128xf32, #tpu.memory_space<vmem>>
        %dma_start3A_484 = tpu.memref_squeeze %dma_start3A_483 : memref<1x32x128xf32, #tpu.memory_space<vmem>> -> memref<32x128xf32, #tpu.memory_space<vmem>>
        %dma_start3A_485 = tpu.memref_slice %arg7[%mul3A_408] : memref<5120xi32, #tpu.memory_space<vmem>> -> memref<32xi32, #tpu.memory_space<vmem>>
        %dma_start3A_486 = arith.constant 0 : i32
        %dma_start3A_487 = arith.constant 0 : i32
        %dma_start3A_488 = tpu.memref_slice %arg9[%dma_start3A_486, %dma_start3A_487] : memref<10240x128xf32, #tpu.memory_space<vmem_shared>> -> memref<10240x128xf32, #tpu.memory_space<vmem_shared>>
        tpu.enqueue_indirect_dma source(%dma_start3A_484 : memref<32x128xf32, #tpu.memory_space<vmem>>) target(%dma_start3A_488 : memref<10240x128xf32, #tpu.memory_space<vmem_shared>>) offsets(%dma_start3A_485 : memref<32xi32, #tpu.memory_space<vmem>>) semaphore(%run_scoped3A_480 : memref<!tpu.dma_semaphore, #tpu.memory_space<semaphore_mem>>) {add = true}
        %dma_wait3A_489 = arith.constant 0 : i32
        %dma_wait3A_490 = arith.constant 0 : i32
        %dma_wait3A_491 = tpu.memref_slice %arg8[%run_scoped3A_409, %dma_wait3A_489, %dma_wait3A_490] : memref<8x32x128xf32, #tpu.memory_space<vmem>> -> memref<1x32x128xf32, #tpu.memory_space<vmem>>
        %dma_wait3A_492 = tpu.memref_squeeze %dma_wait3A_491 : memref<1x32x128xf32, #tpu.memory_space<vmem>> -> memref<32x128xf32, #tpu.memory_space<vmem>>
        %dma_wait3A_493 = tpu.memref_slice %arg7[%mul3A_408] : memref<5120xi32, #tpu.memory_space<vmem>> -> memref<32xi32, #tpu.memory_space<vmem>>
        %dma_wait3A_494 = arith.constant 0 : i32
        %dma_wait3A_495 = arith.constant 0 : i32
        %dma_wait3A_496 = tpu.memref_slice %arg9[%dma_wait3A_494, %dma_wait3A_495] : memref<10240x128xf32, #tpu.memory_space<vmem_shared>> -> memref<10240x128xf32, #tpu.memory_space<vmem_shared>>
        tpu.wait_indirect_dma semaphore(%run_scoped3A_480 : memref<!tpu.dma_semaphore, #tpu.memory_space<semaphore_mem>>) src(%dma_wait3A_492 : memref<32x128xf32, #tpu.memory_space<vmem>>) dst(%dma_wait3A_496 : memref<10240x128xf32, #tpu.memory_space<vmem_shared>>)
        tpu.yield
      }) : () -> ()
      %add3A_410 = arith.constant 8 : i32
      %add3A_411 = arith.addi %mul3A_243, %add3A_410 : i32
      %add3A_412 = arith.constant 5 : i32
      %add3A_413 = arith.addi %add3A_411, %add3A_412 : i32
      %lt3A_414 = arith.constant 160 : i32
      %lt3A_415 = arith.cmpi slt, %add3A_413, %lt3A_414 : i32
      %convert_element_type3A_416 = arith.extui %lt3A_415 : i1 to i32
      %cond3A_417 = arith.constant 0 : i32
      %cond3A_418 = arith.cmpi ne, %convert_element_type3A_416, %cond3A_417 : i32
      scf.if %cond3A_418 {
        %add3A_480 = arith.constant 8 : i32
        %add3A_481 = arith.addi %mul3A_243, %add3A_480 : i32
        %add3A_482 = arith.constant 5 : i32
        %add3A_483 = arith.addi %add3A_481, %add3A_482 : i32
        %mul3A_484 = arith.constant 32 : i32
        %mul3A_485 = arith.muli %add3A_483, %mul3A_484 : i32
        %dma_start3A_486 = arith.constant 5 : i32
        %dma_start3A_487 = arith.constant 5 : i32
        %dma_start3A_488 = arith.constant 0 : i32
        %dma_start3A_489 = arith.constant 0 : i32
        %dma_start3A_490 = tpu.memref_slice %arg8[%dma_start3A_486, %dma_start3A_488, %dma_start3A_489] : memref<8x32x128xf32, #tpu.memory_space<vmem>> -> memref<1x32x128xf32, #tpu.memory_space<vmem>>
        %dma_start3A_491 = tpu.memref_squeeze %dma_start3A_490 : memref<1x32x128xf32, #tpu.memory_space<vmem>> -> memref<32x128xf32, #tpu.memory_space<vmem>>
        %dma_start3A_492 = tpu.memref_slice %arg6[%mul3A_485] : memref<5120xi32, #tpu.memory_space<vmem>> -> memref<32xi32, #tpu.memory_space<vmem>>
        %dma_start3A_493 = arith.constant 0 : i32
        %dma_start3A_494 = arith.constant 0 : i32
        %dma_start3A_495 = tpu.memref_slice %arg2[%dma_start3A_493, %dma_start3A_494] : memref<10240x128xf32, #tpu.memory_space<hbm>> -> memref<10240x128xf32, #tpu.memory_space<hbm>>
        %dma_start3A_496 = tpu.memref_slice %arg10[%dma_start3A_487] : memref<8x!tpu.dma_semaphore, #tpu.memory_space<semaphore_mem>> -> memref<1x!tpu.dma_semaphore, #tpu.memory_space<semaphore_mem>>
        %dma_start3A_497 = tpu.memref_squeeze %dma_start3A_496 : memref<1x!tpu.dma_semaphore, #tpu.memory_space<semaphore_mem>> -> memref<!tpu.dma_semaphore, #tpu.memory_space<semaphore_mem>>
        tpu.enqueue_indirect_dma source(%dma_start3A_495 : memref<10240x128xf32, #tpu.memory_space<hbm>>) target(%dma_start3A_491 : memref<32x128xf32, #tpu.memory_space<vmem>>) offsets(%dma_start3A_492 : memref<32xi32, #tpu.memory_space<vmem>>) semaphore(%dma_start3A_497 : memref<!tpu.dma_semaphore, #tpu.memory_space<semaphore_mem>>)
      } else {
      }
      %add3A_419 = arith.constant 6 : i32
      %add3A_420 = arith.addi %mul3A_243, %add3A_419 : i32
      %mul3A_421 = arith.constant 32 : i32
      %mul3A_422 = arith.muli %add3A_420, %mul3A_421 : i32
      %dma_wait3A_423 = arith.constant 6 : i32
      %dma_wait3A_424 = arith.constant 6 : i32
      %dma_wait3A_425 = arith.constant 0 : i32
      %dma_wait3A_426 = arith.constant 0 : i32
      %dma_wait3A_427 = tpu.memref_slice %arg8[%dma_wait3A_423, %dma_wait3A_425, %dma_wait3A_426] : memref<8x32x128xf32, #tpu.memory_space<vmem>> -> memref<1x32x128xf32, #tpu.memory_space<vmem>>
      %dma_wait3A_428 = tpu.memref_squeeze %dma_wait3A_427 : memref<1x32x128xf32, #tpu.memory_space<vmem>> -> memref<32x128xf32, #tpu.memory_space<vmem>>
      %dma_wait3A_429 = tpu.memref_slice %arg6[%mul3A_422] : memref<5120xi32, #tpu.memory_space<vmem>> -> memref<32xi32, #tpu.memory_space<vmem>>
      %dma_wait3A_430 = arith.constant 0 : i32
      %dma_wait3A_431 = arith.constant 0 : i32
      %dma_wait3A_432 = tpu.memref_slice %arg2[%dma_wait3A_430, %dma_wait3A_431] : memref<10240x128xf32, #tpu.memory_space<hbm>> -> memref<10240x128xf32, #tpu.memory_space<hbm>>
      %dma_wait3A_433 = tpu.memref_slice %arg10[%dma_wait3A_424] : memref<8x!tpu.dma_semaphore, #tpu.memory_space<semaphore_mem>> -> memref<1x!tpu.dma_semaphore, #tpu.memory_space<semaphore_mem>>
      %dma_wait3A_434 = tpu.memref_squeeze %dma_wait3A_433 : memref<1x!tpu.dma_semaphore, #tpu.memory_space<semaphore_mem>> -> memref<!tpu.dma_semaphore, #tpu.memory_space<semaphore_mem>>
      tpu.wait_indirect_dma semaphore(%dma_wait3A_434 : memref<!tpu.dma_semaphore, #tpu.memory_space<semaphore_mem>>) src(%dma_wait3A_432 : memref<10240x128xf32, #tpu.memory_space<hbm>>) dst(%dma_wait3A_428 : memref<32x128xf32, #tpu.memory_space<vmem>>)
      %add3A_435 = arith.constant 6 : i32
      %add3A_436 = arith.addi %mul3A_243, %add3A_435 : i32
      %mul3A_437 = arith.constant 32 : i32
      %mul3A_438 = arith.muli %add3A_436, %mul3A_437 : i32
      %run_scoped3A_439 = arith.constant 6 : i32
      "tpu.region"() ({
        %run_scoped3A_480 = tpu.sem_alloc : memref<!tpu.dma_semaphore, #tpu.memory_space<semaphore_mem>>
        %dma_start3A_481 = arith.constant 0 : i32
        %dma_start3A_482 = arith.constant 0 : i32
        %dma_start3A_483 = tpu.memref_slice %arg8[%run_scoped3A_439, %dma_start3A_481, %dma_start3A_482] : memref<8x32x128xf32, #tpu.memory_space<vmem>> -> memref<1x32x128xf32, #tpu.memory_space<vmem>>
        %dma_start3A_484 = tpu.memref_squeeze %dma_start3A_483 : memref<1x32x128xf32, #tpu.memory_space<vmem>> -> memref<32x128xf32, #tpu.memory_space<vmem>>
        %dma_start3A_485 = tpu.memref_slice %arg7[%mul3A_438] : memref<5120xi32, #tpu.memory_space<vmem>> -> memref<32xi32, #tpu.memory_space<vmem>>
        %dma_start3A_486 = arith.constant 0 : i32
        %dma_start3A_487 = arith.constant 0 : i32
        %dma_start3A_488 = tpu.memref_slice %arg9[%dma_start3A_486, %dma_start3A_487] : memref<10240x128xf32, #tpu.memory_space<vmem_shared>> -> memref<10240x128xf32, #tpu.memory_space<vmem_shared>>
        tpu.enqueue_indirect_dma source(%dma_start3A_484 : memref<32x128xf32, #tpu.memory_space<vmem>>) target(%dma_start3A_488 : memref<10240x128xf32, #tpu.memory_space<vmem_shared>>) offsets(%dma_start3A_485 : memref<32xi32, #tpu.memory_space<vmem>>) semaphore(%run_scoped3A_480 : memref<!tpu.dma_semaphore, #tpu.memory_space<semaphore_mem>>) {add = true}
        %dma_wait3A_489 = arith.constant 0 : i32
        %dma_wait3A_490 = arith.constant 0 : i32
        %dma_wait3A_491 = tpu.memref_slice %arg8[%run_scoped3A_439, %dma_wait3A_489, %dma_wait3A_490] : memref<8x32x128xf32, #tpu.memory_space<vmem>> -> memref<1x32x128xf32, #tpu.memory_space<vmem>>
        %dma_wait3A_492 = tpu.memref_squeeze %dma_wait3A_491 : memref<1x32x128xf32, #tpu.memory_space<vmem>> -> memref<32x128xf32, #tpu.memory_space<vmem>>
        %dma_wait3A_493 = tpu.memref_slice %arg7[%mul3A_438] : memref<5120xi32, #tpu.memory_space<vmem>> -> memref<32xi32, #tpu.memory_space<vmem>>
        %dma_wait3A_494 = arith.constant 0 : i32
        %dma_wait3A_495 = arith.constant 0 : i32
        %dma_wait3A_496 = tpu.memref_slice %arg9[%dma_wait3A_494, %dma_wait3A_495] : memref<10240x128xf32, #tpu.memory_space<vmem_shared>> -> memref<10240x128xf32, #tpu.memory_space<vmem_shared>>
        tpu.wait_indirect_dma semaphore(%run_scoped3A_480 : memref<!tpu.dma_semaphore, #tpu.memory_space<semaphore_mem>>) src(%dma_wait3A_492 : memref<32x128xf32, #tpu.memory_space<vmem>>) dst(%dma_wait3A_496 : memref<10240x128xf32, #tpu.memory_space<vmem_shared>>)
        tpu.yield
      }) : () -> ()
      %add3A_440 = arith.constant 8 : i32
      %add3A_441 = arith.addi %mul3A_243, %add3A_440 : i32
      %add3A_442 = arith.constant 6 : i32
      %add3A_443 = arith.addi %add3A_441, %add3A_442 : i32
      %lt3A_444 = arith.constant 160 : i32
      %lt3A_445 = arith.cmpi slt, %add3A_443, %lt3A_444 : i32
      %convert_element_type3A_446 = arith.extui %lt3A_445 : i1 to i32
      %cond3A_447 = arith.constant 0 : i32
      %cond3A_448 = arith.cmpi ne, %convert_element_type3A_446, %cond3A_447 : i32
      scf.if %cond3A_448 {
        %add3A_480 = arith.constant 8 : i32
        %add3A_481 = arith.addi %mul3A_243, %add3A_480 : i32
        %add3A_482 = arith.constant 6 : i32
        %add3A_483 = arith.addi %add3A_481, %add3A_482 : i32
        %mul3A_484 = arith.constant 32 : i32
        %mul3A_485 = arith.muli %add3A_483, %mul3A_484 : i32
        %dma_start3A_486 = arith.constant 6 : i32
        %dma_start3A_487 = arith.constant 6 : i32
        %dma_start3A_488 = arith.constant 0 : i32
        %dma_start3A_489 = arith.constant 0 : i32
        %dma_start3A_490 = tpu.memref_slice %arg8[%dma_start3A_486, %dma_start3A_488, %dma_start3A_489] : memref<8x32x128xf32, #tpu.memory_space<vmem>> -> memref<1x32x128xf32, #tpu.memory_space<vmem>>
        %dma_start3A_491 = tpu.memref_squeeze %dma_start3A_490 : memref<1x32x128xf32, #tpu.memory_space<vmem>> -> memref<32x128xf32, #tpu.memory_space<vmem>>
        %dma_start3A_492 = tpu.memref_slice %arg6[%mul3A_485] : memref<5120xi32, #tpu.memory_space<vmem>> -> memref<32xi32, #tpu.memory_space<vmem>>
        %dma_start3A_493 = arith.constant 0 : i32
        %dma_start3A_494 = arith.constant 0 : i32
        %dma_start3A_495 = tpu.memref_slice %arg2[%dma_start3A_493, %dma_start3A_494] : memref<10240x128xf32, #tpu.memory_space<hbm>> -> memref<10240x128xf32, #tpu.memory_space<hbm>>
        %dma_start3A_496 = tpu.memref_slice %arg10[%dma_start3A_487] : memref<8x!tpu.dma_semaphore, #tpu.memory_space<semaphore_mem>> -> memref<1x!tpu.dma_semaphore, #tpu.memory_space<semaphore_mem>>
        %dma_start3A_497 = tpu.memref_squeeze %dma_start3A_496 : memref<1x!tpu.dma_semaphore, #tpu.memory_space<semaphore_mem>> -> memref<!tpu.dma_semaphore, #tpu.memory_space<semaphore_mem>>
        tpu.enqueue_indirect_dma source(%dma_start3A_495 : memref<10240x128xf32, #tpu.memory_space<hbm>>) target(%dma_start3A_491 : memref<32x128xf32, #tpu.memory_space<vmem>>) offsets(%dma_start3A_492 : memref<32xi32, #tpu.memory_space<vmem>>) semaphore(%dma_start3A_497 : memref<!tpu.dma_semaphore, #tpu.memory_space<semaphore_mem>>)
      } else {
      }
      %add3A_449 = arith.constant 7 : i32
      %add3A_450 = arith.addi %mul3A_243, %add3A_449 : i32
      %mul3A_451 = arith.constant 32 : i32
      %mul3A_452 = arith.muli %add3A_450, %mul3A_451 : i32
      %dma_wait3A_453 = arith.constant 7 : i32
      %dma_wait3A_454 = arith.constant 7 : i32
      %dma_wait3A_455 = arith.constant 0 : i32
      %dma_wait3A_456 = arith.constant 0 : i32
      %dma_wait3A_457 = tpu.memref_slice %arg8[%dma_wait3A_453, %dma_wait3A_455, %dma_wait3A_456] : memref<8x32x128xf32, #tpu.memory_space<vmem>> -> memref<1x32x128xf32, #tpu.memory_space<vmem>>
      %dma_wait3A_458 = tpu.memref_squeeze %dma_wait3A_457 : memref<1x32x128xf32, #tpu.memory_space<vmem>> -> memref<32x128xf32, #tpu.memory_space<vmem>>
      %dma_wait3A_459 = tpu.memref_slice %arg6[%mul3A_452] : memref<5120xi32, #tpu.memory_space<vmem>> -> memref<32xi32, #tpu.memory_space<vmem>>
      %dma_wait3A_460 = arith.constant 0 : i32
      %dma_wait3A_461 = arith.constant 0 : i32
      %dma_wait3A_462 = tpu.memref_slice %arg2[%dma_wait3A_460, %dma_wait3A_461] : memref<10240x128xf32, #tpu.memory_space<hbm>> -> memref<10240x128xf32, #tpu.memory_space<hbm>>
      %dma_wait3A_463 = tpu.memref_slice %arg10[%dma_wait3A_454] : memref<8x!tpu.dma_semaphore, #tpu.memory_space<semaphore_mem>> -> memref<1x!tpu.dma_semaphore, #tpu.memory_space<semaphore_mem>>
      %dma_wait3A_464 = tpu.memref_squeeze %dma_wait3A_463 : memref<1x!tpu.dma_semaphore, #tpu.memory_space<semaphore_mem>> -> memref<!tpu.dma_semaphore, #tpu.memory_space<semaphore_mem>>
      tpu.wait_indirect_dma semaphore(%dma_wait3A_464 : memref<!tpu.dma_semaphore, #tpu.memory_space<semaphore_mem>>) src(%dma_wait3A_462 : memref<10240x128xf32, #tpu.memory_space<hbm>>) dst(%dma_wait3A_458 : memref<32x128xf32, #tpu.memory_space<vmem>>)
      %add3A_465 = arith.constant 7 : i32
      %add3A_466 = arith.addi %mul3A_243, %add3A_465 : i32
      %mul3A_467 = arith.constant 32 : i32
      %mul3A_468 = arith.muli %add3A_466, %mul3A_467 : i32
      %run_scoped3A_469 = arith.constant 7 : i32
      "tpu.region"() ({
        %run_scoped3A_480 = tpu.sem_alloc : memref<!tpu.dma_semaphore, #tpu.memory_space<semaphore_mem>>
        %dma_start3A_481 = arith.constant 0 : i32
        %dma_start3A_482 = arith.constant 0 : i32
        %dma_start3A_483 = tpu.memref_slice %arg8[%run_scoped3A_469, %dma_start3A_481, %dma_start3A_482] : memref<8x32x128xf32, #tpu.memory_space<vmem>> -> memref<1x32x128xf32, #tpu.memory_space<vmem>>
        %dma_start3A_484 = tpu.memref_squeeze %dma_start3A_483 : memref<1x32x128xf32, #tpu.memory_space<vmem>> -> memref<32x128xf32, #tpu.memory_space<vmem>>
        %dma_start3A_485 = tpu.memref_slice %arg7[%mul3A_468] : memref<5120xi32, #tpu.memory_space<vmem>> -> memref<32xi32, #tpu.memory_space<vmem>>
        %dma_start3A_486 = arith.constant 0 : i32
        %dma_start3A_487 = arith.constant 0 : i32
        %dma_start3A_488 = tpu.memref_slice %arg9[%dma_start3A_486, %dma_start3A_487] : memref<10240x128xf32, #tpu.memory_space<vmem_shared>> -> memref<10240x128xf32, #tpu.memory_space<vmem_shared>>
        tpu.enqueue_indirect_dma source(%dma_start3A_484 : memref<32x128xf32, #tpu.memory_space<vmem>>) target(%dma_start3A_488 : memref<10240x128xf32, #tpu.memory_space<vmem_shared>>) offsets(%dma_start3A_485 : memref<32xi32, #tpu.memory_space<vmem>>) semaphore(%run_scoped3A_480 : memref<!tpu.dma_semaphore, #tpu.memory_space<semaphore_mem>>) {add = true}
        %dma_wait3A_489 = arith.constant 0 : i32
        %dma_wait3A_490 = arith.constant 0 : i32
        %dma_wait3A_491 = tpu.memref_slice %arg8[%run_scoped3A_469, %dma_wait3A_489, %dma_wait3A_490] : memref<8x32x128xf32, #tpu.memory_space<vmem>> -> memref<1x32x128xf32, #tpu.memory_space<vmem>>
        %dma_wait3A_492 = tpu.memref_squeeze %dma_wait3A_491 : memref<1x32x128xf32, #tpu.memory_space<vmem>> -> memref<32x128xf32, #tpu.memory_space<vmem>>
        %dma_wait3A_493 = tpu.memref_slice %arg7[%mul3A_468] : memref<5120xi32, #tpu.memory_space<vmem>> -> memref<32xi32, #tpu.memory_space<vmem>>
        %dma_wait3A_494 = arith.constant 0 : i32
        %dma_wait3A_495 = arith.constant 0 : i32
        %dma_wait3A_496 = tpu.memref_slice %arg9[%dma_wait3A_494, %dma_wait3A_495] : memref<10240x128xf32, #tpu.memory_space<vmem_shared>> -> memref<10240x128xf32, #tpu.memory_space<vmem_shared>>
        tpu.wait_indirect_dma semaphore(%run_scoped3A_480 : memref<!tpu.dma_semaphore, #tpu.memory_space<semaphore_mem>>) src(%dma_wait3A_492 : memref<32x128xf32, #tpu.memory_space<vmem>>) dst(%dma_wait3A_496 : memref<10240x128xf32, #tpu.memory_space<vmem_shared>>)
        tpu.yield
      }) : () -> ()
      %add3A_470 = arith.constant 8 : i32
      %add3A_471 = arith.addi %mul3A_243, %add3A_470 : i32
      %add3A_472 = arith.constant 7 : i32
      %add3A_473 = arith.addi %add3A_471, %add3A_472 : i32
      %lt3A_474 = arith.constant 160 : i32
      %lt3A_475 = arith.cmpi slt, %add3A_473, %lt3A_474 : i32
      %convert_element_type3A_476 = arith.extui %lt3A_475 : i1 to i32
      %cond3A_477 = arith.constant 0 : i32
      %cond3A_478 = arith.cmpi ne, %convert_element_type3A_476, %cond3A_477 : i32
      scf.if %cond3A_478 {
        %add3A_480 = arith.constant 8 : i32
        %add3A_481 = arith.addi %mul3A_243, %add3A_480 : i32
        %add3A_482 = arith.constant 7 : i32
        %add3A_483 = arith.addi %add3A_481, %add3A_482 : i32
        %mul3A_484 = arith.constant 32 : i32
        %mul3A_485 = arith.muli %add3A_483, %mul3A_484 : i32
        %dma_start3A_486 = arith.constant 7 : i32
        %dma_start3A_487 = arith.constant 7 : i32
        %dma_start3A_488 = arith.constant 0 : i32
        %dma_start3A_489 = arith.constant 0 : i32
        %dma_start3A_490 = tpu.memref_slice %arg8[%dma_start3A_486, %dma_start3A_488, %dma_start3A_489] : memref<8x32x128xf32, #tpu.memory_space<vmem>> -> memref<1x32x128xf32, #tpu.memory_space<vmem>>
        %dma_start3A_491 = tpu.memref_squeeze %dma_start3A_490 : memref<1x32x128xf32, #tpu.memory_space<vmem>> -> memref<32x128xf32, #tpu.memory_space<vmem>>
        %dma_start3A_492 = tpu.memref_slice %arg6[%mul3A_485] : memref<5120xi32, #tpu.memory_space<vmem>> -> memref<32xi32, #tpu.memory_space<vmem>>
        %dma_start3A_493 = arith.constant 0 : i32
        %dma_start3A_494 = arith.constant 0 : i32
        %dma_start3A_495 = tpu.memref_slice %arg2[%dma_start3A_493, %dma_start3A_494] : memref<10240x128xf32, #tpu.memory_space<hbm>> -> memref<10240x128xf32, #tpu.memory_space<hbm>>
        %dma_start3A_496 = tpu.memref_slice %arg10[%dma_start3A_487] : memref<8x!tpu.dma_semaphore, #tpu.memory_space<semaphore_mem>> -> memref<1x!tpu.dma_semaphore, #tpu.memory_space<semaphore_mem>>
        %dma_start3A_497 = tpu.memref_squeeze %dma_start3A_496 : memref<1x!tpu.dma_semaphore, #tpu.memory_space<semaphore_mem>> -> memref<!tpu.dma_semaphore, #tpu.memory_space<semaphore_mem>>
        tpu.enqueue_indirect_dma source(%dma_start3A_495 : memref<10240x128xf32, #tpu.memory_space<hbm>>) target(%dma_start3A_491 : memref<32x128xf32, #tpu.memory_space<vmem>>) offsets(%dma_start3A_492 : memref<32xi32, #tpu.memory_space<vmem>>) semaphore(%dma_start3A_497 : memref<!tpu.dma_semaphore, #tpu.memory_space<semaphore_mem>>)
      } else {
      }
      %scan3A_479 = arith.constant 0 : i32
      scf.yield %scan3A_479 : i32
    }
    %scan3A_123 = arith.constant 20 : i32
    "tpu.region"() ({
      %run_scoped3A = tpu.sem_alloc : memref<!tpu.dma_semaphore, #tpu.memory_space<semaphore_mem>>
      %dma_start3A_240 = arith.constant 5120 : i32
      %dma_start3A_241 = tpu.memref_slice %arg3[%add3A, %dma_start3A_240] : memref<32x10240xi32, #tpu.memory_space<hbm>> -> memref<1x5120xi32, #tpu.memory_space<hbm>>
      %dma_start3A_242 = tpu.memref_squeeze %dma_start3A_241 : memref<1x5120xi32, #tpu.memory_space<hbm>> -> memref<5120xi32, #tpu.memory_space<hbm>>
      %dma_start3A_243 = arith.constant 5120 : i32
      %dma_start3A_244 = tpu.memref_slice %arg3[%add3A, %dma_start3A_243] : memref<32x10240xi32, #tpu.memory_space<hbm>> -> memref<1x5120xi32, #tpu.memory_space<hbm>>
      %dma_start3A_245 = tpu.memref_squeeze %dma_start3A_244 : memref<1x5120xi32, #tpu.memory_space<hbm>> -> memref<5120xi32, #tpu.memory_space<hbm>>
      tpu.enqueue_dma source(%dma_start3A_245 : memref<5120xi32, #tpu.memory_space<hbm>>) target(%arg6 : memref<5120xi32, #tpu.memory_space<vmem>>) target_semaphore(%run_scoped3A : memref<!tpu.dma_semaphore, #tpu.memory_space<semaphore_mem>>)
      %dma_wait3A = arith.constant 5120 : i32
      %dma_wait3A_246 = tpu.memref_slice %arg3[%add3A, %dma_wait3A] : memref<32x10240xi32, #tpu.memory_space<hbm>> -> memref<1x5120xi32, #tpu.memory_space<hbm>>
      %dma_wait3A_247 = tpu.memref_squeeze %dma_wait3A_246 : memref<1x5120xi32, #tpu.memory_space<hbm>> -> memref<5120xi32, #tpu.memory_space<hbm>>
      %dma_wait3A_248 = arith.constant 5120 : i32
      %dma_wait3A_249 = tpu.memref_slice %arg3[%add3A, %dma_wait3A_248] : memref<32x10240xi32, #tpu.memory_space<hbm>> -> memref<1x5120xi32, #tpu.memory_space<hbm>>
      %dma_wait3A_250 = tpu.memref_squeeze %dma_wait3A_249 : memref<1x5120xi32, #tpu.memory_space<hbm>> -> memref<5120xi32, #tpu.memory_space<hbm>>
      tpu.wait_dma2 semaphore(%run_scoped3A : memref<!tpu.dma_semaphore, #tpu.memory_space<semaphore_mem>>) src(%dma_wait3A_250 : memref<5120xi32, #tpu.memory_space<hbm>>) dst(%arg6 : memref<5120xi32, #tpu.memory_space<vmem>>)
      tpu.yield
    }) : () -> ()
    "tpu.region"() ({
      %run_scoped3A = tpu.sem_alloc : memref<!tpu.dma_semaphore, #tpu.memory_space<semaphore_mem>>
      %dma_start3A_240 = arith.constant 5120 : i32
      %dma_start3A_241 = tpu.memref_slice %arg4[%add3A, %dma_start3A_240] : memref<32x10240xi32, #tpu.memory_space<hbm>> -> memref<1x5120xi32, #tpu.memory_space<hbm>>
      %dma_start3A_242 = tpu.memref_squeeze %dma_start3A_241 : memref<1x5120xi32, #tpu.memory_space<hbm>> -> memref<5120xi32, #tpu.memory_space<hbm>>
      %dma_start3A_243 = arith.constant 5120 : i32
      %dma_start3A_244 = tpu.memref_slice %arg4[%add3A, %dma_start3A_243] : memref<32x10240xi32, #tpu.memory_space<hbm>> -> memref<1x5120xi32, #tpu.memory_space<hbm>>
      %dma_start3A_245 = tpu.memref_squeeze %dma_start3A_244 : memref<1x5120xi32, #tpu.memory_space<hbm>> -> memref<5120xi32, #tpu.memory_space<hbm>>
      tpu.enqueue_dma source(%dma_start3A_245 : memref<5120xi32, #tpu.memory_space<hbm>>) target(%arg7 : memref<5120xi32, #tpu.memory_space<vmem>>) target_semaphore(%run_scoped3A : memref<!tpu.dma_semaphore, #tpu.memory_space<semaphore_mem>>)
      %dma_wait3A = arith.constant 5120 : i32
      %dma_wait3A_246 = tpu.memref_slice %arg4[%add3A, %dma_wait3A] : memref<32x10240xi32, #tpu.memory_space<hbm>> -> memref<1x5120xi32, #tpu.memory_space<hbm>>
      %dma_wait3A_247 = tpu.memref_squeeze %dma_wait3A_246 : memref<1x5120xi32, #tpu.memory_space<hbm>> -> memref<5120xi32, #tpu.memory_space<hbm>>
      %dma_wait3A_248 = arith.constant 5120 : i32
      %dma_wait3A_249 = tpu.memref_slice %arg4[%add3A, %dma_wait3A_248] : memref<32x10240xi32, #tpu.memory_space<hbm>> -> memref<1x5120xi32, #tpu.memory_space<hbm>>
      %dma_wait3A_250 = tpu.memref_squeeze %dma_wait3A_249 : memref<1x5120xi32, #tpu.memory_space<hbm>> -> memref<5120xi32, #tpu.memory_space<hbm>>
      tpu.wait_dma2 semaphore(%run_scoped3A : memref<!tpu.dma_semaphore, #tpu.memory_space<semaphore_mem>>) src(%dma_wait3A_250 : memref<5120xi32, #tpu.memory_space<hbm>>) dst(%arg7 : memref<5120xi32, #tpu.memory_space<vmem>>)
      tpu.yield
    }) : () -> ()
    %dma_start3A_124 = arith.constant 0 : i32
    %dma_start3A_125 = arith.constant 0 : i32
    %dma_start3A_126 = arith.constant 0 : i32
    %dma_start3A_127 = arith.constant 0 : i32
    %dma_start3A_128 = tpu.memref_slice %arg8[%dma_start3A_124, %dma_start3A_126, %dma_start3A_127] : memref<8x32x128xf32, #tpu.memory_space<vmem>> -> memref<1x32x128xf32, #tpu.memory_space<vmem>>
    %dma_start3A_129 = tpu.memref_squeeze %dma_start3A_128 : memref<1x32x128xf32, #tpu.memory_space<vmem>> -> memref<32x128xf32, #tpu.memory_space<vmem>>
    %dma_start3A_130 = arith.constant 0 : i32
    %dma_start3A_131 = tpu.memref_slice %arg6[%dma_start3A_130] : memref<5120xi32, #tpu.memory_space<vmem>> -> memref<32xi32, #tpu.memory_space<vmem>>
    %dma_start3A_132 = arith.constant 0 : i32
    %dma_start3A_133 = arith.constant 0 : i32
    %dma_start3A_134 = tpu.memref_slice %arg2[%dma_start3A_132, %dma_start3A_133] : memref<10240x128xf32, #tpu.memory_space<hbm>> -> memref<10240x128xf32, #tpu.memory_space<hbm>>
    %dma_start3A_135 = tpu.memref_slice %arg10[%dma_start3A_125] : memref<8x!tpu.dma_semaphore, #tpu.memory_space<semaphore_mem>> -> memref<1x!tpu.dma_semaphore, #tpu.memory_space<semaphore_mem>>
    %dma_start3A_136 = tpu.memref_squeeze %dma_start3A_135 : memref<1x!tpu.dma_semaphore, #tpu.memory_space<semaphore_mem>> -> memref<!tpu.dma_semaphore, #tpu.memory_space<semaphore_mem>>
    tpu.enqueue_indirect_dma source(%dma_start3A_134 : memref<10240x128xf32, #tpu.memory_space<hbm>>) target(%dma_start3A_129 : memref<32x128xf32, #tpu.memory_space<vmem>>) offsets(%dma_start3A_131 : memref<32xi32, #tpu.memory_space<vmem>>) semaphore(%dma_start3A_136 : memref<!tpu.dma_semaphore, #tpu.memory_space<semaphore_mem>>)
    %dma_start3A_137 = arith.constant 1 : i32
    %dma_start3A_138 = arith.constant 1 : i32
    %dma_start3A_139 = arith.constant 0 : i32
    %dma_start3A_140 = arith.constant 0 : i32
    %dma_start3A_141 = tpu.memref_slice %arg8[%dma_start3A_137, %dma_start3A_139, %dma_start3A_140] : memref<8x32x128xf32, #tpu.memory_space<vmem>> -> memref<1x32x128xf32, #tpu.memory_space<vmem>>
    %dma_start3A_142 = tpu.memref_squeeze %dma_start3A_141 : memref<1x32x128xf32, #tpu.memory_space<vmem>> -> memref<32x128xf32, #tpu.memory_space<vmem>>
    %dma_start3A_143 = arith.constant 32 : i32
    %dma_start3A_144 = tpu.memref_slice %arg6[%dma_start3A_143] : memref<5120xi32, #tpu.memory_space<vmem>> -> memref<32xi32, #tpu.memory_space<vmem>>
    %dma_start3A_145 = arith.constant 0 : i32
    %dma_start3A_146 = arith.constant 0 : i32
    %dma_start3A_147 = tpu.memref_slice %arg2[%dma_start3A_145, %dma_start3A_146] : memref<10240x128xf32, #tpu.memory_space<hbm>> -> memref<10240x128xf32, #tpu.memory_space<hbm>>
    %dma_start3A_148 = tpu.memref_slice %arg10[%dma_start3A_138] : memref<8x!tpu.dma_semaphore, #tpu.memory_space<semaphore_mem>> -> memref<1x!tpu.dma_semaphore, #tpu.memory_space<semaphore_mem>>
    %dma_start3A_149 = tpu.memref_squeeze %dma_start3A_148 : memref<1x!tpu.dma_semaphore, #tpu.memory_space<semaphore_mem>> -> memref<!tpu.dma_semaphore, #tpu.memory_space<semaphore_mem>>
    tpu.enqueue_indirect_dma source(%dma_start3A_147 : memref<10240x128xf32, #tpu.memory_space<hbm>>) target(%dma_start3A_142 : memref<32x128xf32, #tpu.memory_space<vmem>>) offsets(%dma_start3A_144 : memref<32xi32, #tpu.memory_space<vmem>>) semaphore(%dma_start3A_149 : memref<!tpu.dma_semaphore, #tpu.memory_space<semaphore_mem>>)
    %dma_start3A_150 = arith.constant 2 : i32
    %dma_start3A_151 = arith.constant 2 : i32
    %dma_start3A_152 = arith.constant 0 : i32
    %dma_start3A_153 = arith.constant 0 : i32
    %dma_start3A_154 = tpu.memref_slice %arg8[%dma_start3A_150, %dma_start3A_152, %dma_start3A_153] : memref<8x32x128xf32, #tpu.memory_space<vmem>> -> memref<1x32x128xf32, #tpu.memory_space<vmem>>
    %dma_start3A_155 = tpu.memref_squeeze %dma_start3A_154 : memref<1x32x128xf32, #tpu.memory_space<vmem>> -> memref<32x128xf32, #tpu.memory_space<vmem>>
    %dma_start3A_156 = arith.constant 64 : i32
    %dma_start3A_157 = tpu.memref_slice %arg6[%dma_start3A_156] : memref<5120xi32, #tpu.memory_space<vmem>> -> memref<32xi32, #tpu.memory_space<vmem>>
    %dma_start3A_158 = arith.constant 0 : i32
    %dma_start3A_159 = arith.constant 0 : i32
    %dma_start3A_160 = tpu.memref_slice %arg2[%dma_start3A_158, %dma_start3A_159] : memref<10240x128xf32, #tpu.memory_space<hbm>> -> memref<10240x128xf32, #tpu.memory_space<hbm>>
    %dma_start3A_161 = tpu.memref_slice %arg10[%dma_start3A_151] : memref<8x!tpu.dma_semaphore, #tpu.memory_space<semaphore_mem>> -> memref<1x!tpu.dma_semaphore, #tpu.memory_space<semaphore_mem>>
    %dma_start3A_162 = tpu.memref_squeeze %dma_start3A_161 : memref<1x!tpu.dma_semaphore, #tpu.memory_space<semaphore_mem>> -> memref<!tpu.dma_semaphore, #tpu.memory_space<semaphore_mem>>
    tpu.enqueue_indirect_dma source(%dma_start3A_160 : memref<10240x128xf32, #tpu.memory_space<hbm>>) target(%dma_start3A_155 : memref<32x128xf32, #tpu.memory_space<vmem>>) offsets(%dma_start3A_157 : memref<32xi32, #tpu.memory_space<vmem>>) semaphore(%dma_start3A_162 : memref<!tpu.dma_semaphore, #tpu.memory_space<semaphore_mem>>)
    %dma_start3A_163 = arith.constant 3 : i32
    %dma_start3A_164 = arith.constant 3 : i32
    %dma_start3A_165 = arith.constant 0 : i32
    %dma_start3A_166 = arith.constant 0 : i32
    %dma_start3A_167 = tpu.memref_slice %arg8[%dma_start3A_163, %dma_start3A_165, %dma_start3A_166] : memref<8x32x128xf32, #tpu.memory_space<vmem>> -> memref<1x32x128xf32, #tpu.memory_space<vmem>>
    %dma_start3A_168 = tpu.memref_squeeze %dma_start3A_167 : memref<1x32x128xf32, #tpu.memory_space<vmem>> -> memref<32x128xf32, #tpu.memory_space<vmem>>
    %dma_start3A_169 = arith.constant 96 : i32
    %dma_start3A_170 = tpu.memref_slice %arg6[%dma_start3A_169] : memref<5120xi32, #tpu.memory_space<vmem>> -> memref<32xi32, #tpu.memory_space<vmem>>
    %dma_start3A_171 = arith.constant 0 : i32
    %dma_start3A_172 = arith.constant 0 : i32
    %dma_start3A_173 = tpu.memref_slice %arg2[%dma_start3A_171, %dma_start3A_172] : memref<10240x128xf32, #tpu.memory_space<hbm>> -> memref<10240x128xf32, #tpu.memory_space<hbm>>
    %dma_start3A_174 = tpu.memref_slice %arg10[%dma_start3A_164] : memref<8x!tpu.dma_semaphore, #tpu.memory_space<semaphore_mem>> -> memref<1x!tpu.dma_semaphore, #tpu.memory_space<semaphore_mem>>
    %dma_start3A_175 = tpu.memref_squeeze %dma_start3A_174 : memref<1x!tpu.dma_semaphore, #tpu.memory_space<semaphore_mem>> -> memref<!tpu.dma_semaphore, #tpu.memory_space<semaphore_mem>>
    tpu.enqueue_indirect_dma source(%dma_start3A_173 : memref<10240x128xf32, #tpu.memory_space<hbm>>) target(%dma_start3A_168 : memref<32x128xf32, #tpu.memory_space<vmem>>) offsets(%dma_start3A_170 : memref<32xi32, #tpu.memory_space<vmem>>) semaphore(%dma_start3A_175 : memref<!tpu.dma_semaphore, #tpu.memory_space<semaphore_mem>>)
    %dma_start3A_176 = arith.constant 4 : i32
    %dma_start3A_177 = arith.constant 4 : i32
    %dma_start3A_178 = arith.constant 0 : i32
    %dma_start3A_179 = arith.constant 0 : i32
    %dma_start3A_180 = tpu.memref_slice %arg8[%dma_start3A_176, %dma_start3A_178, %dma_start3A_179] : memref<8x32x128xf32, #tpu.memory_space<vmem>> -> memref<1x32x128xf32, #tpu.memory_space<vmem>>
    %dma_start3A_181 = tpu.memref_squeeze %dma_start3A_180 : memref<1x32x128xf32, #tpu.memory_space<vmem>> -> memref<32x128xf32, #tpu.memory_space<vmem>>
    %dma_start3A_182 = arith.constant 128 : i32
    %dma_start3A_183 = tpu.memref_slice %arg6[%dma_start3A_182] : memref<5120xi32, #tpu.memory_space<vmem>> -> memref<32xi32, #tpu.memory_space<vmem>>
    %dma_start3A_184 = arith.constant 0 : i32
    %dma_start3A_185 = arith.constant 0 : i32
    %dma_start3A_186 = tpu.memref_slice %arg2[%dma_start3A_184, %dma_start3A_185] : memref<10240x128xf32, #tpu.memory_space<hbm>> -> memref<10240x128xf32, #tpu.memory_space<hbm>>
    %dma_start3A_187 = tpu.memref_slice %arg10[%dma_start3A_177] : memref<8x!tpu.dma_semaphore, #tpu.memory_space<semaphore_mem>> -> memref<1x!tpu.dma_semaphore, #tpu.memory_space<semaphore_mem>>
    %dma_start3A_188 = tpu.memref_squeeze %dma_start3A_187 : memref<1x!tpu.dma_semaphore, #tpu.memory_space<semaphore_mem>> -> memref<!tpu.dma_semaphore, #tpu.memory_space<semaphore_mem>>
    tpu.enqueue_indirect_dma source(%dma_start3A_186 : memref<10240x128xf32, #tpu.memory_space<hbm>>) target(%dma_start3A_181 : memref<32x128xf32, #tpu.memory_space<vmem>>) offsets(%dma_start3A_183 : memref<32xi32, #tpu.memory_space<vmem>>) semaphore(%dma_start3A_188 : memref<!tpu.dma_semaphore, #tpu.memory_space<semaphore_mem>>)
    %dma_start3A_189 = arith.constant 5 : i32
    %dma_start3A_190 = arith.constant 5 : i32
    %dma_start3A_191 = arith.constant 0 : i32
    %dma_start3A_192 = arith.constant 0 : i32
    %dma_start3A_193 = tpu.memref_slice %arg8[%dma_start3A_189, %dma_start3A_191, %dma_start3A_192] : memref<8x32x128xf32, #tpu.memory_space<vmem>> -> memref<1x32x128xf32, #tpu.memory_space<vmem>>
    %dma_start3A_194 = tpu.memref_squeeze %dma_start3A_193 : memref<1x32x128xf32, #tpu.memory_space<vmem>> -> memref<32x128xf32, #tpu.memory_space<vmem>>
    %dma_start3A_195 = arith.constant 160 : i32
    %dma_start3A_196 = tpu.memref_slice %arg6[%dma_start3A_195] : memref<5120xi32, #tpu.memory_space<vmem>> -> memref<32xi32, #tpu.memory_space<vmem>>
    %dma_start3A_197 = arith.constant 0 : i32
    %dma_start3A_198 = arith.constant 0 : i32
    %dma_start3A_199 = tpu.memref_slice %arg2[%dma_start3A_197, %dma_start3A_198] : memref<10240x128xf32, #tpu.memory_space<hbm>> -> memref<10240x128xf32, #tpu.memory_space<hbm>>
    %dma_start3A_200 = tpu.memref_slice %arg10[%dma_start3A_190] : memref<8x!tpu.dma_semaphore, #tpu.memory_space<semaphore_mem>> -> memref<1x!tpu.dma_semaphore, #tpu.memory_space<semaphore_mem>>
    %dma_start3A_201 = tpu.memref_squeeze %dma_start3A_200 : memref<1x!tpu.dma_semaphore, #tpu.memory_space<semaphore_mem>> -> memref<!tpu.dma_semaphore, #tpu.memory_space<semaphore_mem>>
    tpu.enqueue_indirect_dma source(%dma_start3A_199 : memref<10240x128xf32, #tpu.memory_space<hbm>>) target(%dma_start3A_194 : memref<32x128xf32, #tpu.memory_space<vmem>>) offsets(%dma_start3A_196 : memref<32xi32, #tpu.memory_space<vmem>>) semaphore(%dma_start3A_201 : memref<!tpu.dma_semaphore, #tpu.memory_space<semaphore_mem>>)
    %dma_start3A_202 = arith.constant 6 : i32
    %dma_start3A_203 = arith.constant 6 : i32
    %dma_start3A_204 = arith.constant 0 : i32
    %dma_start3A_205 = arith.constant 0 : i32
    %dma_start3A_206 = tpu.memref_slice %arg8[%dma_start3A_202, %dma_start3A_204, %dma_start3A_205] : memref<8x32x128xf32, #tpu.memory_space<vmem>> -> memref<1x32x128xf32, #tpu.memory_space<vmem>>
    %dma_start3A_207 = tpu.memref_squeeze %dma_start3A_206 : memref<1x32x128xf32, #tpu.memory_space<vmem>> -> memref<32x128xf32, #tpu.memory_space<vmem>>
    %dma_start3A_208 = arith.constant 192 : i32
    %dma_start3A_209 = tpu.memref_slice %arg6[%dma_start3A_208] : memref<5120xi32, #tpu.memory_space<vmem>> -> memref<32xi32, #tpu.memory_space<vmem>>
    %dma_start3A_210 = arith.constant 0 : i32
    %dma_start3A_211 = arith.constant 0 : i32
    %dma_start3A_212 = tpu.memref_slice %arg2[%dma_start3A_210, %dma_start3A_211] : memref<10240x128xf32, #tpu.memory_space<hbm>> -> memref<10240x128xf32, #tpu.memory_space<hbm>>
    %dma_start3A_213 = tpu.memref_slice %arg10[%dma_start3A_203] : memref<8x!tpu.dma_semaphore, #tpu.memory_space<semaphore_mem>> -> memref<1x!tpu.dma_semaphore, #tpu.memory_space<semaphore_mem>>
    %dma_start3A_214 = tpu.memref_squeeze %dma_start3A_213 : memref<1x!tpu.dma_semaphore, #tpu.memory_space<semaphore_mem>> -> memref<!tpu.dma_semaphore, #tpu.memory_space<semaphore_mem>>
    tpu.enqueue_indirect_dma source(%dma_start3A_212 : memref<10240x128xf32, #tpu.memory_space<hbm>>) target(%dma_start3A_207 : memref<32x128xf32, #tpu.memory_space<vmem>>) offsets(%dma_start3A_209 : memref<32xi32, #tpu.memory_space<vmem>>) semaphore(%dma_start3A_214 : memref<!tpu.dma_semaphore, #tpu.memory_space<semaphore_mem>>)
    %dma_start3A_215 = arith.constant 7 : i32
    %dma_start3A_216 = arith.constant 7 : i32
    %dma_start3A_217 = arith.constant 0 : i32
    %dma_start3A_218 = arith.constant 0 : i32
    %dma_start3A_219 = tpu.memref_slice %arg8[%dma_start3A_215, %dma_start3A_217, %dma_start3A_218] : memref<8x32x128xf32, #tpu.memory_space<vmem>> -> memref<1x32x128xf32, #tpu.memory_space<vmem>>
    %dma_start3A_220 = tpu.memref_squeeze %dma_start3A_219 : memref<1x32x128xf32, #tpu.memory_space<vmem>> -> memref<32x128xf32, #tpu.memory_space<vmem>>
    %dma_start3A_221 = arith.constant 224 : i32
    %dma_start3A_222 = tpu.memref_slice %arg6[%dma_start3A_221] : memref<5120xi32, #tpu.memory_space<vmem>> -> memref<32xi32, #tpu.memory_space<vmem>>
    %dma_start3A_223 = arith.constant 0 : i32
    %dma_start3A_224 = arith.constant 0 : i32
    %dma_start3A_225 = tpu.memref_slice %arg2[%dma_start3A_223, %dma_start3A_224] : memref<10240x128xf32, #tpu.memory_space<hbm>> -> memref<10240x128xf32, #tpu.memory_space<hbm>>
    %dma_start3A_226 = tpu.memref_slice %arg10[%dma_start3A_216] : memref<8x!tpu.dma_semaphore, #tpu.memory_space<semaphore_mem>> -> memref<1x!tpu.dma_semaphore, #tpu.memory_space<semaphore_mem>>
    %dma_start3A_227 = tpu.memref_squeeze %dma_start3A_226 : memref<1x!tpu.dma_semaphore, #tpu.memory_space<semaphore_mem>> -> memref<!tpu.dma_semaphore, #tpu.memory_space<semaphore_mem>>
    tpu.enqueue_indirect_dma source(%dma_start3A_225 : memref<10240x128xf32, #tpu.memory_space<hbm>>) target(%dma_start3A_220 : memref<32x128xf32, #tpu.memory_space<vmem>>) offsets(%dma_start3A_222 : memref<32xi32, #tpu.memory_space<vmem>>) semaphore(%dma_start3A_227 : memref<!tpu.dma_semaphore, #tpu.memory_space<semaphore_mem>>)
    %scan3A_228 = arith.constant 0 : i32
    %scan3A_229 = arith.constant 0 : i32
    %scan3A_230 = arith.constant 20 : i32
    %scan3A_231 = arith.addi %scan3A_229, %scan3A_230 : i32
    %scan3A_232 = arith.constant 1 : i32
    %scan3A_233 = scf.for %scan3A_240 = %scan3A_229 to %scan3A_231 step %scan3A_232 iter_args(%scan3A_241 = %scan3A_228) -> (i32)  : i32 {
      %mul3A_242 = arith.constant 8 : i32
      %mul3A_243 = arith.muli %scan3A_240, %mul3A_242 : i32
      %add3A_244 = arith.constant 0 : i32
      %add3A_245 = arith.addi %mul3A_243, %add3A_244 : i32
      %mul3A_246 = arith.constant 32 : i32
      %mul3A_247 = arith.muli %add3A_245, %mul3A_246 : i32
      %dma_wait3A = arith.constant 0 : i32
      %dma_wait3A_248 = arith.constant 0 : i32
      %dma_wait3A_249 = arith.constant 0 : i32
      %dma_wait3A_250 = arith.constant 0 : i32
      %dma_wait3A_251 = tpu.memref_slice %arg8[%dma_wait3A, %dma_wait3A_249, %dma_wait3A_250] : memref<8x32x128xf32, #tpu.memory_space<vmem>> -> memref<1x32x128xf32, #tpu.memory_space<vmem>>
      %dma_wait3A_252 = tpu.memref_squeeze %dma_wait3A_251 : memref<1x32x128xf32, #tpu.memory_space<vmem>> -> memref<32x128xf32, #tpu.memory_space<vmem>>
      %dma_wait3A_253 = tpu.memref_slice %arg6[%mul3A_247] : memref<5120xi32, #tpu.memory_space<vmem>> -> memref<32xi32, #tpu.memory_space<vmem>>
      %dma_wait3A_254 = arith.constant 0 : i32
      %dma_wait3A_255 = arith.constant 0 : i32
      %dma_wait3A_256 = tpu.memref_slice %arg2[%dma_wait3A_254, %dma_wait3A_255] : memref<10240x128xf32, #tpu.memory_space<hbm>> -> memref<10240x128xf32, #tpu.memory_space<hbm>>
      %dma_wait3A_257 = tpu.memref_slice %arg10[%dma_wait3A_248] : memref<8x!tpu.dma_semaphore, #tpu.memory_space<semaphore_mem>> -> memref<1x!tpu.dma_semaphore, #tpu.memory_space<semaphore_mem>>
      %dma_wait3A_258 = tpu.memref_squeeze %dma_wait3A_257 : memref<1x!tpu.dma_semaphore, #tpu.memory_space<semaphore_mem>> -> memref<!tpu.dma_semaphore, #tpu.memory_space<semaphore_mem>>
      tpu.wait_indirect_dma semaphore(%dma_wait3A_258 : memref<!tpu.dma_semaphore, #tpu.memory_space<semaphore_mem>>) src(%dma_wait3A_256 : memref<10240x128xf32, #tpu.memory_space<hbm>>) dst(%dma_wait3A_252 : memref<32x128xf32, #tpu.memory_space<vmem>>)
      %add3A_259 = arith.constant 0 : i32
      %add3A_260 = arith.addi %mul3A_243, %add3A_259 : i32
      %mul3A_261 = arith.constant 32 : i32
      %mul3A_262 = arith.muli %add3A_260, %mul3A_261 : i32
      %run_scoped3A = arith.constant 0 : i32
      "tpu.region"() ({
        %run_scoped3A_480 = tpu.sem_alloc : memref<!tpu.dma_semaphore, #tpu.memory_space<semaphore_mem>>
        %dma_start3A_481 = arith.constant 0 : i32
        %dma_start3A_482 = arith.constant 0 : i32
        %dma_start3A_483 = tpu.memref_slice %arg8[%run_scoped3A, %dma_start3A_481, %dma_start3A_482] : memref<8x32x128xf32, #tpu.memory_space<vmem>> -> memref<1x32x128xf32, #tpu.memory_space<vmem>>
        %dma_start3A_484 = tpu.memref_squeeze %dma_start3A_483 : memref<1x32x128xf32, #tpu.memory_space<vmem>> -> memref<32x128xf32, #tpu.memory_space<vmem>>
        %dma_start3A_485 = tpu.memref_slice %arg7[%mul3A_262] : memref<5120xi32, #tpu.memory_space<vmem>> -> memref<32xi32, #tpu.memory_space<vmem>>
        %dma_start3A_486 = arith.constant 0 : i32
        %dma_start3A_487 = arith.constant 0 : i32
        %dma_start3A_488 = tpu.memref_slice %arg9[%dma_start3A_486, %dma_start3A_487] : memref<10240x128xf32, #tpu.memory_space<vmem_shared>> -> memref<10240x128xf32, #tpu.memory_space<vmem_shared>>
        tpu.enqueue_indirect_dma source(%dma_start3A_484 : memref<32x128xf32, #tpu.memory_space<vmem>>) target(%dma_start3A_488 : memref<10240x128xf32, #tpu.memory_space<vmem_shared>>) offsets(%dma_start3A_485 : memref<32xi32, #tpu.memory_space<vmem>>) semaphore(%run_scoped3A_480 : memref<!tpu.dma_semaphore, #tpu.memory_space<semaphore_mem>>) {add = true}
        %dma_wait3A_489 = arith.constant 0 : i32
        %dma_wait3A_490 = arith.constant 0 : i32
        %dma_wait3A_491 = tpu.memref_slice %arg8[%run_scoped3A, %dma_wait3A_489, %dma_wait3A_490] : memref<8x32x128xf32, #tpu.memory_space<vmem>> -> memref<1x32x128xf32, #tpu.memory_space<vmem>>
        %dma_wait3A_492 = tpu.memref_squeeze %dma_wait3A_491 : memref<1x32x128xf32, #tpu.memory_space<vmem>> -> memref<32x128xf32, #tpu.memory_space<vmem>>
        %dma_wait3A_493 = tpu.memref_slice %arg7[%mul3A_262] : memref<5120xi32, #tpu.memory_space<vmem>> -> memref<32xi32, #tpu.memory_space<vmem>>
        %dma_wait3A_494 = arith.constant 0 : i32
        %dma_wait3A_495 = arith.constant 0 : i32
        %dma_wait3A_496 = tpu.memref_slice %arg9[%dma_wait3A_494, %dma_wait3A_495] : memref<10240x128xf32, #tpu.memory_space<vmem_shared>> -> memref<10240x128xf32, #tpu.memory_space<vmem_shared>>
        tpu.wait_indirect_dma semaphore(%run_scoped3A_480 : memref<!tpu.dma_semaphore, #tpu.memory_space<semaphore_mem>>) src(%dma_wait3A_492 : memref<32x128xf32, #tpu.memory_space<vmem>>) dst(%dma_wait3A_496 : memref<10240x128xf32, #tpu.memory_space<vmem_shared>>)
        tpu.yield
      }) : () -> ()
      %add3A_263 = arith.constant 8 : i32
      %add3A_264 = arith.addi %mul3A_243, %add3A_263 : i32
      %add3A_265 = arith.constant 0 : i32
      %add3A_266 = arith.addi %add3A_264, %add3A_265 : i32
      %lt3A = arith.constant 160 : i32
      %lt3A_267 = arith.cmpi slt, %add3A_266, %lt3A : i32
      %convert_element_type3A = arith.extui %lt3A_267 : i1 to i32
      %cond3A = arith.constant 0 : i32
      %cond3A_268 = arith.cmpi ne, %convert_element_type3A, %cond3A : i32
      scf.if %cond3A_268 {
        %add3A_480 = arith.constant 8 : i32
        %add3A_481 = arith.addi %mul3A_243, %add3A_480 : i32
        %add3A_482 = arith.constant 0 : i32
        %add3A_483 = arith.addi %add3A_481, %add3A_482 : i32
        %mul3A_484 = arith.constant 32 : i32
        %mul3A_485 = arith.muli %add3A_483, %mul3A_484 : i32
        %dma_start3A_486 = arith.constant 0 : i32
        %dma_start3A_487 = arith.constant 0 : i32
        %dma_start3A_488 = arith.constant 0 : i32
        %dma_start3A_489 = arith.constant 0 : i32
        %dma_start3A_490 = tpu.memref_slice %arg8[%dma_start3A_486, %dma_start3A_488, %dma_start3A_489] : memref<8x32x128xf32, #tpu.memory_space<vmem>> -> memref<1x32x128xf32, #tpu.memory_space<vmem>>
        %dma_start3A_491 = tpu.memref_squeeze %dma_start3A_490 : memref<1x32x128xf32, #tpu.memory_space<vmem>> -> memref<32x128xf32, #tpu.memory_space<vmem>>
        %dma_start3A_492 = tpu.memref_slice %arg6[%mul3A_485] : memref<5120xi32, #tpu.memory_space<vmem>> -> memref<32xi32, #tpu.memory_space<vmem>>
        %dma_start3A_493 = arith.constant 0 : i32
        %dma_start3A_494 = arith.constant 0 : i32
        %dma_start3A_495 = tpu.memref_slice %arg2[%dma_start3A_493, %dma_start3A_494] : memref<10240x128xf32, #tpu.memory_space<hbm>> -> memref<10240x128xf32, #tpu.memory_space<hbm>>
        %dma_start3A_496 = tpu.memref_slice %arg10[%dma_start3A_487] : memref<8x!tpu.dma_semaphore, #tpu.memory_space<semaphore_mem>> -> memref<1x!tpu.dma_semaphore, #tpu.memory_space<semaphore_mem>>
        %dma_start3A_497 = tpu.memref_squeeze %dma_start3A_496 : memref<1x!tpu.dma_semaphore, #tpu.memory_space<semaphore_mem>> -> memref<!tpu.dma_semaphore, #tpu.memory_space<semaphore_mem>>
        tpu.enqueue_indirect_dma source(%dma_start3A_495 : memref<10240x128xf32, #tpu.memory_space<hbm>>) target(%dma_start3A_491 : memref<32x128xf32, #tpu.memory_space<vmem>>) offsets(%dma_start3A_492 : memref<32xi32, #tpu.memory_space<vmem>>) semaphore(%dma_start3A_497 : memref<!tpu.dma_semaphore, #tpu.memory_space<semaphore_mem>>)
      } else {
      }
      %add3A_269 = arith.constant 1 : i32
      %add3A_270 = arith.addi %mul3A_243, %add3A_269 : i32
      %mul3A_271 = arith.constant 32 : i32
      %mul3A_272 = arith.muli %add3A_270, %mul3A_271 : i32
      %dma_wait3A_273 = arith.constant 1 : i32
      %dma_wait3A_274 = arith.constant 1 : i32
      %dma_wait3A_275 = arith.constant 0 : i32
      %dma_wait3A_276 = arith.constant 0 : i32
      %dma_wait3A_277 = tpu.memref_slice %arg8[%dma_wait3A_273, %dma_wait3A_275, %dma_wait3A_276] : memref<8x32x128xf32, #tpu.memory_space<vmem>> -> memref<1x32x128xf32, #tpu.memory_space<vmem>>
      %dma_wait3A_278 = tpu.memref_squeeze %dma_wait3A_277 : memref<1x32x128xf32, #tpu.memory_space<vmem>> -> memref<32x128xf32, #tpu.memory_space<vmem>>
      %dma_wait3A_279 = tpu.memref_slice %arg6[%mul3A_272] : memref<5120xi32, #tpu.memory_space<vmem>> -> memref<32xi32, #tpu.memory_space<vmem>>
      %dma_wait3A_280 = arith.constant 0 : i32
      %dma_wait3A_281 = arith.constant 0 : i32
      %dma_wait3A_282 = tpu.memref_slice %arg2[%dma_wait3A_280, %dma_wait3A_281] : memref<10240x128xf32, #tpu.memory_space<hbm>> -> memref<10240x128xf32, #tpu.memory_space<hbm>>
      %dma_wait3A_283 = tpu.memref_slice %arg10[%dma_wait3A_274] : memref<8x!tpu.dma_semaphore, #tpu.memory_space<semaphore_mem>> -> memref<1x!tpu.dma_semaphore, #tpu.memory_space<semaphore_mem>>
      %dma_wait3A_284 = tpu.memref_squeeze %dma_wait3A_283 : memref<1x!tpu.dma_semaphore, #tpu.memory_space<semaphore_mem>> -> memref<!tpu.dma_semaphore, #tpu.memory_space<semaphore_mem>>
      tpu.wait_indirect_dma semaphore(%dma_wait3A_284 : memref<!tpu.dma_semaphore, #tpu.memory_space<semaphore_mem>>) src(%dma_wait3A_282 : memref<10240x128xf32, #tpu.memory_space<hbm>>) dst(%dma_wait3A_278 : memref<32x128xf32, #tpu.memory_space<vmem>>)
      %add3A_285 = arith.constant 1 : i32
      %add3A_286 = arith.addi %mul3A_243, %add3A_285 : i32
      %mul3A_287 = arith.constant 32 : i32
      %mul3A_288 = arith.muli %add3A_286, %mul3A_287 : i32
      %run_scoped3A_289 = arith.constant 1 : i32
      "tpu.region"() ({
        %run_scoped3A_480 = tpu.sem_alloc : memref<!tpu.dma_semaphore, #tpu.memory_space<semaphore_mem>>
        %dma_start3A_481 = arith.constant 0 : i32
        %dma_start3A_482 = arith.constant 0 : i32
        %dma_start3A_483 = tpu.memref_slice %arg8[%run_scoped3A_289, %dma_start3A_481, %dma_start3A_482] : memref<8x32x128xf32, #tpu.memory_space<vmem>> -> memref<1x32x128xf32, #tpu.memory_space<vmem>>
        %dma_start3A_484 = tpu.memref_squeeze %dma_start3A_483 : memref<1x32x128xf32, #tpu.memory_space<vmem>> -> memref<32x128xf32, #tpu.memory_space<vmem>>
        %dma_start3A_485 = tpu.memref_slice %arg7[%mul3A_288] : memref<5120xi32, #tpu.memory_space<vmem>> -> memref<32xi32, #tpu.memory_space<vmem>>
        %dma_start3A_486 = arith.constant 0 : i32
        %dma_start3A_487 = arith.constant 0 : i32
        %dma_start3A_488 = tpu.memref_slice %arg9[%dma_start3A_486, %dma_start3A_487] : memref<10240x128xf32, #tpu.memory_space<vmem_shared>> -> memref<10240x128xf32, #tpu.memory_space<vmem_shared>>
        tpu.enqueue_indirect_dma source(%dma_start3A_484 : memref<32x128xf32, #tpu.memory_space<vmem>>) target(%dma_start3A_488 : memref<10240x128xf32, #tpu.memory_space<vmem_shared>>) offsets(%dma_start3A_485 : memref<32xi32, #tpu.memory_space<vmem>>) semaphore(%run_scoped3A_480 : memref<!tpu.dma_semaphore, #tpu.memory_space<semaphore_mem>>) {add = true}
        %dma_wait3A_489 = arith.constant 0 : i32
        %dma_wait3A_490 = arith.constant 0 : i32
        %dma_wait3A_491 = tpu.memref_slice %arg8[%run_scoped3A_289, %dma_wait3A_489, %dma_wait3A_490] : memref<8x32x128xf32, #tpu.memory_space<vmem>> -> memref<1x32x128xf32, #tpu.memory_space<vmem>>
        %dma_wait3A_492 = tpu.memref_squeeze %dma_wait3A_491 : memref<1x32x128xf32, #tpu.memory_space<vmem>> -> memref<32x128xf32, #tpu.memory_space<vmem>>
        %dma_wait3A_493 = tpu.memref_slice %arg7[%mul3A_288] : memref<5120xi32, #tpu.memory_space<vmem>> -> memref<32xi32, #tpu.memory_space<vmem>>
        %dma_wait3A_494 = arith.constant 0 : i32
        %dma_wait3A_495 = arith.constant 0 : i32
        %dma_wait3A_496 = tpu.memref_slice %arg9[%dma_wait3A_494, %dma_wait3A_495] : memref<10240x128xf32, #tpu.memory_space<vmem_shared>> -> memref<10240x128xf32, #tpu.memory_space<vmem_shared>>
        tpu.wait_indirect_dma semaphore(%run_scoped3A_480 : memref<!tpu.dma_semaphore, #tpu.memory_space<semaphore_mem>>) src(%dma_wait3A_492 : memref<32x128xf32, #tpu.memory_space<vmem>>) dst(%dma_wait3A_496 : memref<10240x128xf32, #tpu.memory_space<vmem_shared>>)
        tpu.yield
      }) : () -> ()
      %add3A_290 = arith.constant 8 : i32
      %add3A_291 = arith.addi %mul3A_243, %add3A_290 : i32
      %add3A_292 = arith.constant 1 : i32
      %add3A_293 = arith.addi %add3A_291, %add3A_292 : i32
      %lt3A_294 = arith.constant 160 : i32
      %lt3A_295 = arith.cmpi slt, %add3A_293, %lt3A_294 : i32
      %convert_element_type3A_296 = arith.extui %lt3A_295 : i1 to i32
      %cond3A_297 = arith.constant 0 : i32
      %cond3A_298 = arith.cmpi ne, %convert_element_type3A_296, %cond3A_297 : i32
      scf.if %cond3A_298 {
        %add3A_480 = arith.constant 8 : i32
        %add3A_481 = arith.addi %mul3A_243, %add3A_480 : i32
        %add3A_482 = arith.constant 1 : i32
        %add3A_483 = arith.addi %add3A_481, %add3A_482 : i32
        %mul3A_484 = arith.constant 32 : i32
        %mul3A_485 = arith.muli %add3A_483, %mul3A_484 : i32
        %dma_start3A_486 = arith.constant 1 : i32
        %dma_start3A_487 = arith.constant 1 : i32
        %dma_start3A_488 = arith.constant 0 : i32
        %dma_start3A_489 = arith.constant 0 : i32
        %dma_start3A_490 = tpu.memref_slice %arg8[%dma_start3A_486, %dma_start3A_488, %dma_start3A_489] : memref<8x32x128xf32, #tpu.memory_space<vmem>> -> memref<1x32x128xf32, #tpu.memory_space<vmem>>
        %dma_start3A_491 = tpu.memref_squeeze %dma_start3A_490 : memref<1x32x128xf32, #tpu.memory_space<vmem>> -> memref<32x128xf32, #tpu.memory_space<vmem>>
        %dma_start3A_492 = tpu.memref_slice %arg6[%mul3A_485] : memref<5120xi32, #tpu.memory_space<vmem>> -> memref<32xi32, #tpu.memory_space<vmem>>
        %dma_start3A_493 = arith.constant 0 : i32
        %dma_start3A_494 = arith.constant 0 : i32
        %dma_start3A_495 = tpu.memref_slice %arg2[%dma_start3A_493, %dma_start3A_494] : memref<10240x128xf32, #tpu.memory_space<hbm>> -> memref<10240x128xf32, #tpu.memory_space<hbm>>
        %dma_start3A_496 = tpu.memref_slice %arg10[%dma_start3A_487] : memref<8x!tpu.dma_semaphore, #tpu.memory_space<semaphore_mem>> -> memref<1x!tpu.dma_semaphore, #tpu.memory_space<semaphore_mem>>
        %dma_start3A_497 = tpu.memref_squeeze %dma_start3A_496 : memref<1x!tpu.dma_semaphore, #tpu.memory_space<semaphore_mem>> -> memref<!tpu.dma_semaphore, #tpu.memory_space<semaphore_mem>>
        tpu.enqueue_indirect_dma source(%dma_start3A_495 : memref<10240x128xf32, #tpu.memory_space<hbm>>) target(%dma_start3A_491 : memref<32x128xf32, #tpu.memory_space<vmem>>) offsets(%dma_start3A_492 : memref<32xi32, #tpu.memory_space<vmem>>) semaphore(%dma_start3A_497 : memref<!tpu.dma_semaphore, #tpu.memory_space<semaphore_mem>>)
      } else {
      }
      %add3A_299 = arith.constant 2 : i32
      %add3A_300 = arith.addi %mul3A_243, %add3A_299 : i32
      %mul3A_301 = arith.constant 32 : i32
      %mul3A_302 = arith.muli %add3A_300, %mul3A_301 : i32
      %dma_wait3A_303 = arith.constant 2 : i32
      %dma_wait3A_304 = arith.constant 2 : i32
      %dma_wait3A_305 = arith.constant 0 : i32
      %dma_wait3A_306 = arith.constant 0 : i32
      %dma_wait3A_307 = tpu.memref_slice %arg8[%dma_wait3A_303, %dma_wait3A_305, %dma_wait3A_306] : memref<8x32x128xf32, #tpu.memory_space<vmem>> -> memref<1x32x128xf32, #tpu.memory_space<vmem>>
      %dma_wait3A_308 = tpu.memref_squeeze %dma_wait3A_307 : memref<1x32x128xf32, #tpu.memory_space<vmem>> -> memref<32x128xf32, #tpu.memory_space<vmem>>
      %dma_wait3A_309 = tpu.memref_slice %arg6[%mul3A_302] : memref<5120xi32, #tpu.memory_space<vmem>> -> memref<32xi32, #tpu.memory_space<vmem>>
      %dma_wait3A_310 = arith.constant 0 : i32
      %dma_wait3A_311 = arith.constant 0 : i32
      %dma_wait3A_312 = tpu.memref_slice %arg2[%dma_wait3A_310, %dma_wait3A_311] : memref<10240x128xf32, #tpu.memory_space<hbm>> -> memref<10240x128xf32, #tpu.memory_space<hbm>>
      %dma_wait3A_313 = tpu.memref_slice %arg10[%dma_wait3A_304] : memref<8x!tpu.dma_semaphore, #tpu.memory_space<semaphore_mem>> -> memref<1x!tpu.dma_semaphore, #tpu.memory_space<semaphore_mem>>
      %dma_wait3A_314 = tpu.memref_squeeze %dma_wait3A_313 : memref<1x!tpu.dma_semaphore, #tpu.memory_space<semaphore_mem>> -> memref<!tpu.dma_semaphore, #tpu.memory_space<semaphore_mem>>
      tpu.wait_indirect_dma semaphore(%dma_wait3A_314 : memref<!tpu.dma_semaphore, #tpu.memory_space<semaphore_mem>>) src(%dma_wait3A_312 : memref<10240x128xf32, #tpu.memory_space<hbm>>) dst(%dma_wait3A_308 : memref<32x128xf32, #tpu.memory_space<vmem>>)
      %add3A_315 = arith.constant 2 : i32
      %add3A_316 = arith.addi %mul3A_243, %add3A_315 : i32
      %mul3A_317 = arith.constant 32 : i32
      %mul3A_318 = arith.muli %add3A_316, %mul3A_317 : i32
      %run_scoped3A_319 = arith.constant 2 : i32
      "tpu.region"() ({
        %run_scoped3A_480 = tpu.sem_alloc : memref<!tpu.dma_semaphore, #tpu.memory_space<semaphore_mem>>
        %dma_start3A_481 = arith.constant 0 : i32
        %dma_start3A_482 = arith.constant 0 : i32
        %dma_start3A_483 = tpu.memref_slice %arg8[%run_scoped3A_319, %dma_start3A_481, %dma_start3A_482] : memref<8x32x128xf32, #tpu.memory_space<vmem>> -> memref<1x32x128xf32, #tpu.memory_space<vmem>>
        %dma_start3A_484 = tpu.memref_squeeze %dma_start3A_483 : memref<1x32x128xf32, #tpu.memory_space<vmem>> -> memref<32x128xf32, #tpu.memory_space<vmem>>
        %dma_start3A_485 = tpu.memref_slice %arg7[%mul3A_318] : memref<5120xi32, #tpu.memory_space<vmem>> -> memref<32xi32, #tpu.memory_space<vmem>>
        %dma_start3A_486 = arith.constant 0 : i32
        %dma_start3A_487 = arith.constant 0 : i32
        %dma_start3A_488 = tpu.memref_slice %arg9[%dma_start3A_486, %dma_start3A_487] : memref<10240x128xf32, #tpu.memory_space<vmem_shared>> -> memref<10240x128xf32, #tpu.memory_space<vmem_shared>>
        tpu.enqueue_indirect_dma source(%dma_start3A_484 : memref<32x128xf32, #tpu.memory_space<vmem>>) target(%dma_start3A_488 : memref<10240x128xf32, #tpu.memory_space<vmem_shared>>) offsets(%dma_start3A_485 : memref<32xi32, #tpu.memory_space<vmem>>) semaphore(%run_scoped3A_480 : memref<!tpu.dma_semaphore, #tpu.memory_space<semaphore_mem>>) {add = true}
        %dma_wait3A_489 = arith.constant 0 : i32
        %dma_wait3A_490 = arith.constant 0 : i32
        %dma_wait3A_491 = tpu.memref_slice %arg8[%run_scoped3A_319, %dma_wait3A_489, %dma_wait3A_490] : memref<8x32x128xf32, #tpu.memory_space<vmem>> -> memref<1x32x128xf32, #tpu.memory_space<vmem>>
        %dma_wait3A_492 = tpu.memref_squeeze %dma_wait3A_491 : memref<1x32x128xf32, #tpu.memory_space<vmem>> -> memref<32x128xf32, #tpu.memory_space<vmem>>
        %dma_wait3A_493 = tpu.memref_slice %arg7[%mul3A_318] : memref<5120xi32, #tpu.memory_space<vmem>> -> memref<32xi32, #tpu.memory_space<vmem>>
        %dma_wait3A_494 = arith.constant 0 : i32
        %dma_wait3A_495 = arith.constant 0 : i32
        %dma_wait3A_496 = tpu.memref_slice %arg9[%dma_wait3A_494, %dma_wait3A_495] : memref<10240x128xf32, #tpu.memory_space<vmem_shared>> -> memref<10240x128xf32, #tpu.memory_space<vmem_shared>>
        tpu.wait_indirect_dma semaphore(%run_scoped3A_480 : memref<!tpu.dma_semaphore, #tpu.memory_space<semaphore_mem>>) src(%dma_wait3A_492 : memref<32x128xf32, #tpu.memory_space<vmem>>) dst(%dma_wait3A_496 : memref<10240x128xf32, #tpu.memory_space<vmem_shared>>)
        tpu.yield
      }) : () -> ()
      %add3A_320 = arith.constant 8 : i32
      %add3A_321 = arith.addi %mul3A_243, %add3A_320 : i32
      %add3A_322 = arith.constant 2 : i32
      %add3A_323 = arith.addi %add3A_321, %add3A_322 : i32
      %lt3A_324 = arith.constant 160 : i32
      %lt3A_325 = arith.cmpi slt, %add3A_323, %lt3A_324 : i32
      %convert_element_type3A_326 = arith.extui %lt3A_325 : i1 to i32
      %cond3A_327 = arith.constant 0 : i32
      %cond3A_328 = arith.cmpi ne, %convert_element_type3A_326, %cond3A_327 : i32
      scf.if %cond3A_328 {
        %add3A_480 = arith.constant 8 : i32
        %add3A_481 = arith.addi %mul3A_243, %add3A_480 : i32
        %add3A_482 = arith.constant 2 : i32
        %add3A_483 = arith.addi %add3A_481, %add3A_482 : i32
        %mul3A_484 = arith.constant 32 : i32
        %mul3A_485 = arith.muli %add3A_483, %mul3A_484 : i32
        %dma_start3A_486 = arith.constant 2 : i32
        %dma_start3A_487 = arith.constant 2 : i32
        %dma_start3A_488 = arith.constant 0 : i32
        %dma_start3A_489 = arith.constant 0 : i32
        %dma_start3A_490 = tpu.memref_slice %arg8[%dma_start3A_486, %dma_start3A_488, %dma_start3A_489] : memref<8x32x128xf32, #tpu.memory_space<vmem>> -> memref<1x32x128xf32, #tpu.memory_space<vmem>>
        %dma_start3A_491 = tpu.memref_squeeze %dma_start3A_490 : memref<1x32x128xf32, #tpu.memory_space<vmem>> -> memref<32x128xf32, #tpu.memory_space<vmem>>
        %dma_start3A_492 = tpu.memref_slice %arg6[%mul3A_485] : memref<5120xi32, #tpu.memory_space<vmem>> -> memref<32xi32, #tpu.memory_space<vmem>>
        %dma_start3A_493 = arith.constant 0 : i32
        %dma_start3A_494 = arith.constant 0 : i32
        %dma_start3A_495 = tpu.memref_slice %arg2[%dma_start3A_493, %dma_start3A_494] : memref<10240x128xf32, #tpu.memory_space<hbm>> -> memref<10240x128xf32, #tpu.memory_space<hbm>>
        %dma_start3A_496 = tpu.memref_slice %arg10[%dma_start3A_487] : memref<8x!tpu.dma_semaphore, #tpu.memory_space<semaphore_mem>> -> memref<1x!tpu.dma_semaphore, #tpu.memory_space<semaphore_mem>>
        %dma_start3A_497 = tpu.memref_squeeze %dma_start3A_496 : memref<1x!tpu.dma_semaphore, #tpu.memory_space<semaphore_mem>> -> memref<!tpu.dma_semaphore, #tpu.memory_space<semaphore_mem>>
        tpu.enqueue_indirect_dma source(%dma_start3A_495 : memref<10240x128xf32, #tpu.memory_space<hbm>>) target(%dma_start3A_491 : memref<32x128xf32, #tpu.memory_space<vmem>>) offsets(%dma_start3A_492 : memref<32xi32, #tpu.memory_space<vmem>>) semaphore(%dma_start3A_497 : memref<!tpu.dma_semaphore, #tpu.memory_space<semaphore_mem>>)
      } else {
      }
      %add3A_329 = arith.constant 3 : i32
      %add3A_330 = arith.addi %mul3A_243, %add3A_329 : i32
      %mul3A_331 = arith.constant 32 : i32
      %mul3A_332 = arith.muli %add3A_330, %mul3A_331 : i32
      %dma_wait3A_333 = arith.constant 3 : i32
      %dma_wait3A_334 = arith.constant 3 : i32
      %dma_wait3A_335 = arith.constant 0 : i32
      %dma_wait3A_336 = arith.constant 0 : i32
      %dma_wait3A_337 = tpu.memref_slice %arg8[%dma_wait3A_333, %dma_wait3A_335, %dma_wait3A_336] : memref<8x32x128xf32, #tpu.memory_space<vmem>> -> memref<1x32x128xf32, #tpu.memory_space<vmem>>
      %dma_wait3A_338 = tpu.memref_squeeze %dma_wait3A_337 : memref<1x32x128xf32, #tpu.memory_space<vmem>> -> memref<32x128xf32, #tpu.memory_space<vmem>>
      %dma_wait3A_339 = tpu.memref_slice %arg6[%mul3A_332] : memref<5120xi32, #tpu.memory_space<vmem>> -> memref<32xi32, #tpu.memory_space<vmem>>
      %dma_wait3A_340 = arith.constant 0 : i32
      %dma_wait3A_341 = arith.constant 0 : i32
      %dma_wait3A_342 = tpu.memref_slice %arg2[%dma_wait3A_340, %dma_wait3A_341] : memref<10240x128xf32, #tpu.memory_space<hbm>> -> memref<10240x128xf32, #tpu.memory_space<hbm>>
      %dma_wait3A_343 = tpu.memref_slice %arg10[%dma_wait3A_334] : memref<8x!tpu.dma_semaphore, #tpu.memory_space<semaphore_mem>> -> memref<1x!tpu.dma_semaphore, #tpu.memory_space<semaphore_mem>>
      %dma_wait3A_344 = tpu.memref_squeeze %dma_wait3A_343 : memref<1x!tpu.dma_semaphore, #tpu.memory_space<semaphore_mem>> -> memref<!tpu.dma_semaphore, #tpu.memory_space<semaphore_mem>>
      tpu.wait_indirect_dma semaphore(%dma_wait3A_344 : memref<!tpu.dma_semaphore, #tpu.memory_space<semaphore_mem>>) src(%dma_wait3A_342 : memref<10240x128xf32, #tpu.memory_space<hbm>>) dst(%dma_wait3A_338 : memref<32x128xf32, #tpu.memory_space<vmem>>)
      %add3A_345 = arith.constant 3 : i32
      %add3A_346 = arith.addi %mul3A_243, %add3A_345 : i32
      %mul3A_347 = arith.constant 32 : i32
      %mul3A_348 = arith.muli %add3A_346, %mul3A_347 : i32
      %run_scoped3A_349 = arith.constant 3 : i32
      "tpu.region"() ({
        %run_scoped3A_480 = tpu.sem_alloc : memref<!tpu.dma_semaphore, #tpu.memory_space<semaphore_mem>>
        %dma_start3A_481 = arith.constant 0 : i32
        %dma_start3A_482 = arith.constant 0 : i32
        %dma_start3A_483 = tpu.memref_slice %arg8[%run_scoped3A_349, %dma_start3A_481, %dma_start3A_482] : memref<8x32x128xf32, #tpu.memory_space<vmem>> -> memref<1x32x128xf32, #tpu.memory_space<vmem>>
        %dma_start3A_484 = tpu.memref_squeeze %dma_start3A_483 : memref<1x32x128xf32, #tpu.memory_space<vmem>> -> memref<32x128xf32, #tpu.memory_space<vmem>>
        %dma_start3A_485 = tpu.memref_slice %arg7[%mul3A_348] : memref<5120xi32, #tpu.memory_space<vmem>> -> memref<32xi32, #tpu.memory_space<vmem>>
        %dma_start3A_486 = arith.constant 0 : i32
        %dma_start3A_487 = arith.constant 0 : i32
        %dma_start3A_488 = tpu.memref_slice %arg9[%dma_start3A_486, %dma_start3A_487] : memref<10240x128xf32, #tpu.memory_space<vmem_shared>> -> memref<10240x128xf32, #tpu.memory_space<vmem_shared>>
        tpu.enqueue_indirect_dma source(%dma_start3A_484 : memref<32x128xf32, #tpu.memory_space<vmem>>) target(%dma_start3A_488 : memref<10240x128xf32, #tpu.memory_space<vmem_shared>>) offsets(%dma_start3A_485 : memref<32xi32, #tpu.memory_space<vmem>>) semaphore(%run_scoped3A_480 : memref<!tpu.dma_semaphore, #tpu.memory_space<semaphore_mem>>) {add = true}
        %dma_wait3A_489 = arith.constant 0 : i32
        %dma_wait3A_490 = arith.constant 0 : i32
        %dma_wait3A_491 = tpu.memref_slice %arg8[%run_scoped3A_349, %dma_wait3A_489, %dma_wait3A_490] : memref<8x32x128xf32, #tpu.memory_space<vmem>> -> memref<1x32x128xf32, #tpu.memory_space<vmem>>
        %dma_wait3A_492 = tpu.memref_squeeze %dma_wait3A_491 : memref<1x32x128xf32, #tpu.memory_space<vmem>> -> memref<32x128xf32, #tpu.memory_space<vmem>>
        %dma_wait3A_493 = tpu.memref_slice %arg7[%mul3A_348] : memref<5120xi32, #tpu.memory_space<vmem>> -> memref<32xi32, #tpu.memory_space<vmem>>
        %dma_wait3A_494 = arith.constant 0 : i32
        %dma_wait3A_495 = arith.constant 0 : i32
        %dma_wait3A_496 = tpu.memref_slice %arg9[%dma_wait3A_494, %dma_wait3A_495] : memref<10240x128xf32, #tpu.memory_space<vmem_shared>> -> memref<10240x128xf32, #tpu.memory_space<vmem_shared>>
        tpu.wait_indirect_dma semaphore(%run_scoped3A_480 : memref<!tpu.dma_semaphore, #tpu.memory_space<semaphore_mem>>) src(%dma_wait3A_492 : memref<32x128xf32, #tpu.memory_space<vmem>>) dst(%dma_wait3A_496 : memref<10240x128xf32, #tpu.memory_space<vmem_shared>>)
        tpu.yield
      }) : () -> ()
      %add3A_350 = arith.constant 8 : i32
      %add3A_351 = arith.addi %mul3A_243, %add3A_350 : i32
      %add3A_352 = arith.constant 3 : i32
      %add3A_353 = arith.addi %add3A_351, %add3A_352 : i32
      %lt3A_354 = arith.constant 160 : i32
      %lt3A_355 = arith.cmpi slt, %add3A_353, %lt3A_354 : i32
      %convert_element_type3A_356 = arith.extui %lt3A_355 : i1 to i32
      %cond3A_357 = arith.constant 0 : i32
      %cond3A_358 = arith.cmpi ne, %convert_element_type3A_356, %cond3A_357 : i32
      scf.if %cond3A_358 {
        %add3A_480 = arith.constant 8 : i32
        %add3A_481 = arith.addi %mul3A_243, %add3A_480 : i32
        %add3A_482 = arith.constant 3 : i32
        %add3A_483 = arith.addi %add3A_481, %add3A_482 : i32
        %mul3A_484 = arith.constant 32 : i32
        %mul3A_485 = arith.muli %add3A_483, %mul3A_484 : i32
        %dma_start3A_486 = arith.constant 3 : i32
        %dma_start3A_487 = arith.constant 3 : i32
        %dma_start3A_488 = arith.constant 0 : i32
        %dma_start3A_489 = arith.constant 0 : i32
        %dma_start3A_490 = tpu.memref_slice %arg8[%dma_start3A_486, %dma_start3A_488, %dma_start3A_489] : memref<8x32x128xf32, #tpu.memory_space<vmem>> -> memref<1x32x128xf32, #tpu.memory_space<vmem>>
        %dma_start3A_491 = tpu.memref_squeeze %dma_start3A_490 : memref<1x32x128xf32, #tpu.memory_space<vmem>> -> memref<32x128xf32, #tpu.memory_space<vmem>>
        %dma_start3A_492 = tpu.memref_slice %arg6[%mul3A_485] : memref<5120xi32, #tpu.memory_space<vmem>> -> memref<32xi32, #tpu.memory_space<vmem>>
        %dma_start3A_493 = arith.constant 0 : i32
        %dma_start3A_494 = arith.constant 0 : i32
        %dma_start3A_495 = tpu.memref_slice %arg2[%dma_start3A_493, %dma_start3A_494] : memref<10240x128xf32, #tpu.memory_space<hbm>> -> memref<10240x128xf32, #tpu.memory_space<hbm>>
        %dma_start3A_496 = tpu.memref_slice %arg10[%dma_start3A_487] : memref<8x!tpu.dma_semaphore, #tpu.memory_space<semaphore_mem>> -> memref<1x!tpu.dma_semaphore, #tpu.memory_space<semaphore_mem>>
        %dma_start3A_497 = tpu.memref_squeeze %dma_start3A_496 : memref<1x!tpu.dma_semaphore, #tpu.memory_space<semaphore_mem>> -> memref<!tpu.dma_semaphore, #tpu.memory_space<semaphore_mem>>
        tpu.enqueue_indirect_dma source(%dma_start3A_495 : memref<10240x128xf32, #tpu.memory_space<hbm>>) target(%dma_start3A_491 : memref<32x128xf32, #tpu.memory_space<vmem>>) offsets(%dma_start3A_492 : memref<32xi32, #tpu.memory_space<vmem>>) semaphore(%dma_start3A_497 : memref<!tpu.dma_semaphore, #tpu.memory_space<semaphore_mem>>)
      } else {
      }
      %add3A_359 = arith.constant 4 : i32
      %add3A_360 = arith.addi %mul3A_243, %add3A_359 : i32
      %mul3A_361 = arith.constant 32 : i32
      %mul3A_362 = arith.muli %add3A_360, %mul3A_361 : i32
      %dma_wait3A_363 = arith.constant 4 : i32
      %dma_wait3A_364 = arith.constant 4 : i32
      %dma_wait3A_365 = arith.constant 0 : i32
      %dma_wait3A_366 = arith.constant 0 : i32
      %dma_wait3A_367 = tpu.memref_slice %arg8[%dma_wait3A_363, %dma_wait3A_365, %dma_wait3A_366] : memref<8x32x128xf32, #tpu.memory_space<vmem>> -> memref<1x32x128xf32, #tpu.memory_space<vmem>>
      %dma_wait3A_368 = tpu.memref_squeeze %dma_wait3A_367 : memref<1x32x128xf32, #tpu.memory_space<vmem>> -> memref<32x128xf32, #tpu.memory_space<vmem>>
      %dma_wait3A_369 = tpu.memref_slice %arg6[%mul3A_362] : memref<5120xi32, #tpu.memory_space<vmem>> -> memref<32xi32, #tpu.memory_space<vmem>>
      %dma_wait3A_370 = arith.constant 0 : i32
      %dma_wait3A_371 = arith.constant 0 : i32
      %dma_wait3A_372 = tpu.memref_slice %arg2[%dma_wait3A_370, %dma_wait3A_371] : memref<10240x128xf32, #tpu.memory_space<hbm>> -> memref<10240x128xf32, #tpu.memory_space<hbm>>
      %dma_wait3A_373 = tpu.memref_slice %arg10[%dma_wait3A_364] : memref<8x!tpu.dma_semaphore, #tpu.memory_space<semaphore_mem>> -> memref<1x!tpu.dma_semaphore, #tpu.memory_space<semaphore_mem>>
      %dma_wait3A_374 = tpu.memref_squeeze %dma_wait3A_373 : memref<1x!tpu.dma_semaphore, #tpu.memory_space<semaphore_mem>> -> memref<!tpu.dma_semaphore, #tpu.memory_space<semaphore_mem>>
      tpu.wait_indirect_dma semaphore(%dma_wait3A_374 : memref<!tpu.dma_semaphore, #tpu.memory_space<semaphore_mem>>) src(%dma_wait3A_372 : memref<10240x128xf32, #tpu.memory_space<hbm>>) dst(%dma_wait3A_368 : memref<32x128xf32, #tpu.memory_space<vmem>>)
      %add3A_375 = arith.constant 4 : i32
      %add3A_376 = arith.addi %mul3A_243, %add3A_375 : i32
      %mul3A_377 = arith.constant 32 : i32
      %mul3A_378 = arith.muli %add3A_376, %mul3A_377 : i32
      %run_scoped3A_379 = arith.constant 4 : i32
      "tpu.region"() ({
        %run_scoped3A_480 = tpu.sem_alloc : memref<!tpu.dma_semaphore, #tpu.memory_space<semaphore_mem>>
        %dma_start3A_481 = arith.constant 0 : i32
        %dma_start3A_482 = arith.constant 0 : i32
        %dma_start3A_483 = tpu.memref_slice %arg8[%run_scoped3A_379, %dma_start3A_481, %dma_start3A_482] : memref<8x32x128xf32, #tpu.memory_space<vmem>> -> memref<1x32x128xf32, #tpu.memory_space<vmem>>
        %dma_start3A_484 = tpu.memref_squeeze %dma_start3A_483 : memref<1x32x128xf32, #tpu.memory_space<vmem>> -> memref<32x128xf32, #tpu.memory_space<vmem>>
        %dma_start3A_485 = tpu.memref_slice %arg7[%mul3A_378] : memref<5120xi32, #tpu.memory_space<vmem>> -> memref<32xi32, #tpu.memory_space<vmem>>
        %dma_start3A_486 = arith.constant 0 : i32
        %dma_start3A_487 = arith.constant 0 : i32
        %dma_start3A_488 = tpu.memref_slice %arg9[%dma_start3A_486, %dma_start3A_487] : memref<10240x128xf32, #tpu.memory_space<vmem_shared>> -> memref<10240x128xf32, #tpu.memory_space<vmem_shared>>
        tpu.enqueue_indirect_dma source(%dma_start3A_484 : memref<32x128xf32, #tpu.memory_space<vmem>>) target(%dma_start3A_488 : memref<10240x128xf32, #tpu.memory_space<vmem_shared>>) offsets(%dma_start3A_485 : memref<32xi32, #tpu.memory_space<vmem>>) semaphore(%run_scoped3A_480 : memref<!tpu.dma_semaphore, #tpu.memory_space<semaphore_mem>>) {add = true}
        %dma_wait3A_489 = arith.constant 0 : i32
        %dma_wait3A_490 = arith.constant 0 : i32
        %dma_wait3A_491 = tpu.memref_slice %arg8[%run_scoped3A_379, %dma_wait3A_489, %dma_wait3A_490] : memref<8x32x128xf32, #tpu.memory_space<vmem>> -> memref<1x32x128xf32, #tpu.memory_space<vmem>>
        %dma_wait3A_492 = tpu.memref_squeeze %dma_wait3A_491 : memref<1x32x128xf32, #tpu.memory_space<vmem>> -> memref<32x128xf32, #tpu.memory_space<vmem>>
        %dma_wait3A_493 = tpu.memref_slice %arg7[%mul3A_378] : memref<5120xi32, #tpu.memory_space<vmem>> -> memref<32xi32, #tpu.memory_space<vmem>>
        %dma_wait3A_494 = arith.constant 0 : i32
        %dma_wait3A_495 = arith.constant 0 : i32
        %dma_wait3A_496 = tpu.memref_slice %arg9[%dma_wait3A_494, %dma_wait3A_495] : memref<10240x128xf32, #tpu.memory_space<vmem_shared>> -> memref<10240x128xf32, #tpu.memory_space<vmem_shared>>
        tpu.wait_indirect_dma semaphore(%run_scoped3A_480 : memref<!tpu.dma_semaphore, #tpu.memory_space<semaphore_mem>>) src(%dma_wait3A_492 : memref<32x128xf32, #tpu.memory_space<vmem>>) dst(%dma_wait3A_496 : memref<10240x128xf32, #tpu.memory_space<vmem_shared>>)
        tpu.yield
      }) : () -> ()
      %add3A_380 = arith.constant 8 : i32
      %add3A_381 = arith.addi %mul3A_243, %add3A_380 : i32
      %add3A_382 = arith.constant 4 : i32
      %add3A_383 = arith.addi %add3A_381, %add3A_382 : i32
      %lt3A_384 = arith.constant 160 : i32
      %lt3A_385 = arith.cmpi slt, %add3A_383, %lt3A_384 : i32
      %convert_element_type3A_386 = arith.extui %lt3A_385 : i1 to i32
      %cond3A_387 = arith.constant 0 : i32
      %cond3A_388 = arith.cmpi ne, %convert_element_type3A_386, %cond3A_387 : i32
      scf.if %cond3A_388 {
        %add3A_480 = arith.constant 8 : i32
        %add3A_481 = arith.addi %mul3A_243, %add3A_480 : i32
        %add3A_482 = arith.constant 4 : i32
        %add3A_483 = arith.addi %add3A_481, %add3A_482 : i32
        %mul3A_484 = arith.constant 32 : i32
        %mul3A_485 = arith.muli %add3A_483, %mul3A_484 : i32
        %dma_start3A_486 = arith.constant 4 : i32
        %dma_start3A_487 = arith.constant 4 : i32
        %dma_start3A_488 = arith.constant 0 : i32
        %dma_start3A_489 = arith.constant 0 : i32
        %dma_start3A_490 = tpu.memref_slice %arg8[%dma_start3A_486, %dma_start3A_488, %dma_start3A_489] : memref<8x32x128xf32, #tpu.memory_space<vmem>> -> memref<1x32x128xf32, #tpu.memory_space<vmem>>
        %dma_start3A_491 = tpu.memref_squeeze %dma_start3A_490 : memref<1x32x128xf32, #tpu.memory_space<vmem>> -> memref<32x128xf32, #tpu.memory_space<vmem>>
        %dma_start3A_492 = tpu.memref_slice %arg6[%mul3A_485] : memref<5120xi32, #tpu.memory_space<vmem>> -> memref<32xi32, #tpu.memory_space<vmem>>
        %dma_start3A_493 = arith.constant 0 : i32
        %dma_start3A_494 = arith.constant 0 : i32
        %dma_start3A_495 = tpu.memref_slice %arg2[%dma_start3A_493, %dma_start3A_494] : memref<10240x128xf32, #tpu.memory_space<hbm>> -> memref<10240x128xf32, #tpu.memory_space<hbm>>
        %dma_start3A_496 = tpu.memref_slice %arg10[%dma_start3A_487] : memref<8x!tpu.dma_semaphore, #tpu.memory_space<semaphore_mem>> -> memref<1x!tpu.dma_semaphore, #tpu.memory_space<semaphore_mem>>
        %dma_start3A_497 = tpu.memref_squeeze %dma_start3A_496 : memref<1x!tpu.dma_semaphore, #tpu.memory_space<semaphore_mem>> -> memref<!tpu.dma_semaphore, #tpu.memory_space<semaphore_mem>>
        tpu.enqueue_indirect_dma source(%dma_start3A_495 : memref<10240x128xf32, #tpu.memory_space<hbm>>) target(%dma_start3A_491 : memref<32x128xf32, #tpu.memory_space<vmem>>) offsets(%dma_start3A_492 : memref<32xi32, #tpu.memory_space<vmem>>) semaphore(%dma_start3A_497 : memref<!tpu.dma_semaphore, #tpu.memory_space<semaphore_mem>>)
      } else {
      }
      %add3A_389 = arith.constant 5 : i32
      %add3A_390 = arith.addi %mul3A_243, %add3A_389 : i32
      %mul3A_391 = arith.constant 32 : i32
      %mul3A_392 = arith.muli %add3A_390, %mul3A_391 : i32
      %dma_wait3A_393 = arith.constant 5 : i32
      %dma_wait3A_394 = arith.constant 5 : i32
      %dma_wait3A_395 = arith.constant 0 : i32
      %dma_wait3A_396 = arith.constant 0 : i32
      %dma_wait3A_397 = tpu.memref_slice %arg8[%dma_wait3A_393, %dma_wait3A_395, %dma_wait3A_396] : memref<8x32x128xf32, #tpu.memory_space<vmem>> -> memref<1x32x128xf32, #tpu.memory_space<vmem>>
      %dma_wait3A_398 = tpu.memref_squeeze %dma_wait3A_397 : memref<1x32x128xf32, #tpu.memory_space<vmem>> -> memref<32x128xf32, #tpu.memory_space<vmem>>
      %dma_wait3A_399 = tpu.memref_slice %arg6[%mul3A_392] : memref<5120xi32, #tpu.memory_space<vmem>> -> memref<32xi32, #tpu.memory_space<vmem>>
      %dma_wait3A_400 = arith.constant 0 : i32
      %dma_wait3A_401 = arith.constant 0 : i32
      %dma_wait3A_402 = tpu.memref_slice %arg2[%dma_wait3A_400, %dma_wait3A_401] : memref<10240x128xf32, #tpu.memory_space<hbm>> -> memref<10240x128xf32, #tpu.memory_space<hbm>>
      %dma_wait3A_403 = tpu.memref_slice %arg10[%dma_wait3A_394] : memref<8x!tpu.dma_semaphore, #tpu.memory_space<semaphore_mem>> -> memref<1x!tpu.dma_semaphore, #tpu.memory_space<semaphore_mem>>
      %dma_wait3A_404 = tpu.memref_squeeze %dma_wait3A_403 : memref<1x!tpu.dma_semaphore, #tpu.memory_space<semaphore_mem>> -> memref<!tpu.dma_semaphore, #tpu.memory_space<semaphore_mem>>
      tpu.wait_indirect_dma semaphore(%dma_wait3A_404 : memref<!tpu.dma_semaphore, #tpu.memory_space<semaphore_mem>>) src(%dma_wait3A_402 : memref<10240x128xf32, #tpu.memory_space<hbm>>) dst(%dma_wait3A_398 : memref<32x128xf32, #tpu.memory_space<vmem>>)
      %add3A_405 = arith.constant 5 : i32
      %add3A_406 = arith.addi %mul3A_243, %add3A_405 : i32
      %mul3A_407 = arith.constant 32 : i32
      %mul3A_408 = arith.muli %add3A_406, %mul3A_407 : i32
      %run_scoped3A_409 = arith.constant 5 : i32
      "tpu.region"() ({
        %run_scoped3A_480 = tpu.sem_alloc : memref<!tpu.dma_semaphore, #tpu.memory_space<semaphore_mem>>
        %dma_start3A_481 = arith.constant 0 : i32
        %dma_start3A_482 = arith.constant 0 : i32
        %dma_start3A_483 = tpu.memref_slice %arg8[%run_scoped3A_409, %dma_start3A_481, %dma_start3A_482] : memref<8x32x128xf32, #tpu.memory_space<vmem>> -> memref<1x32x128xf32, #tpu.memory_space<vmem>>
        %dma_start3A_484 = tpu.memref_squeeze %dma_start3A_483 : memref<1x32x128xf32, #tpu.memory_space<vmem>> -> memref<32x128xf32, #tpu.memory_space<vmem>>
        %dma_start3A_485 = tpu.memref_slice %arg7[%mul3A_408] : memref<5120xi32, #tpu.memory_space<vmem>> -> memref<32xi32, #tpu.memory_space<vmem>>
        %dma_start3A_486 = arith.constant 0 : i32
        %dma_start3A_487 = arith.constant 0 : i32
        %dma_start3A_488 = tpu.memref_slice %arg9[%dma_start3A_486, %dma_start3A_487] : memref<10240x128xf32, #tpu.memory_space<vmem_shared>> -> memref<10240x128xf32, #tpu.memory_space<vmem_shared>>
        tpu.enqueue_indirect_dma source(%dma_start3A_484 : memref<32x128xf32, #tpu.memory_space<vmem>>) target(%dma_start3A_488 : memref<10240x128xf32, #tpu.memory_space<vmem_shared>>) offsets(%dma_start3A_485 : memref<32xi32, #tpu.memory_space<vmem>>) semaphore(%run_scoped3A_480 : memref<!tpu.dma_semaphore, #tpu.memory_space<semaphore_mem>>) {add = true}
        %dma_wait3A_489 = arith.constant 0 : i32
        %dma_wait3A_490 = arith.constant 0 : i32
        %dma_wait3A_491 = tpu.memref_slice %arg8[%run_scoped3A_409, %dma_wait3A_489, %dma_wait3A_490] : memref<8x32x128xf32, #tpu.memory_space<vmem>> -> memref<1x32x128xf32, #tpu.memory_space<vmem>>
        %dma_wait3A_492 = tpu.memref_squeeze %dma_wait3A_491 : memref<1x32x128xf32, #tpu.memory_space<vmem>> -> memref<32x128xf32, #tpu.memory_space<vmem>>
        %dma_wait3A_493 = tpu.memref_slice %arg7[%mul3A_408] : memref<5120xi32, #tpu.memory_space<vmem>> -> memref<32xi32, #tpu.memory_space<vmem>>
        %dma_wait3A_494 = arith.constant 0 : i32
        %dma_wait3A_495 = arith.constant 0 : i32
        %dma_wait3A_496 = tpu.memref_slice %arg9[%dma_wait3A_494, %dma_wait3A_495] : memref<10240x128xf32, #tpu.memory_space<vmem_shared>> -> memref<10240x128xf32, #tpu.memory_space<vmem_shared>>
        tpu.wait_indirect_dma semaphore(%run_scoped3A_480 : memref<!tpu.dma_semaphore, #tpu.memory_space<semaphore_mem>>) src(%dma_wait3A_492 : memref<32x128xf32, #tpu.memory_space<vmem>>) dst(%dma_wait3A_496 : memref<10240x128xf32, #tpu.memory_space<vmem_shared>>)
        tpu.yield
      }) : () -> ()
      %add3A_410 = arith.constant 8 : i32
      %add3A_411 = arith.addi %mul3A_243, %add3A_410 : i32
      %add3A_412 = arith.constant 5 : i32
      %add3A_413 = arith.addi %add3A_411, %add3A_412 : i32
      %lt3A_414 = arith.constant 160 : i32
      %lt3A_415 = arith.cmpi slt, %add3A_413, %lt3A_414 : i32
      %convert_element_type3A_416 = arith.extui %lt3A_415 : i1 to i32
      %cond3A_417 = arith.constant 0 : i32
      %cond3A_418 = arith.cmpi ne, %convert_element_type3A_416, %cond3A_417 : i32
      scf.if %cond3A_418 {
        %add3A_480 = arith.constant 8 : i32
        %add3A_481 = arith.addi %mul3A_243, %add3A_480 : i32
        %add3A_482 = arith.constant 5 : i32
        %add3A_483 = arith.addi %add3A_481, %add3A_482 : i32
        %mul3A_484 = arith.constant 32 : i32
        %mul3A_485 = arith.muli %add3A_483, %mul3A_484 : i32
        %dma_start3A_486 = arith.constant 5 : i32
        %dma_start3A_487 = arith.constant 5 : i32
        %dma_start3A_488 = arith.constant 0 : i32
        %dma_start3A_489 = arith.constant 0 : i32
        %dma_start3A_490 = tpu.memref_slice %arg8[%dma_start3A_486, %dma_start3A_488, %dma_start3A_489] : memref<8x32x128xf32, #tpu.memory_space<vmem>> -> memref<1x32x128xf32, #tpu.memory_space<vmem>>
        %dma_start3A_491 = tpu.memref_squeeze %dma_start3A_490 : memref<1x32x128xf32, #tpu.memory_space<vmem>> -> memref<32x128xf32, #tpu.memory_space<vmem>>
        %dma_start3A_492 = tpu.memref_slice %arg6[%mul3A_485] : memref<5120xi32, #tpu.memory_space<vmem>> -> memref<32xi32, #tpu.memory_space<vmem>>
        %dma_start3A_493 = arith.constant 0 : i32
        %dma_start3A_494 = arith.constant 0 : i32
        %dma_start3A_495 = tpu.memref_slice %arg2[%dma_start3A_493, %dma_start3A_494] : memref<10240x128xf32, #tpu.memory_space<hbm>> -> memref<10240x128xf32, #tpu.memory_space<hbm>>
        %dma_start3A_496 = tpu.memref_slice %arg10[%dma_start3A_487] : memref<8x!tpu.dma_semaphore, #tpu.memory_space<semaphore_mem>> -> memref<1x!tpu.dma_semaphore, #tpu.memory_space<semaphore_mem>>
        %dma_start3A_497 = tpu.memref_squeeze %dma_start3A_496 : memref<1x!tpu.dma_semaphore, #tpu.memory_space<semaphore_mem>> -> memref<!tpu.dma_semaphore, #tpu.memory_space<semaphore_mem>>
        tpu.enqueue_indirect_dma source(%dma_start3A_495 : memref<10240x128xf32, #tpu.memory_space<hbm>>) target(%dma_start3A_491 : memref<32x128xf32, #tpu.memory_space<vmem>>) offsets(%dma_start3A_492 : memref<32xi32, #tpu.memory_space<vmem>>) semaphore(%dma_start3A_497 : memref<!tpu.dma_semaphore, #tpu.memory_space<semaphore_mem>>)
      } else {
      }
      %add3A_419 = arith.constant 6 : i32
      %add3A_420 = arith.addi %mul3A_243, %add3A_419 : i32
      %mul3A_421 = arith.constant 32 : i32
      %mul3A_422 = arith.muli %add3A_420, %mul3A_421 : i32
      %dma_wait3A_423 = arith.constant 6 : i32
      %dma_wait3A_424 = arith.constant 6 : i32
      %dma_wait3A_425 = arith.constant 0 : i32
      %dma_wait3A_426 = arith.constant 0 : i32
      %dma_wait3A_427 = tpu.memref_slice %arg8[%dma_wait3A_423, %dma_wait3A_425, %dma_wait3A_426] : memref<8x32x128xf32, #tpu.memory_space<vmem>> -> memref<1x32x128xf32, #tpu.memory_space<vmem>>
      %dma_wait3A_428 = tpu.memref_squeeze %dma_wait3A_427 : memref<1x32x128xf32, #tpu.memory_space<vmem>> -> memref<32x128xf32, #tpu.memory_space<vmem>>
      %dma_wait3A_429 = tpu.memref_slice %arg6[%mul3A_422] : memref<5120xi32, #tpu.memory_space<vmem>> -> memref<32xi32, #tpu.memory_space<vmem>>
      %dma_wait3A_430 = arith.constant 0 : i32
      %dma_wait3A_431 = arith.constant 0 : i32
      %dma_wait3A_432 = tpu.memref_slice %arg2[%dma_wait3A_430, %dma_wait3A_431] : memref<10240x128xf32, #tpu.memory_space<hbm>> -> memref<10240x128xf32, #tpu.memory_space<hbm>>
      %dma_wait3A_433 = tpu.memref_slice %arg10[%dma_wait3A_424] : memref<8x!tpu.dma_semaphore, #tpu.memory_space<semaphore_mem>> -> memref<1x!tpu.dma_semaphore, #tpu.memory_space<semaphore_mem>>
      %dma_wait3A_434 = tpu.memref_squeeze %dma_wait3A_433 : memref<1x!tpu.dma_semaphore, #tpu.memory_space<semaphore_mem>> -> memref<!tpu.dma_semaphore, #tpu.memory_space<semaphore_mem>>
      tpu.wait_indirect_dma semaphore(%dma_wait3A_434 : memref<!tpu.dma_semaphore, #tpu.memory_space<semaphore_mem>>) src(%dma_wait3A_432 : memref<10240x128xf32, #tpu.memory_space<hbm>>) dst(%dma_wait3A_428 : memref<32x128xf32, #tpu.memory_space<vmem>>)
      %add3A_435 = arith.constant 6 : i32
      %add3A_436 = arith.addi %mul3A_243, %add3A_435 : i32
      %mul3A_437 = arith.constant 32 : i32
      %mul3A_438 = arith.muli %add3A_436, %mul3A_437 : i32
      %run_scoped3A_439 = arith.constant 6 : i32
      "tpu.region"() ({
        %run_scoped3A_480 = tpu.sem_alloc : memref<!tpu.dma_semaphore, #tpu.memory_space<semaphore_mem>>
        %dma_start3A_481 = arith.constant 0 : i32
        %dma_start3A_482 = arith.constant 0 : i32
        %dma_start3A_483 = tpu.memref_slice %arg8[%run_scoped3A_439, %dma_start3A_481, %dma_start3A_482] : memref<8x32x128xf32, #tpu.memory_space<vmem>> -> memref<1x32x128xf32, #tpu.memory_space<vmem>>
        %dma_start3A_484 = tpu.memref_squeeze %dma_start3A_483 : memref<1x32x128xf32, #tpu.memory_space<vmem>> -> memref<32x128xf32, #tpu.memory_space<vmem>>
        %dma_start3A_485 = tpu.memref_slice %arg7[%mul3A_438] : memref<5120xi32, #tpu.memory_space<vmem>> -> memref<32xi32, #tpu.memory_space<vmem>>
        %dma_start3A_486 = arith.constant 0 : i32
        %dma_start3A_487 = arith.constant 0 : i32
        %dma_start3A_488 = tpu.memref_slice %arg9[%dma_start3A_486, %dma_start3A_487] : memref<10240x128xf32, #tpu.memory_space<vmem_shared>> -> memref<10240x128xf32, #tpu.memory_space<vmem_shared>>
        tpu.enqueue_indirect_dma source(%dma_start3A_484 : memref<32x128xf32, #tpu.memory_space<vmem>>) target(%dma_start3A_488 : memref<10240x128xf32, #tpu.memory_space<vmem_shared>>) offsets(%dma_start3A_485 : memref<32xi32, #tpu.memory_space<vmem>>) semaphore(%run_scoped3A_480 : memref<!tpu.dma_semaphore, #tpu.memory_space<semaphore_mem>>) {add = true}
        %dma_wait3A_489 = arith.constant 0 : i32
        %dma_wait3A_490 = arith.constant 0 : i32
        %dma_wait3A_491 = tpu.memref_slice %arg8[%run_scoped3A_439, %dma_wait3A_489, %dma_wait3A_490] : memref<8x32x128xf32, #tpu.memory_space<vmem>> -> memref<1x32x128xf32, #tpu.memory_space<vmem>>
        %dma_wait3A_492 = tpu.memref_squeeze %dma_wait3A_491 : memref<1x32x128xf32, #tpu.memory_space<vmem>> -> memref<32x128xf32, #tpu.memory_space<vmem>>
        %dma_wait3A_493 = tpu.memref_slice %arg7[%mul3A_438] : memref<5120xi32, #tpu.memory_space<vmem>> -> memref<32xi32, #tpu.memory_space<vmem>>
        %dma_wait3A_494 = arith.constant 0 : i32
        %dma_wait3A_495 = arith.constant 0 : i32
        %dma_wait3A_496 = tpu.memref_slice %arg9[%dma_wait3A_494, %dma_wait3A_495] : memref<10240x128xf32, #tpu.memory_space<vmem_shared>> -> memref<10240x128xf32, #tpu.memory_space<vmem_shared>>
        tpu.wait_indirect_dma semaphore(%run_scoped3A_480 : memref<!tpu.dma_semaphore, #tpu.memory_space<semaphore_mem>>) src(%dma_wait3A_492 : memref<32x128xf32, #tpu.memory_space<vmem>>) dst(%dma_wait3A_496 : memref<10240x128xf32, #tpu.memory_space<vmem_shared>>)
        tpu.yield
      }) : () -> ()
      %add3A_440 = arith.constant 8 : i32
      %add3A_441 = arith.addi %mul3A_243, %add3A_440 : i32
      %add3A_442 = arith.constant 6 : i32
      %add3A_443 = arith.addi %add3A_441, %add3A_442 : i32
      %lt3A_444 = arith.constant 160 : i32
      %lt3A_445 = arith.cmpi slt, %add3A_443, %lt3A_444 : i32
      %convert_element_type3A_446 = arith.extui %lt3A_445 : i1 to i32
      %cond3A_447 = arith.constant 0 : i32
      %cond3A_448 = arith.cmpi ne, %convert_element_type3A_446, %cond3A_447 : i32
      scf.if %cond3A_448 {
        %add3A_480 = arith.constant 8 : i32
        %add3A_481 = arith.addi %mul3A_243, %add3A_480 : i32
        %add3A_482 = arith.constant 6 : i32
        %add3A_483 = arith.addi %add3A_481, %add3A_482 : i32
        %mul3A_484 = arith.constant 32 : i32
        %mul3A_485 = arith.muli %add3A_483, %mul3A_484 : i32
        %dma_start3A_486 = arith.constant 6 : i32
        %dma_start3A_487 = arith.constant 6 : i32
        %dma_start3A_488 = arith.constant 0 : i32
        %dma_start3A_489 = arith.constant 0 : i32
        %dma_start3A_490 = tpu.memref_slice %arg8[%dma_start3A_486, %dma_start3A_488, %dma_start3A_489] : memref<8x32x128xf32, #tpu.memory_space<vmem>> -> memref<1x32x128xf32, #tpu.memory_space<vmem>>
        %dma_start3A_491 = tpu.memref_squeeze %dma_start3A_490 : memref<1x32x128xf32, #tpu.memory_space<vmem>> -> memref<32x128xf32, #tpu.memory_space<vmem>>
        %dma_start3A_492 = tpu.memref_slice %arg6[%mul3A_485] : memref<5120xi32, #tpu.memory_space<vmem>> -> memref<32xi32, #tpu.memory_space<vmem>>
        %dma_start3A_493 = arith.constant 0 : i32
        %dma_start3A_494 = arith.constant 0 : i32
        %dma_start3A_495 = tpu.memref_slice %arg2[%dma_start3A_493, %dma_start3A_494] : memref<10240x128xf32, #tpu.memory_space<hbm>> -> memref<10240x128xf32, #tpu.memory_space<hbm>>
        %dma_start3A_496 = tpu.memref_slice %arg10[%dma_start3A_487] : memref<8x!tpu.dma_semaphore, #tpu.memory_space<semaphore_mem>> -> memref<1x!tpu.dma_semaphore, #tpu.memory_space<semaphore_mem>>
        %dma_start3A_497 = tpu.memref_squeeze %dma_start3A_496 : memref<1x!tpu.dma_semaphore, #tpu.memory_space<semaphore_mem>> -> memref<!tpu.dma_semaphore, #tpu.memory_space<semaphore_mem>>
        tpu.enqueue_indirect_dma source(%dma_start3A_495 : memref<10240x128xf32, #tpu.memory_space<hbm>>) target(%dma_start3A_491 : memref<32x128xf32, #tpu.memory_space<vmem>>) offsets(%dma_start3A_492 : memref<32xi32, #tpu.memory_space<vmem>>) semaphore(%dma_start3A_497 : memref<!tpu.dma_semaphore, #tpu.memory_space<semaphore_mem>>)
      } else {
      }
      %add3A_449 = arith.constant 7 : i32
      %add3A_450 = arith.addi %mul3A_243, %add3A_449 : i32
      %mul3A_451 = arith.constant 32 : i32
      %mul3A_452 = arith.muli %add3A_450, %mul3A_451 : i32
      %dma_wait3A_453 = arith.constant 7 : i32
      %dma_wait3A_454 = arith.constant 7 : i32
      %dma_wait3A_455 = arith.constant 0 : i32
      %dma_wait3A_456 = arith.constant 0 : i32
      %dma_wait3A_457 = tpu.memref_slice %arg8[%dma_wait3A_453, %dma_wait3A_455, %dma_wait3A_456] : memref<8x32x128xf32, #tpu.memory_space<vmem>> -> memref<1x32x128xf32, #tpu.memory_space<vmem>>
      %dma_wait3A_458 = tpu.memref_squeeze %dma_wait3A_457 : memref<1x32x128xf32, #tpu.memory_space<vmem>> -> memref<32x128xf32, #tpu.memory_space<vmem>>
      %dma_wait3A_459 = tpu.memref_slice %arg6[%mul3A_452] : memref<5120xi32, #tpu.memory_space<vmem>> -> memref<32xi32, #tpu.memory_space<vmem>>
      %dma_wait3A_460 = arith.constant 0 : i32
      %dma_wait3A_461 = arith.constant 0 : i32
      %dma_wait3A_462 = tpu.memref_slice %arg2[%dma_wait3A_460, %dma_wait3A_461] : memref<10240x128xf32, #tpu.memory_space<hbm>> -> memref<10240x128xf32, #tpu.memory_space<hbm>>
      %dma_wait3A_463 = tpu.memref_slice %arg10[%dma_wait3A_454] : memref<8x!tpu.dma_semaphore, #tpu.memory_space<semaphore_mem>> -> memref<1x!tpu.dma_semaphore, #tpu.memory_space<semaphore_mem>>
      %dma_wait3A_464 = tpu.memref_squeeze %dma_wait3A_463 : memref<1x!tpu.dma_semaphore, #tpu.memory_space<semaphore_mem>> -> memref<!tpu.dma_semaphore, #tpu.memory_space<semaphore_mem>>
      tpu.wait_indirect_dma semaphore(%dma_wait3A_464 : memref<!tpu.dma_semaphore, #tpu.memory_space<semaphore_mem>>) src(%dma_wait3A_462 : memref<10240x128xf32, #tpu.memory_space<hbm>>) dst(%dma_wait3A_458 : memref<32x128xf32, #tpu.memory_space<vmem>>)
      %add3A_465 = arith.constant 7 : i32
      %add3A_466 = arith.addi %mul3A_243, %add3A_465 : i32
      %mul3A_467 = arith.constant 32 : i32
      %mul3A_468 = arith.muli %add3A_466, %mul3A_467 : i32
      %run_scoped3A_469 = arith.constant 7 : i32
      "tpu.region"() ({
        %run_scoped3A_480 = tpu.sem_alloc : memref<!tpu.dma_semaphore, #tpu.memory_space<semaphore_mem>>
        %dma_start3A_481 = arith.constant 0 : i32
        %dma_start3A_482 = arith.constant 0 : i32
        %dma_start3A_483 = tpu.memref_slice %arg8[%run_scoped3A_469, %dma_start3A_481, %dma_start3A_482] : memref<8x32x128xf32, #tpu.memory_space<vmem>> -> memref<1x32x128xf32, #tpu.memory_space<vmem>>
        %dma_start3A_484 = tpu.memref_squeeze %dma_start3A_483 : memref<1x32x128xf32, #tpu.memory_space<vmem>> -> memref<32x128xf32, #tpu.memory_space<vmem>>
        %dma_start3A_485 = tpu.memref_slice %arg7[%mul3A_468] : memref<5120xi32, #tpu.memory_space<vmem>> -> memref<32xi32, #tpu.memory_space<vmem>>
        %dma_start3A_486 = arith.constant 0 : i32
        %dma_start3A_487 = arith.constant 0 : i32
        %dma_start3A_488 = tpu.memref_slice %arg9[%dma_start3A_486, %dma_start3A_487] : memref<10240x128xf32, #tpu.memory_space<vmem_shared>> -> memref<10240x128xf32, #tpu.memory_space<vmem_shared>>
        tpu.enqueue_indirect_dma source(%dma_start3A_484 : memref<32x128xf32, #tpu.memory_space<vmem>>) target(%dma_start3A_488 : memref<10240x128xf32, #tpu.memory_space<vmem_shared>>) offsets(%dma_start3A_485 : memref<32xi32, #tpu.memory_space<vmem>>) semaphore(%run_scoped3A_480 : memref<!tpu.dma_semaphore, #tpu.memory_space<semaphore_mem>>) {add = true}
        %dma_wait3A_489 = arith.constant 0 : i32
        %dma_wait3A_490 = arith.constant 0 : i32
        %dma_wait3A_491 = tpu.memref_slice %arg8[%run_scoped3A_469, %dma_wait3A_489, %dma_wait3A_490] : memref<8x32x128xf32, #tpu.memory_space<vmem>> -> memref<1x32x128xf32, #tpu.memory_space<vmem>>
        %dma_wait3A_492 = tpu.memref_squeeze %dma_wait3A_491 : memref<1x32x128xf32, #tpu.memory_space<vmem>> -> memref<32x128xf32, #tpu.memory_space<vmem>>
        %dma_wait3A_493 = tpu.memref_slice %arg7[%mul3A_468] : memref<5120xi32, #tpu.memory_space<vmem>> -> memref<32xi32, #tpu.memory_space<vmem>>
        %dma_wait3A_494 = arith.constant 0 : i32
        %dma_wait3A_495 = arith.constant 0 : i32
        %dma_wait3A_496 = tpu.memref_slice %arg9[%dma_wait3A_494, %dma_wait3A_495] : memref<10240x128xf32, #tpu.memory_space<vmem_shared>> -> memref<10240x128xf32, #tpu.memory_space<vmem_shared>>
        tpu.wait_indirect_dma semaphore(%run_scoped3A_480 : memref<!tpu.dma_semaphore, #tpu.memory_space<semaphore_mem>>) src(%dma_wait3A_492 : memref<32x128xf32, #tpu.memory_space<vmem>>) dst(%dma_wait3A_496 : memref<10240x128xf32, #tpu.memory_space<vmem_shared>>)
        tpu.yield
      }) : () -> ()
      %add3A_470 = arith.constant 8 : i32
      %add3A_471 = arith.addi %mul3A_243, %add3A_470 : i32
      %add3A_472 = arith.constant 7 : i32
      %add3A_473 = arith.addi %add3A_471, %add3A_472 : i32
      %lt3A_474 = arith.constant 160 : i32
      %lt3A_475 = arith.cmpi slt, %add3A_473, %lt3A_474 : i32
      %convert_element_type3A_476 = arith.extui %lt3A_475 : i1 to i32
      %cond3A_477 = arith.constant 0 : i32
      %cond3A_478 = arith.cmpi ne, %convert_element_type3A_476, %cond3A_477 : i32
      scf.if %cond3A_478 {
        %add3A_480 = arith.constant 8 : i32
        %add3A_481 = arith.addi %mul3A_243, %add3A_480 : i32
        %add3A_482 = arith.constant 7 : i32
        %add3A_483 = arith.addi %add3A_481, %add3A_482 : i32
        %mul3A_484 = arith.constant 32 : i32
        %mul3A_485 = arith.muli %add3A_483, %mul3A_484 : i32
        %dma_start3A_486 = arith.constant 7 : i32
        %dma_start3A_487 = arith.constant 7 : i32
        %dma_start3A_488 = arith.constant 0 : i32
        %dma_start3A_489 = arith.constant 0 : i32
        %dma_start3A_490 = tpu.memref_slice %arg8[%dma_start3A_486, %dma_start3A_488, %dma_start3A_489] : memref<8x32x128xf32, #tpu.memory_space<vmem>> -> memref<1x32x128xf32, #tpu.memory_space<vmem>>
        %dma_start3A_491 = tpu.memref_squeeze %dma_start3A_490 : memref<1x32x128xf32, #tpu.memory_space<vmem>> -> memref<32x128xf32, #tpu.memory_space<vmem>>
        %dma_start3A_492 = tpu.memref_slice %arg6[%mul3A_485] : memref<5120xi32, #tpu.memory_space<vmem>> -> memref<32xi32, #tpu.memory_space<vmem>>
        %dma_start3A_493 = arith.constant 0 : i32
        %dma_start3A_494 = arith.constant 0 : i32
        %dma_start3A_495 = tpu.memref_slice %arg2[%dma_start3A_493, %dma_start3A_494] : memref<10240x128xf32, #tpu.memory_space<hbm>> -> memref<10240x128xf32, #tpu.memory_space<hbm>>
        %dma_start3A_496 = tpu.memref_slice %arg10[%dma_start3A_487] : memref<8x!tpu.dma_semaphore, #tpu.memory_space<semaphore_mem>> -> memref<1x!tpu.dma_semaphore, #tpu.memory_space<semaphore_mem>>
        %dma_start3A_497 = tpu.memref_squeeze %dma_start3A_496 : memref<1x!tpu.dma_semaphore, #tpu.memory_space<semaphore_mem>> -> memref<!tpu.dma_semaphore, #tpu.memory_space<semaphore_mem>>
        tpu.enqueue_indirect_dma source(%dma_start3A_495 : memref<10240x128xf32, #tpu.memory_space<hbm>>) target(%dma_start3A_491 : memref<32x128xf32, #tpu.memory_space<vmem>>) offsets(%dma_start3A_492 : memref<32xi32, #tpu.memory_space<vmem>>) semaphore(%dma_start3A_497 : memref<!tpu.dma_semaphore, #tpu.memory_space<semaphore_mem>>)
      } else {
      }
      %scan3A_479 = arith.constant 0 : i32
      scf.yield %scan3A_479 : i32
    }
    %scan3A_234 = arith.constant 20 : i32
    %barrier3A_235 = arith.constant 0 : index
    tpu.barrier barrier_id(%barrier3A_235)
    %mul3A_236 = arith.constant 640 : i32
    %mul3A_237 = arith.muli %arg1, %mul3A_236 : i32
    %mul3A_238 = arith.constant 640 : i32
    %mul3A_239 = arith.muli %arg1, %mul3A_238 : i32
    "tpu.region"() ({
      %run_scoped3A = tpu.sem_alloc : memref<!tpu.dma_semaphore, #tpu.memory_space<semaphore_mem>>
      %dma_start3A_240 = arith.constant 0 : i32
      %dma_start3A_241 = tpu.memref_slice %arg5[%arg0, %mul3A_239, %dma_start3A_240] : memref<2x10240x128xf32, #tpu.memory_space<hbm>> -> memref<1x640x128xf32, #tpu.memory_space<hbm>>
      %dma_start3A_242 = tpu.memref_squeeze %dma_start3A_241 : memref<1x640x128xf32, #tpu.memory_space<hbm>> -> memref<640x128xf32, #tpu.memory_space<hbm>>
      %dma_start3A_243 = arith.constant 0 : i32
      %dma_start3A_244 = tpu.memref_slice %arg9[%mul3A_237, %dma_start3A_243] : memref<10240x128xf32, #tpu.memory_space<vmem_shared>> -> memref<640x128xf32, #tpu.memory_space<vmem_shared>>
      tpu.enqueue_dma source(%dma_start3A_244 : memref<640x128xf32, #tpu.memory_space<vmem_shared>>) target(%dma_start3A_242 : memref<640x128xf32, #tpu.memory_space<hbm>>) target_semaphore(%run_scoped3A : memref<!tpu.dma_semaphore, #tpu.memory_space<semaphore_mem>>)
      %dma_wait3A = arith.constant 0 : i32
      %dma_wait3A_245 = tpu.memref_slice %arg5[%arg0, %mul3A_239, %dma_wait3A] : memref<2x10240x128xf32, #tpu.memory_space<hbm>> -> memref<1x640x128xf32, #tpu.memory_space<hbm>>
      %dma_wait3A_246 = tpu.memref_squeeze %dma_wait3A_245 : memref<1x640x128xf32, #tpu.memory_space<hbm>> -> memref<640x128xf32, #tpu.memory_space<hbm>>
      %dma_wait3A_247 = arith.constant 0 : i32
      %dma_wait3A_248 = tpu.memref_slice %arg9[%mul3A_237, %dma_wait3A_247] : memref<10240x128xf32, #tpu.memory_space<vmem_shared>> -> memref<640x128xf32, #tpu.memory_space<vmem_shared>>
      tpu.wait_dma2 semaphore(%run_scoped3A : memref<!tpu.dma_semaphore, #tpu.memory_space<semaphore_mem>>) src(%dma_wait3A_248 : memref<640x128xf32, #tpu.memory_space<vmem_shared>>) dst(%dma_wait3A_246 : memref<640x128xf32, #tpu.memory_space<hbm>>)
      tpu.yield
    }) : () -> ()
    return
  }
}

#map = affine_map<(d0, d1) -> (0, 0)>
#map1 = affine_map<(d0, d1) -> (0, 0, 0)>
module attributes {stable_mosaic.version = 14 : i64} {
  func.func @_msg_body(%arg0: i32, %arg1: i32, %arg2: memref<10240x128xf32, #tpu.memory_space<hbm>>, %arg3: memref<32x10240xi32, #tpu.memory_space<hbm>>, %arg4: memref<32x10240xi32, #tpu.memory_space<hbm>>, %arg5: memref<2x10240x128xf32, #tpu.memory_space<hbm>>, %arg6: memref<5120xi32, #tpu.memory_space<vmem>>, %arg7: memref<5120xi32, #tpu.memory_space<vmem>>, %arg8: memref<8x32x128xf32, #tpu.memory_space<vmem>>, %arg9: memref<10240x128xf32, #tpu.memory_space<vmem_shared>>, %arg10: memref<8x!tpu.dma_semaphore, #tpu.memory_space<semaphore_mem>>) attributes {dimension_semantics = [#tpu.dimension_semantics<core_parallel>, #tpu.dimension_semantics<subcore_parallel>], iteration_bounds = array<i64: 2, 16>, scalar_prefetch = 0 : i64, scratch_operands = 5 : i64, tpu.core_type = #tpu.core_type<sc_vector_subcore>, window_params = [{transform_indices = #map}, {transform_indices = #map}, {transform_indices = #map}, {transform_indices = #map1}]} {
    %mul3A = arith.constant 16 : i32
    %mul3A_0 = arith.muli %arg0, %mul3A : i32
    %add3A = arith.addi %mul3A_0, %arg1 : i32
    %scan3A = arith.constant 0 : i32
    %scan3A_1 = arith.constant 0 : i32
    %scan3A_2 = arith.constant 256 : i32
    %scan3A_3 = arith.addi %scan3A_1, %scan3A_2 : i32
    %scan3A_4 = arith.constant 1 : i32
    %scan3A_5 = scf.for %scan3A_240 = %scan3A_1 to %scan3A_3 step %scan3A_4 iter_args(%scan3A_241 = %scan3A) -> (i32)  : i32 {
      %broadcast_in_dim3A = arith.constant 0.000000e+00 : f32
      %broadcast_in_dim3A_242 = vector.broadcast %broadcast_in_dim3A : f32 to vector<16xf32>
      %jit3A = arith.constant 8 : i32
      %div3A = arith.divsi %scan3A_240, %jit3A : i32
      %sign3A = arith.constant 0 : i32
      %sign3A_243 = arith.cmpi sgt, %scan3A_240, %sign3A : i32
      %sign3A_244 = arith.extui %sign3A_243 : i1 to i32
      %sign3A_245 = arith.constant 0 : i32
      %sign3A_246 = arith.cmpi slt, %scan3A_240, %sign3A_245 : i32
      %sign3A_247 = arith.extui %sign3A_246 : i1 to i32
      %sign3A_248 = arith.subi %sign3A_244, %sign3A_247 : i32
      %sign3A_249 = arith.constant 0 : i32
      %sign3A_250 = arith.cmpi sgt, %jit3A, %sign3A_249 : i32
      %sign3A_251 = arith.extui %sign3A_250 : i1 to i32
      %sign3A_252 = arith.constant 0 : i32
      %sign3A_253 = arith.cmpi slt, %jit3A, %sign3A_252 : i32
      %sign3A_254 = arith.extui %sign3A_253 : i1 to i32
      %sign3A_255 = arith.subi %sign3A_251, %sign3A_254 : i32
      %ne3A = arith.cmpi ne, %sign3A_248, %sign3A_255 : i32
      %rem3A = arith.remsi %scan3A_240, %jit3A : i32
      %ne3A_256 = arith.constant 0 : i32
      %ne3A_257 = arith.cmpi ne, %rem3A, %ne3A_256 : i32
      %and3A = arith.andi %ne3A, %ne3A_257 : i1
      %sub3A = arith.constant 1 : i32
      %sub3A_258 = arith.subi %div3A, %sub3A : i32
      %select_n3A = arith.select %and3A, %sub3A_258, %div3A : i32
      %jit3A_259 = arith.constant 8 : i32
      %eq3A = arith.constant 0 : i32
      %eq3A_260 = arith.cmpi eq, %jit3A_259, %eq3A : i32
      %jit3A_261 = arith.constant 1 : i32
      %select_n3A_262 = arith.select %eq3A_260, %jit3A_261, %jit3A_259 : i32
      %rem3A_263 = arith.remsi %scan3A_240, %select_n3A_262 : i32
      %ne3A_264 = arith.constant 0 : i32
      %ne3A_265 = arith.cmpi ne, %rem3A_263, %ne3A_264 : i32
      %lt3A = arith.constant 0 : i32
      %lt3A_266 = arith.cmpi slt, %rem3A_263, %lt3A : i32
      %lt3A_267 = arith.constant 0 : i32
      %lt3A_268 = arith.cmpi slt, %select_n3A_262, %lt3A_267 : i32
      %ne3A_269 = arith.xori %lt3A_266, %lt3A_268 : i1
      %and3A_270 = arith.andi %ne3A_269, %ne3A_265 : i1
      %add3A_271 = arith.addi %rem3A_263, %select_n3A_262 : i32
      %select_n3A_272 = arith.select %and3A_270, %add3A_271, %rem3A_263 : i32
      %mul3A_273 = arith.constant 16 : i32
      %mul3A_274 = arith.muli %select_n3A_272, %mul3A_273 : i32
      %swap3A = arith.constant 0 : i32
      %swap3A_275 = arith.index_cast %swap3A : i32 to index
      %swap3A_276 = arith.index_cast %select_n3A : i32 to index
      %swap3A_277 = arith.index_cast %mul3A_274 : i32 to index
      %swap3A_278 = tpu.vector_load %arg8[%swap3A_275, %swap3A_276, %swap3A_277] {strides = array<i32>} : memref<8x32x128xf32, #tpu.memory_space<vmem>>, vector<1x1x16xf32>,
      %swap3A_279 = vector.shape_cast %swap3A_278 : vector<1x1x16xf32> to vector<16xf32>
      %swap3A_280 = vector.shape_cast %broadcast_in_dim3A_242 : vector<16xf32> to vector<1x1x16xf32>
      tpu.vector_store %arg8[%swap3A_275, %swap3A_276, %swap3A_277], %swap3A_280 {strides = array<i32>} : memref<8x32x128xf32, #tpu.memory_space<vmem>>, vector<1x1x16xf32>,
      %scan3A_281 = arith.constant 0 : i32
      scf.yield %scan3A_281 : i32
    }
    %scan3A_6 = arith.constant 256 : i32
    %scan3A_7 = arith.constant 0 : i32
    %scan3A_8 = arith.constant 0 : i32
    %scan3A_9 = arith.constant 20 : i32
    %scan3A_10 = arith.addi %scan3A_8, %scan3A_9 : i32
    %scan3A_11 = arith.constant 1 : i32
    %scan3A_12 = scf.for %scan3A_240 = %scan3A_8 to %scan3A_10 step %scan3A_11 iter_args(%scan3A_241 = %scan3A_7) -> (i32)  : i32 {
      %mul3A_242 = arith.constant 640 : i32
      %mul3A_243 = arith.muli %arg1, %mul3A_242 : i32
      %mul3A_244 = arith.constant 32 : i32
      %mul3A_245 = arith.muli %scan3A_240, %mul3A_244 : i32
      %add3A_246 = arith.addi %mul3A_243, %mul3A_245 : i32
      %run_scoped3A = arith.constant 0 : i32
      "tpu.region"() ({
        %run_scoped3A_248 = tpu.sem_alloc : memref<!tpu.dma_semaphore, #tpu.memory_space<semaphore_mem>>
        %dma_start3A_249 = arith.constant 0 : i32
        %dma_start3A_250 = arith.constant 0 : i32
        %dma_start3A_251 = tpu.memref_slice %arg8[%run_scoped3A, %dma_start3A_249, %dma_start3A_250] : memref<8x32x128xf32, #tpu.memory_space<vmem>> -> memref<1x32x128xf32, #tpu.memory_space<vmem>>
        %dma_start3A_252 = tpu.memref_squeeze %dma_start3A_251 : memref<1x32x128xf32, #tpu.memory_space<vmem>> -> memref<32x128xf32, #tpu.memory_space<vmem>>
        %dma_start3A_253 = arith.constant 0 : i32
        %dma_start3A_254 = tpu.memref_slice %arg9[%add3A_246, %dma_start3A_253] : memref<10240x128xf32, #tpu.memory_space<vmem_shared>> -> memref<32x128xf32, #tpu.memory_space<vmem_shared>>
        %dma_start3A_255 = arith.constant 0 : i32
        %dma_start3A_256 = tpu.memref_slice %arg9[%add3A_246, %dma_start3A_255] : memref<10240x128xf32, #tpu.memory_space<vmem_shared>> -> memref<32x128xf32, #tpu.memory_space<vmem_shared>>
        %dma_start3A_257 = arith.constant 0 : i32
        %dma_start3A_258 = arith.constant 0 : i32
        %dma_start3A_259 = tpu.memref_slice %arg8[%run_scoped3A, %dma_start3A_257, %dma_start3A_258] : memref<8x32x128xf32, #tpu.memory_space<vmem>> -> memref<1x32x128xf32, #tpu.memory_space<vmem>>
        %dma_start3A_260 = tpu.memref_squeeze %dma_start3A_259 : memref<1x32x128xf32, #tpu.memory_space<vmem>> -> memref<32x128xf32, #tpu.memory_space<vmem>>
        tpu.enqueue_dma source(%dma_start3A_260 : memref<32x128xf32, #tpu.memory_space<vmem>>) target(%dma_start3A_256 : memref<32x128xf32, #tpu.memory_space<vmem_shared>>) target_semaphore(%run_scoped3A_248 : memref<!tpu.dma_semaphore, #tpu.memory_space<semaphore_mem>>)
        %dma_wait3A = arith.constant 0 : i32
        %dma_wait3A_261 = arith.constant 0 : i32
        %dma_wait3A_262 = tpu.memref_slice %arg8[%run_scoped3A, %dma_wait3A, %dma_wait3A_261] : memref<8x32x128xf32, #tpu.memory_space<vmem>> -> memref<1x32x128xf32, #tpu.memory_space<vmem>>
        %dma_wait3A_263 = tpu.memref_squeeze %dma_wait3A_262 : memref<1x32x128xf32, #tpu.memory_space<vmem>> -> memref<32x128xf32, #tpu.memory_space<vmem>>
        %dma_wait3A_264 = arith.constant 0 : i32
        %dma_wait3A_265 = tpu.memref_slice %arg9[%add3A_246, %dma_wait3A_264] : memref<10240x128xf32, #tpu.memory_space<vmem_shared>> -> memref<32x128xf32, #tpu.memory_space<vmem_shared>>
        %dma_wait3A_266 = arith.constant 0 : i32
        %dma_wait3A_267 = tpu.memref_slice %arg9[%add3A_246, %dma_wait3A_266] : memref<10240x128xf32, #tpu.memory_space<vmem_shared>> -> memref<32x128xf32, #tpu.memory_space<vmem_shared>>
        %dma_wait3A_268 = arith.constant 0 : i32
        %dma_wait3A_269 = arith.constant 0 : i32
        %dma_wait3A_270 = tpu.memref_slice %arg8[%run_scoped3A, %dma_wait3A_268, %dma_wait3A_269] : memref<8x32x128xf32, #tpu.memory_space<vmem>> -> memref<1x32x128xf32, #tpu.memory_space<vmem>>
        %dma_wait3A_271 = tpu.memref_squeeze %dma_wait3A_270 : memref<1x32x128xf32, #tpu.memory_space<vmem>> -> memref<32x128xf32, #tpu.memory_space<vmem>>
        tpu.wait_dma2 semaphore(%run_scoped3A_248 : memref<!tpu.dma_semaphore, #tpu.memory_space<semaphore_mem>>) src(%dma_wait3A_271 : memref<32x128xf32, #tpu.memory_space<vmem>>) dst(%dma_wait3A_267 : memref<32x128xf32, #tpu.memory_space<vmem_shared>>)
        tpu.yield
      }) : () -> ()
      %scan3A_247 = arith.constant 0 : i32
      scf.yield %scan3A_247 : i32
    }
    %scan3A_13 = arith.constant 20 : i32
    %barrier3A = arith.constant 0 : index
    tpu.barrier barrier_id(%barrier3A)
    "tpu.region"() ({
      %run_scoped3A = tpu.sem_alloc : memref<!tpu.dma_semaphore, #tpu.memory_space<semaphore_mem>>
      %dma_start3A_240 = arith.constant 0 : i32
      %dma_start3A_241 = tpu.memref_slice %arg3[%add3A, %dma_start3A_240] : memref<32x10240xi32, #tpu.memory_space<hbm>> -> memref<1x5120xi32, #tpu.memory_space<hbm>>
      %dma_start3A_242 = tpu.memref_squeeze %dma_start3A_241 : memref<1x5120xi32, #tpu.memory_space<hbm>> -> memref<5120xi32, #tpu.memory_space<hbm>>
      %dma_start3A_243 = arith.constant 0 : i32
      %dma_start3A_244 = tpu.memref_slice %arg3[%add3A, %dma_start3A_243] : memref<32x10240xi32, #tpu.memory_space<hbm>> -> memref<1x5120xi32, #tpu.memory_space<hbm>>
      %dma_start3A_245 = tpu.memref_squeeze %dma_start3A_244 : memref<1x5120xi32, #tpu.memory_space<hbm>> -> memref<5120xi32, #tpu.memory_space<hbm>>
      tpu.enqueue_dma source(%dma_start3A_245 : memref<5120xi32, #tpu.memory_space<hbm>>) target(%arg6 : memref<5120xi32, #tpu.memory_space<vmem>>) target_semaphore(%run_scoped3A : memref<!tpu.dma_semaphore, #tpu.memory_space<semaphore_mem>>)
      %dma_wait3A = arith.constant 0 : i32
      %dma_wait3A_246 = tpu.memref_slice %arg3[%add3A, %dma_wait3A] : memref<32x10240xi32, #tpu.memory_space<hbm>> -> memref<1x5120xi32, #tpu.memory_space<hbm>>
      %dma_wait3A_247 = tpu.memref_squeeze %dma_wait3A_246 : memref<1x5120xi32, #tpu.memory_space<hbm>> -> memref<5120xi32, #tpu.memory_space<hbm>>
      %dma_wait3A_248 = arith.constant 0 : i32
      %dma_wait3A_249 = tpu.memref_slice %arg3[%add3A, %dma_wait3A_248] : memref<32x10240xi32, #tpu.memory_space<hbm>> -> memref<1x5120xi32, #tpu.memory_space<hbm>>
      %dma_wait3A_250 = tpu.memref_squeeze %dma_wait3A_249 : memref<1x5120xi32, #tpu.memory_space<hbm>> -> memref<5120xi32, #tpu.memory_space<hbm>>
      tpu.wait_dma2 semaphore(%run_scoped3A : memref<!tpu.dma_semaphore, #tpu.memory_space<semaphore_mem>>) src(%dma_wait3A_250 : memref<5120xi32, #tpu.memory_space<hbm>>) dst(%arg6 : memref<5120xi32, #tpu.memory_space<vmem>>)
      tpu.yield
    }) : () -> ()
    "tpu.region"() ({
      %run_scoped3A = tpu.sem_alloc : memref<!tpu.dma_semaphore, #tpu.memory_space<semaphore_mem>>
      %dma_start3A_240 = arith.constant 0 : i32
      %dma_start3A_241 = tpu.memref_slice %arg4[%add3A, %dma_start3A_240] : memref<32x10240xi32, #tpu.memory_space<hbm>> -> memref<1x5120xi32, #tpu.memory_space<hbm>>
      %dma_start3A_242 = tpu.memref_squeeze %dma_start3A_241 : memref<1x5120xi32, #tpu.memory_space<hbm>> -> memref<5120xi32, #tpu.memory_space<hbm>>
      %dma_start3A_243 = arith.constant 0 : i32
      %dma_start3A_244 = tpu.memref_slice %arg4[%add3A, %dma_start3A_243] : memref<32x10240xi32, #tpu.memory_space<hbm>> -> memref<1x5120xi32, #tpu.memory_space<hbm>>
      %dma_start3A_245 = tpu.memref_squeeze %dma_start3A_244 : memref<1x5120xi32, #tpu.memory_space<hbm>> -> memref<5120xi32, #tpu.memory_space<hbm>>
      tpu.enqueue_dma source(%dma_start3A_245 : memref<5120xi32, #tpu.memory_space<hbm>>) target(%arg7 : memref<5120xi32, #tpu.memory_space<vmem>>) target_semaphore(%run_scoped3A : memref<!tpu.dma_semaphore, #tpu.memory_space<semaphore_mem>>)
      %dma_wait3A = arith.constant 0 : i32
      %dma_wait3A_246 = tpu.memref_slice %arg4[%add3A, %dma_wait3A] : memref<32x10240xi32, #tpu.memory_space<hbm>> -> memref<1x5120xi32, #tpu.memory_space<hbm>>
      %dma_wait3A_247 = tpu.memref_squeeze %dma_wait3A_246 : memref<1x5120xi32, #tpu.memory_space<hbm>> -> memref<5120xi32, #tpu.memory_space<hbm>>
      %dma_wait3A_248 = arith.constant 0 : i32
      %dma_wait3A_249 = tpu.memref_slice %arg4[%add3A, %dma_wait3A_248] : memref<32x10240xi32, #tpu.memory_space<hbm>> -> memref<1x5120xi32, #tpu.memory_space<hbm>>
      %dma_wait3A_250 = tpu.memref_squeeze %dma_wait3A_249 : memref<1x5120xi32, #tpu.memory_space<hbm>> -> memref<5120xi32, #tpu.memory_space<hbm>>
      tpu.wait_dma2 semaphore(%run_scoped3A : memref<!tpu.dma_semaphore, #tpu.memory_space<semaphore_mem>>) src(%dma_wait3A_250 : memref<5120xi32, #tpu.memory_space<hbm>>) dst(%arg7 : memref<5120xi32, #tpu.memory_space<vmem>>)
      tpu.yield
    }) : () -> ()
    %dma_start3A = arith.constant 0 : i32
    %dma_start3A_14 = arith.constant 0 : i32
    %dma_start3A_15 = arith.constant 0 : i32
    %dma_start3A_16 = arith.constant 0 : i32
    %dma_start3A_17 = tpu.memref_slice %arg8[%dma_start3A, %dma_start3A_15, %dma_start3A_16] : memref<8x32x128xf32, #tpu.memory_space<vmem>> -> memref<1x32x128xf32, #tpu.memory_space<vmem>>
    %dma_start3A_18 = tpu.memref_squeeze %dma_start3A_17 : memref<1x32x128xf32, #tpu.memory_space<vmem>> -> memref<32x128xf32, #tpu.memory_space<vmem>>
    %dma_start3A_19 = arith.constant 0 : i32
    %dma_start3A_20 = tpu.memref_slice %arg6[%dma_start3A_19] : memref<5120xi32, #tpu.memory_space<vmem>> -> memref<32xi32, #tpu.memory_space<vmem>>
    %dma_start3A_21 = arith.constant 0 : i32
    %dma_start3A_22 = arith.constant 0 : i32
    %dma_start3A_23 = tpu.memref_slice %arg2[%dma_start3A_21, %dma_start3A_22] : memref<10240x128xf32, #tpu.memory_space<hbm>> -> memref<10240x128xf32, #tpu.memory_space<hbm>>
    %dma_start3A_24 = tpu.memref_slice %arg10[%dma_start3A_14] : memref<8x!tpu.dma_semaphore, #tpu.memory_space<semaphore_mem>> -> memref<1x!tpu.dma_semaphore, #tpu.memory_space<semaphore_mem>>
    %dma_start3A_25 = tpu.memref_squeeze %dma_start3A_24 : memref<1x!tpu.dma_semaphore, #tpu.memory_space<semaphore_mem>> -> memref<!tpu.dma_semaphore, #tpu.memory_space<semaphore_mem>>
    tpu.enqueue_indirect_dma source(%dma_start3A_23 : memref<10240x128xf32, #tpu.memory_space<hbm>>) target(%dma_start3A_18 : memref<32x128xf32, #tpu.memory_space<vmem>>) offsets(%dma_start3A_20 : memref<32xi32, #tpu.memory_space<vmem>>) semaphore(%dma_start3A_25 : memref<!tpu.dma_semaphore, #tpu.memory_space<semaphore_mem>>)
    %dma_start3A_26 = arith.constant 1 : i32
    %dma_start3A_27 = arith.constant 1 : i32
    %dma_start3A_28 = arith.constant 0 : i32
    %dma_start3A_29 = arith.constant 0 : i32
    %dma_start3A_30 = tpu.memref_slice %arg8[%dma_start3A_26, %dma_start3A_28, %dma_start3A_29] : memref<8x32x128xf32, #tpu.memory_space<vmem>> -> memref<1x32x128xf32, #tpu.memory_space<vmem>>
    %dma_start3A_31 = tpu.memref_squeeze %dma_start3A_30 : memref<1x32x128xf32, #tpu.memory_space<vmem>> -> memref<32x128xf32, #tpu.memory_space<vmem>>
    %dma_start3A_32 = arith.constant 32 : i32
    %dma_start3A_33 = tpu.memref_slice %arg6[%dma_start3A_32] : memref<5120xi32, #tpu.memory_space<vmem>> -> memref<32xi32, #tpu.memory_space<vmem>>
    %dma_start3A_34 = arith.constant 0 : i32
    %dma_start3A_35 = arith.constant 0 : i32
    %dma_start3A_36 = tpu.memref_slice %arg2[%dma_start3A_34, %dma_start3A_35] : memref<10240x128xf32, #tpu.memory_space<hbm>> -> memref<10240x128xf32, #tpu.memory_space<hbm>>
    %dma_start3A_37 = tpu.memref_slice %arg10[%dma_start3A_27] : memref<8x!tpu.dma_semaphore, #tpu.memory_space<semaphore_mem>> -> memref<1x!tpu.dma_semaphore, #tpu.memory_space<semaphore_mem>>
    %dma_start3A_38 = tpu.memref_squeeze %dma_start3A_37 : memref<1x!tpu.dma_semaphore, #tpu.memory_space<semaphore_mem>> -> memref<!tpu.dma_semaphore, #tpu.memory_space<semaphore_mem>>
    tpu.enqueue_indirect_dma source(%dma_start3A_36 : memref<10240x128xf32, #tpu.memory_space<hbm>>) target(%dma_start3A_31 : memref<32x128xf32, #tpu.memory_space<vmem>>) offsets(%dma_start3A_33 : memref<32xi32, #tpu.memory_space<vmem>>) semaphore(%dma_start3A_38 : memref<!tpu.dma_semaphore, #tpu.memory_space<semaphore_mem>>)
    %dma_start3A_39 = arith.constant 2 : i32
    %dma_start3A_40 = arith.constant 2 : i32
    %dma_start3A_41 = arith.constant 0 : i32
    %dma_start3A_42 = arith.constant 0 : i32
    %dma_start3A_43 = tpu.memref_slice %arg8[%dma_start3A_39, %dma_start3A_41, %dma_start3A_42] : memref<8x32x128xf32, #tpu.memory_space<vmem>> -> memref<1x32x128xf32, #tpu.memory_space<vmem>>
    %dma_start3A_44 = tpu.memref_squeeze %dma_start3A_43 : memref<1x32x128xf32, #tpu.memory_space<vmem>> -> memref<32x128xf32, #tpu.memory_space<vmem>>
    %dma_start3A_45 = arith.constant 64 : i32
    %dma_start3A_46 = tpu.memref_slice %arg6[%dma_start3A_45] : memref<5120xi32, #tpu.memory_space<vmem>> -> memref<32xi32, #tpu.memory_space<vmem>>
    %dma_start3A_47 = arith.constant 0 : i32
    %dma_start3A_48 = arith.constant 0 : i32
    %dma_start3A_49 = tpu.memref_slice %arg2[%dma_start3A_47, %dma_start3A_48] : memref<10240x128xf32, #tpu.memory_space<hbm>> -> memref<10240x128xf32, #tpu.memory_space<hbm>>
    %dma_start3A_50 = tpu.memref_slice %arg10[%dma_start3A_40] : memref<8x!tpu.dma_semaphore, #tpu.memory_space<semaphore_mem>> -> memref<1x!tpu.dma_semaphore, #tpu.memory_space<semaphore_mem>>
    %dma_start3A_51 = tpu.memref_squeeze %dma_start3A_50 : memref<1x!tpu.dma_semaphore, #tpu.memory_space<semaphore_mem>> -> memref<!tpu.dma_semaphore, #tpu.memory_space<semaphore_mem>>
    tpu.enqueue_indirect_dma source(%dma_start3A_49 : memref<10240x128xf32, #tpu.memory_space<hbm>>) target(%dma_start3A_44 : memref<32x128xf32, #tpu.memory_space<vmem>>) offsets(%dma_start3A_46 : memref<32xi32, #tpu.memory_space<vmem>>) semaphore(%dma_start3A_51 : memref<!tpu.dma_semaphore, #tpu.memory_space<semaphore_mem>>)
    %dma_start3A_52 = arith.constant 3 : i32
    %dma_start3A_53 = arith.constant 3 : i32
    %dma_start3A_54 = arith.constant 0 : i32
    %dma_start3A_55 = arith.constant 0 : i32
    %dma_start3A_56 = tpu.memref_slice %arg8[%dma_start3A_52, %dma_start3A_54, %dma_start3A_55] : memref<8x32x128xf32, #tpu.memory_space<vmem>> -> memref<1x32x128xf32, #tpu.memory_space<vmem>>
    %dma_start3A_57 = tpu.memref_squeeze %dma_start3A_56 : memref<1x32x128xf32, #tpu.memory_space<vmem>> -> memref<32x128xf32, #tpu.memory_space<vmem>>
    %dma_start3A_58 = arith.constant 96 : i32
    %dma_start3A_59 = tpu.memref_slice %arg6[%dma_start3A_58] : memref<5120xi32, #tpu.memory_space<vmem>> -> memref<32xi32, #tpu.memory_space<vmem>>
    %dma_start3A_60 = arith.constant 0 : i32
    %dma_start3A_61 = arith.constant 0 : i32
    %dma_start3A_62 = tpu.memref_slice %arg2[%dma_start3A_60, %dma_start3A_61] : memref<10240x128xf32, #tpu.memory_space<hbm>> -> memref<10240x128xf32, #tpu.memory_space<hbm>>
    %dma_start3A_63 = tpu.memref_slice %arg10[%dma_start3A_53] : memref<8x!tpu.dma_semaphore, #tpu.memory_space<semaphore_mem>> -> memref<1x!tpu.dma_semaphore, #tpu.memory_space<semaphore_mem>>
    %dma_start3A_64 = tpu.memref_squeeze %dma_start3A_63 : memref<1x!tpu.dma_semaphore, #tpu.memory_space<semaphore_mem>> -> memref<!tpu.dma_semaphore, #tpu.memory_space<semaphore_mem>>
    tpu.enqueue_indirect_dma source(%dma_start3A_62 : memref<10240x128xf32, #tpu.memory_space<hbm>>) target(%dma_start3A_57 : memref<32x128xf32, #tpu.memory_space<vmem>>) offsets(%dma_start3A_59 : memref<32xi32, #tpu.memory_space<vmem>>) semaphore(%dma_start3A_64 : memref<!tpu.dma_semaphore, #tpu.memory_space<semaphore_mem>>)
    %dma_start3A_65 = arith.constant 4 : i32
    %dma_start3A_66 = arith.constant 4 : i32
    %dma_start3A_67 = arith.constant 0 : i32
    %dma_start3A_68 = arith.constant 0 : i32
    %dma_start3A_69 = tpu.memref_slice %arg8[%dma_start3A_65, %dma_start3A_67, %dma_start3A_68] : memref<8x32x128xf32, #tpu.memory_space<vmem>> -> memref<1x32x128xf32, #tpu.memory_space<vmem>>
    %dma_start3A_70 = tpu.memref_squeeze %dma_start3A_69 : memref<1x32x128xf32, #tpu.memory_space<vmem>> -> memref<32x128xf32, #tpu.memory_space<vmem>>
    %dma_start3A_71 = arith.constant 128 : i32
    %dma_start3A_72 = tpu.memref_slice %arg6[%dma_start3A_71] : memref<5120xi32, #tpu.memory_space<vmem>> -> memref<32xi32, #tpu.memory_space<vmem>>
    %dma_start3A_73 = arith.constant 0 : i32
    %dma_start3A_74 = arith.constant 0 : i32
    %dma_start3A_75 = tpu.memref_slice %arg2[%dma_start3A_73, %dma_start3A_74] : memref<10240x128xf32, #tpu.memory_space<hbm>> -> memref<10240x128xf32, #tpu.memory_space<hbm>>
    %dma_start3A_76 = tpu.memref_slice %arg10[%dma_start3A_66] : memref<8x!tpu.dma_semaphore, #tpu.memory_space<semaphore_mem>> -> memref<1x!tpu.dma_semaphore, #tpu.memory_space<semaphore_mem>>
    %dma_start3A_77 = tpu.memref_squeeze %dma_start3A_76 : memref<1x!tpu.dma_semaphore, #tpu.memory_space<semaphore_mem>> -> memref<!tpu.dma_semaphore, #tpu.memory_space<semaphore_mem>>
    tpu.enqueue_indirect_dma source(%dma_start3A_75 : memref<10240x128xf32, #tpu.memory_space<hbm>>) target(%dma_start3A_70 : memref<32x128xf32, #tpu.memory_space<vmem>>) offsets(%dma_start3A_72 : memref<32xi32, #tpu.memory_space<vmem>>) semaphore(%dma_start3A_77 : memref<!tpu.dma_semaphore, #tpu.memory_space<semaphore_mem>>)
    %dma_start3A_78 = arith.constant 5 : i32
    %dma_start3A_79 = arith.constant 5 : i32
    %dma_start3A_80 = arith.constant 0 : i32
    %dma_start3A_81 = arith.constant 0 : i32
    %dma_start3A_82 = tpu.memref_slice %arg8[%dma_start3A_78, %dma_start3A_80, %dma_start3A_81] : memref<8x32x128xf32, #tpu.memory_space<vmem>> -> memref<1x32x128xf32, #tpu.memory_space<vmem>>
    %dma_start3A_83 = tpu.memref_squeeze %dma_start3A_82 : memref<1x32x128xf32, #tpu.memory_space<vmem>> -> memref<32x128xf32, #tpu.memory_space<vmem>>
    %dma_start3A_84 = arith.constant 160 : i32
    %dma_start3A_85 = tpu.memref_slice %arg6[%dma_start3A_84] : memref<5120xi32, #tpu.memory_space<vmem>> -> memref<32xi32, #tpu.memory_space<vmem>>
    %dma_start3A_86 = arith.constant 0 : i32
    %dma_start3A_87 = arith.constant 0 : i32
    %dma_start3A_88 = tpu.memref_slice %arg2[%dma_start3A_86, %dma_start3A_87] : memref<10240x128xf32, #tpu.memory_space<hbm>> -> memref<10240x128xf32, #tpu.memory_space<hbm>>
    %dma_start3A_89 = tpu.memref_slice %arg10[%dma_start3A_79] : memref<8x!tpu.dma_semaphore, #tpu.memory_space<semaphore_mem>> -> memref<1x!tpu.dma_semaphore, #tpu.memory_space<semaphore_mem>>
    %dma_start3A_90 = tpu.memref_squeeze %dma_start3A_89 : memref<1x!tpu.dma_semaphore, #tpu.memory_space<semaphore_mem>> -> memref<!tpu.dma_semaphore, #tpu.memory_space<semaphore_mem>>
    tpu.enqueue_indirect_dma source(%dma_start3A_88 : memref<10240x128xf32, #tpu.memory_space<hbm>>) target(%dma_start3A_83 : memref<32x128xf32, #tpu.memory_space<vmem>>) offsets(%dma_start3A_85 : memref<32xi32, #tpu.memory_space<vmem>>) semaphore(%dma_start3A_90 : memref<!tpu.dma_semaphore, #tpu.memory_space<semaphore_mem>>)
    %dma_start3A_91 = arith.constant 6 : i32
    %dma_start3A_92 = arith.constant 6 : i32
    %dma_start3A_93 = arith.constant 0 : i32
    %dma_start3A_94 = arith.constant 0 : i32
    %dma_start3A_95 = tpu.memref_slice %arg8[%dma_start3A_91, %dma_start3A_93, %dma_start3A_94] : memref<8x32x128xf32, #tpu.memory_space<vmem>> -> memref<1x32x128xf32, #tpu.memory_space<vmem>>
    %dma_start3A_96 = tpu.memref_squeeze %dma_start3A_95 : memref<1x32x128xf32, #tpu.memory_space<vmem>> -> memref<32x128xf32, #tpu.memory_space<vmem>>
    %dma_start3A_97 = arith.constant 192 : i32
    %dma_start3A_98 = tpu.memref_slice %arg6[%dma_start3A_97] : memref<5120xi32, #tpu.memory_space<vmem>> -> memref<32xi32, #tpu.memory_space<vmem>>
    %dma_start3A_99 = arith.constant 0 : i32
    %dma_start3A_100 = arith.constant 0 : i32
    %dma_start3A_101 = tpu.memref_slice %arg2[%dma_start3A_99, %dma_start3A_100] : memref<10240x128xf32, #tpu.memory_space<hbm>> -> memref<10240x128xf32, #tpu.memory_space<hbm>>
    %dma_start3A_102 = tpu.memref_slice %arg10[%dma_start3A_92] : memref<8x!tpu.dma_semaphore, #tpu.memory_space<semaphore_mem>> -> memref<1x!tpu.dma_semaphore, #tpu.memory_space<semaphore_mem>>
    %dma_start3A_103 = tpu.memref_squeeze %dma_start3A_102 : memref<1x!tpu.dma_semaphore, #tpu.memory_space<semaphore_mem>> -> memref<!tpu.dma_semaphore, #tpu.memory_space<semaphore_mem>>
    tpu.enqueue_indirect_dma source(%dma_start3A_101 : memref<10240x128xf32, #tpu.memory_space<hbm>>) target(%dma_start3A_96 : memref<32x128xf32, #tpu.memory_space<vmem>>) offsets(%dma_start3A_98 : memref<32xi32, #tpu.memory_space<vmem>>) semaphore(%dma_start3A_103 : memref<!tpu.dma_semaphore, #tpu.memory_space<semaphore_mem>>)
    %dma_start3A_104 = arith.constant 7 : i32
    %dma_start3A_105 = arith.constant 7 : i32
    %dma_start3A_106 = arith.constant 0 : i32
    %dma_start3A_107 = arith.constant 0 : i32
    %dma_start3A_108 = tpu.memref_slice %arg8[%dma_start3A_104, %dma_start3A_106, %dma_start3A_107] : memref<8x32x128xf32, #tpu.memory_space<vmem>> -> memref<1x32x128xf32, #tpu.memory_space<vmem>>
    %dma_start3A_109 = tpu.memref_squeeze %dma_start3A_108 : memref<1x32x128xf32, #tpu.memory_space<vmem>> -> memref<32x128xf32, #tpu.memory_space<vmem>>
    %dma_start3A_110 = arith.constant 224 : i32
    %dma_start3A_111 = tpu.memref_slice %arg6[%dma_start3A_110] : memref<5120xi32, #tpu.memory_space<vmem>> -> memref<32xi32, #tpu.memory_space<vmem>>
    %dma_start3A_112 = arith.constant 0 : i32
    %dma_start3A_113 = arith.constant 0 : i32
    %dma_start3A_114 = tpu.memref_slice %arg2[%dma_start3A_112, %dma_start3A_113] : memref<10240x128xf32, #tpu.memory_space<hbm>> -> memref<10240x128xf32, #tpu.memory_space<hbm>>
    %dma_start3A_115 = tpu.memref_slice %arg10[%dma_start3A_105] : memref<8x!tpu.dma_semaphore, #tpu.memory_space<semaphore_mem>> -> memref<1x!tpu.dma_semaphore, #tpu.memory_space<semaphore_mem>>
    %dma_start3A_116 = tpu.memref_squeeze %dma_start3A_115 : memref<1x!tpu.dma_semaphore, #tpu.memory_space<semaphore_mem>> -> memref<!tpu.dma_semaphore, #tpu.memory_space<semaphore_mem>>
    tpu.enqueue_indirect_dma source(%dma_start3A_114 : memref<10240x128xf32, #tpu.memory_space<hbm>>) target(%dma_start3A_109 : memref<32x128xf32, #tpu.memory_space<vmem>>) offsets(%dma_start3A_111 : memref<32xi32, #tpu.memory_space<vmem>>) semaphore(%dma_start3A_116 : memref<!tpu.dma_semaphore, #tpu.memory_space<semaphore_mem>>)
    %scan3A_117 = arith.constant 0 : i32
    %scan3A_118 = arith.constant 0 : i32
    %scan3A_119 = arith.constant 20 : i32
    %scan3A_120 = arith.addi %scan3A_118, %scan3A_119 : i32
    %scan3A_121 = arith.constant 1 : i32
    %scan3A_122 = scf.for %scan3A_240 = %scan3A_118 to %scan3A_120 step %scan3A_121 iter_args(%scan3A_241 = %scan3A_117) -> (i32)  : i32 {
      %mul3A_242 = arith.constant 8 : i32
      %mul3A_243 = arith.muli %scan3A_240, %mul3A_242 : i32
      %add3A_244 = arith.constant 0 : i32
      %add3A_245 = arith.addi %mul3A_243, %add3A_244 : i32
      %mul3A_246 = arith.constant 32 : i32
      %mul3A_247 = arith.muli %add3A_245, %mul3A_246 : i32
      %dma_wait3A = arith.constant 0 : i32
      %dma_wait3A_248 = arith.constant 0 : i32
      %dma_wait3A_249 = arith.constant 0 : i32
      %dma_wait3A_250 = arith.constant 0 : i32
      %dma_wait3A_251 = tpu.memref_slice %arg8[%dma_wait3A, %dma_wait3A_249, %dma_wait3A_250] : memref<8x32x128xf32, #tpu.memory_space<vmem>> -> memref<1x32x128xf32, #tpu.memory_space<vmem>>
      %dma_wait3A_252 = tpu.memref_squeeze %dma_wait3A_251 : memref<1x32x128xf32, #tpu.memory_space<vmem>> -> memref<32x128xf32, #tpu.memory_space<vmem>>
      %dma_wait3A_253 = tpu.memref_slice %arg6[%mul3A_247] : memref<5120xi32, #tpu.memory_space<vmem>> -> memref<32xi32, #tpu.memory_space<vmem>>
      %dma_wait3A_254 = arith.constant 0 : i32
      %dma_wait3A_255 = arith.constant 0 : i32
      %dma_wait3A_256 = tpu.memref_slice %arg2[%dma_wait3A_254, %dma_wait3A_255] : memref<10240x128xf32, #tpu.memory_space<hbm>> -> memref<10240x128xf32, #tpu.memory_space<hbm>>
      %dma_wait3A_257 = tpu.memref_slice %arg10[%dma_wait3A_248] : memref<8x!tpu.dma_semaphore, #tpu.memory_space<semaphore_mem>> -> memref<1x!tpu.dma_semaphore, #tpu.memory_space<semaphore_mem>>
      %dma_wait3A_258 = tpu.memref_squeeze %dma_wait3A_257 : memref<1x!tpu.dma_semaphore, #tpu.memory_space<semaphore_mem>> -> memref<!tpu.dma_semaphore, #tpu.memory_space<semaphore_mem>>
      tpu.wait_indirect_dma semaphore(%dma_wait3A_258 : memref<!tpu.dma_semaphore, #tpu.memory_space<semaphore_mem>>) src(%dma_wait3A_256 : memref<10240x128xf32, #tpu.memory_space<hbm>>) dst(%dma_wait3A_252 : memref<32x128xf32, #tpu.memory_space<vmem>>)
      %add3A_259 = arith.constant 0 : i32
      %add3A_260 = arith.addi %mul3A_243, %add3A_259 : i32
      %mul3A_261 = arith.constant 32 : i32
      %mul3A_262 = arith.muli %add3A_260, %mul3A_261 : i32
      %run_scoped3A = arith.constant 0 : i32
      "tpu.region"() ({
        %run_scoped3A_480 = tpu.sem_alloc : memref<!tpu.dma_semaphore, #tpu.memory_space<semaphore_mem>>
        %dma_start3A_481 = arith.constant 0 : i32
        %dma_start3A_482 = arith.constant 0 : i32
        %dma_start3A_483 = tpu.memref_slice %arg8[%run_scoped3A, %dma_start3A_481, %dma_start3A_482] : memref<8x32x128xf32, #tpu.memory_space<vmem>> -> memref<1x32x128xf32, #tpu.memory_space<vmem>>
        %dma_start3A_484 = tpu.memref_squeeze %dma_start3A_483 : memref<1x32x128xf32, #tpu.memory_space<vmem>> -> memref<32x128xf32, #tpu.memory_space<vmem>>
        %dma_start3A_485 = tpu.memref_slice %arg7[%mul3A_262] : memref<5120xi32, #tpu.memory_space<vmem>> -> memref<32xi32, #tpu.memory_space<vmem>>
        %dma_start3A_486 = arith.constant 0 : i32
        %dma_start3A_487 = arith.constant 0 : i32
        %dma_start3A_488 = tpu.memref_slice %arg9[%dma_start3A_486, %dma_start3A_487] : memref<10240x128xf32, #tpu.memory_space<vmem_shared>> -> memref<10240x128xf32, #tpu.memory_space<vmem_shared>>
        tpu.enqueue_indirect_dma source(%dma_start3A_484 : memref<32x128xf32, #tpu.memory_space<vmem>>) target(%dma_start3A_488 : memref<10240x128xf32, #tpu.memory_space<vmem_shared>>) offsets(%dma_start3A_485 : memref<32xi32, #tpu.memory_space<vmem>>) semaphore(%run_scoped3A_480 : memref<!tpu.dma_semaphore, #tpu.memory_space<semaphore_mem>>) {add = true}
        %dma_wait3A_489 = arith.constant 0 : i32
        %dma_wait3A_490 = arith.constant 0 : i32
        %dma_wait3A_491 = tpu.memref_slice %arg8[%run_scoped3A, %dma_wait3A_489, %dma_wait3A_490] : memref<8x32x128xf32, #tpu.memory_space<vmem>> -> memref<1x32x128xf32, #tpu.memory_space<vmem>>
        %dma_wait3A_492 = tpu.memref_squeeze %dma_wait3A_491 : memref<1x32x128xf32, #tpu.memory_space<vmem>> -> memref<32x128xf32, #tpu.memory_space<vmem>>
        %dma_wait3A_493 = tpu.memref_slice %arg7[%mul3A_262] : memref<5120xi32, #tpu.memory_space<vmem>> -> memref<32xi32, #tpu.memory_space<vmem>>
        %dma_wait3A_494 = arith.constant 0 : i32
        %dma_wait3A_495 = arith.constant 0 : i32
        %dma_wait3A_496 = tpu.memref_slice %arg9[%dma_wait3A_494, %dma_wait3A_495] : memref<10240x128xf32, #tpu.memory_space<vmem_shared>> -> memref<10240x128xf32, #tpu.memory_space<vmem_shared>>
        tpu.wait_indirect_dma semaphore(%run_scoped3A_480 : memref<!tpu.dma_semaphore, #tpu.memory_space<semaphore_mem>>) src(%dma_wait3A_492 : memref<32x128xf32, #tpu.memory_space<vmem>>) dst(%dma_wait3A_496 : memref<10240x128xf32, #tpu.memory_space<vmem_shared>>)
        tpu.yield
      }) : () -> ()
      %add3A_263 = arith.constant 8 : i32
      %add3A_264 = arith.addi %mul3A_243, %add3A_263 : i32
      %add3A_265 = arith.constant 0 : i32
      %add3A_266 = arith.addi %add3A_264, %add3A_265 : i32
      %lt3A = arith.constant 160 : i32
      %lt3A_267 = arith.cmpi slt, %add3A_266, %lt3A : i32
      %convert_element_type3A = arith.extui %lt3A_267 : i1 to i32
      %cond3A = arith.constant 0 : i32
      %cond3A_268 = arith.cmpi ne, %convert_element_type3A, %cond3A : i32
      scf.if %cond3A_268 {
        %add3A_480 = arith.constant 8 : i32
        %add3A_481 = arith.addi %mul3A_243, %add3A_480 : i32
        %add3A_482 = arith.constant 0 : i32
        %add3A_483 = arith.addi %add3A_481, %add3A_482 : i32
        %mul3A_484 = arith.constant 32 : i32
        %mul3A_485 = arith.muli %add3A_483, %mul3A_484 : i32
        %dma_start3A_486 = arith.constant 0 : i32
        %dma_start3A_487 = arith.constant 0 : i32
        %dma_start3A_488 = arith.constant 0 : i32
        %dma_start3A_489 = arith.constant 0 : i32
        %dma_start3A_490 = tpu.memref_slice %arg8[%dma_start3A_486, %dma_start3A_488, %dma_start3A_489] : memref<8x32x128xf32, #tpu.memory_space<vmem>> -> memref<1x32x128xf32, #tpu.memory_space<vmem>>
        %dma_start3A_491 = tpu.memref_squeeze %dma_start3A_490 : memref<1x32x128xf32, #tpu.memory_space<vmem>> -> memref<32x128xf32, #tpu.memory_space<vmem>>
        %dma_start3A_492 = tpu.memref_slice %arg6[%mul3A_485] : memref<5120xi32, #tpu.memory_space<vmem>> -> memref<32xi32, #tpu.memory_space<vmem>>
        %dma_start3A_493 = arith.constant 0 : i32
        %dma_start3A_494 = arith.constant 0 : i32
        %dma_start3A_495 = tpu.memref_slice %arg2[%dma_start3A_493, %dma_start3A_494] : memref<10240x128xf32, #tpu.memory_space<hbm>> -> memref<10240x128xf32, #tpu.memory_space<hbm>>
        %dma_start3A_496 = tpu.memref_slice %arg10[%dma_start3A_487] : memref<8x!tpu.dma_semaphore, #tpu.memory_space<semaphore_mem>> -> memref<1x!tpu.dma_semaphore, #tpu.memory_space<semaphore_mem>>
        %dma_start3A_497 = tpu.memref_squeeze %dma_start3A_496 : memref<1x!tpu.dma_semaphore, #tpu.memory_space<semaphore_mem>> -> memref<!tpu.dma_semaphore, #tpu.memory_space<semaphore_mem>>
        tpu.enqueue_indirect_dma source(%dma_start3A_495 : memref<10240x128xf32, #tpu.memory_space<hbm>>) target(%dma_start3A_491 : memref<32x128xf32, #tpu.memory_space<vmem>>) offsets(%dma_start3A_492 : memref<32xi32, #tpu.memory_space<vmem>>) semaphore(%dma_start3A_497 : memref<!tpu.dma_semaphore, #tpu.memory_space<semaphore_mem>>)
      } else {
      }
      %add3A_269 = arith.constant 1 : i32
      %add3A_270 = arith.addi %mul3A_243, %add3A_269 : i32
      %mul3A_271 = arith.constant 32 : i32
      %mul3A_272 = arith.muli %add3A_270, %mul3A_271 : i32
      %dma_wait3A_273 = arith.constant 1 : i32
      %dma_wait3A_274 = arith.constant 1 : i32
      %dma_wait3A_275 = arith.constant 0 : i32
      %dma_wait3A_276 = arith.constant 0 : i32
      %dma_wait3A_277 = tpu.memref_slice %arg8[%dma_wait3A_273, %dma_wait3A_275, %dma_wait3A_276] : memref<8x32x128xf32, #tpu.memory_space<vmem>> -> memref<1x32x128xf32, #tpu.memory_space<vmem>>
      %dma_wait3A_278 = tpu.memref_squeeze %dma_wait3A_277 : memref<1x32x128xf32, #tpu.memory_space<vmem>> -> memref<32x128xf32, #tpu.memory_space<vmem>>
      %dma_wait3A_279 = tpu.memref_slice %arg6[%mul3A_272] : memref<5120xi32, #tpu.memory_space<vmem>> -> memref<32xi32, #tpu.memory_space<vmem>>
      %dma_wait3A_280 = arith.constant 0 : i32
      %dma_wait3A_281 = arith.constant 0 : i32
      %dma_wait3A_282 = tpu.memref_slice %arg2[%dma_wait3A_280, %dma_wait3A_281] : memref<10240x128xf32, #tpu.memory_space<hbm>> -> memref<10240x128xf32, #tpu.memory_space<hbm>>
      %dma_wait3A_283 = tpu.memref_slice %arg10[%dma_wait3A_274] : memref<8x!tpu.dma_semaphore, #tpu.memory_space<semaphore_mem>> -> memref<1x!tpu.dma_semaphore, #tpu.memory_space<semaphore_mem>>
      %dma_wait3A_284 = tpu.memref_squeeze %dma_wait3A_283 : memref<1x!tpu.dma_semaphore, #tpu.memory_space<semaphore_mem>> -> memref<!tpu.dma_semaphore, #tpu.memory_space<semaphore_mem>>
      tpu.wait_indirect_dma semaphore(%dma_wait3A_284 : memref<!tpu.dma_semaphore, #tpu.memory_space<semaphore_mem>>) src(%dma_wait3A_282 : memref<10240x128xf32, #tpu.memory_space<hbm>>) dst(%dma_wait3A_278 : memref<32x128xf32, #tpu.memory_space<vmem>>)
      %add3A_285 = arith.constant 1 : i32
      %add3A_286 = arith.addi %mul3A_243, %add3A_285 : i32
      %mul3A_287 = arith.constant 32 : i32
      %mul3A_288 = arith.muli %add3A_286, %mul3A_287 : i32
      %run_scoped3A_289 = arith.constant 1 : i32
      "tpu.region"() ({
        %run_scoped3A_480 = tpu.sem_alloc : memref<!tpu.dma_semaphore, #tpu.memory_space<semaphore_mem>>
        %dma_start3A_481 = arith.constant 0 : i32
        %dma_start3A_482 = arith.constant 0 : i32
        %dma_start3A_483 = tpu.memref_slice %arg8[%run_scoped3A_289, %dma_start3A_481, %dma_start3A_482] : memref<8x32x128xf32, #tpu.memory_space<vmem>> -> memref<1x32x128xf32, #tpu.memory_space<vmem>>
        %dma_start3A_484 = tpu.memref_squeeze %dma_start3A_483 : memref<1x32x128xf32, #tpu.memory_space<vmem>> -> memref<32x128xf32, #tpu.memory_space<vmem>>
        %dma_start3A_485 = tpu.memref_slice %arg7[%mul3A_288] : memref<5120xi32, #tpu.memory_space<vmem>> -> memref<32xi32, #tpu.memory_space<vmem>>
        %dma_start3A_486 = arith.constant 0 : i32
        %dma_start3A_487 = arith.constant 0 : i32
        %dma_start3A_488 = tpu.memref_slice %arg9[%dma_start3A_486, %dma_start3A_487] : memref<10240x128xf32, #tpu.memory_space<vmem_shared>> -> memref<10240x128xf32, #tpu.memory_space<vmem_shared>>
        tpu.enqueue_indirect_dma source(%dma_start3A_484 : memref<32x128xf32, #tpu.memory_space<vmem>>) target(%dma_start3A_488 : memref<10240x128xf32, #tpu.memory_space<vmem_shared>>) offsets(%dma_start3A_485 : memref<32xi32, #tpu.memory_space<vmem>>) semaphore(%run_scoped3A_480 : memref<!tpu.dma_semaphore, #tpu.memory_space<semaphore_mem>>) {add = true}
        %dma_wait3A_489 = arith.constant 0 : i32
        %dma_wait3A_490 = arith.constant 0 : i32
        %dma_wait3A_491 = tpu.memref_slice %arg8[%run_scoped3A_289, %dma_wait3A_489, %dma_wait3A_490] : memref<8x32x128xf32, #tpu.memory_space<vmem>> -> memref<1x32x128xf32, #tpu.memory_space<vmem>>
        %dma_wait3A_492 = tpu.memref_squeeze %dma_wait3A_491 : memref<1x32x128xf32, #tpu.memory_space<vmem>> -> memref<32x128xf32, #tpu.memory_space<vmem>>
        %dma_wait3A_493 = tpu.memref_slice %arg7[%mul3A_288] : memref<5120xi32, #tpu.memory_space<vmem>> -> memref<32xi32, #tpu.memory_space<vmem>>
        %dma_wait3A_494 = arith.constant 0 : i32
        %dma_wait3A_495 = arith.constant 0 : i32
        %dma_wait3A_496 = tpu.memref_slice %arg9[%dma_wait3A_494, %dma_wait3A_495] : memref<10240x128xf32, #tpu.memory_space<vmem_shared>> -> memref<10240x128xf32, #tpu.memory_space<vmem_shared>>
        tpu.wait_indirect_dma semaphore(%run_scoped3A_480 : memref<!tpu.dma_semaphore, #tpu.memory_space<semaphore_mem>>) src(%dma_wait3A_492 : memref<32x128xf32, #tpu.memory_space<vmem>>) dst(%dma_wait3A_496 : memref<10240x128xf32, #tpu.memory_space<vmem_shared>>)
        tpu.yield
      }) : () -> ()
      %add3A_290 = arith.constant 8 : i32
      %add3A_291 = arith.addi %mul3A_243, %add3A_290 : i32
      %add3A_292 = arith.constant 1 : i32
      %add3A_293 = arith.addi %add3A_291, %add3A_292 : i32
      %lt3A_294 = arith.constant 160 : i32
      %lt3A_295 = arith.cmpi slt, %add3A_293, %lt3A_294 : i32
      %convert_element_type3A_296 = arith.extui %lt3A_295 : i1 to i32
      %cond3A_297 = arith.constant 0 : i32
      %cond3A_298 = arith.cmpi ne, %convert_element_type3A_296, %cond3A_297 : i32
      scf.if %cond3A_298 {
        %add3A_480 = arith.constant 8 : i32
        %add3A_481 = arith.addi %mul3A_243, %add3A_480 : i32
        %add3A_482 = arith.constant 1 : i32
        %add3A_483 = arith.addi %add3A_481, %add3A_482 : i32
        %mul3A_484 = arith.constant 32 : i32
        %mul3A_485 = arith.muli %add3A_483, %mul3A_484 : i32
        %dma_start3A_486 = arith.constant 1 : i32
        %dma_start3A_487 = arith.constant 1 : i32
        %dma_start3A_488 = arith.constant 0 : i32
        %dma_start3A_489 = arith.constant 0 : i32
        %dma_start3A_490 = tpu.memref_slice %arg8[%dma_start3A_486, %dma_start3A_488, %dma_start3A_489] : memref<8x32x128xf32, #tpu.memory_space<vmem>> -> memref<1x32x128xf32, #tpu.memory_space<vmem>>
        %dma_start3A_491 = tpu.memref_squeeze %dma_start3A_490 : memref<1x32x128xf32, #tpu.memory_space<vmem>> -> memref<32x128xf32, #tpu.memory_space<vmem>>
        %dma_start3A_492 = tpu.memref_slice %arg6[%mul3A_485] : memref<5120xi32, #tpu.memory_space<vmem>> -> memref<32xi32, #tpu.memory_space<vmem>>
        %dma_start3A_493 = arith.constant 0 : i32
        %dma_start3A_494 = arith.constant 0 : i32
        %dma_start3A_495 = tpu.memref_slice %arg2[%dma_start3A_493, %dma_start3A_494] : memref<10240x128xf32, #tpu.memory_space<hbm>> -> memref<10240x128xf32, #tpu.memory_space<hbm>>
        %dma_start3A_496 = tpu.memref_slice %arg10[%dma_start3A_487] : memref<8x!tpu.dma_semaphore, #tpu.memory_space<semaphore_mem>> -> memref<1x!tpu.dma_semaphore, #tpu.memory_space<semaphore_mem>>
        %dma_start3A_497 = tpu.memref_squeeze %dma_start3A_496 : memref<1x!tpu.dma_semaphore, #tpu.memory_space<semaphore_mem>> -> memref<!tpu.dma_semaphore, #tpu.memory_space<semaphore_mem>>
        tpu.enqueue_indirect_dma source(%dma_start3A_495 : memref<10240x128xf32, #tpu.memory_space<hbm>>) target(%dma_start3A_491 : memref<32x128xf32, #tpu.memory_space<vmem>>) offsets(%dma_start3A_492 : memref<32xi32, #tpu.memory_space<vmem>>) semaphore(%dma_start3A_497 : memref<!tpu.dma_semaphore, #tpu.memory_space<semaphore_mem>>)
      } else {
      }
      %add3A_299 = arith.constant 2 : i32
      %add3A_300 = arith.addi %mul3A_243, %add3A_299 : i32
      %mul3A_301 = arith.constant 32 : i32
      %mul3A_302 = arith.muli %add3A_300, %mul3A_301 : i32
      %dma_wait3A_303 = arith.constant 2 : i32
      %dma_wait3A_304 = arith.constant 2 : i32
      %dma_wait3A_305 = arith.constant 0 : i32
      %dma_wait3A_306 = arith.constant 0 : i32
      %dma_wait3A_307 = tpu.memref_slice %arg8[%dma_wait3A_303, %dma_wait3A_305, %dma_wait3A_306] : memref<8x32x128xf32, #tpu.memory_space<vmem>> -> memref<1x32x128xf32, #tpu.memory_space<vmem>>
      %dma_wait3A_308 = tpu.memref_squeeze %dma_wait3A_307 : memref<1x32x128xf32, #tpu.memory_space<vmem>> -> memref<32x128xf32, #tpu.memory_space<vmem>>
      %dma_wait3A_309 = tpu.memref_slice %arg6[%mul3A_302] : memref<5120xi32, #tpu.memory_space<vmem>> -> memref<32xi32, #tpu.memory_space<vmem>>
      %dma_wait3A_310 = arith.constant 0 : i32
      %dma_wait3A_311 = arith.constant 0 : i32
      %dma_wait3A_312 = tpu.memref_slice %arg2[%dma_wait3A_310, %dma_wait3A_311] : memref<10240x128xf32, #tpu.memory_space<hbm>> -> memref<10240x128xf32, #tpu.memory_space<hbm>>
      %dma_wait3A_313 = tpu.memref_slice %arg10[%dma_wait3A_304] : memref<8x!tpu.dma_semaphore, #tpu.memory_space<semaphore_mem>> -> memref<1x!tpu.dma_semaphore, #tpu.memory_space<semaphore_mem>>
      %dma_wait3A_314 = tpu.memref_squeeze %dma_wait3A_313 : memref<1x!tpu.dma_semaphore, #tpu.memory_space<semaphore_mem>> -> memref<!tpu.dma_semaphore, #tpu.memory_space<semaphore_mem>>
      tpu.wait_indirect_dma semaphore(%dma_wait3A_314 : memref<!tpu.dma_semaphore, #tpu.memory_space<semaphore_mem>>) src(%dma_wait3A_312 : memref<10240x128xf32, #tpu.memory_space<hbm>>) dst(%dma_wait3A_308 : memref<32x128xf32, #tpu.memory_space<vmem>>)
      %add3A_315 = arith.constant 2 : i32
      %add3A_316 = arith.addi %mul3A_243, %add3A_315 : i32
      %mul3A_317 = arith.constant 32 : i32
      %mul3A_318 = arith.muli %add3A_316, %mul3A_317 : i32
      %run_scoped3A_319 = arith.constant 2 : i32
      "tpu.region"() ({
        %run_scoped3A_480 = tpu.sem_alloc : memref<!tpu.dma_semaphore, #tpu.memory_space<semaphore_mem>>
        %dma_start3A_481 = arith.constant 0 : i32
        %dma_start3A_482 = arith.constant 0 : i32
        %dma_start3A_483 = tpu.memref_slice %arg8[%run_scoped3A_319, %dma_start3A_481, %dma_start3A_482] : memref<8x32x128xf32, #tpu.memory_space<vmem>> -> memref<1x32x128xf32, #tpu.memory_space<vmem>>
        %dma_start3A_484 = tpu.memref_squeeze %dma_start3A_483 : memref<1x32x128xf32, #tpu.memory_space<vmem>> -> memref<32x128xf32, #tpu.memory_space<vmem>>
        %dma_start3A_485 = tpu.memref_slice %arg7[%mul3A_318] : memref<5120xi32, #tpu.memory_space<vmem>> -> memref<32xi32, #tpu.memory_space<vmem>>
        %dma_start3A_486 = arith.constant 0 : i32
        %dma_start3A_487 = arith.constant 0 : i32
        %dma_start3A_488 = tpu.memref_slice %arg9[%dma_start3A_486, %dma_start3A_487] : memref<10240x128xf32, #tpu.memory_space<vmem_shared>> -> memref<10240x128xf32, #tpu.memory_space<vmem_shared>>
        tpu.enqueue_indirect_dma source(%dma_start3A_484 : memref<32x128xf32, #tpu.memory_space<vmem>>) target(%dma_start3A_488 : memref<10240x128xf32, #tpu.memory_space<vmem_shared>>) offsets(%dma_start3A_485 : memref<32xi32, #tpu.memory_space<vmem>>) semaphore(%run_scoped3A_480 : memref<!tpu.dma_semaphore, #tpu.memory_space<semaphore_mem>>) {add = true}
        %dma_wait3A_489 = arith.constant 0 : i32
        %dma_wait3A_490 = arith.constant 0 : i32
        %dma_wait3A_491 = tpu.memref_slice %arg8[%run_scoped3A_319, %dma_wait3A_489, %dma_wait3A_490] : memref<8x32x128xf32, #tpu.memory_space<vmem>> -> memref<1x32x128xf32, #tpu.memory_space<vmem>>
        %dma_wait3A_492 = tpu.memref_squeeze %dma_wait3A_491 : memref<1x32x128xf32, #tpu.memory_space<vmem>> -> memref<32x128xf32, #tpu.memory_space<vmem>>
        %dma_wait3A_493 = tpu.memref_slice %arg7[%mul3A_318] : memref<5120xi32, #tpu.memory_space<vmem>> -> memref<32xi32, #tpu.memory_space<vmem>>
        %dma_wait3A_494 = arith.constant 0 : i32
        %dma_wait3A_495 = arith.constant 0 : i32
        %dma_wait3A_496 = tpu.memref_slice %arg9[%dma_wait3A_494, %dma_wait3A_495] : memref<10240x128xf32, #tpu.memory_space<vmem_shared>> -> memref<10240x128xf32, #tpu.memory_space<vmem_shared>>
        tpu.wait_indirect_dma semaphore(%run_scoped3A_480 : memref<!tpu.dma_semaphore, #tpu.memory_space<semaphore_mem>>) src(%dma_wait3A_492 : memref<32x128xf32, #tpu.memory_space<vmem>>) dst(%dma_wait3A_496 : memref<10240x128xf32, #tpu.memory_space<vmem_shared>>)
        tpu.yield
      }) : () -> ()
      %add3A_320 = arith.constant 8 : i32
      %add3A_321 = arith.addi %mul3A_243, %add3A_320 : i32
      %add3A_322 = arith.constant 2 : i32
      %add3A_323 = arith.addi %add3A_321, %add3A_322 : i32
      %lt3A_324 = arith.constant 160 : i32
      %lt3A_325 = arith.cmpi slt, %add3A_323, %lt3A_324 : i32
      %convert_element_type3A_326 = arith.extui %lt3A_325 : i1 to i32
      %cond3A_327 = arith.constant 0 : i32
      %cond3A_328 = arith.cmpi ne, %convert_element_type3A_326, %cond3A_327 : i32
      scf.if %cond3A_328 {
        %add3A_480 = arith.constant 8 : i32
        %add3A_481 = arith.addi %mul3A_243, %add3A_480 : i32
        %add3A_482 = arith.constant 2 : i32
        %add3A_483 = arith.addi %add3A_481, %add3A_482 : i32
        %mul3A_484 = arith.constant 32 : i32
        %mul3A_485 = arith.muli %add3A_483, %mul3A_484 : i32
        %dma_start3A_486 = arith.constant 2 : i32
        %dma_start3A_487 = arith.constant 2 : i32
        %dma_start3A_488 = arith.constant 0 : i32
        %dma_start3A_489 = arith.constant 0 : i32
        %dma_start3A_490 = tpu.memref_slice %arg8[%dma_start3A_486, %dma_start3A_488, %dma_start3A_489] : memref<8x32x128xf32, #tpu.memory_space<vmem>> -> memref<1x32x128xf32, #tpu.memory_space<vmem>>
        %dma_start3A_491 = tpu.memref_squeeze %dma_start3A_490 : memref<1x32x128xf32, #tpu.memory_space<vmem>> -> memref<32x128xf32, #tpu.memory_space<vmem>>
        %dma_start3A_492 = tpu.memref_slice %arg6[%mul3A_485] : memref<5120xi32, #tpu.memory_space<vmem>> -> memref<32xi32, #tpu.memory_space<vmem>>
        %dma_start3A_493 = arith.constant 0 : i32
        %dma_start3A_494 = arith.constant 0 : i32
        %dma_start3A_495 = tpu.memref_slice %arg2[%dma_start3A_493, %dma_start3A_494] : memref<10240x128xf32, #tpu.memory_space<hbm>> -> memref<10240x128xf32, #tpu.memory_space<hbm>>
        %dma_start3A_496 = tpu.memref_slice %arg10[%dma_start3A_487] : memref<8x!tpu.dma_semaphore, #tpu.memory_space<semaphore_mem>> -> memref<1x!tpu.dma_semaphore, #tpu.memory_space<semaphore_mem>>
        %dma_start3A_497 = tpu.memref_squeeze %dma_start3A_496 : memref<1x!tpu.dma_semaphore, #tpu.memory_space<semaphore_mem>> -> memref<!tpu.dma_semaphore, #tpu.memory_space<semaphore_mem>>
        tpu.enqueue_indirect_dma source(%dma_start3A_495 : memref<10240x128xf32, #tpu.memory_space<hbm>>) target(%dma_start3A_491 : memref<32x128xf32, #tpu.memory_space<vmem>>) offsets(%dma_start3A_492 : memref<32xi32, #tpu.memory_space<vmem>>) semaphore(%dma_start3A_497 : memref<!tpu.dma_semaphore, #tpu.memory_space<semaphore_mem>>)
      } else {
      }
      %add3A_329 = arith.constant 3 : i32
      %add3A_330 = arith.addi %mul3A_243, %add3A_329 : i32
      %mul3A_331 = arith.constant 32 : i32
      %mul3A_332 = arith.muli %add3A_330, %mul3A_331 : i32
      %dma_wait3A_333 = arith.constant 3 : i32
      %dma_wait3A_334 = arith.constant 3 : i32
      %dma_wait3A_335 = arith.constant 0 : i32
      %dma_wait3A_336 = arith.constant 0 : i32
      %dma_wait3A_337 = tpu.memref_slice %arg8[%dma_wait3A_333, %dma_wait3A_335, %dma_wait3A_336] : memref<8x32x128xf32, #tpu.memory_space<vmem>> -> memref<1x32x128xf32, #tpu.memory_space<vmem>>
      %dma_wait3A_338 = tpu.memref_squeeze %dma_wait3A_337 : memref<1x32x128xf32, #tpu.memory_space<vmem>> -> memref<32x128xf32, #tpu.memory_space<vmem>>
      %dma_wait3A_339 = tpu.memref_slice %arg6[%mul3A_332] : memref<5120xi32, #tpu.memory_space<vmem>> -> memref<32xi32, #tpu.memory_space<vmem>>
      %dma_wait3A_340 = arith.constant 0 : i32
      %dma_wait3A_341 = arith.constant 0 : i32
      %dma_wait3A_342 = tpu.memref_slice %arg2[%dma_wait3A_340, %dma_wait3A_341] : memref<10240x128xf32, #tpu.memory_space<hbm>> -> memref<10240x128xf32, #tpu.memory_space<hbm>>
      %dma_wait3A_343 = tpu.memref_slice %arg10[%dma_wait3A_334] : memref<8x!tpu.dma_semaphore, #tpu.memory_space<semaphore_mem>> -> memref<1x!tpu.dma_semaphore, #tpu.memory_space<semaphore_mem>>
      %dma_wait3A_344 = tpu.memref_squeeze %dma_wait3A_343 : memref<1x!tpu.dma_semaphore, #tpu.memory_space<semaphore_mem>> -> memref<!tpu.dma_semaphore, #tpu.memory_space<semaphore_mem>>
      tpu.wait_indirect_dma semaphore(%dma_wait3A_344 : memref<!tpu.dma_semaphore, #tpu.memory_space<semaphore_mem>>) src(%dma_wait3A_342 : memref<10240x128xf32, #tpu.memory_space<hbm>>) dst(%dma_wait3A_338 : memref<32x128xf32, #tpu.memory_space<vmem>>)
      %add3A_345 = arith.constant 3 : i32
      %add3A_346 = arith.addi %mul3A_243, %add3A_345 : i32
      %mul3A_347 = arith.constant 32 : i32
      %mul3A_348 = arith.muli %add3A_346, %mul3A_347 : i32
      %run_scoped3A_349 = arith.constant 3 : i32
      "tpu.region"() ({
        %run_scoped3A_480 = tpu.sem_alloc : memref<!tpu.dma_semaphore, #tpu.memory_space<semaphore_mem>>
        %dma_start3A_481 = arith.constant 0 : i32
        %dma_start3A_482 = arith.constant 0 : i32
        %dma_start3A_483 = tpu.memref_slice %arg8[%run_scoped3A_349, %dma_start3A_481, %dma_start3A_482] : memref<8x32x128xf32, #tpu.memory_space<vmem>> -> memref<1x32x128xf32, #tpu.memory_space<vmem>>
        %dma_start3A_484 = tpu.memref_squeeze %dma_start3A_483 : memref<1x32x128xf32, #tpu.memory_space<vmem>> -> memref<32x128xf32, #tpu.memory_space<vmem>>
        %dma_start3A_485 = tpu.memref_slice %arg7[%mul3A_348] : memref<5120xi32, #tpu.memory_space<vmem>> -> memref<32xi32, #tpu.memory_space<vmem>>
        %dma_start3A_486 = arith.constant 0 : i32
        %dma_start3A_487 = arith.constant 0 : i32
        %dma_start3A_488 = tpu.memref_slice %arg9[%dma_start3A_486, %dma_start3A_487] : memref<10240x128xf32, #tpu.memory_space<vmem_shared>> -> memref<10240x128xf32, #tpu.memory_space<vmem_shared>>
        tpu.enqueue_indirect_dma source(%dma_start3A_484 : memref<32x128xf32, #tpu.memory_space<vmem>>) target(%dma_start3A_488 : memref<10240x128xf32, #tpu.memory_space<vmem_shared>>) offsets(%dma_start3A_485 : memref<32xi32, #tpu.memory_space<vmem>>) semaphore(%run_scoped3A_480 : memref<!tpu.dma_semaphore, #tpu.memory_space<semaphore_mem>>) {add = true}
        %dma_wait3A_489 = arith.constant 0 : i32
        %dma_wait3A_490 = arith.constant 0 : i32
        %dma_wait3A_491 = tpu.memref_slice %arg8[%run_scoped3A_349, %dma_wait3A_489, %dma_wait3A_490] : memref<8x32x128xf32, #tpu.memory_space<vmem>> -> memref<1x32x128xf32, #tpu.memory_space<vmem>>
        %dma_wait3A_492 = tpu.memref_squeeze %dma_wait3A_491 : memref<1x32x128xf32, #tpu.memory_space<vmem>> -> memref<32x128xf32, #tpu.memory_space<vmem>>
        %dma_wait3A_493 = tpu.memref_slice %arg7[%mul3A_348] : memref<5120xi32, #tpu.memory_space<vmem>> -> memref<32xi32, #tpu.memory_space<vmem>>
        %dma_wait3A_494 = arith.constant 0 : i32
        %dma_wait3A_495 = arith.constant 0 : i32
        %dma_wait3A_496 = tpu.memref_slice %arg9[%dma_wait3A_494, %dma_wait3A_495] : memref<10240x128xf32, #tpu.memory_space<vmem_shared>> -> memref<10240x128xf32, #tpu.memory_space<vmem_shared>>
        tpu.wait_indirect_dma semaphore(%run_scoped3A_480 : memref<!tpu.dma_semaphore, #tpu.memory_space<semaphore_mem>>) src(%dma_wait3A_492 : memref<32x128xf32, #tpu.memory_space<vmem>>) dst(%dma_wait3A_496 : memref<10240x128xf32, #tpu.memory_space<vmem_shared>>)
        tpu.yield
      }) : () -> ()
      %add3A_350 = arith.constant 8 : i32
      %add3A_351 = arith.addi %mul3A_243, %add3A_350 : i32
      %add3A_352 = arith.constant 3 : i32
      %add3A_353 = arith.addi %add3A_351, %add3A_352 : i32
      %lt3A_354 = arith.constant 160 : i32
      %lt3A_355 = arith.cmpi slt, %add3A_353, %lt3A_354 : i32
      %convert_element_type3A_356 = arith.extui %lt3A_355 : i1 to i32
      %cond3A_357 = arith.constant 0 : i32
      %cond3A_358 = arith.cmpi ne, %convert_element_type3A_356, %cond3A_357 : i32
      scf.if %cond3A_358 {
        %add3A_480 = arith.constant 8 : i32
        %add3A_481 = arith.addi %mul3A_243, %add3A_480 : i32
        %add3A_482 = arith.constant 3 : i32
        %add3A_483 = arith.addi %add3A_481, %add3A_482 : i32
        %mul3A_484 = arith.constant 32 : i32
        %mul3A_485 = arith.muli %add3A_483, %mul3A_484 : i32
        %dma_start3A_486 = arith.constant 3 : i32
        %dma_start3A_487 = arith.constant 3 : i32
        %dma_start3A_488 = arith.constant 0 : i32
        %dma_start3A_489 = arith.constant 0 : i32
        %dma_start3A_490 = tpu.memref_slice %arg8[%dma_start3A_486, %dma_start3A_488, %dma_start3A_489] : memref<8x32x128xf32, #tpu.memory_space<vmem>> -> memref<1x32x128xf32, #tpu.memory_space<vmem>>
        %dma_start3A_491 = tpu.memref_squeeze %dma_start3A_490 : memref<1x32x128xf32, #tpu.memory_space<vmem>> -> memref<32x128xf32, #tpu.memory_space<vmem>>
        %dma_start3A_492 = tpu.memref_slice %arg6[%mul3A_485] : memref<5120xi32, #tpu.memory_space<vmem>> -> memref<32xi32, #tpu.memory_space<vmem>>
        %dma_start3A_493 = arith.constant 0 : i32
        %dma_start3A_494 = arith.constant 0 : i32
        %dma_start3A_495 = tpu.memref_slice %arg2[%dma_start3A_493, %dma_start3A_494] : memref<10240x128xf32, #tpu.memory_space<hbm>> -> memref<10240x128xf32, #tpu.memory_space<hbm>>
        %dma_start3A_496 = tpu.memref_slice %arg10[%dma_start3A_487] : memref<8x!tpu.dma_semaphore, #tpu.memory_space<semaphore_mem>> -> memref<1x!tpu.dma_semaphore, #tpu.memory_space<semaphore_mem>>
        %dma_start3A_497 = tpu.memref_squeeze %dma_start3A_496 : memref<1x!tpu.dma_semaphore, #tpu.memory_space<semaphore_mem>> -> memref<!tpu.dma_semaphore, #tpu.memory_space<semaphore_mem>>
        tpu.enqueue_indirect_dma source(%dma_start3A_495 : memref<10240x128xf32, #tpu.memory_space<hbm>>) target(%dma_start3A_491 : memref<32x128xf32, #tpu.memory_space<vmem>>) offsets(%dma_start3A_492 : memref<32xi32, #tpu.memory_space<vmem>>) semaphore(%dma_start3A_497 : memref<!tpu.dma_semaphore, #tpu.memory_space<semaphore_mem>>)
      } else {
      }
      %add3A_359 = arith.constant 4 : i32
      %add3A_360 = arith.addi %mul3A_243, %add3A_359 : i32
      %mul3A_361 = arith.constant 32 : i32
      %mul3A_362 = arith.muli %add3A_360, %mul3A_361 : i32
      %dma_wait3A_363 = arith.constant 4 : i32
      %dma_wait3A_364 = arith.constant 4 : i32
      %dma_wait3A_365 = arith.constant 0 : i32
      %dma_wait3A_366 = arith.constant 0 : i32
      %dma_wait3A_367 = tpu.memref_slice %arg8[%dma_wait3A_363, %dma_wait3A_365, %dma_wait3A_366] : memref<8x32x128xf32, #tpu.memory_space<vmem>> -> memref<1x32x128xf32, #tpu.memory_space<vmem>>
      %dma_wait3A_368 = tpu.memref_squeeze %dma_wait3A_367 : memref<1x32x128xf32, #tpu.memory_space<vmem>> -> memref<32x128xf32, #tpu.memory_space<vmem>>
      %dma_wait3A_369 = tpu.memref_slice %arg6[%mul3A_362] : memref<5120xi32, #tpu.memory_space<vmem>> -> memref<32xi32, #tpu.memory_space<vmem>>
      %dma_wait3A_370 = arith.constant 0 : i32
      %dma_wait3A_371 = arith.constant 0 : i32
      %dma_wait3A_372 = tpu.memref_slice %arg2[%dma_wait3A_370, %dma_wait3A_371] : memref<10240x128xf32, #tpu.memory_space<hbm>> -> memref<10240x128xf32, #tpu.memory_space<hbm>>
      %dma_wait3A_373 = tpu.memref_slice %arg10[%dma_wait3A_364] : memref<8x!tpu.dma_semaphore, #tpu.memory_space<semaphore_mem>> -> memref<1x!tpu.dma_semaphore, #tpu.memory_space<semaphore_mem>>
      %dma_wait3A_374 = tpu.memref_squeeze %dma_wait3A_373 : memref<1x!tpu.dma_semaphore, #tpu.memory_space<semaphore_mem>> -> memref<!tpu.dma_semaphore, #tpu.memory_space<semaphore_mem>>
      tpu.wait_indirect_dma semaphore(%dma_wait3A_374 : memref<!tpu.dma_semaphore, #tpu.memory_space<semaphore_mem>>) src(%dma_wait3A_372 : memref<10240x128xf32, #tpu.memory_space<hbm>>) dst(%dma_wait3A_368 : memref<32x128xf32, #tpu.memory_space<vmem>>)
      %add3A_375 = arith.constant 4 : i32
      %add3A_376 = arith.addi %mul3A_243, %add3A_375 : i32
      %mul3A_377 = arith.constant 32 : i32
      %mul3A_378 = arith.muli %add3A_376, %mul3A_377 : i32
      %run_scoped3A_379 = arith.constant 4 : i32
      "tpu.region"() ({
        %run_scoped3A_480 = tpu.sem_alloc : memref<!tpu.dma_semaphore, #tpu.memory_space<semaphore_mem>>
        %dma_start3A_481 = arith.constant 0 : i32
        %dma_start3A_482 = arith.constant 0 : i32
        %dma_start3A_483 = tpu.memref_slice %arg8[%run_scoped3A_379, %dma_start3A_481, %dma_start3A_482] : memref<8x32x128xf32, #tpu.memory_space<vmem>> -> memref<1x32x128xf32, #tpu.memory_space<vmem>>
        %dma_start3A_484 = tpu.memref_squeeze %dma_start3A_483 : memref<1x32x128xf32, #tpu.memory_space<vmem>> -> memref<32x128xf32, #tpu.memory_space<vmem>>
        %dma_start3A_485 = tpu.memref_slice %arg7[%mul3A_378] : memref<5120xi32, #tpu.memory_space<vmem>> -> memref<32xi32, #tpu.memory_space<vmem>>
        %dma_start3A_486 = arith.constant 0 : i32
        %dma_start3A_487 = arith.constant 0 : i32
        %dma_start3A_488 = tpu.memref_slice %arg9[%dma_start3A_486, %dma_start3A_487] : memref<10240x128xf32, #tpu.memory_space<vmem_shared>> -> memref<10240x128xf32, #tpu.memory_space<vmem_shared>>
        tpu.enqueue_indirect_dma source(%dma_start3A_484 : memref<32x128xf32, #tpu.memory_space<vmem>>) target(%dma_start3A_488 : memref<10240x128xf32, #tpu.memory_space<vmem_shared>>) offsets(%dma_start3A_485 : memref<32xi32, #tpu.memory_space<vmem>>) semaphore(%run_scoped3A_480 : memref<!tpu.dma_semaphore, #tpu.memory_space<semaphore_mem>>) {add = true}
        %dma_wait3A_489 = arith.constant 0 : i32
        %dma_wait3A_490 = arith.constant 0 : i32
        %dma_wait3A_491 = tpu.memref_slice %arg8[%run_scoped3A_379, %dma_wait3A_489, %dma_wait3A_490] : memref<8x32x128xf32, #tpu.memory_space<vmem>> -> memref<1x32x128xf32, #tpu.memory_space<vmem>>
        %dma_wait3A_492 = tpu.memref_squeeze %dma_wait3A_491 : memref<1x32x128xf32, #tpu.memory_space<vmem>> -> memref<32x128xf32, #tpu.memory_space<vmem>>
        %dma_wait3A_493 = tpu.memref_slice %arg7[%mul3A_378] : memref<5120xi32, #tpu.memory_space<vmem>> -> memref<32xi32, #tpu.memory_space<vmem>>
        %dma_wait3A_494 = arith.constant 0 : i32
        %dma_wait3A_495 = arith.constant 0 : i32
        %dma_wait3A_496 = tpu.memref_slice %arg9[%dma_wait3A_494, %dma_wait3A_495] : memref<10240x128xf32, #tpu.memory_space<vmem_shared>> -> memref<10240x128xf32, #tpu.memory_space<vmem_shared>>
        tpu.wait_indirect_dma semaphore(%run_scoped3A_480 : memref<!tpu.dma_semaphore, #tpu.memory_space<semaphore_mem>>) src(%dma_wait3A_492 : memref<32x128xf32, #tpu.memory_space<vmem>>) dst(%dma_wait3A_496 : memref<10240x128xf32, #tpu.memory_space<vmem_shared>>)
        tpu.yield
      }) : () -> ()
      %add3A_380 = arith.constant 8 : i32
      %add3A_381 = arith.addi %mul3A_243, %add3A_380 : i32
      %add3A_382 = arith.constant 4 : i32
      %add3A_383 = arith.addi %add3A_381, %add3A_382 : i32
      %lt3A_384 = arith.constant 160 : i32
      %lt3A_385 = arith.cmpi slt, %add3A_383, %lt3A_384 : i32
      %convert_element_type3A_386 = arith.extui %lt3A_385 : i1 to i32
      %cond3A_387 = arith.constant 0 : i32
      %cond3A_388 = arith.cmpi ne, %convert_element_type3A_386, %cond3A_387 : i32
      scf.if %cond3A_388 {
        %add3A_480 = arith.constant 8 : i32
        %add3A_481 = arith.addi %mul3A_243, %add3A_480 : i32
        %add3A_482 = arith.constant 4 : i32
        %add3A_483 = arith.addi %add3A_481, %add3A_482 : i32
        %mul3A_484 = arith.constant 32 : i32
        %mul3A_485 = arith.muli %add3A_483, %mul3A_484 : i32
        %dma_start3A_486 = arith.constant 4 : i32
        %dma_start3A_487 = arith.constant 4 : i32
        %dma_start3A_488 = arith.constant 0 : i32
        %dma_start3A_489 = arith.constant 0 : i32
        %dma_start3A_490 = tpu.memref_slice %arg8[%dma_start3A_486, %dma_start3A_488, %dma_start3A_489] : memref<8x32x128xf32, #tpu.memory_space<vmem>> -> memref<1x32x128xf32, #tpu.memory_space<vmem>>
        %dma_start3A_491 = tpu.memref_squeeze %dma_start3A_490 : memref<1x32x128xf32, #tpu.memory_space<vmem>> -> memref<32x128xf32, #tpu.memory_space<vmem>>
        %dma_start3A_492 = tpu.memref_slice %arg6[%mul3A_485] : memref<5120xi32, #tpu.memory_space<vmem>> -> memref<32xi32, #tpu.memory_space<vmem>>
        %dma_start3A_493 = arith.constant 0 : i32
        %dma_start3A_494 = arith.constant 0 : i32
        %dma_start3A_495 = tpu.memref_slice %arg2[%dma_start3A_493, %dma_start3A_494] : memref<10240x128xf32, #tpu.memory_space<hbm>> -> memref<10240x128xf32, #tpu.memory_space<hbm>>
        %dma_start3A_496 = tpu.memref_slice %arg10[%dma_start3A_487] : memref<8x!tpu.dma_semaphore, #tpu.memory_space<semaphore_mem>> -> memref<1x!tpu.dma_semaphore, #tpu.memory_space<semaphore_mem>>
        %dma_start3A_497 = tpu.memref_squeeze %dma_start3A_496 : memref<1x!tpu.dma_semaphore, #tpu.memory_space<semaphore_mem>> -> memref<!tpu.dma_semaphore, #tpu.memory_space<semaphore_mem>>
        tpu.enqueue_indirect_dma source(%dma_start3A_495 : memref<10240x128xf32, #tpu.memory_space<hbm>>) target(%dma_start3A_491 : memref<32x128xf32, #tpu.memory_space<vmem>>) offsets(%dma_start3A_492 : memref<32xi32, #tpu.memory_space<vmem>>) semaphore(%dma_start3A_497 : memref<!tpu.dma_semaphore, #tpu.memory_space<semaphore_mem>>)
      } else {
      }
      %add3A_389 = arith.constant 5 : i32
      %add3A_390 = arith.addi %mul3A_243, %add3A_389 : i32
      %mul3A_391 = arith.constant 32 : i32
      %mul3A_392 = arith.muli %add3A_390, %mul3A_391 : i32
      %dma_wait3A_393 = arith.constant 5 : i32
      %dma_wait3A_394 = arith.constant 5 : i32
      %dma_wait3A_395 = arith.constant 0 : i32
      %dma_wait3A_396 = arith.constant 0 : i32
      %dma_wait3A_397 = tpu.memref_slice %arg8[%dma_wait3A_393, %dma_wait3A_395, %dma_wait3A_396] : memref<8x32x128xf32, #tpu.memory_space<vmem>> -> memref<1x32x128xf32, #tpu.memory_space<vmem>>
      %dma_wait3A_398 = tpu.memref_squeeze %dma_wait3A_397 : memref<1x32x128xf32, #tpu.memory_space<vmem>> -> memref<32x128xf32, #tpu.memory_space<vmem>>
      %dma_wait3A_399 = tpu.memref_slice %arg6[%mul3A_392] : memref<5120xi32, #tpu.memory_space<vmem>> -> memref<32xi32, #tpu.memory_space<vmem>>
      %dma_wait3A_400 = arith.constant 0 : i32
      %dma_wait3A_401 = arith.constant 0 : i32
      %dma_wait3A_402 = tpu.memref_slice %arg2[%dma_wait3A_400, %dma_wait3A_401] : memref<10240x128xf32, #tpu.memory_space<hbm>> -> memref<10240x128xf32, #tpu.memory_space<hbm>>
      %dma_wait3A_403 = tpu.memref_slice %arg10[%dma_wait3A_394] : memref<8x!tpu.dma_semaphore, #tpu.memory_space<semaphore_mem>> -> memref<1x!tpu.dma_semaphore, #tpu.memory_space<semaphore_mem>>
      %dma_wait3A_404 = tpu.memref_squeeze %dma_wait3A_403 : memref<1x!tpu.dma_semaphore, #tpu.memory_space<semaphore_mem>> -> memref<!tpu.dma_semaphore, #tpu.memory_space<semaphore_mem>>
      tpu.wait_indirect_dma semaphore(%dma_wait3A_404 : memref<!tpu.dma_semaphore, #tpu.memory_space<semaphore_mem>>) src(%dma_wait3A_402 : memref<10240x128xf32, #tpu.memory_space<hbm>>) dst(%dma_wait3A_398 : memref<32x128xf32, #tpu.memory_space<vmem>>)
      %add3A_405 = arith.constant 5 : i32
      %add3A_406 = arith.addi %mul3A_243, %add3A_405 : i32
      %mul3A_407 = arith.constant 32 : i32
      %mul3A_408 = arith.muli %add3A_406, %mul3A_407 : i32
      %run_scoped3A_409 = arith.constant 5 : i32
      "tpu.region"() ({
        %run_scoped3A_480 = tpu.sem_alloc : memref<!tpu.dma_semaphore, #tpu.memory_space<semaphore_mem>>
        %dma_start3A_481 = arith.constant 0 : i32
        %dma_start3A_482 = arith.constant 0 : i32
        %dma_start3A_483 = tpu.memref_slice %arg8[%run_scoped3A_409, %dma_start3A_481, %dma_start3A_482] : memref<8x32x128xf32, #tpu.memory_space<vmem>> -> memref<1x32x128xf32, #tpu.memory_space<vmem>>
        %dma_start3A_484 = tpu.memref_squeeze %dma_start3A_483 : memref<1x32x128xf32, #tpu.memory_space<vmem>> -> memref<32x128xf32, #tpu.memory_space<vmem>>
        %dma_start3A_485 = tpu.memref_slice %arg7[%mul3A_408] : memref<5120xi32, #tpu.memory_space<vmem>> -> memref<32xi32, #tpu.memory_space<vmem>>
        %dma_start3A_486 = arith.constant 0 : i32
        %dma_start3A_487 = arith.constant 0 : i32
        %dma_start3A_488 = tpu.memref_slice %arg9[%dma_start3A_486, %dma_start3A_487] : memref<10240x128xf32, #tpu.memory_space<vmem_shared>> -> memref<10240x128xf32, #tpu.memory_space<vmem_shared>>
        tpu.enqueue_indirect_dma source(%dma_start3A_484 : memref<32x128xf32, #tpu.memory_space<vmem>>) target(%dma_start3A_488 : memref<10240x128xf32, #tpu.memory_space<vmem_shared>>) offsets(%dma_start3A_485 : memref<32xi32, #tpu.memory_space<vmem>>) semaphore(%run_scoped3A_480 : memref<!tpu.dma_semaphore, #tpu.memory_space<semaphore_mem>>) {add = true}
        %dma_wait3A_489 = arith.constant 0 : i32
        %dma_wait3A_490 = arith.constant 0 : i32
        %dma_wait3A_491 = tpu.memref_slice %arg8[%run_scoped3A_409, %dma_wait3A_489, %dma_wait3A_490] : memref<8x32x128xf32, #tpu.memory_space<vmem>> -> memref<1x32x128xf32, #tpu.memory_space<vmem>>
        %dma_wait3A_492 = tpu.memref_squeeze %dma_wait3A_491 : memref<1x32x128xf32, #tpu.memory_space<vmem>> -> memref<32x128xf32, #tpu.memory_space<vmem>>
        %dma_wait3A_493 = tpu.memref_slice %arg7[%mul3A_408] : memref<5120xi32, #tpu.memory_space<vmem>> -> memref<32xi32, #tpu.memory_space<vmem>>
        %dma_wait3A_494 = arith.constant 0 : i32
        %dma_wait3A_495 = arith.constant 0 : i32
        %dma_wait3A_496 = tpu.memref_slice %arg9[%dma_wait3A_494, %dma_wait3A_495] : memref<10240x128xf32, #tpu.memory_space<vmem_shared>> -> memref<10240x128xf32, #tpu.memory_space<vmem_shared>>
        tpu.wait_indirect_dma semaphore(%run_scoped3A_480 : memref<!tpu.dma_semaphore, #tpu.memory_space<semaphore_mem>>) src(%dma_wait3A_492 : memref<32x128xf32, #tpu.memory_space<vmem>>) dst(%dma_wait3A_496 : memref<10240x128xf32, #tpu.memory_space<vmem_shared>>)
        tpu.yield
      }) : () -> ()
      %add3A_410 = arith.constant 8 : i32
      %add3A_411 = arith.addi %mul3A_243, %add3A_410 : i32
      %add3A_412 = arith.constant 5 : i32
      %add3A_413 = arith.addi %add3A_411, %add3A_412 : i32
      %lt3A_414 = arith.constant 160 : i32
      %lt3A_415 = arith.cmpi slt, %add3A_413, %lt3A_414 : i32
      %convert_element_type3A_416 = arith.extui %lt3A_415 : i1 to i32
      %cond3A_417 = arith.constant 0 : i32
      %cond3A_418 = arith.cmpi ne, %convert_element_type3A_416, %cond3A_417 : i32
      scf.if %cond3A_418 {
        %add3A_480 = arith.constant 8 : i32
        %add3A_481 = arith.addi %mul3A_243, %add3A_480 : i32
        %add3A_482 = arith.constant 5 : i32
        %add3A_483 = arith.addi %add3A_481, %add3A_482 : i32
        %mul3A_484 = arith.constant 32 : i32
        %mul3A_485 = arith.muli %add3A_483, %mul3A_484 : i32
        %dma_start3A_486 = arith.constant 5 : i32
        %dma_start3A_487 = arith.constant 5 : i32
        %dma_start3A_488 = arith.constant 0 : i32
        %dma_start3A_489 = arith.constant 0 : i32
        %dma_start3A_490 = tpu.memref_slice %arg8[%dma_start3A_486, %dma_start3A_488, %dma_start3A_489] : memref<8x32x128xf32, #tpu.memory_space<vmem>> -> memref<1x32x128xf32, #tpu.memory_space<vmem>>
        %dma_start3A_491 = tpu.memref_squeeze %dma_start3A_490 : memref<1x32x128xf32, #tpu.memory_space<vmem>> -> memref<32x128xf32, #tpu.memory_space<vmem>>
        %dma_start3A_492 = tpu.memref_slice %arg6[%mul3A_485] : memref<5120xi32, #tpu.memory_space<vmem>> -> memref<32xi32, #tpu.memory_space<vmem>>
        %dma_start3A_493 = arith.constant 0 : i32
        %dma_start3A_494 = arith.constant 0 : i32
        %dma_start3A_495 = tpu.memref_slice %arg2[%dma_start3A_493, %dma_start3A_494] : memref<10240x128xf32, #tpu.memory_space<hbm>> -> memref<10240x128xf32, #tpu.memory_space<hbm>>
        %dma_start3A_496 = tpu.memref_slice %arg10[%dma_start3A_487] : memref<8x!tpu.dma_semaphore, #tpu.memory_space<semaphore_mem>> -> memref<1x!tpu.dma_semaphore, #tpu.memory_space<semaphore_mem>>
        %dma_start3A_497 = tpu.memref_squeeze %dma_start3A_496 : memref<1x!tpu.dma_semaphore, #tpu.memory_space<semaphore_mem>> -> memref<!tpu.dma_semaphore, #tpu.memory_space<semaphore_mem>>
        tpu.enqueue_indirect_dma source(%dma_start3A_495 : memref<10240x128xf32, #tpu.memory_space<hbm>>) target(%dma_start3A_491 : memref<32x128xf32, #tpu.memory_space<vmem>>) offsets(%dma_start3A_492 : memref<32xi32, #tpu.memory_space<vmem>>) semaphore(%dma_start3A_497 : memref<!tpu.dma_semaphore, #tpu.memory_space<semaphore_mem>>)
      } else {
      }
      %add3A_419 = arith.constant 6 : i32
      %add3A_420 = arith.addi %mul3A_243, %add3A_419 : i32
      %mul3A_421 = arith.constant 32 : i32
      %mul3A_422 = arith.muli %add3A_420, %mul3A_421 : i32
      %dma_wait3A_423 = arith.constant 6 : i32
      %dma_wait3A_424 = arith.constant 6 : i32
      %dma_wait3A_425 = arith.constant 0 : i32
      %dma_wait3A_426 = arith.constant 0 : i32
      %dma_wait3A_427 = tpu.memref_slice %arg8[%dma_wait3A_423, %dma_wait3A_425, %dma_wait3A_426] : memref<8x32x128xf32, #tpu.memory_space<vmem>> -> memref<1x32x128xf32, #tpu.memory_space<vmem>>
      %dma_wait3A_428 = tpu.memref_squeeze %dma_wait3A_427 : memref<1x32x128xf32, #tpu.memory_space<vmem>> -> memref<32x128xf32, #tpu.memory_space<vmem>>
      %dma_wait3A_429 = tpu.memref_slice %arg6[%mul3A_422] : memref<5120xi32, #tpu.memory_space<vmem>> -> memref<32xi32, #tpu.memory_space<vmem>>
      %dma_wait3A_430 = arith.constant 0 : i32
      %dma_wait3A_431 = arith.constant 0 : i32
      %dma_wait3A_432 = tpu.memref_slice %arg2[%dma_wait3A_430, %dma_wait3A_431] : memref<10240x128xf32, #tpu.memory_space<hbm>> -> memref<10240x128xf32, #tpu.memory_space<hbm>>
      %dma_wait3A_433 = tpu.memref_slice %arg10[%dma_wait3A_424] : memref<8x!tpu.dma_semaphore, #tpu.memory_space<semaphore_mem>> -> memref<1x!tpu.dma_semaphore, #tpu.memory_space<semaphore_mem>>
      %dma_wait3A_434 = tpu.memref_squeeze %dma_wait3A_433 : memref<1x!tpu.dma_semaphore, #tpu.memory_space<semaphore_mem>> -> memref<!tpu.dma_semaphore, #tpu.memory_space<semaphore_mem>>
      tpu.wait_indirect_dma semaphore(%dma_wait3A_434 : memref<!tpu.dma_semaphore, #tpu.memory_space<semaphore_mem>>) src(%dma_wait3A_432 : memref<10240x128xf32, #tpu.memory_space<hbm>>) dst(%dma_wait3A_428 : memref<32x128xf32, #tpu.memory_space<vmem>>)
      %add3A_435 = arith.constant 6 : i32
      %add3A_436 = arith.addi %mul3A_243, %add3A_435 : i32
      %mul3A_437 = arith.constant 32 : i32
      %mul3A_438 = arith.muli %add3A_436, %mul3A_437 : i32
      %run_scoped3A_439 = arith.constant 6 : i32
      "tpu.region"() ({
        %run_scoped3A_480 = tpu.sem_alloc : memref<!tpu.dma_semaphore, #tpu.memory_space<semaphore_mem>>
        %dma_start3A_481 = arith.constant 0 : i32
        %dma_start3A_482 = arith.constant 0 : i32
        %dma_start3A_483 = tpu.memref_slice %arg8[%run_scoped3A_439, %dma_start3A_481, %dma_start3A_482] : memref<8x32x128xf32, #tpu.memory_space<vmem>> -> memref<1x32x128xf32, #tpu.memory_space<vmem>>
        %dma_start3A_484 = tpu.memref_squeeze %dma_start3A_483 : memref<1x32x128xf32, #tpu.memory_space<vmem>> -> memref<32x128xf32, #tpu.memory_space<vmem>>
        %dma_start3A_485 = tpu.memref_slice %arg7[%mul3A_438] : memref<5120xi32, #tpu.memory_space<vmem>> -> memref<32xi32, #tpu.memory_space<vmem>>
        %dma_start3A_486 = arith.constant 0 : i32
        %dma_start3A_487 = arith.constant 0 : i32
        %dma_start3A_488 = tpu.memref_slice %arg9[%dma_start3A_486, %dma_start3A_487] : memref<10240x128xf32, #tpu.memory_space<vmem_shared>> -> memref<10240x128xf32, #tpu.memory_space<vmem_shared>>
        tpu.enqueue_indirect_dma source(%dma_start3A_484 : memref<32x128xf32, #tpu.memory_space<vmem>>) target(%dma_start3A_488 : memref<10240x128xf32, #tpu.memory_space<vmem_shared>>) offsets(%dma_start3A_485 : memref<32xi32, #tpu.memory_space<vmem>>) semaphore(%run_scoped3A_480 : memref<!tpu.dma_semaphore, #tpu.memory_space<semaphore_mem>>) {add = true}
        %dma_wait3A_489 = arith.constant 0 : i32
        %dma_wait3A_490 = arith.constant 0 : i32
        %dma_wait3A_491 = tpu.memref_slice %arg8[%run_scoped3A_439, %dma_wait3A_489, %dma_wait3A_490] : memref<8x32x128xf32, #tpu.memory_space<vmem>> -> memref<1x32x128xf32, #tpu.memory_space<vmem>>
        %dma_wait3A_492 = tpu.memref_squeeze %dma_wait3A_491 : memref<1x32x128xf32, #tpu.memory_space<vmem>> -> memref<32x128xf32, #tpu.memory_space<vmem>>
        %dma_wait3A_493 = tpu.memref_slice %arg7[%mul3A_438] : memref<5120xi32, #tpu.memory_space<vmem>> -> memref<32xi32, #tpu.memory_space<vmem>>
        %dma_wait3A_494 = arith.constant 0 : i32
        %dma_wait3A_495 = arith.constant 0 : i32
        %dma_wait3A_496 = tpu.memref_slice %arg9[%dma_wait3A_494, %dma_wait3A_495] : memref<10240x128xf32, #tpu.memory_space<vmem_shared>> -> memref<10240x128xf32, #tpu.memory_space<vmem_shared>>
        tpu.wait_indirect_dma semaphore(%run_scoped3A_480 : memref<!tpu.dma_semaphore, #tpu.memory_space<semaphore_mem>>) src(%dma_wait3A_492 : memref<32x128xf32, #tpu.memory_space<vmem>>) dst(%dma_wait3A_496 : memref<10240x128xf32, #tpu.memory_space<vmem_shared>>)
        tpu.yield
      }) : () -> ()
      %add3A_440 = arith.constant 8 : i32
      %add3A_441 = arith.addi %mul3A_243, %add3A_440 : i32
      %add3A_442 = arith.constant 6 : i32
      %add3A_443 = arith.addi %add3A_441, %add3A_442 : i32
      %lt3A_444 = arith.constant 160 : i32
      %lt3A_445 = arith.cmpi slt, %add3A_443, %lt3A_444 : i32
      %convert_element_type3A_446 = arith.extui %lt3A_445 : i1 to i32
      %cond3A_447 = arith.constant 0 : i32
      %cond3A_448 = arith.cmpi ne, %convert_element_type3A_446, %cond3A_447 : i32
      scf.if %cond3A_448 {
        %add3A_480 = arith.constant 8 : i32
        %add3A_481 = arith.addi %mul3A_243, %add3A_480 : i32
        %add3A_482 = arith.constant 6 : i32
        %add3A_483 = arith.addi %add3A_481, %add3A_482 : i32
        %mul3A_484 = arith.constant 32 : i32
        %mul3A_485 = arith.muli %add3A_483, %mul3A_484 : i32
        %dma_start3A_486 = arith.constant 6 : i32
        %dma_start3A_487 = arith.constant 6 : i32
        %dma_start3A_488 = arith.constant 0 : i32
        %dma_start3A_489 = arith.constant 0 : i32
        %dma_start3A_490 = tpu.memref_slice %arg8[%dma_start3A_486, %dma_start3A_488, %dma_start3A_489] : memref<8x32x128xf32, #tpu.memory_space<vmem>> -> memref<1x32x128xf32, #tpu.memory_space<vmem>>
        %dma_start3A_491 = tpu.memref_squeeze %dma_start3A_490 : memref<1x32x128xf32, #tpu.memory_space<vmem>> -> memref<32x128xf32, #tpu.memory_space<vmem>>
        %dma_start3A_492 = tpu.memref_slice %arg6[%mul3A_485] : memref<5120xi32, #tpu.memory_space<vmem>> -> memref<32xi32, #tpu.memory_space<vmem>>
        %dma_start3A_493 = arith.constant 0 : i32
        %dma_start3A_494 = arith.constant 0 : i32
        %dma_start3A_495 = tpu.memref_slice %arg2[%dma_start3A_493, %dma_start3A_494] : memref<10240x128xf32, #tpu.memory_space<hbm>> -> memref<10240x128xf32, #tpu.memory_space<hbm>>
        %dma_start3A_496 = tpu.memref_slice %arg10[%dma_start3A_487] : memref<8x!tpu.dma_semaphore, #tpu.memory_space<semaphore_mem>> -> memref<1x!tpu.dma_semaphore, #tpu.memory_space<semaphore_mem>>
        %dma_start3A_497 = tpu.memref_squeeze %dma_start3A_496 : memref<1x!tpu.dma_semaphore, #tpu.memory_space<semaphore_mem>> -> memref<!tpu.dma_semaphore, #tpu.memory_space<semaphore_mem>>
        tpu.enqueue_indirect_dma source(%dma_start3A_495 : memref<10240x128xf32, #tpu.memory_space<hbm>>) target(%dma_start3A_491 : memref<32x128xf32, #tpu.memory_space<vmem>>) offsets(%dma_start3A_492 : memref<32xi32, #tpu.memory_space<vmem>>) semaphore(%dma_start3A_497 : memref<!tpu.dma_semaphore, #tpu.memory_space<semaphore_mem>>)
      } else {
      }
      %add3A_449 = arith.constant 7 : i32
      %add3A_450 = arith.addi %mul3A_243, %add3A_449 : i32
      %mul3A_451 = arith.constant 32 : i32
      %mul3A_452 = arith.muli %add3A_450, %mul3A_451 : i32
      %dma_wait3A_453 = arith.constant 7 : i32
      %dma_wait3A_454 = arith.constant 7 : i32
      %dma_wait3A_455 = arith.constant 0 : i32
      %dma_wait3A_456 = arith.constant 0 : i32
      %dma_wait3A_457 = tpu.memref_slice %arg8[%dma_wait3A_453, %dma_wait3A_455, %dma_wait3A_456] : memref<8x32x128xf32, #tpu.memory_space<vmem>> -> memref<1x32x128xf32, #tpu.memory_space<vmem>>
      %dma_wait3A_458 = tpu.memref_squeeze %dma_wait3A_457 : memref<1x32x128xf32, #tpu.memory_space<vmem>> -> memref<32x128xf32, #tpu.memory_space<vmem>>
      %dma_wait3A_459 = tpu.memref_slice %arg6[%mul3A_452] : memref<5120xi32, #tpu.memory_space<vmem>> -> memref<32xi32, #tpu.memory_space<vmem>>
      %dma_wait3A_460 = arith.constant 0 : i32
      %dma_wait3A_461 = arith.constant 0 : i32
      %dma_wait3A_462 = tpu.memref_slice %arg2[%dma_wait3A_460, %dma_wait3A_461] : memref<10240x128xf32, #tpu.memory_space<hbm>> -> memref<10240x128xf32, #tpu.memory_space<hbm>>
      %dma_wait3A_463 = tpu.memref_slice %arg10[%dma_wait3A_454] : memref<8x!tpu.dma_semaphore, #tpu.memory_space<semaphore_mem>> -> memref<1x!tpu.dma_semaphore, #tpu.memory_space<semaphore_mem>>
      %dma_wait3A_464 = tpu.memref_squeeze %dma_wait3A_463 : memref<1x!tpu.dma_semaphore, #tpu.memory_space<semaphore_mem>> -> memref<!tpu.dma_semaphore, #tpu.memory_space<semaphore_mem>>
      tpu.wait_indirect_dma semaphore(%dma_wait3A_464 : memref<!tpu.dma_semaphore, #tpu.memory_space<semaphore_mem>>) src(%dma_wait3A_462 : memref<10240x128xf32, #tpu.memory_space<hbm>>) dst(%dma_wait3A_458 : memref<32x128xf32, #tpu.memory_space<vmem>>)
      %add3A_465 = arith.constant 7 : i32
      %add3A_466 = arith.addi %mul3A_243, %add3A_465 : i32
      %mul3A_467 = arith.constant 32 : i32
      %mul3A_468 = arith.muli %add3A_466, %mul3A_467 : i32
      %run_scoped3A_469 = arith.constant 7 : i32
      "tpu.region"() ({
        %run_scoped3A_480 = tpu.sem_alloc : memref<!tpu.dma_semaphore, #tpu.memory_space<semaphore_mem>>
        %dma_start3A_481 = arith.constant 0 : i32
        %dma_start3A_482 = arith.constant 0 : i32
        %dma_start3A_483 = tpu.memref_slice %arg8[%run_scoped3A_469, %dma_start3A_481, %dma_start3A_482] : memref<8x32x128xf32, #tpu.memory_space<vmem>> -> memref<1x32x128xf32, #tpu.memory_space<vmem>>
        %dma_start3A_484 = tpu.memref_squeeze %dma_start3A_483 : memref<1x32x128xf32, #tpu.memory_space<vmem>> -> memref<32x128xf32, #tpu.memory_space<vmem>>
        %dma_start3A_485 = tpu.memref_slice %arg7[%mul3A_468] : memref<5120xi32, #tpu.memory_space<vmem>> -> memref<32xi32, #tpu.memory_space<vmem>>
        %dma_start3A_486 = arith.constant 0 : i32
        %dma_start3A_487 = arith.constant 0 : i32
        %dma_start3A_488 = tpu.memref_slice %arg9[%dma_start3A_486, %dma_start3A_487] : memref<10240x128xf32, #tpu.memory_space<vmem_shared>> -> memref<10240x128xf32, #tpu.memory_space<vmem_shared>>
        tpu.enqueue_indirect_dma source(%dma_start3A_484 : memref<32x128xf32, #tpu.memory_space<vmem>>) target(%dma_start3A_488 : memref<10240x128xf32, #tpu.memory_space<vmem_shared>>) offsets(%dma_start3A_485 : memref<32xi32, #tpu.memory_space<vmem>>) semaphore(%run_scoped3A_480 : memref<!tpu.dma_semaphore, #tpu.memory_space<semaphore_mem>>) {add = true}
        %dma_wait3A_489 = arith.constant 0 : i32
        %dma_wait3A_490 = arith.constant 0 : i32
        %dma_wait3A_491 = tpu.memref_slice %arg8[%run_scoped3A_469, %dma_wait3A_489, %dma_wait3A_490] : memref<8x32x128xf32, #tpu.memory_space<vmem>> -> memref<1x32x128xf32, #tpu.memory_space<vmem>>
        %dma_wait3A_492 = tpu.memref_squeeze %dma_wait3A_491 : memref<1x32x128xf32, #tpu.memory_space<vmem>> -> memref<32x128xf32, #tpu.memory_space<vmem>>
        %dma_wait3A_493 = tpu.memref_slice %arg7[%mul3A_468] : memref<5120xi32, #tpu.memory_space<vmem>> -> memref<32xi32, #tpu.memory_space<vmem>>
        %dma_wait3A_494 = arith.constant 0 : i32
        %dma_wait3A_495 = arith.constant 0 : i32
        %dma_wait3A_496 = tpu.memref_slice %arg9[%dma_wait3A_494, %dma_wait3A_495] : memref<10240x128xf32, #tpu.memory_space<vmem_shared>> -> memref<10240x128xf32, #tpu.memory_space<vmem_shared>>
        tpu.wait_indirect_dma semaphore(%run_scoped3A_480 : memref<!tpu.dma_semaphore, #tpu.memory_space<semaphore_mem>>) src(%dma_wait3A_492 : memref<32x128xf32, #tpu.memory_space<vmem>>) dst(%dma_wait3A_496 : memref<10240x128xf32, #tpu.memory_space<vmem_shared>>)
        tpu.yield
      }) : () -> ()
      %add3A_470 = arith.constant 8 : i32
      %add3A_471 = arith.addi %mul3A_243, %add3A_470 : i32
      %add3A_472 = arith.constant 7 : i32
      %add3A_473 = arith.addi %add3A_471, %add3A_472 : i32
      %lt3A_474 = arith.constant 160 : i32
      %lt3A_475 = arith.cmpi slt, %add3A_473, %lt3A_474 : i32
      %convert_element_type3A_476 = arith.extui %lt3A_475 : i1 to i32
      %cond3A_477 = arith.constant 0 : i32
      %cond3A_478 = arith.cmpi ne, %convert_element_type3A_476, %cond3A_477 : i32
      scf.if %cond3A_478 {
        %add3A_480 = arith.constant 8 : i32
        %add3A_481 = arith.addi %mul3A_243, %add3A_480 : i32
        %add3A_482 = arith.constant 7 : i32
        %add3A_483 = arith.addi %add3A_481, %add3A_482 : i32
        %mul3A_484 = arith.constant 32 : i32
        %mul3A_485 = arith.muli %add3A_483, %mul3A_484 : i32
        %dma_start3A_486 = arith.constant 7 : i32
        %dma_start3A_487 = arith.constant 7 : i32
        %dma_start3A_488 = arith.constant 0 : i32
        %dma_start3A_489 = arith.constant 0 : i32
        %dma_start3A_490 = tpu.memref_slice %arg8[%dma_start3A_486, %dma_start3A_488, %dma_start3A_489] : memref<8x32x128xf32, #tpu.memory_space<vmem>> -> memref<1x32x128xf32, #tpu.memory_space<vmem>>
        %dma_start3A_491 = tpu.memref_squeeze %dma_start3A_490 : memref<1x32x128xf32, #tpu.memory_space<vmem>> -> memref<32x128xf32, #tpu.memory_space<vmem>>
        %dma_start3A_492 = tpu.memref_slice %arg6[%mul3A_485] : memref<5120xi32, #tpu.memory_space<vmem>> -> memref<32xi32, #tpu.memory_space<vmem>>
        %dma_start3A_493 = arith.constant 0 : i32
        %dma_start3A_494 = arith.constant 0 : i32
        %dma_start3A_495 = tpu.memref_slice %arg2[%dma_start3A_493, %dma_start3A_494] : memref<10240x128xf32, #tpu.memory_space<hbm>> -> memref<10240x128xf32, #tpu.memory_space<hbm>>
        %dma_start3A_496 = tpu.memref_slice %arg10[%dma_start3A_487] : memref<8x!tpu.dma_semaphore, #tpu.memory_space<semaphore_mem>> -> memref<1x!tpu.dma_semaphore, #tpu.memory_space<semaphore_mem>>
        %dma_start3A_497 = tpu.memref_squeeze %dma_start3A_496 : memref<1x!tpu.dma_semaphore, #tpu.memory_space<semaphore_mem>> -> memref<!tpu.dma_semaphore, #tpu.memory_space<semaphore_mem>>
        tpu.enqueue_indirect_dma source(%dma_start3A_495 : memref<10240x128xf32, #tpu.memory_space<hbm>>) target(%dma_start3A_491 : memref<32x128xf32, #tpu.memory_space<vmem>>) offsets(%dma_start3A_492 : memref<32xi32, #tpu.memory_space<vmem>>) semaphore(%dma_start3A_497 : memref<!tpu.dma_semaphore, #tpu.memory_space<semaphore_mem>>)
      } else {
      }
      %scan3A_479 = arith.constant 0 : i32
      scf.yield %scan3A_479 : i32
    }
    %scan3A_123 = arith.constant 20 : i32
    "tpu.region"() ({
      %run_scoped3A = tpu.sem_alloc : memref<!tpu.dma_semaphore, #tpu.memory_space<semaphore_mem>>
      %dma_start3A_240 = arith.constant 5120 : i32
      %dma_start3A_241 = tpu.memref_slice %arg3[%add3A, %dma_start3A_240] : memref<32x10240xi32, #tpu.memory_space<hbm>> -> memref<1x5120xi32, #tpu.memory_space<hbm>>
      %dma_start3A_242 = tpu.memref_squeeze %dma_start3A_241 : memref<1x5120xi32, #tpu.memory_space<hbm>> -> memref<5120xi32, #tpu.memory_space<hbm>>
      %dma_start3A_243 = arith.constant 5120 : i32
      %dma_start3A_244 = tpu.memref_slice %arg3[%add3A, %dma_start3A_243] : memref<32x10240xi32, #tpu.memory_space<hbm>> -> memref<1x5120xi32, #tpu.memory_space<hbm>>
      %dma_start3A_245 = tpu.memref_squeeze %dma_start3A_244 : memref<1x5120xi32, #tpu.memory_space<hbm>> -> memref<5120xi32, #tpu.memory_space<hbm>>
      tpu.enqueue_dma source(%dma_start3A_245 : memref<5120xi32, #tpu.memory_space<hbm>>) target(%arg6 : memref<5120xi32, #tpu.memory_space<vmem>>) target_semaphore(%run_scoped3A : memref<!tpu.dma_semaphore, #tpu.memory_space<semaphore_mem>>)
      %dma_wait3A = arith.constant 5120 : i32
      %dma_wait3A_246 = tpu.memref_slice %arg3[%add3A, %dma_wait3A] : memref<32x10240xi32, #tpu.memory_space<hbm>> -> memref<1x5120xi32, #tpu.memory_space<hbm>>
      %dma_wait3A_247 = tpu.memref_squeeze %dma_wait3A_246 : memref<1x5120xi32, #tpu.memory_space<hbm>> -> memref<5120xi32, #tpu.memory_space<hbm>>
      %dma_wait3A_248 = arith.constant 5120 : i32
      %dma_wait3A_249 = tpu.memref_slice %arg3[%add3A, %dma_wait3A_248] : memref<32x10240xi32, #tpu.memory_space<hbm>> -> memref<1x5120xi32, #tpu.memory_space<hbm>>
      %dma_wait3A_250 = tpu.memref_squeeze %dma_wait3A_249 : memref<1x5120xi32, #tpu.memory_space<hbm>> -> memref<5120xi32, #tpu.memory_space<hbm>>
      tpu.wait_dma2 semaphore(%run_scoped3A : memref<!tpu.dma_semaphore, #tpu.memory_space<semaphore_mem>>) src(%dma_wait3A_250 : memref<5120xi32, #tpu.memory_space<hbm>>) dst(%arg6 : memref<5120xi32, #tpu.memory_space<vmem>>)
      tpu.yield
    }) : () -> ()
    "tpu.region"() ({
      %run_scoped3A = tpu.sem_alloc : memref<!tpu.dma_semaphore, #tpu.memory_space<semaphore_mem>>
      %dma_start3A_240 = arith.constant 5120 : i32
      %dma_start3A_241 = tpu.memref_slice %arg4[%add3A, %dma_start3A_240] : memref<32x10240xi32, #tpu.memory_space<hbm>> -> memref<1x5120xi32, #tpu.memory_space<hbm>>
      %dma_start3A_242 = tpu.memref_squeeze %dma_start3A_241 : memref<1x5120xi32, #tpu.memory_space<hbm>> -> memref<5120xi32, #tpu.memory_space<hbm>>
      %dma_start3A_243 = arith.constant 5120 : i32
      %dma_start3A_244 = tpu.memref_slice %arg4[%add3A, %dma_start3A_243] : memref<32x10240xi32, #tpu.memory_space<hbm>> -> memref<1x5120xi32, #tpu.memory_space<hbm>>
      %dma_start3A_245 = tpu.memref_squeeze %dma_start3A_244 : memref<1x5120xi32, #tpu.memory_space<hbm>> -> memref<5120xi32, #tpu.memory_space<hbm>>
      tpu.enqueue_dma source(%dma_start3A_245 : memref<5120xi32, #tpu.memory_space<hbm>>) target(%arg7 : memref<5120xi32, #tpu.memory_space<vmem>>) target_semaphore(%run_scoped3A : memref<!tpu.dma_semaphore, #tpu.memory_space<semaphore_mem>>)
      %dma_wait3A = arith.constant 5120 : i32
      %dma_wait3A_246 = tpu.memref_slice %arg4[%add3A, %dma_wait3A] : memref<32x10240xi32, #tpu.memory_space<hbm>> -> memref<1x5120xi32, #tpu.memory_space<hbm>>
      %dma_wait3A_247 = tpu.memref_squeeze %dma_wait3A_246 : memref<1x5120xi32, #tpu.memory_space<hbm>> -> memref<5120xi32, #tpu.memory_space<hbm>>
      %dma_wait3A_248 = arith.constant 5120 : i32
      %dma_wait3A_249 = tpu.memref_slice %arg4[%add3A, %dma_wait3A_248] : memref<32x10240xi32, #tpu.memory_space<hbm>> -> memref<1x5120xi32, #tpu.memory_space<hbm>>
      %dma_wait3A_250 = tpu.memref_squeeze %dma_wait3A_249 : memref<1x5120xi32, #tpu.memory_space<hbm>> -> memref<5120xi32, #tpu.memory_space<hbm>>
      tpu.wait_dma2 semaphore(%run_scoped3A : memref<!tpu.dma_semaphore, #tpu.memory_space<semaphore_mem>>) src(%dma_wait3A_250 : memref<5120xi32, #tpu.memory_space<hbm>>) dst(%arg7 : memref<5120xi32, #tpu.memory_space<vmem>>)
      tpu.yield
    }) : () -> ()
    %dma_start3A_124 = arith.constant 0 : i32
    %dma_start3A_125 = arith.constant 0 : i32
    %dma_start3A_126 = arith.constant 0 : i32
    %dma_start3A_127 = arith.constant 0 : i32
    %dma_start3A_128 = tpu.memref_slice %arg8[%dma_start3A_124, %dma_start3A_126, %dma_start3A_127] : memref<8x32x128xf32, #tpu.memory_space<vmem>> -> memref<1x32x128xf32, #tpu.memory_space<vmem>>
    %dma_start3A_129 = tpu.memref_squeeze %dma_start3A_128 : memref<1x32x128xf32, #tpu.memory_space<vmem>> -> memref<32x128xf32, #tpu.memory_space<vmem>>
    %dma_start3A_130 = arith.constant 0 : i32
    %dma_start3A_131 = tpu.memref_slice %arg6[%dma_start3A_130] : memref<5120xi32, #tpu.memory_space<vmem>> -> memref<32xi32, #tpu.memory_space<vmem>>
    %dma_start3A_132 = arith.constant 0 : i32
    %dma_start3A_133 = arith.constant 0 : i32
    %dma_start3A_134 = tpu.memref_slice %arg2[%dma_start3A_132, %dma_start3A_133] : memref<10240x128xf32, #tpu.memory_space<hbm>> -> memref<10240x128xf32, #tpu.memory_space<hbm>>
    %dma_start3A_135 = tpu.memref_slice %arg10[%dma_start3A_125] : memref<8x!tpu.dma_semaphore, #tpu.memory_space<semaphore_mem>> -> memref<1x!tpu.dma_semaphore, #tpu.memory_space<semaphore_mem>>
    %dma_start3A_136 = tpu.memref_squeeze %dma_start3A_135 : memref<1x!tpu.dma_semaphore, #tpu.memory_space<semaphore_mem>> -> memref<!tpu.dma_semaphore, #tpu.memory_space<semaphore_mem>>
    tpu.enqueue_indirect_dma source(%dma_start3A_134 : memref<10240x128xf32, #tpu.memory_space<hbm>>) target(%dma_start3A_129 : memref<32x128xf32, #tpu.memory_space<vmem>>) offsets(%dma_start3A_131 : memref<32xi32, #tpu.memory_space<vmem>>) semaphore(%dma_start3A_136 : memref<!tpu.dma_semaphore, #tpu.memory_space<semaphore_mem>>)
    %dma_start3A_137 = arith.constant 1 : i32
    %dma_start3A_138 = arith.constant 1 : i32
    %dma_start3A_139 = arith.constant 0 : i32
    %dma_start3A_140 = arith.constant 0 : i32
    %dma_start3A_141 = tpu.memref_slice %arg8[%dma_start3A_137, %dma_start3A_139, %dma_start3A_140] : memref<8x32x128xf32, #tpu.memory_space<vmem>> -> memref<1x32x128xf32, #tpu.memory_space<vmem>>
    %dma_start3A_142 = tpu.memref_squeeze %dma_start3A_141 : memref<1x32x128xf32, #tpu.memory_space<vmem>> -> memref<32x128xf32, #tpu.memory_space<vmem>>
    %dma_start3A_143 = arith.constant 32 : i32
    %dma_start3A_144 = tpu.memref_slice %arg6[%dma_start3A_143] : memref<5120xi32, #tpu.memory_space<vmem>> -> memref<32xi32, #tpu.memory_space<vmem>>
    %dma_start3A_145 = arith.constant 0 : i32
    %dma_start3A_146 = arith.constant 0 : i32
    %dma_start3A_147 = tpu.memref_slice %arg2[%dma_start3A_145, %dma_start3A_146] : memref<10240x128xf32, #tpu.memory_space<hbm>> -> memref<10240x128xf32, #tpu.memory_space<hbm>>
    %dma_start3A_148 = tpu.memref_slice %arg10[%dma_start3A_138] : memref<8x!tpu.dma_semaphore, #tpu.memory_space<semaphore_mem>> -> memref<1x!tpu.dma_semaphore, #tpu.memory_space<semaphore_mem>>
    %dma_start3A_149 = tpu.memref_squeeze %dma_start3A_148 : memref<1x!tpu.dma_semaphore, #tpu.memory_space<semaphore_mem>> -> memref<!tpu.dma_semaphore, #tpu.memory_space<semaphore_mem>>
    tpu.enqueue_indirect_dma source(%dma_start3A_147 : memref<10240x128xf32, #tpu.memory_space<hbm>>) target(%dma_start3A_142 : memref<32x128xf32, #tpu.memory_space<vmem>>) offsets(%dma_start3A_144 : memref<32xi32, #tpu.memory_space<vmem>>) semaphore(%dma_start3A_149 : memref<!tpu.dma_semaphore, #tpu.memory_space<semaphore_mem>>)
    %dma_start3A_150 = arith.constant 2 : i32
    %dma_start3A_151 = arith.constant 2 : i32
    %dma_start3A_152 = arith.constant 0 : i32
    %dma_start3A_153 = arith.constant 0 : i32
    %dma_start3A_154 = tpu.memref_slice %arg8[%dma_start3A_150, %dma_start3A_152, %dma_start3A_153] : memref<8x32x128xf32, #tpu.memory_space<vmem>> -> memref<1x32x128xf32, #tpu.memory_space<vmem>>
    %dma_start3A_155 = tpu.memref_squeeze %dma_start3A_154 : memref<1x32x128xf32, #tpu.memory_space<vmem>> -> memref<32x128xf32, #tpu.memory_space<vmem>>
    %dma_start3A_156 = arith.constant 64 : i32
    %dma_start3A_157 = tpu.memref_slice %arg6[%dma_start3A_156] : memref<5120xi32, #tpu.memory_space<vmem>> -> memref<32xi32, #tpu.memory_space<vmem>>
    %dma_start3A_158 = arith.constant 0 : i32
    %dma_start3A_159 = arith.constant 0 : i32
    %dma_start3A_160 = tpu.memref_slice %arg2[%dma_start3A_158, %dma_start3A_159] : memref<10240x128xf32, #tpu.memory_space<hbm>> -> memref<10240x128xf32, #tpu.memory_space<hbm>>
    %dma_start3A_161 = tpu.memref_slice %arg10[%dma_start3A_151] : memref<8x!tpu.dma_semaphore, #tpu.memory_space<semaphore_mem>> -> memref<1x!tpu.dma_semaphore, #tpu.memory_space<semaphore_mem>>
    %dma_start3A_162 = tpu.memref_squeeze %dma_start3A_161 : memref<1x!tpu.dma_semaphore, #tpu.memory_space<semaphore_mem>> -> memref<!tpu.dma_semaphore, #tpu.memory_space<semaphore_mem>>
    tpu.enqueue_indirect_dma source(%dma_start3A_160 : memref<10240x128xf32, #tpu.memory_space<hbm>>) target(%dma_start3A_155 : memref<32x128xf32, #tpu.memory_space<vmem>>) offsets(%dma_start3A_157 : memref<32xi32, #tpu.memory_space<vmem>>) semaphore(%dma_start3A_162 : memref<!tpu.dma_semaphore, #tpu.memory_space<semaphore_mem>>)
    %dma_start3A_163 = arith.constant 3 : i32
    %dma_start3A_164 = arith.constant 3 : i32
    %dma_start3A_165 = arith.constant 0 : i32
    %dma_start3A_166 = arith.constant 0 : i32
    %dma_start3A_167 = tpu.memref_slice %arg8[%dma_start3A_163, %dma_start3A_165, %dma_start3A_166] : memref<8x32x128xf32, #tpu.memory_space<vmem>> -> memref<1x32x128xf32, #tpu.memory_space<vmem>>
    %dma_start3A_168 = tpu.memref_squeeze %dma_start3A_167 : memref<1x32x128xf32, #tpu.memory_space<vmem>> -> memref<32x128xf32, #tpu.memory_space<vmem>>
    %dma_start3A_169 = arith.constant 96 : i32
    %dma_start3A_170 = tpu.memref_slice %arg6[%dma_start3A_169] : memref<5120xi32, #tpu.memory_space<vmem>> -> memref<32xi32, #tpu.memory_space<vmem>>
    %dma_start3A_171 = arith.constant 0 : i32
    %dma_start3A_172 = arith.constant 0 : i32
    %dma_start3A_173 = tpu.memref_slice %arg2[%dma_start3A_171, %dma_start3A_172] : memref<10240x128xf32, #tpu.memory_space<hbm>> -> memref<10240x128xf32, #tpu.memory_space<hbm>>
    %dma_start3A_174 = tpu.memref_slice %arg10[%dma_start3A_164] : memref<8x!tpu.dma_semaphore, #tpu.memory_space<semaphore_mem>> -> memref<1x!tpu.dma_semaphore, #tpu.memory_space<semaphore_mem>>
    %dma_start3A_175 = tpu.memref_squeeze %dma_start3A_174 : memref<1x!tpu.dma_semaphore, #tpu.memory_space<semaphore_mem>> -> memref<!tpu.dma_semaphore, #tpu.memory_space<semaphore_mem>>
    tpu.enqueue_indirect_dma source(%dma_start3A_173 : memref<10240x128xf32, #tpu.memory_space<hbm>>) target(%dma_start3A_168 : memref<32x128xf32, #tpu.memory_space<vmem>>) offsets(%dma_start3A_170 : memref<32xi32, #tpu.memory_space<vmem>>) semaphore(%dma_start3A_175 : memref<!tpu.dma_semaphore, #tpu.memory_space<semaphore_mem>>)
    %dma_start3A_176 = arith.constant 4 : i32
    %dma_start3A_177 = arith.constant 4 : i32
    %dma_start3A_178 = arith.constant 0 : i32
    %dma_start3A_179 = arith.constant 0 : i32
    %dma_start3A_180 = tpu.memref_slice %arg8[%dma_start3A_176, %dma_start3A_178, %dma_start3A_179] : memref<8x32x128xf32, #tpu.memory_space<vmem>> -> memref<1x32x128xf32, #tpu.memory_space<vmem>>
    %dma_start3A_181 = tpu.memref_squeeze %dma_start3A_180 : memref<1x32x128xf32, #tpu.memory_space<vmem>> -> memref<32x128xf32, #tpu.memory_space<vmem>>
    %dma_start3A_182 = arith.constant 128 : i32
    %dma_start3A_183 = tpu.memref_slice %arg6[%dma_start3A_182] : memref<5120xi32, #tpu.memory_space<vmem>> -> memref<32xi32, #tpu.memory_space<vmem>>
    %dma_start3A_184 = arith.constant 0 : i32
    %dma_start3A_185 = arith.constant 0 : i32
    %dma_start3A_186 = tpu.memref_slice %arg2[%dma_start3A_184, %dma_start3A_185] : memref<10240x128xf32, #tpu.memory_space<hbm>> -> memref<10240x128xf32, #tpu.memory_space<hbm>>
    %dma_start3A_187 = tpu.memref_slice %arg10[%dma_start3A_177] : memref<8x!tpu.dma_semaphore, #tpu.memory_space<semaphore_mem>> -> memref<1x!tpu.dma_semaphore, #tpu.memory_space<semaphore_mem>>
    %dma_start3A_188 = tpu.memref_squeeze %dma_start3A_187 : memref<1x!tpu.dma_semaphore, #tpu.memory_space<semaphore_mem>> -> memref<!tpu.dma_semaphore, #tpu.memory_space<semaphore_mem>>
    tpu.enqueue_indirect_dma source(%dma_start3A_186 : memref<10240x128xf32, #tpu.memory_space<hbm>>) target(%dma_start3A_181 : memref<32x128xf32, #tpu.memory_space<vmem>>) offsets(%dma_start3A_183 : memref<32xi32, #tpu.memory_space<vmem>>) semaphore(%dma_start3A_188 : memref<!tpu.dma_semaphore, #tpu.memory_space<semaphore_mem>>)
    %dma_start3A_189 = arith.constant 5 : i32
    %dma_start3A_190 = arith.constant 5 : i32
    %dma_start3A_191 = arith.constant 0 : i32
    %dma_start3A_192 = arith.constant 0 : i32
    %dma_start3A_193 = tpu.memref_slice %arg8[%dma_start3A_189, %dma_start3A_191, %dma_start3A_192] : memref<8x32x128xf32, #tpu.memory_space<vmem>> -> memref<1x32x128xf32, #tpu.memory_space<vmem>>
    %dma_start3A_194 = tpu.memref_squeeze %dma_start3A_193 : memref<1x32x128xf32, #tpu.memory_space<vmem>> -> memref<32x128xf32, #tpu.memory_space<vmem>>
    %dma_start3A_195 = arith.constant 160 : i32
    %dma_start3A_196 = tpu.memref_slice %arg6[%dma_start3A_195] : memref<5120xi32, #tpu.memory_space<vmem>> -> memref<32xi32, #tpu.memory_space<vmem>>
    %dma_start3A_197 = arith.constant 0 : i32
    %dma_start3A_198 = arith.constant 0 : i32
    %dma_start3A_199 = tpu.memref_slice %arg2[%dma_start3A_197, %dma_start3A_198] : memref<10240x128xf32, #tpu.memory_space<hbm>> -> memref<10240x128xf32, #tpu.memory_space<hbm>>
    %dma_start3A_200 = tpu.memref_slice %arg10[%dma_start3A_190] : memref<8x!tpu.dma_semaphore, #tpu.memory_space<semaphore_mem>> -> memref<1x!tpu.dma_semaphore, #tpu.memory_space<semaphore_mem>>
    %dma_start3A_201 = tpu.memref_squeeze %dma_start3A_200 : memref<1x!tpu.dma_semaphore, #tpu.memory_space<semaphore_mem>> -> memref<!tpu.dma_semaphore, #tpu.memory_space<semaphore_mem>>
    tpu.enqueue_indirect_dma source(%dma_start3A_199 : memref<10240x128xf32, #tpu.memory_space<hbm>>) target(%dma_start3A_194 : memref<32x128xf32, #tpu.memory_space<vmem>>) offsets(%dma_start3A_196 : memref<32xi32, #tpu.memory_space<vmem>>) semaphore(%dma_start3A_201 : memref<!tpu.dma_semaphore, #tpu.memory_space<semaphore_mem>>)
    %dma_start3A_202 = arith.constant 6 : i32
    %dma_start3A_203 = arith.constant 6 : i32
    %dma_start3A_204 = arith.constant 0 : i32
    %dma_start3A_205 = arith.constant 0 : i32
    %dma_start3A_206 = tpu.memref_slice %arg8[%dma_start3A_202, %dma_start3A_204, %dma_start3A_205] : memref<8x32x128xf32, #tpu.memory_space<vmem>> -> memref<1x32x128xf32, #tpu.memory_space<vmem>>
    %dma_start3A_207 = tpu.memref_squeeze %dma_start3A_206 : memref<1x32x128xf32, #tpu.memory_space<vmem>> -> memref<32x128xf32, #tpu.memory_space<vmem>>
    %dma_start3A_208 = arith.constant 192 : i32
    %dma_start3A_209 = tpu.memref_slice %arg6[%dma_start3A_208] : memref<5120xi32, #tpu.memory_space<vmem>> -> memref<32xi32, #tpu.memory_space<vmem>>
    %dma_start3A_210 = arith.constant 0 : i32
    %dma_start3A_211 = arith.constant 0 : i32
    %dma_start3A_212 = tpu.memref_slice %arg2[%dma_start3A_210, %dma_start3A_211] : memref<10240x128xf32, #tpu.memory_space<hbm>> -> memref<10240x128xf32, #tpu.memory_space<hbm>>
    %dma_start3A_213 = tpu.memref_slice %arg10[%dma_start3A_203] : memref<8x!tpu.dma_semaphore, #tpu.memory_space<semaphore_mem>> -> memref<1x!tpu.dma_semaphore, #tpu.memory_space<semaphore_mem>>
    %dma_start3A_214 = tpu.memref_squeeze %dma_start3A_213 : memref<1x!tpu.dma_semaphore, #tpu.memory_space<semaphore_mem>> -> memref<!tpu.dma_semaphore, #tpu.memory_space<semaphore_mem>>
    tpu.enqueue_indirect_dma source(%dma_start3A_212 : memref<10240x128xf32, #tpu.memory_space<hbm>>) target(%dma_start3A_207 : memref<32x128xf32, #tpu.memory_space<vmem>>) offsets(%dma_start3A_209 : memref<32xi32, #tpu.memory_space<vmem>>) semaphore(%dma_start3A_214 : memref<!tpu.dma_semaphore, #tpu.memory_space<semaphore_mem>>)
    %dma_start3A_215 = arith.constant 7 : i32
    %dma_start3A_216 = arith.constant 7 : i32
    %dma_start3A_217 = arith.constant 0 : i32
    %dma_start3A_218 = arith.constant 0 : i32
    %dma_start3A_219 = tpu.memref_slice %arg8[%dma_start3A_215, %dma_start3A_217, %dma_start3A_218] : memref<8x32x128xf32, #tpu.memory_space<vmem>> -> memref<1x32x128xf32, #tpu.memory_space<vmem>>
    %dma_start3A_220 = tpu.memref_squeeze %dma_start3A_219 : memref<1x32x128xf32, #tpu.memory_space<vmem>> -> memref<32x128xf32, #tpu.memory_space<vmem>>
    %dma_start3A_221 = arith.constant 224 : i32
    %dma_start3A_222 = tpu.memref_slice %arg6[%dma_start3A_221] : memref<5120xi32, #tpu.memory_space<vmem>> -> memref<32xi32, #tpu.memory_space<vmem>>
    %dma_start3A_223 = arith.constant 0 : i32
    %dma_start3A_224 = arith.constant 0 : i32
    %dma_start3A_225 = tpu.memref_slice %arg2[%dma_start3A_223, %dma_start3A_224] : memref<10240x128xf32, #tpu.memory_space<hbm>> -> memref<10240x128xf32, #tpu.memory_space<hbm>>
    %dma_start3A_226 = tpu.memref_slice %arg10[%dma_start3A_216] : memref<8x!tpu.dma_semaphore, #tpu.memory_space<semaphore_mem>> -> memref<1x!tpu.dma_semaphore, #tpu.memory_space<semaphore_mem>>
    %dma_start3A_227 = tpu.memref_squeeze %dma_start3A_226 : memref<1x!tpu.dma_semaphore, #tpu.memory_space<semaphore_mem>> -> memref<!tpu.dma_semaphore, #tpu.memory_space<semaphore_mem>>
    tpu.enqueue_indirect_dma source(%dma_start3A_225 : memref<10240x128xf32, #tpu.memory_space<hbm>>) target(%dma_start3A_220 : memref<32x128xf32, #tpu.memory_space<vmem>>) offsets(%dma_start3A_222 : memref<32xi32, #tpu.memory_space<vmem>>) semaphore(%dma_start3A_227 : memref<!tpu.dma_semaphore, #tpu.memory_space<semaphore_mem>>)
    %scan3A_228 = arith.constant 0 : i32
    %scan3A_229 = arith.constant 0 : i32
    %scan3A_230 = arith.constant 20 : i32
    %scan3A_231 = arith.addi %scan3A_229, %scan3A_230 : i32
    %scan3A_232 = arith.constant 1 : i32
    %scan3A_233 = scf.for %scan3A_240 = %scan3A_229 to %scan3A_231 step %scan3A_232 iter_args(%scan3A_241 = %scan3A_228) -> (i32)  : i32 {
      %mul3A_242 = arith.constant 8 : i32
      %mul3A_243 = arith.muli %scan3A_240, %mul3A_242 : i32
      %add3A_244 = arith.constant 0 : i32
      %add3A_245 = arith.addi %mul3A_243, %add3A_244 : i32
      %mul3A_246 = arith.constant 32 : i32
      %mul3A_247 = arith.muli %add3A_245, %mul3A_246 : i32
      %dma_wait3A = arith.constant 0 : i32
      %dma_wait3A_248 = arith.constant 0 : i32
      %dma_wait3A_249 = arith.constant 0 : i32
      %dma_wait3A_250 = arith.constant 0 : i32
      %dma_wait3A_251 = tpu.memref_slice %arg8[%dma_wait3A, %dma_wait3A_249, %dma_wait3A_250] : memref<8x32x128xf32, #tpu.memory_space<vmem>> -> memref<1x32x128xf32, #tpu.memory_space<vmem>>
      %dma_wait3A_252 = tpu.memref_squeeze %dma_wait3A_251 : memref<1x32x128xf32, #tpu.memory_space<vmem>> -> memref<32x128xf32, #tpu.memory_space<vmem>>
      %dma_wait3A_253 = tpu.memref_slice %arg6[%mul3A_247] : memref<5120xi32, #tpu.memory_space<vmem>> -> memref<32xi32, #tpu.memory_space<vmem>>
      %dma_wait3A_254 = arith.constant 0 : i32
      %dma_wait3A_255 = arith.constant 0 : i32
      %dma_wait3A_256 = tpu.memref_slice %arg2[%dma_wait3A_254, %dma_wait3A_255] : memref<10240x128xf32, #tpu.memory_space<hbm>> -> memref<10240x128xf32, #tpu.memory_space<hbm>>
      %dma_wait3A_257 = tpu.memref_slice %arg10[%dma_wait3A_248] : memref<8x!tpu.dma_semaphore, #tpu.memory_space<semaphore_mem>> -> memref<1x!tpu.dma_semaphore, #tpu.memory_space<semaphore_mem>>
      %dma_wait3A_258 = tpu.memref_squeeze %dma_wait3A_257 : memref<1x!tpu.dma_semaphore, #tpu.memory_space<semaphore_mem>> -> memref<!tpu.dma_semaphore, #tpu.memory_space<semaphore_mem>>
      tpu.wait_indirect_dma semaphore(%dma_wait3A_258 : memref<!tpu.dma_semaphore, #tpu.memory_space<semaphore_mem>>) src(%dma_wait3A_256 : memref<10240x128xf32, #tpu.memory_space<hbm>>) dst(%dma_wait3A_252 : memref<32x128xf32, #tpu.memory_space<vmem>>)
      %add3A_259 = arith.constant 0 : i32
      %add3A_260 = arith.addi %mul3A_243, %add3A_259 : i32
      %mul3A_261 = arith.constant 32 : i32
      %mul3A_262 = arith.muli %add3A_260, %mul3A_261 : i32
      %run_scoped3A = arith.constant 0 : i32
      "tpu.region"() ({
        %run_scoped3A_480 = tpu.sem_alloc : memref<!tpu.dma_semaphore, #tpu.memory_space<semaphore_mem>>
        %dma_start3A_481 = arith.constant 0 : i32
        %dma_start3A_482 = arith.constant 0 : i32
        %dma_start3A_483 = tpu.memref_slice %arg8[%run_scoped3A, %dma_start3A_481, %dma_start3A_482] : memref<8x32x128xf32, #tpu.memory_space<vmem>> -> memref<1x32x128xf32, #tpu.memory_space<vmem>>
        %dma_start3A_484 = tpu.memref_squeeze %dma_start3A_483 : memref<1x32x128xf32, #tpu.memory_space<vmem>> -> memref<32x128xf32, #tpu.memory_space<vmem>>
        %dma_start3A_485 = tpu.memref_slice %arg7[%mul3A_262] : memref<5120xi32, #tpu.memory_space<vmem>> -> memref<32xi32, #tpu.memory_space<vmem>>
        %dma_start3A_486 = arith.constant 0 : i32
        %dma_start3A_487 = arith.constant 0 : i32
        %dma_start3A_488 = tpu.memref_slice %arg9[%dma_start3A_486, %dma_start3A_487] : memref<10240x128xf32, #tpu.memory_space<vmem_shared>> -> memref<10240x128xf32, #tpu.memory_space<vmem_shared>>
        tpu.enqueue_indirect_dma source(%dma_start3A_484 : memref<32x128xf32, #tpu.memory_space<vmem>>) target(%dma_start3A_488 : memref<10240x128xf32, #tpu.memory_space<vmem_shared>>) offsets(%dma_start3A_485 : memref<32xi32, #tpu.memory_space<vmem>>) semaphore(%run_scoped3A_480 : memref<!tpu.dma_semaphore, #tpu.memory_space<semaphore_mem>>) {add = true}
        %dma_wait3A_489 = arith.constant 0 : i32
        %dma_wait3A_490 = arith.constant 0 : i32
        %dma_wait3A_491 = tpu.memref_slice %arg8[%run_scoped3A, %dma_wait3A_489, %dma_wait3A_490] : memref<8x32x128xf32, #tpu.memory_space<vmem>> -> memref<1x32x128xf32, #tpu.memory_space<vmem>>
        %dma_wait3A_492 = tpu.memref_squeeze %dma_wait3A_491 : memref<1x32x128xf32, #tpu.memory_space<vmem>> -> memref<32x128xf32, #tpu.memory_space<vmem>>
        %dma_wait3A_493 = tpu.memref_slice %arg7[%mul3A_262] : memref<5120xi32, #tpu.memory_space<vmem>> -> memref<32xi32, #tpu.memory_space<vmem>>
        %dma_wait3A_494 = arith.constant 0 : i32
        %dma_wait3A_495 = arith.constant 0 : i32
        %dma_wait3A_496 = tpu.memref_slice %arg9[%dma_wait3A_494, %dma_wait3A_495] : memref<10240x128xf32, #tpu.memory_space<vmem_shared>> -> memref<10240x128xf32, #tpu.memory_space<vmem_shared>>
        tpu.wait_indirect_dma semaphore(%run_scoped3A_480 : memref<!tpu.dma_semaphore, #tpu.memory_space<semaphore_mem>>) src(%dma_wait3A_492 : memref<32x128xf32, #tpu.memory_space<vmem>>) dst(%dma_wait3A_496 : memref<10240x128xf32, #tpu.memory_space<vmem_shared>>)
        tpu.yield
      }) : () -> ()
      %add3A_263 = arith.constant 8 : i32
      %add3A_264 = arith.addi %mul3A_243, %add3A_263 : i32
      %add3A_265 = arith.constant 0 : i32
      %add3A_266 = arith.addi %add3A_264, %add3A_265 : i32
      %lt3A = arith.constant 160 : i32
      %lt3A_267 = arith.cmpi slt, %add3A_266, %lt3A : i32
      %convert_element_type3A = arith.extui %lt3A_267 : i1 to i32
      %cond3A = arith.constant 0 : i32
      %cond3A_268 = arith.cmpi ne, %convert_element_type3A, %cond3A : i32
      scf.if %cond3A_268 {
        %add3A_480 = arith.constant 8 : i32
        %add3A_481 = arith.addi %mul3A_243, %add3A_480 : i32
        %add3A_482 = arith.constant 0 : i32
        %add3A_483 = arith.addi %add3A_481, %add3A_482 : i32
        %mul3A_484 = arith.constant 32 : i32
        %mul3A_485 = arith.muli %add3A_483, %mul3A_484 : i32
        %dma_start3A_486 = arith.constant 0 : i32
        %dma_start3A_487 = arith.constant 0 : i32
        %dma_start3A_488 = arith.constant 0 : i32
        %dma_start3A_489 = arith.constant 0 : i32
        %dma_start3A_490 = tpu.memref_slice %arg8[%dma_start3A_486, %dma_start3A_488, %dma_start3A_489] : memref<8x32x128xf32, #tpu.memory_space<vmem>> -> memref<1x32x128xf32, #tpu.memory_space<vmem>>
        %dma_start3A_491 = tpu.memref_squeeze %dma_start3A_490 : memref<1x32x128xf32, #tpu.memory_space<vmem>> -> memref<32x128xf32, #tpu.memory_space<vmem>>
        %dma_start3A_492 = tpu.memref_slice %arg6[%mul3A_485] : memref<5120xi32, #tpu.memory_space<vmem>> -> memref<32xi32, #tpu.memory_space<vmem>>
        %dma_start3A_493 = arith.constant 0 : i32
        %dma_start3A_494 = arith.constant 0 : i32
        %dma_start3A_495 = tpu.memref_slice %arg2[%dma_start3A_493, %dma_start3A_494] : memref<10240x128xf32, #tpu.memory_space<hbm>> -> memref<10240x128xf32, #tpu.memory_space<hbm>>
        %dma_start3A_496 = tpu.memref_slice %arg10[%dma_start3A_487] : memref<8x!tpu.dma_semaphore, #tpu.memory_space<semaphore_mem>> -> memref<1x!tpu.dma_semaphore, #tpu.memory_space<semaphore_mem>>
        %dma_start3A_497 = tpu.memref_squeeze %dma_start3A_496 : memref<1x!tpu.dma_semaphore, #tpu.memory_space<semaphore_mem>> -> memref<!tpu.dma_semaphore, #tpu.memory_space<semaphore_mem>>
        tpu.enqueue_indirect_dma source(%dma_start3A_495 : memref<10240x128xf32, #tpu.memory_space<hbm>>) target(%dma_start3A_491 : memref<32x128xf32, #tpu.memory_space<vmem>>) offsets(%dma_start3A_492 : memref<32xi32, #tpu.memory_space<vmem>>) semaphore(%dma_start3A_497 : memref<!tpu.dma_semaphore, #tpu.memory_space<semaphore_mem>>)
      } else {
      }
      %add3A_269 = arith.constant 1 : i32
      %add3A_270 = arith.addi %mul3A_243, %add3A_269 : i32
      %mul3A_271 = arith.constant 32 : i32
      %mul3A_272 = arith.muli %add3A_270, %mul3A_271 : i32
      %dma_wait3A_273 = arith.constant 1 : i32
      %dma_wait3A_274 = arith.constant 1 : i32
      %dma_wait3A_275 = arith.constant 0 : i32
      %dma_wait3A_276 = arith.constant 0 : i32
      %dma_wait3A_277 = tpu.memref_slice %arg8[%dma_wait3A_273, %dma_wait3A_275, %dma_wait3A_276] : memref<8x32x128xf32, #tpu.memory_space<vmem>> -> memref<1x32x128xf32, #tpu.memory_space<vmem>>
      %dma_wait3A_278 = tpu.memref_squeeze %dma_wait3A_277 : memref<1x32x128xf32, #tpu.memory_space<vmem>> -> memref<32x128xf32, #tpu.memory_space<vmem>>
      %dma_wait3A_279 = tpu.memref_slice %arg6[%mul3A_272] : memref<5120xi32, #tpu.memory_space<vmem>> -> memref<32xi32, #tpu.memory_space<vmem>>
      %dma_wait3A_280 = arith.constant 0 : i32
      %dma_wait3A_281 = arith.constant 0 : i32
      %dma_wait3A_282 = tpu.memref_slice %arg2[%dma_wait3A_280, %dma_wait3A_281] : memref<10240x128xf32, #tpu.memory_space<hbm>> -> memref<10240x128xf32, #tpu.memory_space<hbm>>
      %dma_wait3A_283 = tpu.memref_slice %arg10[%dma_wait3A_274] : memref<8x!tpu.dma_semaphore, #tpu.memory_space<semaphore_mem>> -> memref<1x!tpu.dma_semaphore, #tpu.memory_space<semaphore_mem>>
      %dma_wait3A_284 = tpu.memref_squeeze %dma_wait3A_283 : memref<1x!tpu.dma_semaphore, #tpu.memory_space<semaphore_mem>> -> memref<!tpu.dma_semaphore, #tpu.memory_space<semaphore_mem>>
      tpu.wait_indirect_dma semaphore(%dma_wait3A_284 : memref<!tpu.dma_semaphore, #tpu.memory_space<semaphore_mem>>) src(%dma_wait3A_282 : memref<10240x128xf32, #tpu.memory_space<hbm>>) dst(%dma_wait3A_278 : memref<32x128xf32, #tpu.memory_space<vmem>>)
      %add3A_285 = arith.constant 1 : i32
      %add3A_286 = arith.addi %mul3A_243, %add3A_285 : i32
      %mul3A_287 = arith.constant 32 : i32
      %mul3A_288 = arith.muli %add3A_286, %mul3A_287 : i32
      %run_scoped3A_289 = arith.constant 1 : i32
      "tpu.region"() ({
        %run_scoped3A_480 = tpu.sem_alloc : memref<!tpu.dma_semaphore, #tpu.memory_space<semaphore_mem>>
        %dma_start3A_481 = arith.constant 0 : i32
        %dma_start3A_482 = arith.constant 0 : i32
        %dma_start3A_483 = tpu.memref_slice %arg8[%run_scoped3A_289, %dma_start3A_481, %dma_start3A_482] : memref<8x32x128xf32, #tpu.memory_space<vmem>> -> memref<1x32x128xf32, #tpu.memory_space<vmem>>
        %dma_start3A_484 = tpu.memref_squeeze %dma_start3A_483 : memref<1x32x128xf32, #tpu.memory_space<vmem>> -> memref<32x128xf32, #tpu.memory_space<vmem>>
        %dma_start3A_485 = tpu.memref_slice %arg7[%mul3A_288] : memref<5120xi32, #tpu.memory_space<vmem>> -> memref<32xi32, #tpu.memory_space<vmem>>
        %dma_start3A_486 = arith.constant 0 : i32
        %dma_start3A_487 = arith.constant 0 : i32
        %dma_start3A_488 = tpu.memref_slice %arg9[%dma_start3A_486, %dma_start3A_487] : memref<10240x128xf32, #tpu.memory_space<vmem_shared>> -> memref<10240x128xf32, #tpu.memory_space<vmem_shared>>
        tpu.enqueue_indirect_dma source(%dma_start3A_484 : memref<32x128xf32, #tpu.memory_space<vmem>>) target(%dma_start3A_488 : memref<10240x128xf32, #tpu.memory_space<vmem_shared>>) offsets(%dma_start3A_485 : memref<32xi32, #tpu.memory_space<vmem>>) semaphore(%run_scoped3A_480 : memref<!tpu.dma_semaphore, #tpu.memory_space<semaphore_mem>>) {add = true}
        %dma_wait3A_489 = arith.constant 0 : i32
        %dma_wait3A_490 = arith.constant 0 : i32
        %dma_wait3A_491 = tpu.memref_slice %arg8[%run_scoped3A_289, %dma_wait3A_489, %dma_wait3A_490] : memref<8x32x128xf32, #tpu.memory_space<vmem>> -> memref<1x32x128xf32, #tpu.memory_space<vmem>>
        %dma_wait3A_492 = tpu.memref_squeeze %dma_wait3A_491 : memref<1x32x128xf32, #tpu.memory_space<vmem>> -> memref<32x128xf32, #tpu.memory_space<vmem>>
        %dma_wait3A_493 = tpu.memref_slice %arg7[%mul3A_288] : memref<5120xi32, #tpu.memory_space<vmem>> -> memref<32xi32, #tpu.memory_space<vmem>>
        %dma_wait3A_494 = arith.constant 0 : i32
        %dma_wait3A_495 = arith.constant 0 : i32
        %dma_wait3A_496 = tpu.memref_slice %arg9[%dma_wait3A_494, %dma_wait3A_495] : memref<10240x128xf32, #tpu.memory_space<vmem_shared>> -> memref<10240x128xf32, #tpu.memory_space<vmem_shared>>
        tpu.wait_indirect_dma semaphore(%run_scoped3A_480 : memref<!tpu.dma_semaphore, #tpu.memory_space<semaphore_mem>>) src(%dma_wait3A_492 : memref<32x128xf32, #tpu.memory_space<vmem>>) dst(%dma_wait3A_496 : memref<10240x128xf32, #tpu.memory_space<vmem_shared>>)
        tpu.yield
      }) : () -> ()
      %add3A_290 = arith.constant 8 : i32
      %add3A_291 = arith.addi %mul3A_243, %add3A_290 : i32
      %add3A_292 = arith.constant 1 : i32
      %add3A_293 = arith.addi %add3A_291, %add3A_292 : i32
      %lt3A_294 = arith.constant 160 : i32
      %lt3A_295 = arith.cmpi slt, %add3A_293, %lt3A_294 : i32
      %convert_element_type3A_296 = arith.extui %lt3A_295 : i1 to i32
      %cond3A_297 = arith.constant 0 : i32
      %cond3A_298 = arith.cmpi ne, %convert_element_type3A_296, %cond3A_297 : i32
      scf.if %cond3A_298 {
        %add3A_480 = arith.constant 8 : i32
        %add3A_481 = arith.addi %mul3A_243, %add3A_480 : i32
        %add3A_482 = arith.constant 1 : i32
        %add3A_483 = arith.addi %add3A_481, %add3A_482 : i32
        %mul3A_484 = arith.constant 32 : i32
        %mul3A_485 = arith.muli %add3A_483, %mul3A_484 : i32
        %dma_start3A_486 = arith.constant 1 : i32
        %dma_start3A_487 = arith.constant 1 : i32
        %dma_start3A_488 = arith.constant 0 : i32
        %dma_start3A_489 = arith.constant 0 : i32
        %dma_start3A_490 = tpu.memref_slice %arg8[%dma_start3A_486, %dma_start3A_488, %dma_start3A_489] : memref<8x32x128xf32, #tpu.memory_space<vmem>> -> memref<1x32x128xf32, #tpu.memory_space<vmem>>
        %dma_start3A_491 = tpu.memref_squeeze %dma_start3A_490 : memref<1x32x128xf32, #tpu.memory_space<vmem>> -> memref<32x128xf32, #tpu.memory_space<vmem>>
        %dma_start3A_492 = tpu.memref_slice %arg6[%mul3A_485] : memref<5120xi32, #tpu.memory_space<vmem>> -> memref<32xi32, #tpu.memory_space<vmem>>
        %dma_start3A_493 = arith.constant 0 : i32
        %dma_start3A_494 = arith.constant 0 : i32
        %dma_start3A_495 = tpu.memref_slice %arg2[%dma_start3A_493, %dma_start3A_494] : memref<10240x128xf32, #tpu.memory_space<hbm>> -> memref<10240x128xf32, #tpu.memory_space<hbm>>
        %dma_start3A_496 = tpu.memref_slice %arg10[%dma_start3A_487] : memref<8x!tpu.dma_semaphore, #tpu.memory_space<semaphore_mem>> -> memref<1x!tpu.dma_semaphore, #tpu.memory_space<semaphore_mem>>
        %dma_start3A_497 = tpu.memref_squeeze %dma_start3A_496 : memref<1x!tpu.dma_semaphore, #tpu.memory_space<semaphore_mem>> -> memref<!tpu.dma_semaphore, #tpu.memory_space<semaphore_mem>>
        tpu.enqueue_indirect_dma source(%dma_start3A_495 : memref<10240x128xf32, #tpu.memory_space<hbm>>) target(%dma_start3A_491 : memref<32x128xf32, #tpu.memory_space<vmem>>) offsets(%dma_start3A_492 : memref<32xi32, #tpu.memory_space<vmem>>) semaphore(%dma_start3A_497 : memref<!tpu.dma_semaphore, #tpu.memory_space<semaphore_mem>>)
      } else {
      }
      %add3A_299 = arith.constant 2 : i32
      %add3A_300 = arith.addi %mul3A_243, %add3A_299 : i32
      %mul3A_301 = arith.constant 32 : i32
      %mul3A_302 = arith.muli %add3A_300, %mul3A_301 : i32
      %dma_wait3A_303 = arith.constant 2 : i32
      %dma_wait3A_304 = arith.constant 2 : i32
      %dma_wait3A_305 = arith.constant 0 : i32
      %dma_wait3A_306 = arith.constant 0 : i32
      %dma_wait3A_307 = tpu.memref_slice %arg8[%dma_wait3A_303, %dma_wait3A_305, %dma_wait3A_306] : memref<8x32x128xf32, #tpu.memory_space<vmem>> -> memref<1x32x128xf32, #tpu.memory_space<vmem>>
      %dma_wait3A_308 = tpu.memref_squeeze %dma_wait3A_307 : memref<1x32x128xf32, #tpu.memory_space<vmem>> -> memref<32x128xf32, #tpu.memory_space<vmem>>
      %dma_wait3A_309 = tpu.memref_slice %arg6[%mul3A_302] : memref<5120xi32, #tpu.memory_space<vmem>> -> memref<32xi32, #tpu.memory_space<vmem>>
      %dma_wait3A_310 = arith.constant 0 : i32
      %dma_wait3A_311 = arith.constant 0 : i32
      %dma_wait3A_312 = tpu.memref_slice %arg2[%dma_wait3A_310, %dma_wait3A_311] : memref<10240x128xf32, #tpu.memory_space<hbm>> -> memref<10240x128xf32, #tpu.memory_space<hbm>>
      %dma_wait3A_313 = tpu.memref_slice %arg10[%dma_wait3A_304] : memref<8x!tpu.dma_semaphore, #tpu.memory_space<semaphore_mem>> -> memref<1x!tpu.dma_semaphore, #tpu.memory_space<semaphore_mem>>
      %dma_wait3A_314 = tpu.memref_squeeze %dma_wait3A_313 : memref<1x!tpu.dma_semaphore, #tpu.memory_space<semaphore_mem>> -> memref<!tpu.dma_semaphore, #tpu.memory_space<semaphore_mem>>
      tpu.wait_indirect_dma semaphore(%dma_wait3A_314 : memref<!tpu.dma_semaphore, #tpu.memory_space<semaphore_mem>>) src(%dma_wait3A_312 : memref<10240x128xf32, #tpu.memory_space<hbm>>) dst(%dma_wait3A_308 : memref<32x128xf32, #tpu.memory_space<vmem>>)
      %add3A_315 = arith.constant 2 : i32
      %add3A_316 = arith.addi %mul3A_243, %add3A_315 : i32
      %mul3A_317 = arith.constant 32 : i32
      %mul3A_318 = arith.muli %add3A_316, %mul3A_317 : i32
      %run_scoped3A_319 = arith.constant 2 : i32
      "tpu.region"() ({
        %run_scoped3A_480 = tpu.sem_alloc : memref<!tpu.dma_semaphore, #tpu.memory_space<semaphore_mem>>
        %dma_start3A_481 = arith.constant 0 : i32
        %dma_start3A_482 = arith.constant 0 : i32
        %dma_start3A_483 = tpu.memref_slice %arg8[%run_scoped3A_319, %dma_start3A_481, %dma_start3A_482] : memref<8x32x128xf32, #tpu.memory_space<vmem>> -> memref<1x32x128xf32, #tpu.memory_space<vmem>>
        %dma_start3A_484 = tpu.memref_squeeze %dma_start3A_483 : memref<1x32x128xf32, #tpu.memory_space<vmem>> -> memref<32x128xf32, #tpu.memory_space<vmem>>
        %dma_start3A_485 = tpu.memref_slice %arg7[%mul3A_318] : memref<5120xi32, #tpu.memory_space<vmem>> -> memref<32xi32, #tpu.memory_space<vmem>>
        %dma_start3A_486 = arith.constant 0 : i32
        %dma_start3A_487 = arith.constant 0 : i32
        %dma_start3A_488 = tpu.memref_slice %arg9[%dma_start3A_486, %dma_start3A_487] : memref<10240x128xf32, #tpu.memory_space<vmem_shared>> -> memref<10240x128xf32, #tpu.memory_space<vmem_shared>>
        tpu.enqueue_indirect_dma source(%dma_start3A_484 : memref<32x128xf32, #tpu.memory_space<vmem>>) target(%dma_start3A_488 : memref<10240x128xf32, #tpu.memory_space<vmem_shared>>) offsets(%dma_start3A_485 : memref<32xi32, #tpu.memory_space<vmem>>) semaphore(%run_scoped3A_480 : memref<!tpu.dma_semaphore, #tpu.memory_space<semaphore_mem>>) {add = true}
        %dma_wait3A_489 = arith.constant 0 : i32
        %dma_wait3A_490 = arith.constant 0 : i32
        %dma_wait3A_491 = tpu.memref_slice %arg8[%run_scoped3A_319, %dma_wait3A_489, %dma_wait3A_490] : memref<8x32x128xf32, #tpu.memory_space<vmem>> -> memref<1x32x128xf32, #tpu.memory_space<vmem>>
        %dma_wait3A_492 = tpu.memref_squeeze %dma_wait3A_491 : memref<1x32x128xf32, #tpu.memory_space<vmem>> -> memref<32x128xf32, #tpu.memory_space<vmem>>
        %dma_wait3A_493 = tpu.memref_slice %arg7[%mul3A_318] : memref<5120xi32, #tpu.memory_space<vmem>> -> memref<32xi32, #tpu.memory_space<vmem>>
        %dma_wait3A_494 = arith.constant 0 : i32
        %dma_wait3A_495 = arith.constant 0 : i32
        %dma_wait3A_496 = tpu.memref_slice %arg9[%dma_wait3A_494, %dma_wait3A_495] : memref<10240x128xf32, #tpu.memory_space<vmem_shared>> -> memref<10240x128xf32, #tpu.memory_space<vmem_shared>>
        tpu.wait_indirect_dma semaphore(%run_scoped3A_480 : memref<!tpu.dma_semaphore, #tpu.memory_space<semaphore_mem>>) src(%dma_wait3A_492 : memref<32x128xf32, #tpu.memory_space<vmem>>) dst(%dma_wait3A_496 : memref<10240x128xf32, #tpu.memory_space<vmem_shared>>)
        tpu.yield
      }) : () -> ()
      %add3A_320 = arith.constant 8 : i32
      %add3A_321 = arith.addi %mul3A_243, %add3A_320 : i32
      %add3A_322 = arith.constant 2 : i32
      %add3A_323 = arith.addi %add3A_321, %add3A_322 : i32
      %lt3A_324 = arith.constant 160 : i32
      %lt3A_325 = arith.cmpi slt, %add3A_323, %lt3A_324 : i32
      %convert_element_type3A_326 = arith.extui %lt3A_325 : i1 to i32
      %cond3A_327 = arith.constant 0 : i32
      %cond3A_328 = arith.cmpi ne, %convert_element_type3A_326, %cond3A_327 : i32
      scf.if %cond3A_328 {
        %add3A_480 = arith.constant 8 : i32
        %add3A_481 = arith.addi %mul3A_243, %add3A_480 : i32
        %add3A_482 = arith.constant 2 : i32
        %add3A_483 = arith.addi %add3A_481, %add3A_482 : i32
        %mul3A_484 = arith.constant 32 : i32
        %mul3A_485 = arith.muli %add3A_483, %mul3A_484 : i32
        %dma_start3A_486 = arith.constant 2 : i32
        %dma_start3A_487 = arith.constant 2 : i32
        %dma_start3A_488 = arith.constant 0 : i32
        %dma_start3A_489 = arith.constant 0 : i32
        %dma_start3A_490 = tpu.memref_slice %arg8[%dma_start3A_486, %dma_start3A_488, %dma_start3A_489] : memref<8x32x128xf32, #tpu.memory_space<vmem>> -> memref<1x32x128xf32, #tpu.memory_space<vmem>>
        %dma_start3A_491 = tpu.memref_squeeze %dma_start3A_490 : memref<1x32x128xf32, #tpu.memory_space<vmem>> -> memref<32x128xf32, #tpu.memory_space<vmem>>
        %dma_start3A_492 = tpu.memref_slice %arg6[%mul3A_485] : memref<5120xi32, #tpu.memory_space<vmem>> -> memref<32xi32, #tpu.memory_space<vmem>>
        %dma_start3A_493 = arith.constant 0 : i32
        %dma_start3A_494 = arith.constant 0 : i32
        %dma_start3A_495 = tpu.memref_slice %arg2[%dma_start3A_493, %dma_start3A_494] : memref<10240x128xf32, #tpu.memory_space<hbm>> -> memref<10240x128xf32, #tpu.memory_space<hbm>>
        %dma_start3A_496 = tpu.memref_slice %arg10[%dma_start3A_487] : memref<8x!tpu.dma_semaphore, #tpu.memory_space<semaphore_mem>> -> memref<1x!tpu.dma_semaphore, #tpu.memory_space<semaphore_mem>>
        %dma_start3A_497 = tpu.memref_squeeze %dma_start3A_496 : memref<1x!tpu.dma_semaphore, #tpu.memory_space<semaphore_mem>> -> memref<!tpu.dma_semaphore, #tpu.memory_space<semaphore_mem>>
        tpu.enqueue_indirect_dma source(%dma_start3A_495 : memref<10240x128xf32, #tpu.memory_space<hbm>>) target(%dma_start3A_491 : memref<32x128xf32, #tpu.memory_space<vmem>>) offsets(%dma_start3A_492 : memref<32xi32, #tpu.memory_space<vmem>>) semaphore(%dma_start3A_497 : memref<!tpu.dma_semaphore, #tpu.memory_space<semaphore_mem>>)
      } else {
      }
      %add3A_329 = arith.constant 3 : i32
      %add3A_330 = arith.addi %mul3A_243, %add3A_329 : i32
      %mul3A_331 = arith.constant 32 : i32
      %mul3A_332 = arith.muli %add3A_330, %mul3A_331 : i32
      %dma_wait3A_333 = arith.constant 3 : i32
      %dma_wait3A_334 = arith.constant 3 : i32
      %dma_wait3A_335 = arith.constant 0 : i32
      %dma_wait3A_336 = arith.constant 0 : i32
      %dma_wait3A_337 = tpu.memref_slice %arg8[%dma_wait3A_333, %dma_wait3A_335, %dma_wait3A_336] : memref<8x32x128xf32, #tpu.memory_space<vmem>> -> memref<1x32x128xf32, #tpu.memory_space<vmem>>
      %dma_wait3A_338 = tpu.memref_squeeze %dma_wait3A_337 : memref<1x32x128xf32, #tpu.memory_space<vmem>> -> memref<32x128xf32, #tpu.memory_space<vmem>>
      %dma_wait3A_339 = tpu.memref_slice %arg6[%mul3A_332] : memref<5120xi32, #tpu.memory_space<vmem>> -> memref<32xi32, #tpu.memory_space<vmem>>
      %dma_wait3A_340 = arith.constant 0 : i32
      %dma_wait3A_341 = arith.constant 0 : i32
      %dma_wait3A_342 = tpu.memref_slice %arg2[%dma_wait3A_340, %dma_wait3A_341] : memref<10240x128xf32, #tpu.memory_space<hbm>> -> memref<10240x128xf32, #tpu.memory_space<hbm>>
      %dma_wait3A_343 = tpu.memref_slice %arg10[%dma_wait3A_334] : memref<8x!tpu.dma_semaphore, #tpu.memory_space<semaphore_mem>> -> memref<1x!tpu.dma_semaphore, #tpu.memory_space<semaphore_mem>>
      %dma_wait3A_344 = tpu.memref_squeeze %dma_wait3A_343 : memref<1x!tpu.dma_semaphore, #tpu.memory_space<semaphore_mem>> -> memref<!tpu.dma_semaphore, #tpu.memory_space<semaphore_mem>>
      tpu.wait_indirect_dma semaphore(%dma_wait3A_344 : memref<!tpu.dma_semaphore, #tpu.memory_space<semaphore_mem>>) src(%dma_wait3A_342 : memref<10240x128xf32, #tpu.memory_space<hbm>>) dst(%dma_wait3A_338 : memref<32x128xf32, #tpu.memory_space<vmem>>)
      %add3A_345 = arith.constant 3 : i32
      %add3A_346 = arith.addi %mul3A_243, %add3A_345 : i32
      %mul3A_347 = arith.constant 32 : i32
      %mul3A_348 = arith.muli %add3A_346, %mul3A_347 : i32
      %run_scoped3A_349 = arith.constant 3 : i32
      "tpu.region"() ({
        %run_scoped3A_480 = tpu.sem_alloc : memref<!tpu.dma_semaphore, #tpu.memory_space<semaphore_mem>>
        %dma_start3A_481 = arith.constant 0 : i32
        %dma_start3A_482 = arith.constant 0 : i32
        %dma_start3A_483 = tpu.memref_slice %arg8[%run_scoped3A_349, %dma_start3A_481, %dma_start3A_482] : memref<8x32x128xf32, #tpu.memory_space<vmem>> -> memref<1x32x128xf32, #tpu.memory_space<vmem>>
        %dma_start3A_484 = tpu.memref_squeeze %dma_start3A_483 : memref<1x32x128xf32, #tpu.memory_space<vmem>> -> memref<32x128xf32, #tpu.memory_space<vmem>>
        %dma_start3A_485 = tpu.memref_slice %arg7[%mul3A_348] : memref<5120xi32, #tpu.memory_space<vmem>> -> memref<32xi32, #tpu.memory_space<vmem>>
        %dma_start3A_486 = arith.constant 0 : i32
        %dma_start3A_487 = arith.constant 0 : i32
        %dma_start3A_488 = tpu.memref_slice %arg9[%dma_start3A_486, %dma_start3A_487] : memref<10240x128xf32, #tpu.memory_space<vmem_shared>> -> memref<10240x128xf32, #tpu.memory_space<vmem_shared>>
        tpu.enqueue_indirect_dma source(%dma_start3A_484 : memref<32x128xf32, #tpu.memory_space<vmem>>) target(%dma_start3A_488 : memref<10240x128xf32, #tpu.memory_space<vmem_shared>>) offsets(%dma_start3A_485 : memref<32xi32, #tpu.memory_space<vmem>>) semaphore(%run_scoped3A_480 : memref<!tpu.dma_semaphore, #tpu.memory_space<semaphore_mem>>) {add = true}
        %dma_wait3A_489 = arith.constant 0 : i32
        %dma_wait3A_490 = arith.constant 0 : i32
        %dma_wait3A_491 = tpu.memref_slice %arg8[%run_scoped3A_349, %dma_wait3A_489, %dma_wait3A_490] : memref<8x32x128xf32, #tpu.memory_space<vmem>> -> memref<1x32x128xf32, #tpu.memory_space<vmem>>
        %dma_wait3A_492 = tpu.memref_squeeze %dma_wait3A_491 : memref<1x32x128xf32, #tpu.memory_space<vmem>> -> memref<32x128xf32, #tpu.memory_space<vmem>>
        %dma_wait3A_493 = tpu.memref_slice %arg7[%mul3A_348] : memref<5120xi32, #tpu.memory_space<vmem>> -> memref<32xi32, #tpu.memory_space<vmem>>
        %dma_wait3A_494 = arith.constant 0 : i32
        %dma_wait3A_495 = arith.constant 0 : i32
        %dma_wait3A_496 = tpu.memref_slice %arg9[%dma_wait3A_494, %dma_wait3A_495] : memref<10240x128xf32, #tpu.memory_space<vmem_shared>> -> memref<10240x128xf32, #tpu.memory_space<vmem_shared>>
        tpu.wait_indirect_dma semaphore(%run_scoped3A_480 : memref<!tpu.dma_semaphore, #tpu.memory_space<semaphore_mem>>) src(%dma_wait3A_492 : memref<32x128xf32, #tpu.memory_space<vmem>>) dst(%dma_wait3A_496 : memref<10240x128xf32, #tpu.memory_space<vmem_shared>>)
        tpu.yield
      }) : () -> ()
      %add3A_350 = arith.constant 8 : i32
      %add3A_351 = arith.addi %mul3A_243, %add3A_350 : i32
      %add3A_352 = arith.constant 3 : i32
      %add3A_353 = arith.addi %add3A_351, %add3A_352 : i32
      %lt3A_354 = arith.constant 160 : i32
      %lt3A_355 = arith.cmpi slt, %add3A_353, %lt3A_354 : i32
      %convert_element_type3A_356 = arith.extui %lt3A_355 : i1 to i32
      %cond3A_357 = arith.constant 0 : i32
      %cond3A_358 = arith.cmpi ne, %convert_element_type3A_356, %cond3A_357 : i32
      scf.if %cond3A_358 {
        %add3A_480 = arith.constant 8 : i32
        %add3A_481 = arith.addi %mul3A_243, %add3A_480 : i32
        %add3A_482 = arith.constant 3 : i32
        %add3A_483 = arith.addi %add3A_481, %add3A_482 : i32
        %mul3A_484 = arith.constant 32 : i32
        %mul3A_485 = arith.muli %add3A_483, %mul3A_484 : i32
        %dma_start3A_486 = arith.constant 3 : i32
        %dma_start3A_487 = arith.constant 3 : i32
        %dma_start3A_488 = arith.constant 0 : i32
        %dma_start3A_489 = arith.constant 0 : i32
        %dma_start3A_490 = tpu.memref_slice %arg8[%dma_start3A_486, %dma_start3A_488, %dma_start3A_489] : memref<8x32x128xf32, #tpu.memory_space<vmem>> -> memref<1x32x128xf32, #tpu.memory_space<vmem>>
        %dma_start3A_491 = tpu.memref_squeeze %dma_start3A_490 : memref<1x32x128xf32, #tpu.memory_space<vmem>> -> memref<32x128xf32, #tpu.memory_space<vmem>>
        %dma_start3A_492 = tpu.memref_slice %arg6[%mul3A_485] : memref<5120xi32, #tpu.memory_space<vmem>> -> memref<32xi32, #tpu.memory_space<vmem>>
        %dma_start3A_493 = arith.constant 0 : i32
        %dma_start3A_494 = arith.constant 0 : i32
        %dma_start3A_495 = tpu.memref_slice %arg2[%dma_start3A_493, %dma_start3A_494] : memref<10240x128xf32, #tpu.memory_space<hbm>> -> memref<10240x128xf32, #tpu.memory_space<hbm>>
        %dma_start3A_496 = tpu.memref_slice %arg10[%dma_start3A_487] : memref<8x!tpu.dma_semaphore, #tpu.memory_space<semaphore_mem>> -> memref<1x!tpu.dma_semaphore, #tpu.memory_space<semaphore_mem>>
        %dma_start3A_497 = tpu.memref_squeeze %dma_start3A_496 : memref<1x!tpu.dma_semaphore, #tpu.memory_space<semaphore_mem>> -> memref<!tpu.dma_semaphore, #tpu.memory_space<semaphore_mem>>
        tpu.enqueue_indirect_dma source(%dma_start3A_495 : memref<10240x128xf32, #tpu.memory_space<hbm>>) target(%dma_start3A_491 : memref<32x128xf32, #tpu.memory_space<vmem>>) offsets(%dma_start3A_492 : memref<32xi32, #tpu.memory_space<vmem>>) semaphore(%dma_start3A_497 : memref<!tpu.dma_semaphore, #tpu.memory_space<semaphore_mem>>)
      } else {
      }
      %add3A_359 = arith.constant 4 : i32
      %add3A_360 = arith.addi %mul3A_243, %add3A_359 : i32
      %mul3A_361 = arith.constant 32 : i32
      %mul3A_362 = arith.muli %add3A_360, %mul3A_361 : i32
      %dma_wait3A_363 = arith.constant 4 : i32
      %dma_wait3A_364 = arith.constant 4 : i32
      %dma_wait3A_365 = arith.constant 0 : i32
      %dma_wait3A_366 = arith.constant 0 : i32
      %dma_wait3A_367 = tpu.memref_slice %arg8[%dma_wait3A_363, %dma_wait3A_365, %dma_wait3A_366] : memref<8x32x128xf32, #tpu.memory_space<vmem>> -> memref<1x32x128xf32, #tpu.memory_space<vmem>>
      %dma_wait3A_368 = tpu.memref_squeeze %dma_wait3A_367 : memref<1x32x128xf32, #tpu.memory_space<vmem>> -> memref<32x128xf32, #tpu.memory_space<vmem>>
      %dma_wait3A_369 = tpu.memref_slice %arg6[%mul3A_362] : memref<5120xi32, #tpu.memory_space<vmem>> -> memref<32xi32, #tpu.memory_space<vmem>>
      %dma_wait3A_370 = arith.constant 0 : i32
      %dma_wait3A_371 = arith.constant 0 : i32
      %dma_wait3A_372 = tpu.memref_slice %arg2[%dma_wait3A_370, %dma_wait3A_371] : memref<10240x128xf32, #tpu.memory_space<hbm>> -> memref<10240x128xf32, #tpu.memory_space<hbm>>
      %dma_wait3A_373 = tpu.memref_slice %arg10[%dma_wait3A_364] : memref<8x!tpu.dma_semaphore, #tpu.memory_space<semaphore_mem>> -> memref<1x!tpu.dma_semaphore, #tpu.memory_space<semaphore_mem>>
      %dma_wait3A_374 = tpu.memref_squeeze %dma_wait3A_373 : memref<1x!tpu.dma_semaphore, #tpu.memory_space<semaphore_mem>> -> memref<!tpu.dma_semaphore, #tpu.memory_space<semaphore_mem>>
      tpu.wait_indirect_dma semaphore(%dma_wait3A_374 : memref<!tpu.dma_semaphore, #tpu.memory_space<semaphore_mem>>) src(%dma_wait3A_372 : memref<10240x128xf32, #tpu.memory_space<hbm>>) dst(%dma_wait3A_368 : memref<32x128xf32, #tpu.memory_space<vmem>>)
      %add3A_375 = arith.constant 4 : i32
      %add3A_376 = arith.addi %mul3A_243, %add3A_375 : i32
      %mul3A_377 = arith.constant 32 : i32
      %mul3A_378 = arith.muli %add3A_376, %mul3A_377 : i32
      %run_scoped3A_379 = arith.constant 4 : i32
      "tpu.region"() ({
        %run_scoped3A_480 = tpu.sem_alloc : memref<!tpu.dma_semaphore, #tpu.memory_space<semaphore_mem>>
        %dma_start3A_481 = arith.constant 0 : i32
        %dma_start3A_482 = arith.constant 0 : i32
        %dma_start3A_483 = tpu.memref_slice %arg8[%run_scoped3A_379, %dma_start3A_481, %dma_start3A_482] : memref<8x32x128xf32, #tpu.memory_space<vmem>> -> memref<1x32x128xf32, #tpu.memory_space<vmem>>
        %dma_start3A_484 = tpu.memref_squeeze %dma_start3A_483 : memref<1x32x128xf32, #tpu.memory_space<vmem>> -> memref<32x128xf32, #tpu.memory_space<vmem>>
        %dma_start3A_485 = tpu.memref_slice %arg7[%mul3A_378] : memref<5120xi32, #tpu.memory_space<vmem>> -> memref<32xi32, #tpu.memory_space<vmem>>
        %dma_start3A_486 = arith.constant 0 : i32
        %dma_start3A_487 = arith.constant 0 : i32
        %dma_start3A_488 = tpu.memref_slice %arg9[%dma_start3A_486, %dma_start3A_487] : memref<10240x128xf32, #tpu.memory_space<vmem_shared>> -> memref<10240x128xf32, #tpu.memory_space<vmem_shared>>
        tpu.enqueue_indirect_dma source(%dma_start3A_484 : memref<32x128xf32, #tpu.memory_space<vmem>>) target(%dma_start3A_488 : memref<10240x128xf32, #tpu.memory_space<vmem_shared>>) offsets(%dma_start3A_485 : memref<32xi32, #tpu.memory_space<vmem>>) semaphore(%run_scoped3A_480 : memref<!tpu.dma_semaphore, #tpu.memory_space<semaphore_mem>>) {add = true}
        %dma_wait3A_489 = arith.constant 0 : i32
        %dma_wait3A_490 = arith.constant 0 : i32
        %dma_wait3A_491 = tpu.memref_slice %arg8[%run_scoped3A_379, %dma_wait3A_489, %dma_wait3A_490] : memref<8x32x128xf32, #tpu.memory_space<vmem>> -> memref<1x32x128xf32, #tpu.memory_space<vmem>>
        %dma_wait3A_492 = tpu.memref_squeeze %dma_wait3A_491 : memref<1x32x128xf32, #tpu.memory_space<vmem>> -> memref<32x128xf32, #tpu.memory_space<vmem>>
        %dma_wait3A_493 = tpu.memref_slice %arg7[%mul3A_378] : memref<5120xi32, #tpu.memory_space<vmem>> -> memref<32xi32, #tpu.memory_space<vmem>>
        %dma_wait3A_494 = arith.constant 0 : i32
        %dma_wait3A_495 = arith.constant 0 : i32
        %dma_wait3A_496 = tpu.memref_slice %arg9[%dma_wait3A_494, %dma_wait3A_495] : memref<10240x128xf32, #tpu.memory_space<vmem_shared>> -> memref<10240x128xf32, #tpu.memory_space<vmem_shared>>
        tpu.wait_indirect_dma semaphore(%run_scoped3A_480 : memref<!tpu.dma_semaphore, #tpu.memory_space<semaphore_mem>>) src(%dma_wait3A_492 : memref<32x128xf32, #tpu.memory_space<vmem>>) dst(%dma_wait3A_496 : memref<10240x128xf32, #tpu.memory_space<vmem_shared>>)
        tpu.yield
      }) : () -> ()
      %add3A_380 = arith.constant 8 : i32
      %add3A_381 = arith.addi %mul3A_243, %add3A_380 : i32
      %add3A_382 = arith.constant 4 : i32
      %add3A_383 = arith.addi %add3A_381, %add3A_382 : i32
      %lt3A_384 = arith.constant 160 : i32
      %lt3A_385 = arith.cmpi slt, %add3A_383, %lt3A_384 : i32
      %convert_element_type3A_386 = arith.extui %lt3A_385 : i1 to i32
      %cond3A_387 = arith.constant 0 : i32
      %cond3A_388 = arith.cmpi ne, %convert_element_type3A_386, %cond3A_387 : i32
      scf.if %cond3A_388 {
        %add3A_480 = arith.constant 8 : i32
        %add3A_481 = arith.addi %mul3A_243, %add3A_480 : i32
        %add3A_482 = arith.constant 4 : i32
        %add3A_483 = arith.addi %add3A_481, %add3A_482 : i32
        %mul3A_484 = arith.constant 32 : i32
        %mul3A_485 = arith.muli %add3A_483, %mul3A_484 : i32
        %dma_start3A_486 = arith.constant 4 : i32
        %dma_start3A_487 = arith.constant 4 : i32
        %dma_start3A_488 = arith.constant 0 : i32
        %dma_start3A_489 = arith.constant 0 : i32
        %dma_start3A_490 = tpu.memref_slice %arg8[%dma_start3A_486, %dma_start3A_488, %dma_start3A_489] : memref<8x32x128xf32, #tpu.memory_space<vmem>> -> memref<1x32x128xf32, #tpu.memory_space<vmem>>
        %dma_start3A_491 = tpu.memref_squeeze %dma_start3A_490 : memref<1x32x128xf32, #tpu.memory_space<vmem>> -> memref<32x128xf32, #tpu.memory_space<vmem>>
        %dma_start3A_492 = tpu.memref_slice %arg6[%mul3A_485] : memref<5120xi32, #tpu.memory_space<vmem>> -> memref<32xi32, #tpu.memory_space<vmem>>
        %dma_start3A_493 = arith.constant 0 : i32
        %dma_start3A_494 = arith.constant 0 : i32
        %dma_start3A_495 = tpu.memref_slice %arg2[%dma_start3A_493, %dma_start3A_494] : memref<10240x128xf32, #tpu.memory_space<hbm>> -> memref<10240x128xf32, #tpu.memory_space<hbm>>
        %dma_start3A_496 = tpu.memref_slice %arg10[%dma_start3A_487] : memref<8x!tpu.dma_semaphore, #tpu.memory_space<semaphore_mem>> -> memref<1x!tpu.dma_semaphore, #tpu.memory_space<semaphore_mem>>
        %dma_start3A_497 = tpu.memref_squeeze %dma_start3A_496 : memref<1x!tpu.dma_semaphore, #tpu.memory_space<semaphore_mem>> -> memref<!tpu.dma_semaphore, #tpu.memory_space<semaphore_mem>>
        tpu.enqueue_indirect_dma source(%dma_start3A_495 : memref<10240x128xf32, #tpu.memory_space<hbm>>) target(%dma_start3A_491 : memref<32x128xf32, #tpu.memory_space<vmem>>) offsets(%dma_start3A_492 : memref<32xi32, #tpu.memory_space<vmem>>) semaphore(%dma_start3A_497 : memref<!tpu.dma_semaphore, #tpu.memory_space<semaphore_mem>>)
      } else {
      }
      %add3A_389 = arith.constant 5 : i32
      %add3A_390 = arith.addi %mul3A_243, %add3A_389 : i32
      %mul3A_391 = arith.constant 32 : i32
      %mul3A_392 = arith.muli %add3A_390, %mul3A_391 : i32
      %dma_wait3A_393 = arith.constant 5 : i32
      %dma_wait3A_394 = arith.constant 5 : i32
      %dma_wait3A_395 = arith.constant 0 : i32
      %dma_wait3A_396 = arith.constant 0 : i32
      %dma_wait3A_397 = tpu.memref_slice %arg8[%dma_wait3A_393, %dma_wait3A_395, %dma_wait3A_396] : memref<8x32x128xf32, #tpu.memory_space<vmem>> -> memref<1x32x128xf32, #tpu.memory_space<vmem>>
      %dma_wait3A_398 = tpu.memref_squeeze %dma_wait3A_397 : memref<1x32x128xf32, #tpu.memory_space<vmem>> -> memref<32x128xf32, #tpu.memory_space<vmem>>
      %dma_wait3A_399 = tpu.memref_slice %arg6[%mul3A_392] : memref<5120xi32, #tpu.memory_space<vmem>> -> memref<32xi32, #tpu.memory_space<vmem>>
      %dma_wait3A_400 = arith.constant 0 : i32
      %dma_wait3A_401 = arith.constant 0 : i32
      %dma_wait3A_402 = tpu.memref_slice %arg2[%dma_wait3A_400, %dma_wait3A_401] : memref<10240x128xf32, #tpu.memory_space<hbm>> -> memref<10240x128xf32, #tpu.memory_space<hbm>>
      %dma_wait3A_403 = tpu.memref_slice %arg10[%dma_wait3A_394] : memref<8x!tpu.dma_semaphore, #tpu.memory_space<semaphore_mem>> -> memref<1x!tpu.dma_semaphore, #tpu.memory_space<semaphore_mem>>
      %dma_wait3A_404 = tpu.memref_squeeze %dma_wait3A_403 : memref<1x!tpu.dma_semaphore, #tpu.memory_space<semaphore_mem>> -> memref<!tpu.dma_semaphore, #tpu.memory_space<semaphore_mem>>
      tpu.wait_indirect_dma semaphore(%dma_wait3A_404 : memref<!tpu.dma_semaphore, #tpu.memory_space<semaphore_mem>>) src(%dma_wait3A_402 : memref<10240x128xf32, #tpu.memory_space<hbm>>) dst(%dma_wait3A_398 : memref<32x128xf32, #tpu.memory_space<vmem>>)
      %add3A_405 = arith.constant 5 : i32
      %add3A_406 = arith.addi %mul3A_243, %add3A_405 : i32
      %mul3A_407 = arith.constant 32 : i32
      %mul3A_408 = arith.muli %add3A_406, %mul3A_407 : i32
      %run_scoped3A_409 = arith.constant 5 : i32
      "tpu.region"() ({
        %run_scoped3A_480 = tpu.sem_alloc : memref<!tpu.dma_semaphore, #tpu.memory_space<semaphore_mem>>
        %dma_start3A_481 = arith.constant 0 : i32
        %dma_start3A_482 = arith.constant 0 : i32
        %dma_start3A_483 = tpu.memref_slice %arg8[%run_scoped3A_409, %dma_start3A_481, %dma_start3A_482] : memref<8x32x128xf32, #tpu.memory_space<vmem>> -> memref<1x32x128xf32, #tpu.memory_space<vmem>>
        %dma_start3A_484 = tpu.memref_squeeze %dma_start3A_483 : memref<1x32x128xf32, #tpu.memory_space<vmem>> -> memref<32x128xf32, #tpu.memory_space<vmem>>
        %dma_start3A_485 = tpu.memref_slice %arg7[%mul3A_408] : memref<5120xi32, #tpu.memory_space<vmem>> -> memref<32xi32, #tpu.memory_space<vmem>>
        %dma_start3A_486 = arith.constant 0 : i32
        %dma_start3A_487 = arith.constant 0 : i32
        %dma_start3A_488 = tpu.memref_slice %arg9[%dma_start3A_486, %dma_start3A_487] : memref<10240x128xf32, #tpu.memory_space<vmem_shared>> -> memref<10240x128xf32, #tpu.memory_space<vmem_shared>>
        tpu.enqueue_indirect_dma source(%dma_start3A_484 : memref<32x128xf32, #tpu.memory_space<vmem>>) target(%dma_start3A_488 : memref<10240x128xf32, #tpu.memory_space<vmem_shared>>) offsets(%dma_start3A_485 : memref<32xi32, #tpu.memory_space<vmem>>) semaphore(%run_scoped3A_480 : memref<!tpu.dma_semaphore, #tpu.memory_space<semaphore_mem>>) {add = true}
        %dma_wait3A_489 = arith.constant 0 : i32
        %dma_wait3A_490 = arith.constant 0 : i32
        %dma_wait3A_491 = tpu.memref_slice %arg8[%run_scoped3A_409, %dma_wait3A_489, %dma_wait3A_490] : memref<8x32x128xf32, #tpu.memory_space<vmem>> -> memref<1x32x128xf32, #tpu.memory_space<vmem>>
        %dma_wait3A_492 = tpu.memref_squeeze %dma_wait3A_491 : memref<1x32x128xf32, #tpu.memory_space<vmem>> -> memref<32x128xf32, #tpu.memory_space<vmem>>
        %dma_wait3A_493 = tpu.memref_slice %arg7[%mul3A_408] : memref<5120xi32, #tpu.memory_space<vmem>> -> memref<32xi32, #tpu.memory_space<vmem>>
        %dma_wait3A_494 = arith.constant 0 : i32
        %dma_wait3A_495 = arith.constant 0 : i32
        %dma_wait3A_496 = tpu.memref_slice %arg9[%dma_wait3A_494, %dma_wait3A_495] : memref<10240x128xf32, #tpu.memory_space<vmem_shared>> -> memref<10240x128xf32, #tpu.memory_space<vmem_shared>>
        tpu.wait_indirect_dma semaphore(%run_scoped3A_480 : memref<!tpu.dma_semaphore, #tpu.memory_space<semaphore_mem>>) src(%dma_wait3A_492 : memref<32x128xf32, #tpu.memory_space<vmem>>) dst(%dma_wait3A_496 : memref<10240x128xf32, #tpu.memory_space<vmem_shared>>)
        tpu.yield
      }) : () -> ()
      %add3A_410 = arith.constant 8 : i32
      %add3A_411 = arith.addi %mul3A_243, %add3A_410 : i32
      %add3A_412 = arith.constant 5 : i32
      %add3A_413 = arith.addi %add3A_411, %add3A_412 : i32
      %lt3A_414 = arith.constant 160 : i32
      %lt3A_415 = arith.cmpi slt, %add3A_413, %lt3A_414 : i32
      %convert_element_type3A_416 = arith.extui %lt3A_415 : i1 to i32
      %cond3A_417 = arith.constant 0 : i32
      %cond3A_418 = arith.cmpi ne, %convert_element_type3A_416, %cond3A_417 : i32
      scf.if %cond3A_418 {
        %add3A_480 = arith.constant 8 : i32
        %add3A_481 = arith.addi %mul3A_243, %add3A_480 : i32
        %add3A_482 = arith.constant 5 : i32
        %add3A_483 = arith.addi %add3A_481, %add3A_482 : i32
        %mul3A_484 = arith.constant 32 : i32
        %mul3A_485 = arith.muli %add3A_483, %mul3A_484 : i32
        %dma_start3A_486 = arith.constant 5 : i32
        %dma_start3A_487 = arith.constant 5 : i32
        %dma_start3A_488 = arith.constant 0 : i32
        %dma_start3A_489 = arith.constant 0 : i32
        %dma_start3A_490 = tpu.memref_slice %arg8[%dma_start3A_486, %dma_start3A_488, %dma_start3A_489] : memref<8x32x128xf32, #tpu.memory_space<vmem>> -> memref<1x32x128xf32, #tpu.memory_space<vmem>>
        %dma_start3A_491 = tpu.memref_squeeze %dma_start3A_490 : memref<1x32x128xf32, #tpu.memory_space<vmem>> -> memref<32x128xf32, #tpu.memory_space<vmem>>
        %dma_start3A_492 = tpu.memref_slice %arg6[%mul3A_485] : memref<5120xi32, #tpu.memory_space<vmem>> -> memref<32xi32, #tpu.memory_space<vmem>>
        %dma_start3A_493 = arith.constant 0 : i32
        %dma_start3A_494 = arith.constant 0 : i32
        %dma_start3A_495 = tpu.memref_slice %arg2[%dma_start3A_493, %dma_start3A_494] : memref<10240x128xf32, #tpu.memory_space<hbm>> -> memref<10240x128xf32, #tpu.memory_space<hbm>>
        %dma_start3A_496 = tpu.memref_slice %arg10[%dma_start3A_487] : memref<8x!tpu.dma_semaphore, #tpu.memory_space<semaphore_mem>> -> memref<1x!tpu.dma_semaphore, #tpu.memory_space<semaphore_mem>>
        %dma_start3A_497 = tpu.memref_squeeze %dma_start3A_496 : memref<1x!tpu.dma_semaphore, #tpu.memory_space<semaphore_mem>> -> memref<!tpu.dma_semaphore, #tpu.memory_space<semaphore_mem>>
        tpu.enqueue_indirect_dma source(%dma_start3A_495 : memref<10240x128xf32, #tpu.memory_space<hbm>>) target(%dma_start3A_491 : memref<32x128xf32, #tpu.memory_space<vmem>>) offsets(%dma_start3A_492 : memref<32xi32, #tpu.memory_space<vmem>>) semaphore(%dma_start3A_497 : memref<!tpu.dma_semaphore, #tpu.memory_space<semaphore_mem>>)
      } else {
      }
      %add3A_419 = arith.constant 6 : i32
      %add3A_420 = arith.addi %mul3A_243, %add3A_419 : i32
      %mul3A_421 = arith.constant 32 : i32
      %mul3A_422 = arith.muli %add3A_420, %mul3A_421 : i32
      %dma_wait3A_423 = arith.constant 6 : i32
      %dma_wait3A_424 = arith.constant 6 : i32
      %dma_wait3A_425 = arith.constant 0 : i32
      %dma_wait3A_426 = arith.constant 0 : i32
      %dma_wait3A_427 = tpu.memref_slice %arg8[%dma_wait3A_423, %dma_wait3A_425, %dma_wait3A_426] : memref<8x32x128xf32, #tpu.memory_space<vmem>> -> memref<1x32x128xf32, #tpu.memory_space<vmem>>
      %dma_wait3A_428 = tpu.memref_squeeze %dma_wait3A_427 : memref<1x32x128xf32, #tpu.memory_space<vmem>> -> memref<32x128xf32, #tpu.memory_space<vmem>>
      %dma_wait3A_429 = tpu.memref_slice %arg6[%mul3A_422] : memref<5120xi32, #tpu.memory_space<vmem>> -> memref<32xi32, #tpu.memory_space<vmem>>
      %dma_wait3A_430 = arith.constant 0 : i32
      %dma_wait3A_431 = arith.constant 0 : i32
      %dma_wait3A_432 = tpu.memref_slice %arg2[%dma_wait3A_430, %dma_wait3A_431] : memref<10240x128xf32, #tpu.memory_space<hbm>> -> memref<10240x128xf32, #tpu.memory_space<hbm>>
      %dma_wait3A_433 = tpu.memref_slice %arg10[%dma_wait3A_424] : memref<8x!tpu.dma_semaphore, #tpu.memory_space<semaphore_mem>> -> memref<1x!tpu.dma_semaphore, #tpu.memory_space<semaphore_mem>>
      %dma_wait3A_434 = tpu.memref_squeeze %dma_wait3A_433 : memref<1x!tpu.dma_semaphore, #tpu.memory_space<semaphore_mem>> -> memref<!tpu.dma_semaphore, #tpu.memory_space<semaphore_mem>>
      tpu.wait_indirect_dma semaphore(%dma_wait3A_434 : memref<!tpu.dma_semaphore, #tpu.memory_space<semaphore_mem>>) src(%dma_wait3A_432 : memref<10240x128xf32, #tpu.memory_space<hbm>>) dst(%dma_wait3A_428 : memref<32x128xf32, #tpu.memory_space<vmem>>)
      %add3A_435 = arith.constant 6 : i32
      %add3A_436 = arith.addi %mul3A_243, %add3A_435 : i32
      %mul3A_437 = arith.constant 32 : i32
      %mul3A_438 = arith.muli %add3A_436, %mul3A_437 : i32
      %run_scoped3A_439 = arith.constant 6 : i32
      "tpu.region"() ({
        %run_scoped3A_480 = tpu.sem_alloc : memref<!tpu.dma_semaphore, #tpu.memory_space<semaphore_mem>>
        %dma_start3A_481 = arith.constant 0 : i32
        %dma_start3A_482 = arith.constant 0 : i32
        %dma_start3A_483 = tpu.memref_slice %arg8[%run_scoped3A_439, %dma_start3A_481, %dma_start3A_482] : memref<8x32x128xf32, #tpu.memory_space<vmem>> -> memref<1x32x128xf32, #tpu.memory_space<vmem>>
        %dma_start3A_484 = tpu.memref_squeeze %dma_start3A_483 : memref<1x32x128xf32, #tpu.memory_space<vmem>> -> memref<32x128xf32, #tpu.memory_space<vmem>>
        %dma_start3A_485 = tpu.memref_slice %arg7[%mul3A_438] : memref<5120xi32, #tpu.memory_space<vmem>> -> memref<32xi32, #tpu.memory_space<vmem>>
        %dma_start3A_486 = arith.constant 0 : i32
        %dma_start3A_487 = arith.constant 0 : i32
        %dma_start3A_488 = tpu.memref_slice %arg9[%dma_start3A_486, %dma_start3A_487] : memref<10240x128xf32, #tpu.memory_space<vmem_shared>> -> memref<10240x128xf32, #tpu.memory_space<vmem_shared>>
        tpu.enqueue_indirect_dma source(%dma_start3A_484 : memref<32x128xf32, #tpu.memory_space<vmem>>) target(%dma_start3A_488 : memref<10240x128xf32, #tpu.memory_space<vmem_shared>>) offsets(%dma_start3A_485 : memref<32xi32, #tpu.memory_space<vmem>>) semaphore(%run_scoped3A_480 : memref<!tpu.dma_semaphore, #tpu.memory_space<semaphore_mem>>) {add = true}
        %dma_wait3A_489 = arith.constant 0 : i32
        %dma_wait3A_490 = arith.constant 0 : i32
        %dma_wait3A_491 = tpu.memref_slice %arg8[%run_scoped3A_439, %dma_wait3A_489, %dma_wait3A_490] : memref<8x32x128xf32, #tpu.memory_space<vmem>> -> memref<1x32x128xf32, #tpu.memory_space<vmem>>
        %dma_wait3A_492 = tpu.memref_squeeze %dma_wait3A_491 : memref<1x32x128xf32, #tpu.memory_space<vmem>> -> memref<32x128xf32, #tpu.memory_space<vmem>>
        %dma_wait3A_493 = tpu.memref_slice %arg7[%mul3A_438] : memref<5120xi32, #tpu.memory_space<vmem>> -> memref<32xi32, #tpu.memory_space<vmem>>
        %dma_wait3A_494 = arith.constant 0 : i32
        %dma_wait3A_495 = arith.constant 0 : i32
        %dma_wait3A_496 = tpu.memref_slice %arg9[%dma_wait3A_494, %dma_wait3A_495] : memref<10240x128xf32, #tpu.memory_space<vmem_shared>> -> memref<10240x128xf32, #tpu.memory_space<vmem_shared>>
        tpu.wait_indirect_dma semaphore(%run_scoped3A_480 : memref<!tpu.dma_semaphore, #tpu.memory_space<semaphore_mem>>) src(%dma_wait3A_492 : memref<32x128xf32, #tpu.memory_space<vmem>>) dst(%dma_wait3A_496 : memref<10240x128xf32, #tpu.memory_space<vmem_shared>>)
        tpu.yield
      }) : () -> ()
      %add3A_440 = arith.constant 8 : i32
      %add3A_441 = arith.addi %mul3A_243, %add3A_440 : i32
      %add3A_442 = arith.constant 6 : i32
      %add3A_443 = arith.addi %add3A_441, %add3A_442 : i32
      %lt3A_444 = arith.constant 160 : i32
      %lt3A_445 = arith.cmpi slt, %add3A_443, %lt3A_444 : i32
      %convert_element_type3A_446 = arith.extui %lt3A_445 : i1 to i32
      %cond3A_447 = arith.constant 0 : i32
      %cond3A_448 = arith.cmpi ne, %convert_element_type3A_446, %cond3A_447 : i32
      scf.if %cond3A_448 {
        %add3A_480 = arith.constant 8 : i32
        %add3A_481 = arith.addi %mul3A_243, %add3A_480 : i32
        %add3A_482 = arith.constant 6 : i32
        %add3A_483 = arith.addi %add3A_481, %add3A_482 : i32
        %mul3A_484 = arith.constant 32 : i32
        %mul3A_485 = arith.muli %add3A_483, %mul3A_484 : i32
        %dma_start3A_486 = arith.constant 6 : i32
        %dma_start3A_487 = arith.constant 6 : i32
        %dma_start3A_488 = arith.constant 0 : i32
        %dma_start3A_489 = arith.constant 0 : i32
        %dma_start3A_490 = tpu.memref_slice %arg8[%dma_start3A_486, %dma_start3A_488, %dma_start3A_489] : memref<8x32x128xf32, #tpu.memory_space<vmem>> -> memref<1x32x128xf32, #tpu.memory_space<vmem>>
        %dma_start3A_491 = tpu.memref_squeeze %dma_start3A_490 : memref<1x32x128xf32, #tpu.memory_space<vmem>> -> memref<32x128xf32, #tpu.memory_space<vmem>>
        %dma_start3A_492 = tpu.memref_slice %arg6[%mul3A_485] : memref<5120xi32, #tpu.memory_space<vmem>> -> memref<32xi32, #tpu.memory_space<vmem>>
        %dma_start3A_493 = arith.constant 0 : i32
        %dma_start3A_494 = arith.constant 0 : i32
        %dma_start3A_495 = tpu.memref_slice %arg2[%dma_start3A_493, %dma_start3A_494] : memref<10240x128xf32, #tpu.memory_space<hbm>> -> memref<10240x128xf32, #tpu.memory_space<hbm>>
        %dma_start3A_496 = tpu.memref_slice %arg10[%dma_start3A_487] : memref<8x!tpu.dma_semaphore, #tpu.memory_space<semaphore_mem>> -> memref<1x!tpu.dma_semaphore, #tpu.memory_space<semaphore_mem>>
        %dma_start3A_497 = tpu.memref_squeeze %dma_start3A_496 : memref<1x!tpu.dma_semaphore, #tpu.memory_space<semaphore_mem>> -> memref<!tpu.dma_semaphore, #tpu.memory_space<semaphore_mem>>
        tpu.enqueue_indirect_dma source(%dma_start3A_495 : memref<10240x128xf32, #tpu.memory_space<hbm>>) target(%dma_start3A_491 : memref<32x128xf32, #tpu.memory_space<vmem>>) offsets(%dma_start3A_492 : memref<32xi32, #tpu.memory_space<vmem>>) semaphore(%dma_start3A_497 : memref<!tpu.dma_semaphore, #tpu.memory_space<semaphore_mem>>)
      } else {
      }
      %add3A_449 = arith.constant 7 : i32
      %add3A_450 = arith.addi %mul3A_243, %add3A_449 : i32
      %mul3A_451 = arith.constant 32 : i32
      %mul3A_452 = arith.muli %add3A_450, %mul3A_451 : i32
      %dma_wait3A_453 = arith.constant 7 : i32
      %dma_wait3A_454 = arith.constant 7 : i32
      %dma_wait3A_455 = arith.constant 0 : i32
      %dma_wait3A_456 = arith.constant 0 : i32
      %dma_wait3A_457 = tpu.memref_slice %arg8[%dma_wait3A_453, %dma_wait3A_455, %dma_wait3A_456] : memref<8x32x128xf32, #tpu.memory_space<vmem>> -> memref<1x32x128xf32, #tpu.memory_space<vmem>>
      %dma_wait3A_458 = tpu.memref_squeeze %dma_wait3A_457 : memref<1x32x128xf32, #tpu.memory_space<vmem>> -> memref<32x128xf32, #tpu.memory_space<vmem>>
      %dma_wait3A_459 = tpu.memref_slice %arg6[%mul3A_452] : memref<5120xi32, #tpu.memory_space<vmem>> -> memref<32xi32, #tpu.memory_space<vmem>>
      %dma_wait3A_460 = arith.constant 0 : i32
      %dma_wait3A_461 = arith.constant 0 : i32
      %dma_wait3A_462 = tpu.memref_slice %arg2[%dma_wait3A_460, %dma_wait3A_461] : memref<10240x128xf32, #tpu.memory_space<hbm>> -> memref<10240x128xf32, #tpu.memory_space<hbm>>
      %dma_wait3A_463 = tpu.memref_slice %arg10[%dma_wait3A_454] : memref<8x!tpu.dma_semaphore, #tpu.memory_space<semaphore_mem>> -> memref<1x!tpu.dma_semaphore, #tpu.memory_space<semaphore_mem>>
      %dma_wait3A_464 = tpu.memref_squeeze %dma_wait3A_463 : memref<1x!tpu.dma_semaphore, #tpu.memory_space<semaphore_mem>> -> memref<!tpu.dma_semaphore, #tpu.memory_space<semaphore_mem>>
      tpu.wait_indirect_dma semaphore(%dma_wait3A_464 : memref<!tpu.dma_semaphore, #tpu.memory_space<semaphore_mem>>) src(%dma_wait3A_462 : memref<10240x128xf32, #tpu.memory_space<hbm>>) dst(%dma_wait3A_458 : memref<32x128xf32, #tpu.memory_space<vmem>>)
      %add3A_465 = arith.constant 7 : i32
      %add3A_466 = arith.addi %mul3A_243, %add3A_465 : i32
      %mul3A_467 = arith.constant 32 : i32
      %mul3A_468 = arith.muli %add3A_466, %mul3A_467 : i32
      %run_scoped3A_469 = arith.constant 7 : i32
      "tpu.region"() ({
        %run_scoped3A_480 = tpu.sem_alloc : memref<!tpu.dma_semaphore, #tpu.memory_space<semaphore_mem>>
        %dma_start3A_481 = arith.constant 0 : i32
        %dma_start3A_482 = arith.constant 0 : i32
        %dma_start3A_483 = tpu.memref_slice %arg8[%run_scoped3A_469, %dma_start3A_481, %dma_start3A_482] : memref<8x32x128xf32, #tpu.memory_space<vmem>> -> memref<1x32x128xf32, #tpu.memory_space<vmem>>
        %dma_start3A_484 = tpu.memref_squeeze %dma_start3A_483 : memref<1x32x128xf32, #tpu.memory_space<vmem>> -> memref<32x128xf32, #tpu.memory_space<vmem>>
        %dma_start3A_485 = tpu.memref_slice %arg7[%mul3A_468] : memref<5120xi32, #tpu.memory_space<vmem>> -> memref<32xi32, #tpu.memory_space<vmem>>
        %dma_start3A_486 = arith.constant 0 : i32
        %dma_start3A_487 = arith.constant 0 : i32
        %dma_start3A_488 = tpu.memref_slice %arg9[%dma_start3A_486, %dma_start3A_487] : memref<10240x128xf32, #tpu.memory_space<vmem_shared>> -> memref<10240x128xf32, #tpu.memory_space<vmem_shared>>
        tpu.enqueue_indirect_dma source(%dma_start3A_484 : memref<32x128xf32, #tpu.memory_space<vmem>>) target(%dma_start3A_488 : memref<10240x128xf32, #tpu.memory_space<vmem_shared>>) offsets(%dma_start3A_485 : memref<32xi32, #tpu.memory_space<vmem>>) semaphore(%run_scoped3A_480 : memref<!tpu.dma_semaphore, #tpu.memory_space<semaphore_mem>>) {add = true}
        %dma_wait3A_489 = arith.constant 0 : i32
        %dma_wait3A_490 = arith.constant 0 : i32
        %dma_wait3A_491 = tpu.memref_slice %arg8[%run_scoped3A_469, %dma_wait3A_489, %dma_wait3A_490] : memref<8x32x128xf32, #tpu.memory_space<vmem>> -> memref<1x32x128xf32, #tpu.memory_space<vmem>>
        %dma_wait3A_492 = tpu.memref_squeeze %dma_wait3A_491 : memref<1x32x128xf32, #tpu.memory_space<vmem>> -> memref<32x128xf32, #tpu.memory_space<vmem>>
        %dma_wait3A_493 = tpu.memref_slice %arg7[%mul3A_468] : memref<5120xi32, #tpu.memory_space<vmem>> -> memref<32xi32, #tpu.memory_space<vmem>>
        %dma_wait3A_494 = arith.constant 0 : i32
        %dma_wait3A_495 = arith.constant 0 : i32
        %dma_wait3A_496 = tpu.memref_slice %arg9[%dma_wait3A_494, %dma_wait3A_495] : memref<10240x128xf32, #tpu.memory_space<vmem_shared>> -> memref<10240x128xf32, #tpu.memory_space<vmem_shared>>
        tpu.wait_indirect_dma semaphore(%run_scoped3A_480 : memref<!tpu.dma_semaphore, #tpu.memory_space<semaphore_mem>>) src(%dma_wait3A_492 : memref<32x128xf32, #tpu.memory_space<vmem>>) dst(%dma_wait3A_496 : memref<10240x128xf32, #tpu.memory_space<vmem_shared>>)
        tpu.yield
      }) : () -> ()
      %add3A_470 = arith.constant 8 : i32
      %add3A_471 = arith.addi %mul3A_243, %add3A_470 : i32
      %add3A_472 = arith.constant 7 : i32
      %add3A_473 = arith.addi %add3A_471, %add3A_472 : i32
      %lt3A_474 = arith.constant 160 : i32
      %lt3A_475 = arith.cmpi slt, %add3A_473, %lt3A_474 : i32
      %convert_element_type3A_476 = arith.extui %lt3A_475 : i1 to i32
      %cond3A_477 = arith.constant 0 : i32
      %cond3A_478 = arith.cmpi ne, %convert_element_type3A_476, %cond3A_477 : i32
      scf.if %cond3A_478 {
        %add3A_480 = arith.constant 8 : i32
        %add3A_481 = arith.addi %mul3A_243, %add3A_480 : i32
        %add3A_482 = arith.constant 7 : i32
        %add3A_483 = arith.addi %add3A_481, %add3A_482 : i32
        %mul3A_484 = arith.constant 32 : i32
        %mul3A_485 = arith.muli %add3A_483, %mul3A_484 : i32
        %dma_start3A_486 = arith.constant 7 : i32
        %dma_start3A_487 = arith.constant 7 : i32
        %dma_start3A_488 = arith.constant 0 : i32
        %dma_start3A_489 = arith.constant 0 : i32
        %dma_start3A_490 = tpu.memref_slice %arg8[%dma_start3A_486, %dma_start3A_488, %dma_start3A_489] : memref<8x32x128xf32, #tpu.memory_space<vmem>> -> memref<1x32x128xf32, #tpu.memory_space<vmem>>
        %dma_start3A_491 = tpu.memref_squeeze %dma_start3A_490 : memref<1x32x128xf32, #tpu.memory_space<vmem>> -> memref<32x128xf32, #tpu.memory_space<vmem>>
        %dma_start3A_492 = tpu.memref_slice %arg6[%mul3A_485] : memref<5120xi32, #tpu.memory_space<vmem>> -> memref<32xi32, #tpu.memory_space<vmem>>
        %dma_start3A_493 = arith.constant 0 : i32
        %dma_start3A_494 = arith.constant 0 : i32
        %dma_start3A_495 = tpu.memref_slice %arg2[%dma_start3A_493, %dma_start3A_494] : memref<10240x128xf32, #tpu.memory_space<hbm>> -> memref<10240x128xf32, #tpu.memory_space<hbm>>
        %dma_start3A_496 = tpu.memref_slice %arg10[%dma_start3A_487] : memref<8x!tpu.dma_semaphore, #tpu.memory_space<semaphore_mem>> -> memref<1x!tpu.dma_semaphore, #tpu.memory_space<semaphore_mem>>
        %dma_start3A_497 = tpu.memref_squeeze %dma_start3A_496 : memref<1x!tpu.dma_semaphore, #tpu.memory_space<semaphore_mem>> -> memref<!tpu.dma_semaphore, #tpu.memory_space<semaphore_mem>>
        tpu.enqueue_indirect_dma source(%dma_start3A_495 : memref<10240x128xf32, #tpu.memory_space<hbm>>) target(%dma_start3A_491 : memref<32x128xf32, #tpu.memory_space<vmem>>) offsets(%dma_start3A_492 : memref<32xi32, #tpu.memory_space<vmem>>) semaphore(%dma_start3A_497 : memref<!tpu.dma_semaphore, #tpu.memory_space<semaphore_mem>>)
      } else {
      }
      %scan3A_479 = arith.constant 0 : i32
      scf.yield %scan3A_479 : i32
    }
    %scan3A_234 = arith.constant 20 : i32
    %barrier3A_235 = arith.constant 0 : index
    tpu.barrier barrier_id(%barrier3A_235)
    %mul3A_236 = arith.constant 640 : i32
    %mul3A_237 = arith.muli %arg1, %mul3A_236 : i32
    %mul3A_238 = arith.constant 640 : i32
    %mul3A_239 = arith.muli %arg1, %mul3A_238 : i32
    "tpu.region"() ({
      %run_scoped3A = tpu.sem_alloc : memref<!tpu.dma_semaphore, #tpu.memory_space<semaphore_mem>>
      %dma_start3A_240 = arith.constant 0 : i32
      %dma_start3A_241 = tpu.memref_slice %arg5[%arg0, %mul3A_239, %dma_start3A_240] : memref<2x10240x128xf32, #tpu.memory_space<hbm>> -> memref<1x640x128xf32, #tpu.memory_space<hbm>>
      %dma_start3A_242 = tpu.memref_squeeze %dma_start3A_241 : memref<1x640x128xf32, #tpu.memory_space<hbm>> -> memref<640x128xf32, #tpu.memory_space<hbm>>
      %dma_start3A_243 = arith.constant 0 : i32
      %dma_start3A_244 = tpu.memref_slice %arg9[%mul3A_237, %dma_start3A_243] : memref<10240x128xf32, #tpu.memory_space<vmem_shared>> -> memref<640x128xf32, #tpu.memory_space<vmem_shared>>
      tpu.enqueue_dma source(%dma_start3A_244 : memref<640x128xf32, #tpu.memory_space<vmem_shared>>) target(%dma_start3A_242 : memref<640x128xf32, #tpu.memory_space<hbm>>) target_semaphore(%run_scoped3A : memref<!tpu.dma_semaphore, #tpu.memory_space<semaphore_mem>>)
      %dma_wait3A = arith.constant 0 : i32
      %dma_wait3A_245 = tpu.memref_slice %arg5[%arg0, %mul3A_239, %dma_wait3A] : memref<2x10240x128xf32, #tpu.memory_space<hbm>> -> memref<1x640x128xf32, #tpu.memory_space<hbm>>
      %dma_wait3A_246 = tpu.memref_squeeze %dma_wait3A_245 : memref<1x640x128xf32, #tpu.memory_space<hbm>> -> memref<640x128xf32, #tpu.memory_space<hbm>>
      %dma_wait3A_247 = arith.constant 0 : i32
      %dma_wait3A_248 = tpu.memref_slice %arg9[%mul3A_237, %dma_wait3A_247] : memref<10240x128xf32, #tpu.memory_space<vmem_shared>> -> memref<640x128xf32, #tpu.memory_space<vmem_shared>>
      tpu.wait_dma2 semaphore(%run_scoped3A : memref<!tpu.dma_semaphore, #tpu.memory_space<semaphore_mem>>) src(%dma_wait3A_248 : memref<640x128xf32, #tpu.memory_space<vmem_shared>>) dst(%dma_wait3A_246 : memref<640x128xf32, #tpu.memory_space<hbm>>)
      tpu.yield
    }) : () -> ()
    return
  }
}

module attributes {stable_mosaic.version = 14 : i64} {
  func.func @_gru_h1_body(%arg0: memref<10240x128xf32, #tpu.memory_space<vmem>>, %arg1: memref<128x128xf32, #tpu.memory_space<vmem>>, %arg2: memref<128x384xf32, #tpu.memory_space<vmem>>, %arg3: memref<128x384xf32, #tpu.memory_space<vmem>>, %arg4: memref<1x384xf32, #tpu.memory_space<vmem>>, %arg5: memref<1x384xf32, #tpu.memory_space<vmem>>, %arg6: memref<128x128xf32, #tpu.memory_space<vmem>>, %arg7: memref<128x384xf32, #tpu.memory_space<vmem>>, %arg8: memref<128x384xf32, #tpu.memory_space<vmem>>, %arg9: memref<1x384xf32, #tpu.memory_space<vmem>>, %arg10: memref<1x384xf32, #tpu.memory_space<vmem>>, %arg11: memref<10240x128xf32, #tpu.memory_space<vmem>>, %arg12: memref<128x128xf32, #tpu.memory_space<vmem>>) attributes {dimension_semantics = [], scalar_prefetch = 0 : i64, scratch_operands = 0 : i64, tpu.core_type = #tpu.core_type<tc>} {
    %get3A = arith.constant 0 : index
    %get3A_0 = arith.constant 0 : index
    %get3A_1 = vector.load %arg1[%get3A, %get3A_0] : memref<128x128xf32, #tpu.memory_space<vmem>>, vector<128x128xf32>
    %get3A_2 = arith.constant 0 : index
    %get3A_3 = arith.constant 0 : index
    %get3A_4 = vector.load %arg2[%get3A_2, %get3A_3] : memref<128x384xf32, #tpu.memory_space<vmem>>, vector<128x384xf32>
    %dot_general3A = arith.constant dense<0.000000e+00> : vector<128x384xf32>
    %dot_general3A_5 = tpu.matmul %get3A_1, %get3A_4, %dot_general3A {dimension_numbers = #tpu.dot_dimension_numbers<[1], [0], [0], [1], [0, 0, 1, 1], [], []>, transpose_lhs_hint = false} : vector<128x128xf32>, vector<128x384xf32>, vector<128x384xf32> -> vector<128x384xf32>
    %get3A_6 = arith.constant 0 : index
    %get3A_7 = arith.constant 0 : index
    %get3A_8 = vector.load %arg4[%get3A_6, %get3A_7] : memref<1x384xf32, #tpu.memory_space<vmem>>, vector<1x384xf32>
    %add3A = vector.broadcast %get3A_8 : vector<1x384xf32> to vector<128x384xf32>
    %add3A_9 = arith.addf %dot_general3A_5, %add3A : vector<128x384xf32>
    %get3A_10 = arith.constant 0 : index
    %get3A_11 = arith.constant 0 : index
    %get3A_12 = vector.load %arg1[%get3A_10, %get3A_11] : memref<128x128xf32, #tpu.memory_space<vmem>>, vector<128x128xf32>
    %get3A_13 = arith.constant 0 : index
    %get3A_14 = arith.constant 0 : index
    %get3A_15 = vector.load %arg3[%get3A_13, %get3A_14] : memref<128x384xf32, #tpu.memory_space<vmem>>, vector<128x384xf32>
    %dot_general3A_16 = arith.constant dense<0.000000e+00> : vector<128x384xf32>
    %dot_general3A_17 = tpu.matmul %get3A_12, %get3A_15, %dot_general3A_16 {dimension_numbers = #tpu.dot_dimension_numbers<[1], [0], [0], [1], [0, 0, 1, 1], [], []>, transpose_lhs_hint = false} : vector<128x128xf32>, vector<128x384xf32>, vector<128x384xf32> -> vector<128x384xf32>
    %get3A_18 = arith.constant 0 : index
    %get3A_19 = arith.constant 0 : index
    %get3A_20 = vector.load %arg5[%get3A_18, %get3A_19] : memref<1x384xf32, #tpu.memory_space<vmem>>, vector<1x384xf32>
    %add3A_21 = vector.broadcast %get3A_20 : vector<1x384xf32> to vector<128x384xf32>
    %add3A_22 = arith.addf %dot_general3A_17, %add3A_21 : vector<128x384xf32>
    %slice3A = vector.extract_strided_slice %add3A_9 {offsets = [0, 0], sizes = [128, 128], strides = [1, 1]} : vector<128x384xf32> to vector<128x128xf32>
    %slice3A_23 = vector.extract_strided_slice %add3A_22 {offsets = [0, 0], sizes = [128, 128], strides = [1, 1]} : vector<128x384xf32> to vector<128x128xf32>
    %add3A_24 = arith.addf %slice3A, %slice3A_23 : vector<128x128xf32>
    %logistic3A = arith.negf %add3A_24 : vector<128x128xf32>
    %logistic3A_25 = math.exp %logistic3A : vector<128x128xf32>
    %logistic3A_26 = arith.constant 1.000000e+00 : f32
    %logistic3A_27 = vector.broadcast %logistic3A_26 : f32 to vector<128x128xf32>
    %logistic3A_28 = arith.addf %logistic3A_27, %logistic3A_25 : vector<128x128xf32>
    %logistic3A_29 = arith.divf %logistic3A_27, %logistic3A_28 : vector<128x128xf32>
    %slice3A_30 = vector.extract_strided_slice %add3A_9 {offsets = [0, 128], sizes = [128, 128], strides = [1, 1]} : vector<128x384xf32> to vector<128x128xf32>
    %slice3A_31 = vector.extract_strided_slice %add3A_22 {offsets = [0, 128], sizes = [128, 128], strides = [1, 1]} : vector<128x384xf32> to vector<128x128xf32>
    %add3A_32 = arith.addf %slice3A_30, %slice3A_31 : vector<128x128xf32>
    %logistic3A_33 = arith.negf %add3A_32 : vector<128x128xf32>
    %logistic3A_34 = math.exp %logistic3A_33 : vector<128x128xf32>
    %logistic3A_35 = arith.constant 1.000000e+00 : f32
    %logistic3A_36 = vector.broadcast %logistic3A_35 : f32 to vector<128x128xf32>
    %logistic3A_37 = arith.addf %logistic3A_36, %logistic3A_34 : vector<128x128xf32>
    %logistic3A_38 = arith.divf %logistic3A_36, %logistic3A_37 : vector<128x128xf32>
    %slice3A_39 = vector.extract_strided_slice %add3A_9 {offsets = [0, 256], sizes = [128, 128], strides = [1, 1]} : vector<128x384xf32> to vector<128x128xf32>
    %slice3A_40 = vector.extract_strided_slice %add3A_22 {offsets = [0, 256], sizes = [128, 128], strides = [1, 1]} : vector<128x384xf32> to vector<128x128xf32>
    %mul3A = arith.mulf %logistic3A_29, %slice3A_40 : vector<128x128xf32>
    %add3A_41 = arith.addf %slice3A_39, %mul3A : vector<128x128xf32>
    %tanh3A = math.tanh %add3A_41 : vector<128x128xf32>
    %sub3A = arith.constant 1.000000e+00 : f32
    %sub3A_42 = vector.broadcast %sub3A : f32 to vector<128x128xf32>
    %sub3A_43 = arith.subf %sub3A_42, %logistic3A_38 : vector<128x128xf32>
    %mul3A_44 = arith.mulf %sub3A_43, %tanh3A : vector<128x128xf32>
    %get3A_45 = arith.constant 0 : index
    %get3A_46 = arith.constant 0 : index
    %get3A_47 = vector.load %arg1[%get3A_45, %get3A_46] : memref<128x128xf32, #tpu.memory_space<vmem>>, vector<128x128xf32>
    %mul3A_48 = arith.mulf %logistic3A_38, %get3A_47 : vector<128x128xf32>
    %add3A_49 = arith.addf %mul3A_44, %mul3A_48 : vector<128x128xf32>
    %get3A_50 = arith.constant 0 : index
    %get3A_51 = arith.constant 0 : index
    %get3A_52 = vector.load %arg6[%get3A_50, %get3A_51] : memref<128x128xf32, #tpu.memory_space<vmem>>, vector<128x128xf32>
    %get3A_53 = arith.constant 0 : index
    %get3A_54 = arith.constant 0 : index
    %get3A_55 = vector.load %arg7[%get3A_53, %get3A_54] : memref<128x384xf32, #tpu.memory_space<vmem>>, vector<128x384xf32>
    %dot_general3A_56 = arith.constant dense<0.000000e+00> : vector<128x384xf32>
    %dot_general3A_57 = tpu.matmul %get3A_52, %get3A_55, %dot_general3A_56 {dimension_numbers = #tpu.dot_dimension_numbers<[1], [0], [0], [1], [0, 0, 1, 1], [], []>, transpose_lhs_hint = false} : vector<128x128xf32>, vector<128x384xf32>, vector<128x384xf32> -> vector<128x384xf32>
    %get3A_58 = arith.constant 0 : index
    %get3A_59 = arith.constant 0 : index
    %get3A_60 = vector.load %arg9[%get3A_58, %get3A_59] : memref<1x384xf32, #tpu.memory_space<vmem>>, vector<1x384xf32>
    %add3A_61 = vector.broadcast %get3A_60 : vector<1x384xf32> to vector<128x384xf32>
    %add3A_62 = arith.addf %dot_general3A_57, %add3A_61 : vector<128x384xf32>
    %get3A_63 = arith.constant 0 : index
    %get3A_64 = arith.constant 0 : index
    %get3A_65 = vector.load %arg6[%get3A_63, %get3A_64] : memref<128x128xf32, #tpu.memory_space<vmem>>, vector<128x128xf32>
    %get3A_66 = arith.constant 0 : index
    %get3A_67 = arith.constant 0 : index
    %get3A_68 = vector.load %arg8[%get3A_66, %get3A_67] : memref<128x384xf32, #tpu.memory_space<vmem>>, vector<128x384xf32>
    %dot_general3A_69 = arith.constant dense<0.000000e+00> : vector<128x384xf32>
    %dot_general3A_70 = tpu.matmul %get3A_65, %get3A_68, %dot_general3A_69 {dimension_numbers = #tpu.dot_dimension_numbers<[1], [0], [0], [1], [0, 0, 1, 1], [], []>, transpose_lhs_hint = false} : vector<128x128xf32>, vector<128x384xf32>, vector<128x384xf32> -> vector<128x384xf32>
    %get3A_71 = arith.constant 0 : index
    %get3A_72 = arith.constant 0 : index
    %get3A_73 = vector.load %arg10[%get3A_71, %get3A_72] : memref<1x384xf32, #tpu.memory_space<vmem>>, vector<1x384xf32>
    %add3A_74 = vector.broadcast %get3A_73 : vector<1x384xf32> to vector<128x384xf32>
    %add3A_75 = arith.addf %dot_general3A_70, %add3A_74 : vector<128x384xf32>
    %slice3A_76 = vector.extract_strided_slice %add3A_62 {offsets = [0, 0], sizes = [128, 128], strides = [1, 1]} : vector<128x384xf32> to vector<128x128xf32>
    %slice3A_77 = vector.extract_strided_slice %add3A_75 {offsets = [0, 0], sizes = [128, 128], strides = [1, 1]} : vector<128x384xf32> to vector<128x128xf32>
    %add3A_78 = arith.addf %slice3A_76, %slice3A_77 : vector<128x128xf32>
    %logistic3A_79 = arith.negf %add3A_78 : vector<128x128xf32>
    %logistic3A_80 = math.exp %logistic3A_79 : vector<128x128xf32>
    %logistic3A_81 = arith.constant 1.000000e+00 : f32
    %logistic3A_82 = vector.broadcast %logistic3A_81 : f32 to vector<128x128xf32>
    %logistic3A_83 = arith.addf %logistic3A_82, %logistic3A_80 : vector<128x128xf32>
    %logistic3A_84 = arith.divf %logistic3A_82, %logistic3A_83 : vector<128x128xf32>
    %slice3A_85 = vector.extract_strided_slice %add3A_62 {offsets = [0, 128], sizes = [128, 128], strides = [1, 1]} : vector<128x384xf32> to vector<128x128xf32>
    %slice3A_86 = vector.extract_strided_slice %add3A_75 {offsets = [0, 128], sizes = [128, 128], strides = [1, 1]} : vector<128x384xf32> to vector<128x128xf32>
    %add3A_87 = arith.addf %slice3A_85, %slice3A_86 : vector<128x128xf32>
    %logistic3A_88 = arith.negf %add3A_87 : vector<128x128xf32>
    %logistic3A_89 = math.exp %logistic3A_88 : vector<128x128xf32>
    %logistic3A_90 = arith.constant 1.000000e+00 : f32
    %logistic3A_91 = vector.broadcast %logistic3A_90 : f32 to vector<128x128xf32>
    %logistic3A_92 = arith.addf %logistic3A_91, %logistic3A_89 : vector<128x128xf32>
    %logistic3A_93 = arith.divf %logistic3A_91, %logistic3A_92 : vector<128x128xf32>
    %slice3A_94 = vector.extract_strided_slice %add3A_62 {offsets = [0, 256], sizes = [128, 128], strides = [1, 1]} : vector<128x384xf32> to vector<128x128xf32>
    %slice3A_95 = vector.extract_strided_slice %add3A_75 {offsets = [0, 256], sizes = [128, 128], strides = [1, 1]} : vector<128x384xf32> to vector<128x128xf32>
    %mul3A_96 = arith.mulf %logistic3A_84, %slice3A_95 : vector<128x128xf32>
    %add3A_97 = arith.addf %slice3A_94, %mul3A_96 : vector<128x128xf32>
    %tanh3A_98 = math.tanh %add3A_97 : vector<128x128xf32>
    %sub3A_99 = arith.constant 1.000000e+00 : f32
    %sub3A_100 = vector.broadcast %sub3A_99 : f32 to vector<128x128xf32>
    %sub3A_101 = arith.subf %sub3A_100, %logistic3A_93 : vector<128x128xf32>
    %mul3A_102 = arith.mulf %sub3A_101, %tanh3A_98 : vector<128x128xf32>
    %get3A_103 = arith.constant 0 : index
    %get3A_104 = arith.constant 0 : index
    %get3A_105 = vector.load %arg6[%get3A_103, %get3A_104] : memref<128x128xf32, #tpu.memory_space<vmem>>, vector<128x128xf32>
    %mul3A_106 = arith.mulf %logistic3A_93, %get3A_105 : vector<128x128xf32>
    %add3A_107 = arith.addf %mul3A_102, %mul3A_106 : vector<128x128xf32>
    %swap3A = arith.constant 0 : index
    %swap3A_108 = arith.constant 0 : index
    %swap3A_109 = vector.load %arg12[%swap3A, %swap3A_108] : memref<128x128xf32, #tpu.memory_space<vmem>>, vector<128x128xf32>
    tpu.vector_store %arg12[%swap3A, %swap3A_108], %add3A_107 {strides = array<i32>} : memref<128x128xf32, #tpu.memory_space<vmem>>, vector<128x128xf32>,
    %get3A_110 = arith.constant 0 : index
    %get3A_111 = arith.constant 0 : index
    %get3A_112 = vector.load %arg0[%get3A_110, %get3A_111] : memref<10240x128xf32, #tpu.memory_space<vmem>>, vector<10240x128xf32>
    %dot_general3A_113 = arith.constant dense<0.000000e+00> : vector<10240x128xf32>
    %dot_general3A_114 = tpu.matmul %get3A_112, %add3A_49, %dot_general3A_113 {dimension_numbers = #tpu.dot_dimension_numbers<[1], [0], [0], [1], [0, 0, 1, 1], [], []>, transpose_lhs_hint = false} : vector<10240x128xf32>, vector<128x128xf32>, vector<10240x128xf32> -> vector<10240x128xf32>
    %swap3A_115 = arith.constant 0 : index
    %swap3A_116 = arith.constant 0 : index
    %swap3A_117 = vector.load %arg11[%swap3A_115, %swap3A_116] : memref<10240x128xf32, #tpu.memory_space<vmem>>, vector<10240x128xf32>
    tpu.vector_store %arg11[%swap3A_115, %swap3A_116], %dot_general3A_114 {strides = array<i32>} : memref<10240x128xf32, #tpu.memory_space<vmem>>, vector<10240x128xf32>,
    return
  }
}

module attributes {stable_mosaic.version = 14 : i64} {
  func.func @_scale_body(%arg0: memref<2x80x128xf32, #tpu.memory_space<vmem>>, %arg1: memref<80x128x128xf32, #tpu.memory_space<vmem>>, %arg2: memref<80x128x128xf32, #tpu.memory_space<vmem>>, %arg3: memref<80x128xf32, #tpu.memory_space<vmem>>) attributes {dimension_semantics = [], scalar_prefetch = 0 : i64, scratch_operands = 0 : i64, tpu.core_type = #tpu.core_type<tc>} {
    %get3A = arith.constant 0 : index
    %get3A_0 = arith.constant 0 : index
    %get3A_1 = arith.constant 0 : index
    %get3A_2 = vector.load %arg0[%get3A, %get3A_0, %get3A_1] : memref<2x80x128xf32, #tpu.memory_space<vmem>>, vector<1x80x128xf32>
    %get3A_3 = vector.shape_cast %get3A_2 : vector<1x80x128xf32> to vector<80x128xf32>
    %get3A_4 = arith.constant 1 : index
    %get3A_5 = arith.constant 0 : index
    %get3A_6 = arith.constant 0 : index
    %get3A_7 = vector.load %arg0[%get3A_4, %get3A_5, %get3A_6] : memref<2x80x128xf32, #tpu.memory_space<vmem>>, vector<1x80x128xf32>
    %get3A_8 = vector.shape_cast %get3A_7 : vector<1x80x128xf32> to vector<80x128xf32>
    %add3A = arith.addf %get3A_3, %get3A_8 : vector<80x128xf32>
    %add3A_9 = arith.constant 1.000000e+00 : f32
    %add3A_10 = vector.broadcast %add3A_9 : f32 to vector<80x128xf32>
    %add3A_11 = arith.addf %add3A, %add3A_10 : vector<80x128xf32>
    %rsqrt3A = math.rsqrt %add3A_11 : vector<80x128xf32>
    %swap3A = arith.constant 0 : index
    %swap3A_12 = arith.constant 0 : index
    %swap3A_13 = vector.load %arg3[%swap3A, %swap3A_12] : memref<80x128xf32, #tpu.memory_space<vmem>>, vector<80x128xf32>
    tpu.vector_store %arg3[%swap3A, %swap3A_12], %rsqrt3A {strides = array<i32>} : memref<80x128xf32, #tpu.memory_space<vmem>>, vector<80x128xf32>,
    %get3A_14 = arith.constant 0 : index
    %get3A_15 = arith.constant 0 : index
    %get3A_16 = arith.constant 0 : index
    %get3A_17 = vector.load %arg1[%get3A_14, %get3A_15, %get3A_16] : memref<80x128x128xf32, #tpu.memory_space<vmem>>, vector<80x128x128xf32>
    %broadcast_in_dim3A = vector.shape_cast %rsqrt3A : vector<80x128xf32> to vector<80x128x1xf32>
    %mul3A = vector.broadcast %broadcast_in_dim3A : vector<80x128x1xf32> to vector<80x128x128xf32>
    %mul3A_18 = arith.mulf %get3A_17, %mul3A : vector<80x128x128xf32>
    %swap3A_19 = arith.constant 0 : index
    %swap3A_20 = arith.constant 0 : index
    %swap3A_21 = arith.constant 0 : index
    %swap3A_22 = vector.load %arg2[%swap3A_19, %swap3A_20, %swap3A_21] : memref<80x128x128xf32, #tpu.memory_space<vmem>>, vector<80x128x128xf32>
    tpu.vector_store %arg2[%swap3A_19, %swap3A_20, %swap3A_21], %mul3A_18 {strides = array<i32>} : memref<80x128x128xf32, #tpu.memory_space<vmem>>, vector<80x128x128xf32>,
    return
  }
}

module attributes {stable_mosaic.version = 14 : i64} {
  func.func @_mid_body(%arg0: i32, %arg1: memref<2x1024x128xf32, #tpu.memory_space<vmem>>, %arg2: memref<1024x128xf32, #tpu.memory_space<vmem>>, %arg3: memref<1024x1xf32, #tpu.memory_space<vmem>>, %arg4: memref<128x128xf32, #tpu.memory_space<vmem>>, %arg5: memref<1024x128xf32, #tpu.memory_space<vmem>>) attributes {dimension_semantics = [#tpu.dimension_semantics<arbitrary>], iteration_bounds = array<i64: 10>, scalar_prefetch = 0 : i64, scratch_operands = 0 : i64, tpu.core_type = #tpu.core_type<tc>, window_params = [{transform_indices = @transform_0, window_bounds = array<i64: 2, 1024, 128>}, {transform_indices = @transform_1, window_bounds = array<i64: 1024, 128>}, {transform_indices = @transform_2, window_bounds = array<i64: 1024, 1>}, {pipeline_mode = #tpu.pipeline_mode<synchronous>, transform_indices = @transform_3, window_bounds = array<i64: 128, 128>}, {transform_indices = @transform_4, window_bounds = array<i64: 1024, 128>}]} {
    %get3A = arith.constant 0 : index
    %get3A_0 = arith.constant 0 : index
    %get3A_1 = arith.constant 0 : index
    %get3A_2 = vector.load %arg1[%get3A, %get3A_0, %get3A_1] : memref<2x1024x128xf32, #tpu.memory_space<vmem>>, vector<1x1024x128xf32>
    %get3A_3 = vector.shape_cast %get3A_2 : vector<1x1024x128xf32> to vector<1024x128xf32>
    %get3A_4 = arith.constant 1 : index
    %get3A_5 = arith.constant 0 : index
    %get3A_6 = arith.constant 0 : index
    %get3A_7 = vector.load %arg1[%get3A_4, %get3A_5, %get3A_6] : memref<2x1024x128xf32, #tpu.memory_space<vmem>>, vector<1x1024x128xf32>
    %get3A_8 = vector.shape_cast %get3A_7 : vector<1x1024x128xf32> to vector<1024x128xf32>
    %add3A = arith.addf %get3A_3, %get3A_8 : vector<1024x128xf32>
    %get3A_9 = arith.constant 0 : index
    %get3A_10 = arith.constant 0 : index
    %get3A_11 = vector.load %arg2[%get3A_9, %get3A_10] : memref<1024x128xf32, #tpu.memory_space<vmem>>, vector<1024x128xf32>
    %add3A_12 = arith.addf %add3A, %get3A_11 : vector<1024x128xf32>
    %get3A_13 = arith.constant 0 : index
    %get3A_14 = arith.constant 0 : index
    %get3A_15 = vector.load %arg3[%get3A_13, %get3A_14] : memref<1024x1xf32, #tpu.memory_space<vmem>>, vector<1024x1xf32>
    %mul3A = vector.broadcast %get3A_15 : vector<1024x1xf32> to vector<1024x128xf32>
    %mul3A_16 = arith.mulf %add3A_12, %mul3A : vector<1024x128xf32>
    %max3A = arith.constant 0.000000e+00 : f32
    %max3A_17 = vector.broadcast %max3A : f32 to vector<1024x128xf32>
    %max3A_18 = arith.maximumf %mul3A_16, %max3A_17 : vector<1024x128xf32>
    %get3A_19 = arith.constant 0 : index
    %get3A_20 = arith.constant 0 : index
    %get3A_21 = vector.load %arg4[%get3A_19, %get3A_20] : memref<128x128xf32, #tpu.memory_space<vmem>>, vector<128x128xf32>
    %dot_general3A = arith.constant dense<0.000000e+00> : vector<1024x128xf32>
    %dot_general3A_22 = tpu.matmul %max3A_18, %get3A_21, %dot_general3A {dimension_numbers = #tpu.dot_dimension_numbers<[1], [0], [0], [1], [0, 0, 1, 1], [], []>, transpose_lhs_hint = false} : vector<1024x128xf32>, vector<128x128xf32>, vector<1024x128xf32> -> vector<1024x128xf32>
    %get3A_23 = arith.constant 0 : index
    %get3A_24 = arith.constant 0 : index
    %get3A_25 = vector.load %arg3[%get3A_23, %get3A_24] : memref<1024x1xf32, #tpu.memory_space<vmem>>, vector<1024x1xf32>
    %mul3A_26 = vector.broadcast %get3A_25 : vector<1024x1xf32> to vector<1024x128xf32>
    %mul3A_27 = arith.mulf %dot_general3A_22, %mul3A_26 : vector<1024x128xf32>
    %swap3A = arith.constant 0 : index
    %swap3A_28 = arith.constant 0 : index
    %swap3A_29 = vector.load %arg5[%swap3A, %swap3A_28] : memref<1024x128xf32, #tpu.memory_space<vmem>>, vector<1024x128xf32>
    tpu.vector_store %arg5[%swap3A, %swap3A_28], %mul3A_27 {strides = array<i32>} : memref<1024x128xf32, #tpu.memory_space<vmem>>, vector<1024x128xf32>,
    return
  }
  func.func @transform_0(%arg0: i32) -> (i32, i32, i32) {
    %c0_i32 = arith.constant 0 : i32
    %c0_i32_0 = arith.constant 0 : i32
    %c0_i32_1 = arith.constant 0 : i32
    return %c0_i32, %arg0, %c0_i32_0 : i32, i32, i32
  }
  func.func @transform_1(%arg0: i32) -> (i32, i32) {
    %c0_i32 = arith.constant 0 : i32
    %c0_i32_0 = arith.constant 0 : i32
    return %arg0, %c0_i32 : i32, i32
  }
  func.func @transform_2(%arg0: i32) -> (i32, i32) {
    %c0_i32 = arith.constant 0 : i32
    %c0_i32_0 = arith.constant 0 : i32
    return %arg0, %c0_i32 : i32, i32
  }
  func.func @transform_3(%arg0: i32) -> (i32, i32) {
    %c0_i32 = arith.constant 0 : i32
    %c0_i32_0 = arith.constant 0 : i32
    %c0_i32_1 = arith.constant 0 : i32
    return %c0_i32, %c0_i32_0 : i32, i32
  }
  func.func @transform_4(%arg0: i32) -> (i32, i32) {
    %c0_i32 = arith.constant 0 : i32
    %c0_i32_0 = arith.constant 0 : i32
    return %arg0, %c0_i32 : i32, i32
  }
}

module attributes {stable_mosaic.version = 14 : i64} {
  func.func @_final_body(%arg0: i32, %arg1: memref<2x1024x128xf32, #tpu.memory_space<vmem>>, %arg2: memref<1024x128xf32, #tpu.memory_space<vmem>>, %arg3: memref<1024x1xf32, #tpu.memory_space<vmem>>, %arg4: memref<128x128xf32, #tpu.memory_space<vmem>>, %arg5: memref<1x128xf32, #tpu.memory_space<vmem>>, %arg6: memref<1024x128xf32, #tpu.memory_space<vmem>>) attributes {dimension_semantics = [#tpu.dimension_semantics<arbitrary>], iteration_bounds = array<i64: 10>, scalar_prefetch = 0 : i64, scratch_operands = 0 : i64, tpu.core_type = #tpu.core_type<tc>, window_params = [{transform_indices = @transform_0, window_bounds = array<i64: 2, 1024, 128>}, {transform_indices = @transform_1, window_bounds = array<i64: 1024, 128>}, {transform_indices = @transform_2, window_bounds = array<i64: 1024, 1>}, {pipeline_mode = #tpu.pipeline_mode<synchronous>, transform_indices = @transform_3, window_bounds = array<i64: 128, 128>}, {pipeline_mode = #tpu.pipeline_mode<synchronous>, transform_indices = @transform_4, window_bounds = array<i64: 1, 128>}, {transform_indices = @transform_5, window_bounds = array<i64: 1024, 128>}]} {
    %get3A = arith.constant 0 : index
    %get3A_0 = arith.constant 0 : index
    %get3A_1 = arith.constant 0 : index
    %get3A_2 = vector.load %arg1[%get3A, %get3A_0, %get3A_1] : memref<2x1024x128xf32, #tpu.memory_space<vmem>>, vector<1x1024x128xf32>
    %get3A_3 = vector.shape_cast %get3A_2 : vector<1x1024x128xf32> to vector<1024x128xf32>
    %get3A_4 = arith.constant 1 : index
    %get3A_5 = arith.constant 0 : index
    %get3A_6 = arith.constant 0 : index
    %get3A_7 = vector.load %arg1[%get3A_4, %get3A_5, %get3A_6] : memref<2x1024x128xf32, #tpu.memory_space<vmem>>, vector<1x1024x128xf32>
    %get3A_8 = vector.shape_cast %get3A_7 : vector<1x1024x128xf32> to vector<1024x128xf32>
    %add3A = arith.addf %get3A_3, %get3A_8 : vector<1024x128xf32>
    %get3A_9 = arith.constant 0 : index
    %get3A_10 = arith.constant 0 : index
    %get3A_11 = vector.load %arg2[%get3A_9, %get3A_10] : memref<1024x128xf32, #tpu.memory_space<vmem>>, vector<1024x128xf32>
    %add3A_12 = arith.addf %add3A, %get3A_11 : vector<1024x128xf32>
    %get3A_13 = arith.constant 0 : index
    %get3A_14 = arith.constant 0 : index
    %get3A_15 = vector.load %arg3[%get3A_13, %get3A_14] : memref<1024x1xf32, #tpu.memory_space<vmem>>, vector<1024x1xf32>
    %mul3A = vector.broadcast %get3A_15 : vector<1024x1xf32> to vector<1024x128xf32>
    %mul3A_16 = arith.mulf %add3A_12, %mul3A : vector<1024x128xf32>
    %max3A = arith.constant 0.000000e+00 : f32
    %max3A_17 = vector.broadcast %max3A : f32 to vector<1024x128xf32>
    %max3A_18 = arith.maximumf %mul3A_16, %max3A_17 : vector<1024x128xf32>
    %get3A_19 = arith.constant 0 : index
    %get3A_20 = arith.constant 0 : index
    %get3A_21 = vector.load %arg4[%get3A_19, %get3A_20] : memref<128x128xf32, #tpu.memory_space<vmem>>, vector<128x128xf32>
    %dot_general3A = arith.constant dense<0.000000e+00> : vector<1024x128xf32>
    %dot_general3A_22 = tpu.matmul %max3A_18, %get3A_21, %dot_general3A {dimension_numbers = #tpu.dot_dimension_numbers<[1], [0], [0], [1], [0, 0, 1, 1], [], []>, transpose_lhs_hint = false} : vector<1024x128xf32>, vector<128x128xf32>, vector<1024x128xf32> -> vector<1024x128xf32>
    %get3A_23 = arith.constant 0 : index
    %get3A_24 = arith.constant 0 : index
    %get3A_25 = vector.load %arg5[%get3A_23, %get3A_24] : memref<1x128xf32, #tpu.memory_space<vmem>>, vector<1x128xf32>
    %add3A_26 = vector.broadcast %get3A_25 : vector<1x128xf32> to vector<1024x128xf32>
    %add3A_27 = arith.addf %dot_general3A_22, %add3A_26 : vector<1024x128xf32>
    %iota3A = tpu.iota {dimensions = array<i32: 1>} : vector<1024x128xi32>
    %lt3A = arith.constant 10 : i32
    %lt3A_28 = vector.broadcast %lt3A : i32 to vector<1024x128xi32>
    %lt3A_29 = arith.cmpi slt, %iota3A, %lt3A_28 : vector<1024x128xi32>
    %jit3A = arith.constant -1.000000e+30 : f32
    %broadcast_in_dim3A = vector.broadcast %jit3A : f32 to vector<1024x128xf32>
    %select_n3A = arith.select %lt3A_29, %add3A_27, %broadcast_in_dim3A : vector<1024x128xi1>, vector<1024x128xf32>
    %reduce_max3A = arith.constant dense<0xFF800000> : vector<1024xf32>
    %reduce_max3A_30 = vector.multi_reduction <maximumf>, %select_n3A, %reduce_max3A [1] : vector<1024x128xf32> to vector<1024xf32>
    %broadcast_in_dim3A_31 = vector.shape_cast %reduce_max3A_30 : vector<1024xf32> to vector<1024x1xf32>
    %sub3A = vector.broadcast %broadcast_in_dim3A_31 : vector<1024x1xf32> to vector<1024x128xf32>
    %sub3A_32 = arith.subf %select_n3A, %sub3A : vector<1024x128xf32>
    %exp3A = math.exp %sub3A_32 : vector<1024x128xf32>
    %reduce_sum3A = arith.constant dense<0.000000e+00> : vector<1024xf32>
    %reduce_sum3A_33 = vector.multi_reduction <add>, %exp3A, %reduce_sum3A [1] : vector<1024x128xf32> to vector<1024xf32>
    %broadcast_in_dim3A_34 = vector.shape_cast %reduce_sum3A_33 : vector<1024xf32> to vector<1024x1xf32>
    %log3A = math.log %broadcast_in_dim3A_34 : vector<1024x1xf32>
    %sub3A_35 = vector.broadcast %broadcast_in_dim3A_31 : vector<1024x1xf32> to vector<1024x128xf32>
    %sub3A_36 = arith.subf %select_n3A, %sub3A_35 : vector<1024x128xf32>
    %sub3A_37 = vector.broadcast %log3A : vector<1024x1xf32> to vector<1024x128xf32>
    %sub3A_38 = arith.subf %sub3A_36, %sub3A_37 : vector<1024x128xf32>
    %swap3A = arith.constant 0 : index
    %swap3A_39 = arith.constant 0 : index
    %swap3A_40 = vector.load %arg6[%swap3A, %swap3A_39] : memref<1024x128xf32, #tpu.memory_space<vmem>>, vector<1024x128xf32>
    tpu.vector_store %arg6[%swap3A, %swap3A_39], %sub3A_38 {strides = array<i32>} : memref<1024x128xf32, #tpu.memory_space<vmem>>, vector<1024x128xf32>,
    return
  }
  func.func @transform_0(%arg0: i32) -> (i32, i32, i32) {
    %c0_i32 = arith.constant 0 : i32
    %c0_i32_0 = arith.constant 0 : i32
    %c0_i32_1 = arith.constant 0 : i32
    return %c0_i32, %arg0, %c0_i32_0 : i32, i32, i32
  }
  func.func @transform_1(%arg0: i32) -> (i32, i32) {
    %c0_i32 = arith.constant 0 : i32
    %c0_i32_0 = arith.constant 0 : i32
    return %arg0, %c0_i32 : i32, i32
  }
  func.func @transform_2(%arg0: i32) -> (i32, i32) {
    %c0_i32 = arith.constant 0 : i32
    %c0_i32_0 = arith.constant 0 : i32
    return %arg0, %c0_i32 : i32, i32
  }
  func.func @transform_3(%arg0: i32) -> (i32, i32) {
    %c0_i32 = arith.constant 0 : i32
    %c0_i32_0 = arith.constant 0 : i32
    %c0_i32_1 = arith.constant 0 : i32
    return %c0_i32, %c0_i32_0 : i32, i32
  }
  func.func @transform_4(%arg0: i32) -> (i32, i32) {
    %c0_i32 = arith.constant 0 : i32
    %c0_i32_0 = arith.constant 0 : i32
    %c0_i32_1 = arith.constant 0 : i32
    return %c0_i32, %c0_i32_0 : i32, i32
  }
  func.func @transform_5(%arg0: i32) -> (i32, i32) {
    %c0_i32 = arith.constant 0 : i32
    %c0_i32_0 = arith.constant 0 : i32
    return %arg0, %c0_i32 : i32, i32
  }
}

</mosaic_0001>

<sc_bundles>
// kernel: kernel.12.cloned.1.call-start
scs
__scs_entry_jumppad:
0x0: {  	(pc) =	sbr.rel $0x88, $3  }
0x1: {  	(tag) =	ssettag $0x0;
	lr =	simm.s32 $0x1  }
0x2: {  	[smem:$0x3F93] =	sst lr;
	_ =	strace $0xD0000000  }
0x3: {  	_ = 	snop  }
0x4: {  	_ = 	snop  }
0x5: {  	_ = 	snop  }
0x6: {  	_ = 	snop  }
0x7: {  	_ = 	snop  }
__scs_overlays_trampoline_lowered:
0x8: {  	[smem:$0x3FA2] =	sst s0  }
0x9: {  	[smem:$0x3FA3] =	sst s1  }
0xa: {  	[smem:$0x3FA4] =	sst s2  }
0xb: {  	[smem:$0x3FA5] =	sst s3  }
0xc: {  	[smem:$0x3FA6] =	sst s4  }
0xd: {  	[smem:$0x3FA7] =	sst s5  }
0xe: {  	[smem:$0x3FA8] =	sst s6  }
0xf: {  	[smem:$0x3FA9] =	sst s7  }
0x10: {  	[smem:$0x3FAA] =	sst s8  }
0x11: {  	[smem:$0x3FAB] =	sst s9;
	s0 =	simm.s32 @!p0 $0x0  }
0x12: {  	s1 =	sld [smem:$0x3F91];
	s0 =	simm.s32 @p0 $0x1  }
0x13: {  	[smem:$0x3FAC] =	sst s0;
	s0 =	simm.s32 @!p1 $0x0  }
0x14: {  	s2 =	sld [smem:$0x3F90];
	s0 =	simm.s32 @p1 $0x1  }
0x15: {  	[smem:$0x3FAD] =	sst s0;
	s0 =	simm.s32 @!p2 $0x0  }
0x16: {  	s3 =	sld [smem:$0x3FDB];
	s0 =	simm.s32 @p2 $0x1  }
0x17: {  	s4 =	simm.s32 $0x1BF5;
	[smem:$0x3FAF] =	sst s0  }
0x18: {  	s0 =	sld [smem:$0x3F92];
	_ =	swait.ge [sflag:s4], $0x0  }
0x19: {  	s7 =	sld [smem:$0x3F93]  }
0x1a: {  	s8 =	sadd.s32 $0xFFFFE003, lr  }
0x1b: {  	s9 =	sadd.s32 $0xFFFFFEF7, lr;
	s5 =	simm.s32 $0xFFFFFFFF;
	p2 =	slt.u32 s8, $0xFFFFF086  }
0x1c: {  	p1 =	slt.u32 s9, $0xF7A;
	s5 =	simm.s32 @!p2 $0x0  }
0x1d: {  	s5 =	simm.s32 @p1 $0x1;
	p0 =	seq.s32 s7, s2  }
0x1e: {  	s7 =	smul.u32 @!p0 $0xF7A, s2;
	p2 =	seq.s32 @!p0 s5, $0x0  }
0x1f: {  	s9 =	smul.u32 $0xF7A, s1;
	s8 =	simm.s32 @!p0 $0x1BF5;
	p2 =	por !p2, p0  }
0x20: {  	[sflag:s8] =	ssyncset.s32 @!p0 $0xFFFFF086;
	s6 =	sadd.s32 @!p0 s3, s7;
	s7 =	simm.s32 @!p0 $0x108  }
0x21: {  	s3 =	sadd.s32 s3, s9;
	s6 =	sadd.s32 @!p0 $0x88, s6;
	s7 =	simm.s32 @p2 $0x1082  }
0x22: {  	[simem:s7], [sflag:s8] =	dma.local @!p0 [hbm:s6], $0xF7A  }
0x23: {  	s9 =	sor.u32 $0xD0000000, s2;
	s6 =	simm.s32 $0x108;
	_ =	swait.ge @!p0 [sflag:s8], $0x0  }
0x24: {  	s3 =	sadd.s32 $0x88, s3;
	s6 =	simm.s32 @!p1 $0x1082;
	[sflag:s4] =	ssyncset.s32 $0xFFFFF086  }
0x25: {  	[simem:s6], [sflag:s4] =	dma.local [hbm:s3], $0xF7A  }
0x26: {  	[smem:$0x3F93] =	sst s1;
	(tag) =	ssettag s2;
	_ =	strace s9  }
0x27: {  	s1 =	sld [smem:$0x3FA3]  }
0x28: {  	s2 =	sld [smem:$0x3FA4]  }
0x29: {  	s4 =	sld [smem:$0x3FA6]  }
0x2a: {  	p0 =	seq.s32 s5, $0x0;
	s5 =	sld [smem:$0x3FA7]  }
0x2b: {  	s6 =	sld [smem:$0x3FA8]  }
0x2c: {  	s7 =	sld [smem:$0x3FA9]  }
0x2d: {  	s3 =	simm.s32 $0x108;
	s8 =	sld [smem:$0x3FAA]  }
0x2e: {  	s3 =	simm.s32 @!p0 $0x1082;
	s9 =	sld [smem:$0x3FAB]  }
0x2f: {  	lr =	sadd.s32 s0, s3;
	s0 =	sld [smem:$0x3FA2]  }
0x30: {  	s3 =	sld [smem:$0x3FA5]  }
0x31: {  	[smem:$0x3FAE] =	sst s10  }
0x32: {  	s10 =	sld [smem:$0x3FAC];
	_ =	sdelay $0x3  }
0x33: {  	p0 =	seq.s32 s10, $0x1;
	s10 =	sld [smem:$0x3FAE];
	_ =	sdelay $0x3  }
0x34: {  	[smem:$0x3FAE] =	sst s10  }
0x35: {  	s10 =	sld [smem:$0x3FAD];
	_ =	sdelay $0x3  }
0x36: {  	p1 =	seq.s32 s10, $0x1;
	s10 =	sld [smem:$0x3FAE];
	_ =	sdelay $0x3  }
0x37: {  	[smem:$0x3FAE] =	sst s10  }
0x38: {  	s10 =	sld [smem:$0x3FAF]  }
0x39: {  	_ = 	snop;
	(pc) =	sbr.ind lr, $3  }
0x3a: {  	_ = 	snop  }
0x3b: {  	_ = 	snop  }
0x3c: {  	p2 =	seq.s32 s10, $0x1;
	s10 =	sld [smem:$0x3FAE]  }
0x3d: {  	_ =	shalt  }
0x3e: {  	_ =	shalt  }
0x3f: {  	_ =	shalt  }
0x40: {  	_ =	shalt  }
0x41: {  	_ =	shalt  }
0x42: {  	_ =	shalt  }
0x43: {  	_ =	shalt  }
0x44: {  	_ =	shalt  }
0x45: {  	_ =	shalt  }
0x46: {  	_ =	shalt  }
0x47: {  	_ =	shalt  }
0x48: {  	_ =	shalt  }
0x49: {  	_ =	shalt  }
0x4a: {  	_ =	shalt  }
0x4b: {  	_ =	shalt  }
0x4c: {  	_ =	shalt  }
0x4d: {  	_ =	shalt  }
0x4e: {  	_ =	shalt  }
0x4f: {  	_ =	shalt  }
0x50: {  	_ =	shalt  }
0x51: {  	_ =	shalt  }
0x52: {  	_ =	shalt  }
0x53: {  	_ =	shalt  }
0x54: {  	_ =	shalt  }
0x55: {  	_ =	shalt  }
0x56: {  	_ =	shalt  }
0x57: {  	_ =	shalt  }
0x58: {  	_ =	shalt  }
0x59: {  	_ =	shalt  }
0x5a: {  	_ =	shalt  }
0x5b: {  	_ =	shalt  }
0x5c: {  	_ =	shalt  }
0x5d: {  	_ =	shalt  }
0x5e: {  	_ =	shalt  }
0x5f: {  	_ =	shalt  }
0x60: {  	_ =	shalt  }
0x61: {  	_ =	shalt  }
0x62: {  	_ =	shalt  }
0x63: {  	_ =	shalt  }
0x64: {  	_ =	shalt  }
0x65: {  	_ =	shalt  }
0x66: {  	_ =	shalt  }
0x67: {  	_ =	shalt  }
0x68: {  	_ =	shalt  }
0x69: {  	_ =	shalt  }
0x6a: {  	_ =	shalt  }
0x6b: {  	_ =	shalt  }
0x6c: {  	_ =	shalt  }
0x6d: {  	_ =	shalt  }
0x6e: {  	_ =	shalt  }
0x6f: {  	_ =	shalt  }
0x70: {  	_ =	shalt  }
0x71: {  	_ =	shalt  }
0x72: {  	_ =	shalt  }
0x73: {  	_ =	shalt  }
0x74: {  	_ =	shalt  }
0x75: {  	_ =	shalt  }
0x76: {  	_ =	shalt  }
0x77: {  	_ =	shalt  }
0x78: {  	_ =	shalt  }
0x79: {  	_ =	shalt  }
0x7a: {  	_ =	shalt  }
0x7b: {  	_ =	shalt  }
0x7c: {  	_ =	shalt  }
0x7d: {  	_ =	shalt  }
0x7e: {  	_ =	shalt  }
0x7f: {  	_ =	shalt  }
0x80: {  	_ =	shalt  }
0x81: {  	_ =	shalt  }
0x82: {  	_ =	shalt  }
0x83: {  	_ =	shalt  }
0x84: {  	_ =	shalt  }
0x85: {  	_ =	shalt  }
0x86: {  	_ =	shalt  }
0x87: {  	_ =	shalt  }
.Lfunc_end0:
.L_simem_size_0:
called_computation.1_lowered:
.L_overlay_start_0:
0x88: {  	s2 =	sld [smem:$0x3FD9]  }
0x89: {  	s3 =	sld [smem:$0x3FFE];
	_ =	sdelay $0x1  }
0x8a: {  	s1 =	srdreg.scid  }
0x8b: {  	s0 =	sand.u32 $0x1, s1  }
0x8c: {  	s16 =	sshll.u32 s0, $0xA;
	s2 =	sadd.s32 s3, s2  }
0x8d: {  	s2 =	sadd.s32 s2, s16  }
0x8e: {  	[smem:$0x3FBA] =	sst s2  }
0x8f: {  	_ = 	snop  }
0x90: {  	(tm) =	ssettm $0x1  }
0x91: {  	s17 =	sld [smem:$0x3FFB];
	_ =	sdelay $0x3  }
0x92: {  	_ =	strace s17  }
0x93: {  	s2 =	sld [smem:$0x3FFC];
	_ =	sdelay $0x3  }
0x94: {  	_ =	strace s2  }
0x95: {  	s2 =	sld [smem:$0x3FFD];
	_ =	sdelay $0x3  }
0x96: {  	_ =	strace s2  }
0x97: {  	_ =	strace $0x8FFFFFFF  }
0x98: {  	s18 =	sld [smem:$0x3FDB];
	_ =	sdelay $0x1  }
0x99: {  	s19 =	simm.s32 $_scs_section_size  }
0x9a: {  	s4 =	simm.s32 $_size__tile_overlayer_lowered;
	s5 =	simm.s32 $_tile_overlayer_lowered  }
0x9b: {  	s22 =	simm.s32 $0x1BFF;
	s21 =	sshll.u32 s5, $0x1;
	s2 =	sadd.s32 s19, s18  }
0x9c: {  	s6 =	simm.s32 $0x0;
	s20 =	sshll.u32 s4, $0x1;
	s4 =	sadd.s32 s21, s2  }
0x9d: {  	[timem:s6], [sflag:s22] =	dma.local [hbm:s4], s20  }
0x9e: {  	_ =	swait.ge [sflag:s22], s20  }
0x9f: {  	s3 =	ssub.s32 $0x0, s20;
	[sflag:s22] =	ssyncset.done $0x0  }
0xa0: {  	[sflag:s22] =	ssyncadd.s32 s3;
	_ =	sdelay $0x1  }
0xa1: {  	s23 =	simm.s32 $0x1B8B  }
0xa2: {  	_ =	swait.ge [sflag:s23], $0x1  }
0xa3: {  	[sflag:s23] =	ssyncset.done $0x0  }
0xa4: {  	s25 =	simm.s32 $0x1B8E;
	s24 =	sld [smem:$0x3FFE];
	[sflag:s23] =	ssyncadd.s32 $0xFFFFFFFF  }
0xa5: {  	s26 =	simm.s32 $execute0_lowered;
	[smem:$0x3FD2] =	sst s25  }
0xa6: {  	s4 =	sshll.u32 s26, $0x1;
	_ =	strace $0x80000049;
	[dreg:$0x1] =	wrdreg $0xFFFFFFFF  }
0xa7: {  	s28 =	simm.s32 $_size_execute0_lowered;
	s2 =	sadd.s32 s2, s4;
	[dreg:$0x0] =	wrdreg $0x0  }
0xa8: {  	s4 =	sshll.u32 s28, $0x1;
	[dreg:$0x2] =	wrdreg s2  }
0xa9: {  	[dreg:$0x3] =	wrdreg s4  }
0xaa: {  	[dreg:$0x4] =	wrdreg $0xC0  }
0xab: {  	_ =	task [dreg:s6], $0x5FFFF  }
0xac: {  	[dreg:$0x1] =	wrdreg $0xFFFFFFFF  }
0xad: {  	[dreg:$0x0] =	wrdreg $0x60  }
0xae: {  	[dreg:$0x2] =	wrdreg s24  }
0xaf: {  	[dreg:$0x3] =	wrdreg $0xA8000  }
0xb0: {  	[dreg:$0x4] =	wrdreg $0x9  }
0xb1: {  	_ =	task.clear_ibuf [dreg:s6], $0x5FFFF;
	_ =	strace $0x90000049  }
0xb2: {  	s29 =	simm.s32 $0x9;
	_ =	strace $0x8000004B  }
0xb3: {  	_ =	swait.ge [sflag:s29], $0x1  }
0xb4: {  	[sflag:s29] =	ssyncadd.s32 $0xFFFFFFFF  }
0xb5: {  	_ =	strace $0x9000004B  }
0xb6: {  	_ =	sfence  }
0xb7: {  	s30 =	sld [smem:$0x0];
	_ =	sdelay $0x2  }
0xb8: {  	s31 =	sshll.u32 s1, $0xD;
	s1 =	sshrl.u32 s1, $0x2  }
0xb9: {  	s3 =	sand.u32 $0x4000, s31;
	s1 =	sadd.s32 s1, s30  }
0xba: {  	s0 =	sor.u32 s3, s0;
	s1 =	sshll.u32 s1, $0x11  }
0xbb: {  	s0 =	sor.u32 s1, s0  }
0xbc: {  	s0 =	sadd.s32 $0x8F2B, s0  }
0xbd: {  	[sflag:s0] =	ssyncadd.remote.s32 $0x1  }
0xbe: {  	_ =	sfence.sel $0xFFFF  }
0xbf: {  	[dreg:$0x0] =	wrdreg $0xFFFFFFFF;
	(pc) =	sbr.abs _section_cstart, $3  }
0xc0: {  	[dreg:$0x1] =	wrdreg $0xFFFFFFFF  }
0xc1: {  	_ =	task.clear_ibuf [dreg:s6], $0x2FFFF;
	_ =	strace $0x9FFFFFFF  }
0xc2: {  	(tm) =	ssettm $0x7FFFFFFF  }
0xc3: {  	_ =	shalt  }
tec
execute0_lowered:
.L_overlay_start_1:
0x0: {  	(tag) =	ssettag $0x1  }
0x1: {  	s0 =	rddreg [dreg:$0x0]  }
0x2: {  	s1 =	rddreg [dreg:$0x1]  }
0x3: {  	s2 =	srdreg.scid;
	s4 =	simm.s32 $0x0;
	s10 =	stileid.u32  }
0x4: {  	s2 =	sand.u32 $0x1, s2;
	[smem:$0x7FF] =	sst s4;
	s5 =	smul.u32 $0x14000, s10  }
0x5: {  	s4 =	sadd.s32 $0x20E00, s0;
	s7 =	sadd.s32 $0x16E00, s0;
	s31 =	sadd.s32 $0xCE00, s0  }
0x6: {  	s8 =	sshll.u32 s10, $0x7;
	s3 =	smul.u32 $0x140000, s2;
	s6 =	sshll.u32 s2, $0x4  }
0x7: {  	_ =	strace $0x8000004A;
	s2 =	ssub.s32 $0x2, s2;
	s30 =	sor.u32 s10, s6  }
0x8: {  	s10 =	smul.u32 $0x50000, s10;
	s3 =	sadd.s32 s5, s3;
	s5 =	sshrl.u32 s30, $0x3  }
0x9: {  	s8 =	sand.u32 $0x380, s8;
	s9 =	sshrl.u32 s2, $0x1;
	s5 =	smul.u32 $0x14000, s5  }
0xa: {  	s2 =	ssub.s32 s2, s9;
	s3 =	sshrl.u32 s3, $0x3;
	s9 =	sshrl.u32 s10, $0x2  }
0xb: {  	s11 =	smax.u32 s2, $0x1;
	s0 =	sadd.s32 s3, s0;
	s5 =	sor.u32 s8, s5  }
0xc: {  	[dreg:$0x8] =	wrdreg s11;
	s0 =	sadd.s32 $0x48E00, s0;
	s8 =	sshrl.u32 s5, $0x3  }
0xd: {  	s3 =	sadd.s32 $0xA000, s5;
	[dreg:$0x7] =	wrdreg s0;
	s10 =	sadd.s32 s7, s8  }
0xe: {  	s5 =	sadd.s32 s9, s1;
	s8 =	sadd.s32 s31, s8;
	[dreg:$0x3] =	wrdreg s10  }
0xf: {  	s12 =	sadd.s32 $0x1000, s5;
	[dreg:$0x4] =	wrdreg s8  }
0x10: {  	s13 =	sadd.s32 $0x2000, s5;
	[dreg:$0x9] =	wrdreg s12  }
0x11: {  	s14 =	sadd.s32 $0x3000, s5;
	[dreg:$0xa] =	wrdreg s13  }
0x12: {  	s15 =	sadd.s32 $0x4000, s5;
	[dreg:$0xb] =	wrdreg s14  }
0x13: {  	s16 =	sadd.s32 $0x5000, s5;
	[dreg:$0xc] =	wrdreg s15  }
0x14: {  	s17 =	sadd.s32 $0x6000, s5;
	[dreg:$0xd] =	wrdreg s16  }
0x15: {  	s18 =	sadd.s32 $0x7000, s5;
	[dreg:$0xe] =	wrdreg s17  }
0x16: {  	s19 =	sadd.s32 $0x8000, s5;
	[dreg:$0xf] =	wrdreg s18  }
0x17: {  	s20 =	sadd.s32 $0x9000, s5;
	[dreg:$0x10] =	wrdreg s19  }
0x18: {  	s21 =	sadd.s32 $0xA000, s5;
	[dreg:$0x11] =	wrdreg s20  }
0x19: {  	s22 =	sadd.s32 $0xB000, s5;
	[dreg:$0x12] =	wrdreg s21  }
0x1a: {  	s23 =	sadd.s32 $0xC000, s5;
	[dreg:$0x13] =	wrdreg s22  }
0x1b: {  	s6 =	simm.s32 $0x400;
	s24 =	sadd.s32 $0xD000, s5;
	[dreg:$0x14] =	wrdreg s23  }
0x1c: {  	s2 =	simm.s32 $0x9;
	s25 =	sadd.s32 $0xE000, s5;
	[dreg:$0x15] =	wrdreg s24  }
0x1d: {  	s11 =	simm.s32 $0x4800;
	s26 =	sadd.s32 $0xF000, s5;
	[dreg:$0x16] =	wrdreg s25  }
0x1e: {  	s0 =	simm.s32 $0x2800;
	s28 =	sadd.s32 $0x10000, s5;
	[dreg:$0x17] =	wrdreg s26  }
0x1f: {  	s3 =	sshrl.u32 s3, $0x3;
	s29 =	sadd.s32 $0x11000, s5;
	[dreg:$0x18] =	wrdreg s28  }
0x20: {  	s30 =	sadd.s32 $0x12000, s5;
	s7 =	sadd.s32 s7, s3;
	[dreg:$0x19] =	wrdreg s29  }
0x21: {  	s3 =	sadd.s32 s31, s3;
	[dreg:$0x1a] =	wrdreg s30;
	s31 =	sadd.s32 $0x13000, s5  }
0x22: {  	s8 =	simm.s32 $0x20;
	s14 =	simm.s32 $0x6800;
	s16 =	simm.s32 $0x7800  }
.Ltmp0:
0x23: {  	s17 =	simm.s32 $0xC0;
	s18 =	simm.s32 $0x8800;
	(pc) =	sbr.rel .LBB2_1-.Ltmp0, $4  }
0x24: {  	s19 =	simm.s32 $0xE0;
	s20 =	simm.s32 $0x9800;
	s21 =	simm.s32 $0x1  }
0x25: {  	s22 =	simm.s32 $0x3;
	s23 =	simm.s32 $0x5;
	[dreg:$0x5] =	wrdreg s7  }
0x26: {  	s24 =	simm.s32 $0x7;
	s25 =	simm.s32 $0x8;
	[dreg:$0x6] =	wrdreg s3  }
0x27: {  	v0 =	vimm.f32 $0.0e+00;
	s26 =	simm.s32 $0x0;
	[dreg:$0x1b] =	wrdreg s31;
	s3 =	simm.s32 $0x80  }
.LBB2_9:
0x28: {  	_ =	swait.ge [sflag:s25], $0x1000  }
0x29: {  	[sflag:s25] =	ssyncset.done $0x0  }
0x2a: {  	[sflag:s25] =	ssyncadd.s32 $0xFFFFF000  }
0x2b: {  	[spmem:s1] =	stream.indirect.scatter.add.f32 [tilespmem:s20], [sflag:$0x9], $0x80, s9, s8, $0xb8;
	[tilespmem:$0x1E800] =	vst v63  }
0x2c: {  	_ =	swait.ge [sflag:s2], $0x1000  }
0x2d: {  	[sflag:s2] =	ssyncset.done $0x0  }
0x2e: {  	s7 =	stileid.u32;
	[sflag:s2] =	ssyncadd.s32 $0xFFFFF000  }
0x2f: {  	s7 =	sshll.u32 s7, $0x6;
	[bflag:$0x0] =	sbarrier.arrive $0xFFFF  }
0x30: {  	s30 =	sshrl.u32 s5, $0x3;
	s7 =	sor.u32 $0x1C09, s7;
	s10 =	rddreg [dreg:$0x7]  }
0x31: {  	[hbm:s10], [sflag:s7] =	dma.local [spmem:s30], $0x2800  }
0x32: {  	_ =	swait.ge [sflag:s2], $0x2800  }
0x33: {  	s26 =	sadd.s32 $0x1, s26;
	s31 =	rddreg [dreg:$0x8]  }
0x34: {  	p0 =	sne.s32 s26, s31  }
.Ltmp1:
0x35: {  	_ = 	snop;
	(pc) =	sbr.rel @!p0 .LBB2_10-.Ltmp1, $3  }
0x36: {  	_ =	sdelay $0x1  }
0x37: {  	[sflag:s2] =	ssyncset.done $0x0  }
0x38: {  	[sflag:s2] =	ssyncadd.s32 $0xFFFFD800  }
.LBB2_1:
0x39: {  	s9 =	simm.s32 $0x0  }
0x3a: {  	s7 =	sand.u32 $0x3E00, s9  }
0x3b: {  	s9 =	sand.u32 $0x70, s9;
	s10 =	sshrl.u32 s7, $0x2  }
0x3c: {  	s7 =	simm.s32 $0x40;
	s10 =	sor.u32 s9, s10;
	s9 =	simm.s32 $0x0  }
.LBB2_2:
0x3d: {  	p0 =	sne.s32 s7, $0x3FC0  }
0x3e: {  	[tilespmem:s10+$0x2800] =	vst v0;
	s9 =	sadd.s32 $0x10, s9;
	s10 =	smov.u32 s7;
	s7 =	sadd.s32 $0x40, s7  }
.Ltmp2:
0x3f: {  	(pc) =	sbr.rel @p0 .LBB2_2-.Ltmp2, $4  }
0x40: {  	_ = 	snop  }
0x41: {  	s10 =	sand.u32 $0x3E00, s10  }
0x42: {  	s12 =	sand.u32 $0x70, s9;
	s10 =	sshrl.u32 s10, $0x2  }
0x43: {  	s10 =	sor.u32 s12, s10  }
0x44: {  	[tilespmem:s10+$0x2800] =	vst v0  }
0x45: {  	[spmem:s5] =	stream.linear.scatter [tilespmem:s0], [sflag:$0x9], $0x1000, $0x38;
	[tilespmem:$0x1E800] =	vst v63  }
0x46: {  	_ =	swait.ge [sflag:s2], $0x1000  }
0x47: {  	[sflag:s2] =	ssyncset.done $0x0  }
0x48: {  	s7 =	rddreg [dreg:$0x9];
	[sflag:s2] =	ssyncadd.s32 $0xFFFFF000  }
0x49: {  	[spmem:s7] =	stream.linear.scatter [tilespmem:s0], [sflag:$0x9], $0x1000, $0x38;
	[tilespmem:$0x1E800] =	vst v63  }
0x4a: {  	_ =	swait.ge [sflag:s2], $0x1000  }
0x4b: {  	[sflag:s2] =	ssyncset.done $0x0  }
0x4c: {  	s31 =	rddreg [dreg:$0xa];
	[sflag:s2] =	ssyncadd.s32 $0xFFFFF000  }
0x4d: {  	[spmem:s31] =	stream.linear.scatter [tilespmem:s0], [sflag:$0x9], $0x1000, $0x38;
	[tilespmem:$0x1E800] =	vst v63  }
0x4e: {  	_ =	swait.ge [sflag:s2], $0x1000  }
0x4f: {  	[sflag:s2] =	ssyncset.done $0x0  }
0x50: {  	s9 =	rddreg [dreg:$0xb];
	[sflag:s2] =	ssyncadd.s32 $0xFFFFF000  }
0x51: {  	[spmem:s9] =	stream.linear.scatter [tilespmem:s0], [sflag:$0x9], $0x1000, $0x38;
	[tilespmem:$0x1E800] =	vst v63  }
0x52: {  	_ =	swait.ge [sflag:s2], $0x1000  }
0x53: {  	[sflag:s2] =	ssyncset.done $0x0  }
0x54: {  	s10 =	rddreg [dreg:$0xc];
	[sflag:s2] =	ssyncadd.s32 $0xFFFFF000  }
0x55: {  	[spmem:s10] =	stream.linear.scatter [tilespmem:s0], [sflag:$0x9], $0x1000, $0x38;
	[tilespmem:$0x1E800] =	vst v63  }
0x56: {  	_ =	swait.ge [sflag:s2], $0x1000  }
0x57: {  	[sflag:s2] =	ssyncset.done $0x0  }
0x58: {  	s12 =	rddreg [dreg:$0xd];
	[sflag:s2] =	ssyncadd.s32 $0xFFFFF000  }
0x59: {  	[spmem:s12] =	stream.linear.scatter [tilespmem:s0], [sflag:$0x9], $0x1000, $0x38;
	[tilespmem:$0x1E800] =	vst v63  }
0x5a: {  	_ =	swait.ge [sflag:s2], $0x1000  }
0x5b: {  	[sflag:s2] =	ssyncset.done $0x0  }
0x5c: {  	s13 =	rddreg [dreg:$0xe];
	[sflag:s2] =	ssyncadd.s32 $0xFFFFF000  }
0x5d: {  	[spmem:s13] =	stream.linear.scatter [tilespmem:s0], [sflag:$0x9], $0x1000, $0x38;
	[tilespmem:$0x1E800] =	vst v63  }
0x5e: {  	_ =	swait.ge [sflag:s2], $0x1000  }
0x5f: {  	[sflag:s2] =	ssyncset.done $0x0  }
0x60: {  	s15 =	rddreg [dreg:$0xf];
	[sflag:s2] =	ssyncadd.s32 $0xFFFFF000  }
0x61: {  	[spmem:s15] =	stream.linear.scatter [tilespmem:s0], [sflag:$0x9], $0x1000, $0x38;
	[tilespmem:$0x1E800] =	vst v63  }
0x62: {  	_ =	swait.ge [sflag:s2], $0x1000  }
0x63: {  	[sflag:s2] =	ssyncset.done $0x0  }
0x64: {  	s29 =	rddreg [dreg:$0x10];
	[sflag:s2] =	ssyncadd.s32 $0xFFFFF000  }
0x65: {  	[spmem:s29] =	stream.linear.scatter [tilespmem:s0], [sflag:$0x9], $0x1000, $0x38;
	[tilespmem:$0x1E800] =	vst v63  }
0x66: {  	_ =	swait.ge [sflag:s2], $0x1000  }
0x67: {  	[sflag:s2] =	ssyncset.done $0x0  }
0x68: {  	s30 =	rddreg [dreg:$0x11];
	[sflag:s2] =	ssyncadd.s32 $0xFFFFF000  }
0x69: {  	[spmem:s30] =	stream.linear.scatter [tilespmem:s0], [sflag:$0x9], $0x1000, $0x38;
	[tilespmem:$0x1E800] =	vst v63  }
0x6a: {  	_ =	swait.ge [sflag:s2], $0x1000  }
0x6b: {  	[sflag:s2] =	ssyncset.done $0x0  }
0x6c: {  	s31 =	rddreg [dreg:$0x12];
	[sflag:s2] =	ssyncadd.s32 $0xFFFFF000  }
0x6d: {  	[spmem:s31] =	stream.linear.scatter [tilespmem:s0], [sflag:$0x9], $0x1000, $0x38;
	[tilespmem:$0x1E800] =	vst v63  }
0x6e: {  	_ =	swait.ge [sflag:s2], $0x1000  }
0x6f: {  	[sflag:s2] =	ssyncset.done $0x0  }
0x70: {  	s9 =	rddreg [dreg:$0x13];
	[sflag:s2] =	ssyncadd.s32 $0xFFFFF000  }
0x71: {  	[spmem:s9] =	stream.linear.scatter [tilespmem:s0], [sflag:$0x9], $0x1000, $0x38;
	[tilespmem:$0x1E800] =	vst v63  }
0x72: {  	_ =	swait.ge [sflag:s2], $0x1000  }
0x73: {  	[sflag:s2] =	ssyncset.done $0x0  }
0x74: {  	s10 =	rddreg [dreg:$0x14];
	[sflag:s2] =	ssyncadd.s32 $0xFFFFF000  }
0x75: {  	[spmem:s10] =	stream.linear.scatter [tilespmem:s0], [sflag:$0x9], $0x1000, $0x38;
	[tilespmem:$0x1E800] =	vst v63  }
0x76: {  	_ =	swait.ge [sflag:s2], $0x1000  }
0x77: {  	[sflag:s2] =	ssyncset.done $0x0  }
0x78: {  	s12 =	rddreg [dreg:$0x15];
	[sflag:s2] =	ssyncadd.s32 $0xFFFFF000  }
0x79: {  	[spmem:s12] =	stream.linear.scatter [tilespmem:s0], [sflag:$0x9], $0x1000, $0x38;
	[tilespmem:$0x1E800] =	vst v63  }
0x7a: {  	_ =	swait.ge [sflag:s2], $0x1000  }
0x7b: {  	[sflag:s2] =	ssyncset.done $0x0  }
0x7c: {  	s13 =	rddreg [dreg:$0x16];
	[sflag:s2] =	ssyncadd.s32 $0xFFFFF000  }
0x7d: {  	[spmem:s13] =	stream.linear.scatter [tilespmem:s0], [sflag:$0x9], $0x1000, $0x38;
	[tilespmem:$0x1E800] =	vst v63  }
0x7e: {  	_ =	swait.ge [sflag:s2], $0x1000  }
0x7f: {  	[sflag:s2] =	ssyncset.done $0x0  }
0x80: {  	s15 =	rddreg [dreg:$0x17];
	[sflag:s2] =	ssyncadd.s32 $0xFFFFF000  }
0x81: {  	[spmem:s15] =	stream.linear.scatter [tilespmem:s0], [sflag:$0x9], $0x1000, $0x38;
	[tilespmem:$0x1E800] =	vst v63  }
0x82: {  	_ =	swait.ge [sflag:s2], $0x1000  }
0x83: {  	[sflag:s2] =	ssyncset.done $0x0  }
0x84: {  	s29 =	rddreg [dreg:$0x18];
	[sflag:s2] =	ssyncadd.s32 $0xFFFFF000  }
0x85: {  	[spmem:s29] =	stream.linear.scatter [tilespmem:s0], [sflag:$0x9], $0x1000, $0x38;
	[tilespmem:$0x1E800] =	vst v63  }
0x86: {  	_ =	swait.ge [sflag:s2], $0x1000  }
0x87: {  	[sflag:s2] =	ssyncset.done $0x0  }
0x88: {  	s30 =	rddreg [dreg:$0x19];
	[sflag:s2] =	ssyncadd.s32 $0xFFFFF000  }
0x89: {  	[spmem:s30] =	stream.linear.scatter [tilespmem:s0], [sflag:$0x9], $0x1000, $0x38;
	[tilespmem:$0x1E800] =	vst v63  }
0x8a: {  	_ =	swait.ge [sflag:s2], $0x1000  }
0x8b: {  	[sflag:s2] =	ssyncset.done $0x0  }
0x8c: {  	s31 =	rddreg [dreg:$0x1a];
	[sflag:s2] =	ssyncadd.s32 $0xFFFFF000  }
0x8d: {  	[spmem:s31] =	stream.linear.scatter [tilespmem:s0], [sflag:$0x9], $0x1000, $0x38;
	[tilespmem:$0x1E800] =	vst v63  }
0x8e: {  	_ =	swait.ge [sflag:s2], $0x1000  }
0x8f: {  	[sflag:s2] =	ssyncset.done $0x0  }
0x90: {  	s9 =	rddreg [dreg:$0x1b];
	[sflag:s2] =	ssyncadd.s32 $0xFFFFF000  }
0x91: {  	[spmem:s9] =	stream.linear.scatter [tilespmem:s0], [sflag:$0x9], $0x1000, $0x38;
	[tilespmem:$0x1E800] =	vst v63  }
0x92: {  	_ =	swait.ge [sflag:s2], $0x1000  }
0x93: {  	[sflag:s2] =	ssyncset.done $0x0  }
0x94: {  	[sflag:s2] =	ssyncadd.s32 $0xFFFFF000  }
0x95: {  	[bflag:$0x0] =	sbarrier.arrive $0xFFFF  }
0x96: {  	s28 =	simm.s32 $0x0;
	s10 =	rddreg [dreg:$0x3]  }
0x97: {  	[tilespmem:s28], [sflag:$0x9] =	stream.strided.gather [hbm4b:s10+s3], $0x1400, s6, s3, $0x38;
	[tilespmem:$0x1E800] =	vst v63  }
0x98: {  	_ =	swait.ge [sflag:s2], $0x1400  }
0x99: {  	[sflag:s2] =	ssyncset.done $0x0  }
0x9a: {  	s9 =	simm.s32 $0x1400;
	s12 =	rddreg [dreg:$0x4];
	[sflag:s2] =	ssyncadd.s32 $0xFFFFEC00  }
0x9b: {  	[tilespmem:s9], [sflag:$0x9] =	stream.strided.gather [hbm4b:s12+s3], $0x1400, s6, s3, $0x38;
	[tilespmem:$0x1E800] =	vst v63  }
0x9c: {  	_ =	swait.ge [sflag:s2], $0x1400  }
0x9d: {  	[sflag:s2] =	ssyncset.done $0x0  }
0x9e: {  	[sflag:s2] =	ssyncadd.s32 $0xFFFFEC00  }
0x9f: {  	[tilespmem:s0], [sflag:$0x1] =	stream.indirect.gather [hbm4b:s4+s8], $0x80, s28, s8, $0xb8;
	[tilespmem:$0x1E800] =	vst v63  }
0xa0: {  	s13 =	simm.s32 $0x3800  }
0xa1: {  	[tilespmem:s13], [sflag:$0x2] =	stream.indirect.gather [hbm4b:s4+s8], $0x80, s8, s8, $0xb8;
	[tilespmem:$0x1E800] =	vst v63  }
0xa2: {  	s15 =	simm.s32 $0x40  }
0xa3: {  	[tilespmem:s11], [sflag:$0x3] =	stream.indirect.gather [hbm4b:s4+s8], $0x80, s15, s8, $0xb8;
	[tilespmem:$0x1E800] =	vst v63  }
0xa4: {  	s29 =	simm.s32 $0x60;
	s30 =	simm.s32 $0x5800  }
0xa5: {  	[tilespmem:s30], [sflag:$0x4] =	stream.indirect.gather [hbm4b:s4+s8], $0x80, s29, s8, $0xb8;
	[tilespmem:$0x1E800] =	vst v63  }
0xa6: {  	_ = 	snop  }
0xa7: {  	[tilespmem:s14], [sflag:$0x5] =	stream.indirect.gather [hbm4b:s4+s8], $0x80, s3, s8, $0xb8;
	[tilespmem:$0x1E800] =	vst v63  }
0xa8: {  	s31 =	simm.s32 $0xA0  }
0xa9: {  	[tilespmem:s16], [sflag:$0x6] =	stream.indirect.gather [hbm4b:s4+s8], $0x80, s31, s8, $0xb8;
	[tilespmem:$0x1E800] =	vst v63  }
0xaa: {  	_ = 	snop  }
0xab: {  	[tilespmem:s18], [sflag:$0x7] =	stream.indirect.gather [hbm4b:s4+s8], $0x80, s17, s8, $0xb8;
	[tilespmem:$0x1E800] =	vst v63  }
0xac: {  	_ = 	snop  }
0xad: {  	[tilespmem:s20], [sflag:$0x8] =	stream.indirect.gather [hbm4b:s4+s8], $0x80, s19, s8, $0xb8;
	[tilespmem:$0x1E800] =	vst v63  }
.LBB2_4:
0xae: {  	_ =	swait.ge [sflag:s21], $0x1000  }
0xaf: {  	s7 =	sshra.s32 s28, $0x2;
	[sflag:s21] =	ssyncset.done $0x0  }
0xb0: {  	s9 =	sadd.s32 $0x1400, s7;
	[sflag:s21] =	ssyncadd.s32 $0xFFFFF000  }
0xb1: {  	[spmem:s1] =	stream.indirect.scatter.add.f32 [tilespmem:s0], [sflag:$0x9], $0x80, s9, s8, $0xb8;
	[tilespmem:$0x1E800] =	vst v63  }
0xb2: {  	_ =	swait.ge [sflag:s2], $0x1000  }
0xb3: {  	p0 =	seq.s32 s28, $0x4C00;
	[sflag:s2] =	ssyncset.done $0x0  }
0xb4: {  	s9 =	simm.s32 @p0 $0x2;
	[sflag:s2] =	ssyncadd.s32 $0xFFFFF000  }
0xb5: {  	_ =	swait.ge @p0 [sflag:s9], $0x1000  }
0xb6: {  	[sflag:s9] =	ssyncset.done @p0 $0x0  }
0xb7: {  	[sflag:s9] =	ssyncadd.s32 @p0 $0xFFFFF000;
	s9 =	sshra.s32 @p0 s28, $0x2  }
0xb8: {  	s31 =	simm.s32 @p0 $0x20;
	s12 =	simm.s32 @p0 $0x3800;
	s10 =	sadd.s32 @p0 $0x1420, s9  }
0xb9: {  	[spmem:s1] =	stream.indirect.scatter.add.f32 @p0 [tilespmem:s12], [sflag:$0x9], $0x80, s10, s31, $0xb8;
	[tilespmem:$0x1E800] =	vst v63  }
0xba: {  	s10 =	simm.s32 @p0 $0x9  }
0xbb: {  	_ =	swait.ge @p0 [sflag:s10], $0x1000  }
0xbc: {  	s29 =	sshra.s32 @!p0 s28, $0x2;
	s30 =	simm.s32 @!p0 $0x20;
	[sflag:s10] =	ssyncset.done @p0 $0x0  }
0xbd: {  	s13 =	simm.s32 @!p0 $0x2800;
	s12 =	sadd.s32 @!p0 $0x100, s29;
	[sflag:s10] =	ssyncadd.s32 @p0 $0xFFFFF000  }
0xbe: {  	[tilespmem:s13], [sflag:$0x1] =	stream.indirect.gather @!p0 [hbm4b:s4+s30], $0x80, s12, s30, $0xb8;
	[tilespmem:$0x1E800] =	vst v63  }
0xbf: {  	s12 =	simm.s32 @!p0 $0x2  }
0xc0: {  	_ =	swait.ge @!p0 [sflag:s12], $0x1000  }
0xc1: {  	[sflag:s12] =	ssyncset.done @!p0 $0x0  }
0xc2: {  	s13 =	simm.s32 @!p0 $0x3800;
	[sflag:s12] =	ssyncadd.s32 @!p0 $0xFFFFF000;
	s12 =	sadd.s32 @!p0 $0x1420, s29  }
0xc3: {  	[spmem:s1] =	stream.indirect.scatter.add.f32 @!p0 [tilespmem:s13], [sflag:$0x9], $0x80, s12, s30, $0xb8;
	[tilespmem:$0x1E800] =	vst v63  }
0xc4: {  	s12 =	simm.s32 @!p0 $0x9  }
0xc5: {  	_ =	swait.ge @!p0 [sflag:s12], $0x1000  }
0xc6: {  	[sflag:s12] =	ssyncset.done @!p0 $0x0  }
0xc7: {  	s15 =	sadd.s32 @!p0 $0x120, s29;
	[sflag:s12] =	ssyncadd.s32 @!p0 $0xFFFFF000  }
0xc8: {  	[tilespmem:s13], [sflag:$0x2] =	stream.indirect.gather @!p0 [hbm4b:s4+s30], $0x80, s15, s30, $0xb8;
	[tilespmem:$0x1E800] =	vst v63  }
0xc9: {  	_ =	swait.ge [sflag:s22], $0x1000  }
0xca: {  	[sflag:s22] =	ssyncset.done $0x0  }
0xcb: {  	s15 =	sadd.s32 $0x1440, s7;
	[sflag:s22] =	ssyncadd.s32 $0xFFFFF000  }
0xcc: {  	[spmem:s1] =	stream.indirect.scatter.add.f32 [tilespmem:s11], [sflag:$0x9], $0x80, s15, s8, $0xb8;
	[tilespmem:$0x1E800] =	vst v63  }
0xcd: {  	_ =	swait.ge [sflag:s2], $0x1000  }
0xce: {  	[sflag:s2] =	ssyncset.done $0x0  }
0xcf: {  	s13 =	simm.s32 @p0 $0x4;
	[sflag:s2] =	ssyncadd.s32 $0xFFFFF000  }
0xd0: {  	_ =	swait.ge @p0 [sflag:s13], $0x1000  }
0xd1: {  	[sflag:s13] =	ssyncset.done @p0 $0x0  }
0xd2: {  	s15 =	simm.s32 @p0 $0x5800;
	[sflag:s13] =	ssyncadd.s32 @p0 $0xFFFFF000;
	s13 =	sadd.s32 @p0 $0x1460, s9  }
0xd3: {  	[spmem:s1] =	stream.indirect.scatter.add.f32 @p0 [tilespmem:s15], [sflag:$0x9], $0x80, s13, s31, $0xb8;
	[tilespmem:$0x1E800] =	vst v63  }
0xd4: {  	_ =	swait.ge @p0 [sflag:s10], $0x1000  }
0xd5: {  	[sflag:s10] =	ssyncset.done @p0 $0x0  }
0xd6: {  	s13 =	sadd.s32 @!p0 $0x140, s29;
	s15 =	simm.s32 @!p0 $0x4800;
	[sflag:s10] =	ssyncadd.s32 @p0 $0xFFFFF000  }
0xd7: {  	[tilespmem:s15], [sflag:$0x3] =	stream.indirect.gather @!p0 [hbm4b:s4+s30], $0x80, s13, s30, $0xb8;
	[tilespmem:$0x1E800] =	vst v63  }
0xd8: {  	s13 =	simm.s32 @!p0 $0x4  }
0xd9: {  	_ =	swait.ge @!p0 [sflag:s13], $0x1000  }
0xda: {  	[sflag:s13] =	ssyncset.done @!p0 $0x0  }
0xdb: {  	s15 =	simm.s32 @!p0 $0x5800;
	[sflag:s13] =	ssyncadd.s32 @!p0 $0xFFFFF000;
	s13 =	sadd.s32 @!p0 $0x1460, s29  }
0xdc: {  	[spmem:s1] =	stream.indirect.scatter.add.f32 @!p0 [tilespmem:s15], [sflag:$0x9], $0x80, s13, s30, $0xb8;
	[tilespmem:$0x1E800] =	vst v63  }
0xdd: {  	_ =	swait.ge @!p0 [sflag:s12], $0x1000  }
0xde: {  	[sflag:s12] =	ssyncset.done @!p0 $0x0  }
0xdf: {  	s13 =	sadd.s32 @!p0 $0x160, s29;
	[sflag:s12] =	ssyncadd.s32 @!p0 $0xFFFFF000  }
0xe0: {  	[tilespmem:s15], [sflag:$0x4] =	stream.indirect.gather @!p0 [hbm4b:s4+s30], $0x80, s13, s30, $0xb8;
	[tilespmem:$0x1E800] =	vst v63  }
0xe1: {  	_ =	swait.ge [sflag:s23], $0x1000  }
0xe2: {  	[sflag:s23] =	ssyncset.done $0x0  }
0xe3: {  	s15 =	sadd.s32 $0x1480, s7;
	[sflag:s23] =	ssyncadd.s32 $0xFFFFF000  }
0xe4: {  	[spmem:s1] =	stream.indirect.scatter.add.f32 [tilespmem:s14], [sflag:$0x9], $0x80, s15, s8, $0xb8;
	[tilespmem:$0x1E800] =	vst v63  }
0xe5: {  	_ =	swait.ge [sflag:s2], $0x1000  }
0xe6: {  	[sflag:s2] =	ssyncset.done $0x0  }
0xe7: {  	s13 =	simm.s32 @p0 $0x6;
	[sflag:s2] =	ssyncadd.s32 $0xFFFFF000  }
0xe8: {  	_ =	swait.ge @p0 [sflag:s13], $0x1000  }
0xe9: {  	[sflag:s13] =	ssyncset.done @p0 $0x0  }
0xea: {  	s9 =	sadd.s32 @p0 $0x14A0, s9;
	[sflag:s13] =	ssyncadd.s32 @p0 $0xFFFFF000;
	s13 =	simm.s32 @p0 $0x7800  }
0xeb: {  	[spmem:s1] =	stream.indirect.scatter.add.f32 @p0 [tilespmem:s13], [sflag:$0x9], $0x80, s9, s31, $0xb8;
	[tilespmem:$0x1E800] =	vst v63  }
0xec: {  	_ =	swait.ge @p0 [sflag:s10], $0x1000  }
0xed: {  	[sflag:s10] =	ssyncset.done @p0 $0x0  }
0xee: {  	s9 =	sadd.s32 @!p0 $0x180, s29;
	[sflag:s10] =	ssyncadd.s32 @p0 $0xFFFFF000;
	s10 =	simm.s32 @!p0 $0x6800  }
0xef: {  	[tilespmem:s10], [sflag:$0x5] =	stream.indirect.gather @!p0 [hbm4b:s4+s30], $0x80, s9, s30, $0xb8;
	[tilespmem:$0x1E800] =	vst v63  }
0xf0: {  	s9 =	simm.s32 @!p0 $0x6  }
0xf1: {  	_ =	swait.ge @!p0 [sflag:s9], $0x1000  }
0xf2: {  	[sflag:s9] =	ssyncset.done @!p0 $0x0  }
0xf3: {  	s10 =	simm.s32 @!p0 $0x7800;
	[sflag:s9] =	ssyncadd.s32 @!p0 $0xFFFFF000;
	s9 =	sadd.s32 @!p0 $0x14A0, s29  }
0xf4: {  	[spmem:s1] =	stream.indirect.scatter.add.f32 @!p0 [tilespmem:s10], [sflag:$0x9], $0x80, s9, s30, $0xb8;
	[tilespmem:$0x1E800] =	vst v63  }
0xf5: {  	_ =	swait.ge @!p0 [sflag:s12], $0x1000  }
0xf6: {  	[sflag:s12] =	ssyncset.done @!p0 $0x0  }
0xf7: {  	s9 =	sadd.s32 @!p0 $0x1A0, s29;
	[sflag:s12] =	ssyncadd.s32 @!p0 $0xFFFFF000  }
0xf8: {  	[tilespmem:s10], [sflag:$0x6] =	stream.indirect.gather @!p0 [hbm4b:s4+s30], $0x80, s9, s30, $0xb8;
	[tilespmem:$0x1E800] =	vst v63  }
0xf9: {  	_ =	swait.ge [sflag:s24], $0x1000  }
0xfa: {  	[sflag:s24] =	ssyncset.done $0x0  }
.Ltmp3:
0xfb: {  	s31 =	sadd.s32 $0x14C0, s7;
	[sflag:s24] =	ssyncadd.s32 $0xFFFFF000;
	(pc) =	sbr.rel @p0 .LBB2_6-.Ltmp3, $4  }
0xfc: {  	[spmem:s1] =	stream.indirect.scatter.add.f32 [tilespmem:s18], [sflag:$0x9], $0x80, s31, s8, $0xb8;
	[tilespmem:$0x1E800] =	vst v63  }
0xfd: {  	_ =	swait.ge [sflag:s2], $0x1000  }
0xfe: {  	[sflag:s2] =	ssyncset.done $0x0  }
0xff: {  	s9 =	sadd.s32 $0x14E0, s7;
	[sflag:s2] =	ssyncadd.s32 $0xFFFFF000  }
0x100: {  	s10 =	sadd.s32 $0x1C0, s7  }
0x101: {  	[tilespmem:s18], [sflag:$0x7] =	stream.indirect.gather [hbm4b:s4+s8], $0x80, s10, s8, $0xb8;
	[tilespmem:$0x1E800] =	vst v63  }
0x102: {  	_ =	swait.ge [sflag:s25], $0x1000  }
0x103: {  	[sflag:s25] =	ssyncset.done $0x0  }
0x104: {  	[sflag:s25] =	ssyncadd.s32 $0xFFFFF000  }
0x105: {  	[spmem:s1] =	stream.indirect.scatter.add.f32 [tilespmem:s20], [sflag:$0x9], $0x80, s9, s8, $0xb8;
	[tilespmem:$0x1E800] =	vst v63  }
.Ltmp4:
0x106: {  	_ = 	snop;
	(pc) =	sbr.rel .LBB2_4-.Ltmp4, $4  }
0x107: {  	_ =	swait.ge [sflag:s2], $0x1000  }
0x108: {  	[sflag:s2] =	ssyncset.done $0x0  }
0x109: {  	s31 =	sadd.s32 $0x1E0, s7;
	s28 =	sadd.s32 $0x400, s28;
	[sflag:s2] =	ssyncadd.s32 $0xFFFFF000  }
0x10a: {  	[tilespmem:s20], [sflag:$0x8] =	stream.indirect.gather [hbm4b:s4+s8], $0x80, s31, s8, $0xb8;
	[tilespmem:$0x1E800] =	vst v63  }
.LBB2_6:
0x10b: {  	_ =	swait.ge [sflag:s25], $0x1000  }
0x10c: {  	[sflag:s25] =	ssyncset.done $0x0  }
0x10d: {  	[sflag:s25] =	ssyncadd.s32 $0xFFFFF000  }
0x10e: {  	[spmem:s1] =	stream.indirect.scatter.add.f32 [tilespmem:s20], [sflag:$0x9], $0x80, s9, s8, $0xb8;
	[tilespmem:$0x1E800] =	vst v63  }
0x10f: {  	_ =	swait.ge [sflag:s2], $0x1000  }
0x110: {  	[sflag:s2] =	ssyncset.done $0x0  }
0x111: {  	s28 =	simm.s32 $0x0;
	s7 =	rddreg [dreg:$0x5];
	[sflag:s2] =	ssyncadd.s32 $0xFFFFF000  }
0x112: {  	[tilespmem:s28], [sflag:$0x9] =	stream.strided.gather [hbm4b:s7+s3], $0x1400, s6, s3, $0x38;
	[tilespmem:$0x1E800] =	vst v63  }
0x113: {  	_ =	swait.ge [sflag:s2], $0x1400  }
0x114: {  	[sflag:s2] =	ssyncset.done $0x0  }
0x115: {  	s12 =	simm.s32 $0x1400;
	s10 =	rddreg [dreg:$0x6];
	[sflag:s2] =	ssyncadd.s32 $0xFFFFEC00  }
0x116: {  	[tilespmem:s12], [sflag:$0x9] =	stream.strided.gather [hbm4b:s10+s3], $0x1400, s6, s3, $0x38;
	[tilespmem:$0x1E800] =	vst v63  }
0x117: {  	_ =	swait.ge [sflag:s2], $0x1400  }
0x118: {  	[sflag:s2] =	ssyncset.done $0x0  }
0x119: {  	[sflag:s2] =	ssyncadd.s32 $0xFFFFEC00  }
0x11a: {  	[tilespmem:s0], [sflag:$0x1] =	stream.indirect.gather [hbm4b:s4+s8], $0x80, s28, s8, $0xb8;
	[tilespmem:$0x1E800] =	vst v63  }
0x11b: {  	s13 =	simm.s32 $0x3800  }
0x11c: {  	[tilespmem:s13], [sflag:$0x2] =	stream.indirect.gather [hbm4b:s4+s8], $0x80, s8, s8, $0xb8;
	[tilespmem:$0x1E800] =	vst v63  }
0x11d: {  	s15 =	simm.s32 $0x40  }
0x11e: {  	[tilespmem:s11], [sflag:$0x3] =	stream.indirect.gather [hbm4b:s4+s8], $0x80, s15, s8, $0xb8;
	[tilespmem:$0x1E800] =	vst v63  }
0x11f: {  	s29 =	simm.s32 $0x60;
	s30 =	simm.s32 $0x5800  }
0x120: {  	[tilespmem:s30], [sflag:$0x4] =	stream.indirect.gather [hbm4b:s4+s8], $0x80, s29, s8, $0xb8;
	[tilespmem:$0x1E800] =	vst v63  }
0x121: {  	_ = 	snop  }
0x122: {  	[tilespmem:s14], [sflag:$0x5] =	stream.indirect.gather [hbm4b:s4+s8], $0x80, s3, s8, $0xb8;
	[tilespmem:$0x1E800] =	vst v63  }
0x123: {  	s31 =	simm.s32 $0xA0  }
0x124: {  	[tilespmem:s16], [sflag:$0x6] =	stream.indirect.gather [hbm4b:s4+s8], $0x80, s31, s8, $0xb8;
	[tilespmem:$0x1E800] =	vst v63  }
0x125: {  	_ = 	snop  }
0x126: {  	[tilespmem:s18], [sflag:$0x7] =	stream.indirect.gather [hbm4b:s4+s8], $0x80, s17, s8, $0xb8;
	[tilespmem:$0x1E800] =	vst v63  }
0x127: {  	_ = 	snop  }
0x128: {  	[tilespmem:s20], [sflag:$0x8] =	stream.indirect.gather [hbm4b:s4+s8], $0x80, s19, s8, $0xb8;
	[tilespmem:$0x1E800] =	vst v63  }
.LBB2_7:
0x129: {  	_ =	swait.ge [sflag:s21], $0x1000  }
0x12a: {  	s7 =	sshra.s32 s28, $0x2;
	[sflag:s21] =	ssyncset.done $0x0  }
0x12b: {  	s9 =	sadd.s32 $0x1400, s7;
	[sflag:s21] =	ssyncadd.s32 $0xFFFFF000  }
0x12c: {  	[spmem:s1] =	stream.indirect.scatter.add.f32 [tilespmem:s0], [sflag:$0x9], $0x80, s9, s8, $0xb8;
	[tilespmem:$0x1E800] =	vst v63  }
0x12d: {  	_ =	swait.ge [sflag:s2], $0x1000  }
0x12e: {  	p0 =	seq.s32 s28, $0x4C00;
	[sflag:s2] =	ssyncset.done $0x0  }
0x12f: {  	s9 =	simm.s32 @p0 $0x2;
	[sflag:s2] =	ssyncadd.s32 $0xFFFFF000  }
0x130: {  	_ =	swait.ge @p0 [sflag:s9], $0x1000  }
0x131: {  	[sflag:s9] =	ssyncset.done @p0 $0x0  }
0x132: {  	s10 =	simm.s32 @p0 $0x20;
	[sflag:s9] =	ssyncadd.s32 @p0 $0xFFFFF000;
	s9 =	sshra.s32 @p0 s28, $0x2  }
0x133: {  	s13 =	simm.s32 @p0 $0x3800;
	s31 =	simm.s32 @p0 $0x9;
	s12 =	sadd.s32 @p0 $0x1420, s9  }
0x134: {  	[spmem:s1] =	stream.indirect.scatter.add.f32 @p0 [tilespmem:s13], [sflag:$0x9], $0x80, s12, s10, $0xb8;
	[tilespmem:$0x1E800] =	vst v63  }
0x135: {  	_ =	swait.ge @p0 [sflag:s31], $0x1000  }
0x136: {  	s29 =	sshra.s32 @!p0 s28, $0x2;
	s30 =	simm.s32 @!p0 $0x20;
	[sflag:s31] =	ssyncset.done @p0 $0x0  }
0x137: {  	s12 =	sadd.s32 @!p0 $0x100, s29;
	s13 =	simm.s32 @!p0 $0x2800;
	[sflag:s31] =	ssyncadd.s32 @p0 $0xFFFFF000  }
0x138: {  	[tilespmem:s13], [sflag:$0x1] =	stream.indirect.gather @!p0 [hbm4b:s4+s30], $0x80, s12, s30, $0xb8;
	[tilespmem:$0x1E800] =	vst v63  }
0x139: {  	s12 =	simm.s32 @!p0 $0x2  }
0x13a: {  	_ =	swait.ge @!p0 [sflag:s12], $0x1000  }
0x13b: {  	[sflag:s12] =	ssyncset.done @!p0 $0x0  }
0x13c: {  	s13 =	simm.s32 @!p0 $0x3800;
	[sflag:s12] =	ssyncadd.s32 @!p0 $0xFFFFF000;
	s12 =	sadd.s32 @!p0 $0x1420, s29  }
0x13d: {  	[spmem:s1] =	stream.indirect.scatter.add.f32 @!p0 [tilespmem:s13], [sflag:$0x9], $0x80, s12, s30, $0xb8;
	[tilespmem:$0x1E800] =	vst v63  }
0x13e: {  	s12 =	simm.s32 @!p0 $0x9  }
0x13f: {  	_ =	swait.ge @!p0 [sflag:s12], $0x1000  }
0x140: {  	[sflag:s12] =	ssyncset.done @!p0 $0x0  }
0x141: {  	s15 =	sadd.s32 @!p0 $0x120, s29;
	[sflag:s12] =	ssyncadd.s32 @!p0 $0xFFFFF000  }
0x142: {  	[tilespmem:s13], [sflag:$0x2] =	stream.indirect.gather @!p0 [hbm4b:s4+s30], $0x80, s15, s30, $0xb8;
	[tilespmem:$0x1E800] =	vst v63  }
0x143: {  	_ =	swait.ge [sflag:s22], $0x1000  }
0x144: {  	[sflag:s22] =	ssyncset.done $0x0  }
0x145: {  	s15 =	sadd.s32 $0x1440, s7;
	[sflag:s22] =	ssyncadd.s32 $0xFFFFF000  }
0x146: {  	[spmem:s1] =	stream.indirect.scatter.add.f32 [tilespmem:s11], [sflag:$0x9], $0x80, s15, s8, $0xb8;
	[tilespmem:$0x1E800] =	vst v63  }
0x147: {  	_ =	swait.ge [sflag:s2], $0x1000  }
0x148: {  	[sflag:s2] =	ssyncset.done $0x0  }
0x149: {  	s13 =	simm.s32 @p0 $0x4;
	[sflag:s2] =	ssyncadd.s32 $0xFFFFF000  }
0x14a: {  	_ =	swait.ge @p0 [sflag:s13], $0x1000  }
0x14b: {  	[sflag:s13] =	ssyncset.done @p0 $0x0  }
0x14c: {  	s15 =	simm.s32 @p0 $0x5800;
	[sflag:s13] =	ssyncadd.s32 @p0 $0xFFFFF000;
	s13 =	sadd.s32 @p0 $0x1460, s9  }
0x14d: {  	[spmem:s1] =	stream.indirect.scatter.add.f32 @p0 [tilespmem:s15], [sflag:$0x9], $0x80, s13, s10, $0xb8;
	[tilespmem:$0x1E800] =	vst v63  }
0x14e: {  	_ =	swait.ge @p0 [sflag:s31], $0x1000  }
0x14f: {  	[sflag:s31] =	ssyncset.done @p0 $0x0  }
0x150: {  	s13 =	sadd.s32 @!p0 $0x140, s29;
	s15 =	simm.s32 @!p0 $0x4800;
	[sflag:s31] =	ssyncadd.s32 @p0 $0xFFFFF000  }
0x151: {  	[tilespmem:s15], [sflag:$0x3] =	stream.indirect.gather @!p0 [hbm4b:s4+s30], $0x80, s13, s30, $0xb8;
	[tilespmem:$0x1E800] =	vst v63  }
0x152: {  	s13 =	simm.s32 @!p0 $0x4  }
0x153: {  	_ =	swait.ge @!p0 [sflag:s13], $0x1000  }
0x154: {  	[sflag:s13] =	ssyncset.done @!p0 $0x0  }
0x155: {  	s15 =	simm.s32 @!p0 $0x5800;
	[sflag:s13] =	ssyncadd.s32 @!p0 $0xFFFFF000;
	s13 =	sadd.s32 @!p0 $0x1460, s29  }
0x156: {  	[spmem:s1] =	stream.indirect.scatter.add.f32 @!p0 [tilespmem:s15], [sflag:$0x9], $0x80, s13, s30, $0xb8;
	[tilespmem:$0x1E800] =	vst v63  }
0x157: {  	_ =	swait.ge @!p0 [sflag:s12], $0x1000  }
0x158: {  	[sflag:s12] =	ssyncset.done @!p0 $0x0  }
0x159: {  	s13 =	sadd.s32 @!p0 $0x160, s29;
	[sflag:s12] =	ssyncadd.s32 @!p0 $0xFFFFF000  }
0x15a: {  	[tilespmem:s15], [sflag:$0x4] =	stream.indirect.gather @!p0 [hbm4b:s4+s30], $0x80, s13, s30, $0xb8;
	[tilespmem:$0x1E800] =	vst v63  }
0x15b: {  	_ =	swait.ge [sflag:s23], $0x1000  }
0x15c: {  	[sflag:s23] =	ssyncset.done $0x0  }
0x15d: {  	s15 =	sadd.s32 $0x1480, s7;
	[sflag:s23] =	ssyncadd.s32 $0xFFFFF000  }
0x15e: {  	[spmem:s1] =	stream.indirect.scatter.add.f32 [tilespmem:s14], [sflag:$0x9], $0x80, s15, s8, $0xb8;
	[tilespmem:$0x1E800] =	vst v63  }
0x15f: {  	_ =	swait.ge [sflag:s2], $0x1000  }
0x160: {  	[sflag:s2] =	ssyncset.done $0x0  }
0x161: {  	s13 =	simm.s32 @p0 $0x6;
	[sflag:s2] =	ssyncadd.s32 $0xFFFFF000  }
0x162: {  	_ =	swait.ge @p0 [sflag:s13], $0x1000  }
0x163: {  	[sflag:s13] =	ssyncset.done @p0 $0x0  }
0x164: {  	s9 =	sadd.s32 @p0 $0x14A0, s9;
	[sflag:s13] =	ssyncadd.s32 @p0 $0xFFFFF000;
	s13 =	simm.s32 @p0 $0x7800  }
0x165: {  	[spmem:s1] =	stream.indirect.scatter.add.f32 @p0 [tilespmem:s13], [sflag:$0x9], $0x80, s9, s10, $0xb8;
	[tilespmem:$0x1E800] =	vst v63  }
0x166: {  	_ =	swait.ge @p0 [sflag:s31], $0x1000  }
0x167: {  	[sflag:s31] =	ssyncset.done @p0 $0x0  }
0x168: {  	s9 =	sadd.s32 @!p0 $0x180, s29;
	s10 =	simm.s32 @!p0 $0x6800;
	[sflag:s31] =	ssyncadd.s32 @p0 $0xFFFFF000  }
0x169: {  	[tilespmem:s10], [sflag:$0x5] =	stream.indirect.gather @!p0 [hbm4b:s4+s30], $0x80, s9, s30, $0xb8;
	[tilespmem:$0x1E800] =	vst v63  }
0x16a: {  	s9 =	simm.s32 @!p0 $0x6  }
0x16b: {  	_ =	swait.ge @!p0 [sflag:s9], $0x1000  }
0x16c: {  	[sflag:s9] =	ssyncset.done @!p0 $0x0  }
0x16d: {  	s10 =	simm.s32 @!p0 $0x7800;
	[sflag:s9] =	ssyncadd.s32 @!p0 $0xFFFFF000;
	s9 =	sadd.s32 @!p0 $0x14A0, s29  }
0x16e: {  	[spmem:s1] =	stream.indirect.scatter.add.f32 @!p0 [tilespmem:s10], [sflag:$0x9], $0x80, s9, s30, $0xb8;
	[tilespmem:$0x1E800] =	vst v63  }
0x16f: {  	_ =	swait.ge @!p0 [sflag:s12], $0x1000  }
0x170: {  	[sflag:s12] =	ssyncset.done @!p0 $0x0  }
0x171: {  	s9 =	sadd.s32 @!p0 $0x1A0, s29;
	[sflag:s12] =	ssyncadd.s32 @!p0 $0xFFFFF000  }
0x172: {  	[tilespmem:s10], [sflag:$0x6] =	stream.indirect.gather @!p0 [hbm4b:s4+s30], $0x80, s9, s30, $0xb8;
	[tilespmem:$0x1E800] =	vst v63  }
0x173: {  	_ =	swait.ge [sflag:s24], $0x1000  }
0x174: {  	[sflag:s24] =	ssyncset.done $0x0  }
.Ltmp5:
0x175: {  	s31 =	sadd.s32 $0x14C0, s7;
	[sflag:s24] =	ssyncadd.s32 $0xFFFFF000;
	(pc) =	sbr.rel @p0 .LBB2_9-.Ltmp5, $4  }
0x176: {  	[spmem:s1] =	stream.indirect.scatter.add.f32 [tilespmem:s18], [sflag:$0x9], $0x80, s31, s8, $0xb8;
	[tilespmem:$0x1E800] =	vst v63  }
0x177: {  	_ =	swait.ge [sflag:s2], $0x1000  }
0x178: {  	[sflag:s2] =	ssyncset.done $0x0  }
0x179: {  	s9 =	sadd.s32 $0x14E0, s7;
	[sflag:s2] =	ssyncadd.s32 $0xFFFFF000  }
0x17a: {  	s10 =	sadd.s32 $0x1C0, s7  }
0x17b: {  	[tilespmem:s18], [sflag:$0x7] =	stream.indirect.gather [hbm4b:s4+s8], $0x80, s10, s8, $0xb8;
	[tilespmem:$0x1E800] =	vst v63  }
0x17c: {  	_ =	swait.ge [sflag:s25], $0x1000  }
0x17d: {  	[sflag:s25] =	ssyncset.done $0x0  }
0x17e: {  	[sflag:s25] =	ssyncadd.s32 $0xFFFFF000  }
0x17f: {  	[spmem:s1] =	stream.indirect.scatter.add.f32 [tilespmem:s20], [sflag:$0x9], $0x80, s9, s8, $0xb8;
	[tilespmem:$0x1E800] =	vst v63  }
.Ltmp6:
0x180: {  	_ = 	snop;
	(pc) =	sbr.rel .LBB2_7-.Ltmp6, $4  }
0x181: {  	_ =	swait.ge [sflag:s2], $0x1000  }
0x182: {  	[sflag:s2] =	ssyncset.done $0x0  }
0x183: {  	s31 =	sadd.s32 $0x1E0, s7;
	s28 =	sadd.s32 $0x400, s28;
	[sflag:s2] =	ssyncadd.s32 $0xFFFFF000  }
0x184: {  	[tilespmem:s20], [sflag:$0x8] =	stream.indirect.gather [hbm4b:s4+s8], $0x80, s31, s8, $0xb8;
	[tilespmem:$0x1E800] =	vst v63  }
.LBB2_10:
0x185: {  	_ =	sfence.sel $0x180000  }
0x186: {  	[bflag:$0x0] =	sbarrier.arrive $0xFFFF  }
0x187: {  	_ =	strace $0x9000004A  }
0x188: {  	s0 =	stileid.u32;
	[bflag:$0x2] =	sbarrier.arrive $0xFFFF  }
0x189: {  	p0 =	sne.s32 s0, $0x0;
	s0 =	rddreg [dreg:$0x2]  }
0x18a: {  	s0 =	sadd.s32 @!p0 $0x100000, s0  }
0x18b: {  	[sflag:s0] =	ssyncadd.tile.s32 @!p0 $0x1;
	_ =	shalt  }
.Lfunc_end2:
_tile_overlayer_lowered:
.L_overlay_start_2:
0x18c: {  	(tag) =	ssettag $0x2  }
0x18d: {  	s0 =	rddreg [dreg:$0x0];
	s2 =	stileid.u32  }
0x18e: {  	s1 =	rddreg [dreg:$0x1];
	p0 =	sne.s32 s2, $0x0  }
0x18f: {  	s3 =	rddreg [dreg:$0x2];
	[bflag:$0x3] =	sbarrier.arrive $0xFFFF;
	s2 =	simm.s32 @!p0 $0x1C09  }
0x190: {  	[timem:s3], [sflag:s2] =	dma.local @!p0 [hbm:s0], s1  }
0x191: {  	s0 =	simm.s32 @!p0 $0x9  }
0x192: {  	_ =	swait.ge @!p0 [sflag:s0], s1  }
0x193: {  	s1 =	ssub.s32 @!p0 $0x0, s1;
	[sflag:s0] =	ssyncset.done @!p0 $0x0  }
0x194: {  	[sflag:s0] =	ssyncadd.s32 @!p0 s1  }
0x195: {  	[bflag:$0x3] =	sbarrier.arrive $0xFFFF  }
0x196: {  	_ =	shalt  }

// kernel: kernel.15.cloned.1.call-start
scs
__scs_entry_jumppad:
0x0: {  	(pc) =	sbr.rel $0x88, $3  }
0x1: {  	(tag) =	ssettag $0x0;
	lr =	simm.s32 $0x1  }
0x2: {  	[smem:$0x3F93] =	sst lr;
	_ =	strace $0xD0000000  }
0x3: {  	_ = 	snop  }
0x4: {  	_ = 	snop  }
0x5: {  	_ = 	snop  }
0x6: {  	_ = 	snop  }
0x7: {  	_ = 	snop  }
__scs_overlays_trampoline_lowered:
0x8: {  	[smem:$0x3FA2] =	sst s0  }
0x9: {  	[smem:$0x3FA3] =	sst s1  }
0xa: {  	[smem:$0x3FA4] =	sst s2  }
0xb: {  	[smem:$0x3FA5] =	sst s3  }
0xc: {  	[smem:$0x3FA6] =	sst s4  }
0xd: {  	[smem:$0x3FA7] =	sst s5  }
0xe: {  	[smem:$0x3FA8] =	sst s6  }
0xf: {  	[smem:$0x3FA9] =	sst s7  }
0x10: {  	[smem:$0x3FAA] =	sst s8  }
0x11: {  	[smem:$0x3FAB] =	sst s9;
	s0 =	simm.s32 @!p0 $0x0  }
0x12: {  	s1 =	sld [smem:$0x3F91];
	s0 =	simm.s32 @p0 $0x1  }
0x13: {  	[smem:$0x3FAC] =	sst s0;
	s0 =	simm.s32 @!p1 $0x0  }
0x14: {  	s2 =	sld [smem:$0x3F90];
	s0 =	simm.s32 @p1 $0x1  }
0x15: {  	[smem:$0x3FAD] =	sst s0;
	s0 =	simm.s32 @!p2 $0x0  }
0x16: {  	s3 =	sld [smem:$0x3FDB];
	s0 =	simm.s32 @p2 $0x1  }
0x17: {  	s4 =	simm.s32 $0x1BF5;
	[smem:$0x3FAF] =	sst s0  }
0x18: {  	s0 =	sld [smem:$0x3F92];
	_ =	swait.ge [sflag:s4], $0x0  }
0x19: {  	s7 =	sld [smem:$0x3F93]  }
0x1a: {  	s8 =	sadd.s32 $0xFFFFE003, lr  }
0x1b: {  	s9 =	sadd.s32 $0xFFFFFEF7, lr;
	s5 =	simm.s32 $0xFFFFFFFF;
	p2 =	slt.u32 s8, $0xFFFFF086  }
0x1c: {  	p1 =	slt.u32 s9, $0xF7A;
	s5 =	simm.s32 @!p2 $0x0  }
0x1d: {  	s5 =	simm.s32 @p1 $0x1;
	p0 =	seq.s32 s7, s2  }
0x1e: {  	s7 =	smul.u32 @!p0 $0xF7A, s2;
	p2 =	seq.s32 @!p0 s5, $0x0  }
0x1f: {  	s9 =	smul.u32 $0xF7A, s1;
	s8 =	simm.s32 @!p0 $0x1BF5;
	p2 =	por !p2, p0  }
0x20: {  	[sflag:s8] =	ssyncset.s32 @!p0 $0xFFFFF086;
	s6 =	sadd.s32 @!p0 s3, s7;
	s7 =	simm.s32 @!p0 $0x108  }
0x21: {  	s3 =	sadd.s32 s3, s9;
	s6 =	sadd.s32 @!p0 $0x88, s6;
	s7 =	simm.s32 @p2 $0x1082  }
0x22: {  	[simem:s7], [sflag:s8] =	dma.local @!p0 [hbm:s6], $0xF7A  }
0x23: {  	s9 =	sor.u32 $0xD0000000, s2;
	s6 =	simm.s32 $0x108;
	_ =	swait.ge @!p0 [sflag:s8], $0x0  }
0x24: {  	s3 =	sadd.s32 $0x88, s3;
	s6 =	simm.s32 @!p1 $0x1082;
	[sflag:s4] =	ssyncset.s32 $0xFFFFF086  }
0x25: {  	[simem:s6], [sflag:s4] =	dma.local [hbm:s3], $0xF7A  }
0x26: {  	[smem:$0x3F93] =	sst s1;
	(tag) =	ssettag s2;
	_ =	strace s9  }
0x27: {  	s1 =	sld [smem:$0x3FA3]  }
0x28: {  	s2 =	sld [smem:$0x3FA4]  }
0x29: {  	s4 =	sld [smem:$0x3FA6]  }
0x2a: {  	p0 =	seq.s32 s5, $0x0;
	s5 =	sld [smem:$0x3FA7]  }
0x2b: {  	s6 =	sld [smem:$0x3FA8]  }
0x2c: {  	s7 =	sld [smem:$0x3FA9]  }
0x2d: {  	s3 =	simm.s32 $0x108;
	s8 =	sld [smem:$0x3FAA]  }
0x2e: {  	s3 =	simm.s32 @!p0 $0x1082;
	s9 =	sld [smem:$0x3FAB]  }
0x2f: {  	lr =	sadd.s32 s0, s3;
	s0 =	sld [smem:$0x3FA2]  }
0x30: {  	s3 =	sld [smem:$0x3FA5]  }
0x31: {  	[smem:$0x3FAE] =	sst s10  }
0x32: {  	s10 =	sld [smem:$0x3FAC];
	_ =	sdelay $0x3  }
0x33: {  	p0 =	seq.s32 s10, $0x1;
	s10 =	sld [smem:$0x3FAE];
	_ =	sdelay $0x3  }
0x34: {  	[smem:$0x3FAE] =	sst s10  }
0x35: {  	s10 =	sld [smem:$0x3FAD];
	_ =	sdelay $0x3  }
0x36: {  	p1 =	seq.s32 s10, $0x1;
	s10 =	sld [smem:$0x3FAE];
	_ =	sdelay $0x3  }
0x37: {  	[smem:$0x3FAE] =	sst s10  }
0x38: {  	s10 =	sld [smem:$0x3FAF]  }
0x39: {  	_ = 	snop;
	(pc) =	sbr.ind lr, $3  }
0x3a: {  	_ = 	snop  }
0x3b: {  	_ = 	snop  }
0x3c: {  	p2 =	seq.s32 s10, $0x1;
	s10 =	sld [smem:$0x3FAE]  }
0x3d: {  	_ =	shalt  }
0x3e: {  	_ =	shalt  }
0x3f: {  	_ =	shalt  }
0x40: {  	_ =	shalt  }
0x41: {  	_ =	shalt  }
0x42: {  	_ =	shalt  }
0x43: {  	_ =	shalt  }
0x44: {  	_ =	shalt  }
0x45: {  	_ =	shalt  }
0x46: {  	_ =	shalt  }
0x47: {  	_ =	shalt  }
0x48: {  	_ =	shalt  }
0x49: {  	_ =	shalt  }
0x4a: {  	_ =	shalt  }
0x4b: {  	_ =	shalt  }
0x4c: {  	_ =	shalt  }
0x4d: {  	_ =	shalt  }
0x4e: {  	_ =	shalt  }
0x4f: {  	_ =	shalt  }
0x50: {  	_ =	shalt  }
0x51: {  	_ =	shalt  }
0x52: {  	_ =	shalt  }
0x53: {  	_ =	shalt  }
0x54: {  	_ =	shalt  }
0x55: {  	_ =	shalt  }
0x56: {  	_ =	shalt  }
0x57: {  	_ =	shalt  }
0x58: {  	_ =	shalt  }
0x59: {  	_ =	shalt  }
0x5a: {  	_ =	shalt  }
0x5b: {  	_ =	shalt  }
0x5c: {  	_ =	shalt  }
0x5d: {  	_ =	shalt  }
0x5e: {  	_ =	shalt  }
0x5f: {  	_ =	shalt  }
0x60: {  	_ =	shalt  }
0x61: {  	_ =	shalt  }
0x62: {  	_ =	shalt  }
0x63: {  	_ =	shalt  }
0x64: {  	_ =	shalt  }
0x65: {  	_ =	shalt  }
0x66: {  	_ =	shalt  }
0x67: {  	_ =	shalt  }
0x68: {  	_ =	shalt  }
0x69: {  	_ =	shalt  }
0x6a: {  	_ =	shalt  }
0x6b: {  	_ =	shalt  }
0x6c: {  	_ =	shalt  }
0x6d: {  	_ =	shalt  }
0x6e: {  	_ =	shalt  }
0x6f: {  	_ =	shalt  }
0x70: {  	_ =	shalt  }
0x71: {  	_ =	shalt  }
0x72: {  	_ =	shalt  }
0x73: {  	_ =	shalt  }
0x74: {  	_ =	shalt  }
0x75: {  	_ =	shalt  }
0x76: {  	_ =	shalt  }
0x77: {  	_ =	shalt  }
0x78: {  	_ =	shalt  }
0x79: {  	_ =	shalt  }
0x7a: {  	_ =	shalt  }
0x7b: {  	_ =	shalt  }
0x7c: {  	_ =	shalt  }
0x7d: {  	_ =	shalt  }
0x7e: {  	_ =	shalt  }
0x7f: {  	_ =	shalt  }
0x80: {  	_ =	shalt  }
0x81: {  	_ =	shalt  }
0x82: {  	_ =	shalt  }
0x83: {  	_ =	shalt  }
0x84: {  	_ =	shalt  }
0x85: {  	_ =	shalt  }
0x86: {  	_ =	shalt  }
0x87: {  	_ =	shalt  }
.Lfunc_end0:
.L_simem_size_0:
called_computation.2_lowered:
.L_overlay_start_0:
0x88: {  	s2 =	sld [smem:$0x3FD9]  }
0x89: {  	s3 =	sld [smem:$0x3FFE];
	_ =	sdelay $0x1  }
0x8a: {  	s1 =	srdreg.scid  }
0x8b: {  	s0 =	sand.u32 $0x1, s1  }
0x8c: {  	s16 =	sshll.u32 s0, $0xA;
	s2 =	sadd.s32 s3, s2  }
0x8d: {  	s2 =	sadd.s32 s2, s16  }
0x8e: {  	[smem:$0x3FBA] =	sst s2  }
0x8f: {  	_ = 	snop  }
0x90: {  	(tm) =	ssettm $0x1  }
0x91: {  	s17 =	sld [smem:$0x3FFB];
	_ =	sdelay $0x3  }
0x92: {  	_ =	strace s17  }
0x93: {  	s2 =	sld [smem:$0x3FFC];
	_ =	sdelay $0x3  }
0x94: {  	_ =	strace s2  }
0x95: {  	s2 =	sld [smem:$0x3FFD];
	_ =	sdelay $0x3  }
0x96: {  	_ =	strace s2  }
0x97: {  	_ =	strace $0x8FFFFFFF  }
0x98: {  	s18 =	sld [smem:$0x3FDB];
	_ =	sdelay $0x1  }
0x99: {  	s19 =	simm.s32 $_scs_section_size  }
0x9a: {  	s4 =	simm.s32 $_size__tile_overlayer_lowered;
	s5 =	simm.s32 $_tile_overlayer_lowered  }
0x9b: {  	s22 =	simm.s32 $0x1BFF;
	s21 =	sshll.u32 s5, $0x1;
	s2 =	sadd.s32 s19, s18  }
0x9c: {  	s6 =	simm.s32 $0x0;
	s20 =	sshll.u32 s4, $0x1;
	s4 =	sadd.s32 s21, s2  }
0x9d: {  	[timem:s6], [sflag:s22] =	dma.local [hbm:s4], s20  }
0x9e: {  	_ =	swait.ge [sflag:s22], s20  }
0x9f: {  	s3 =	ssub.s32 $0x0, s20;
	[sflag:s22] =	ssyncset.done $0x0  }
0xa0: {  	[sflag:s22] =	ssyncadd.s32 s3;
	_ =	sdelay $0x1  }
0xa1: {  	s23 =	simm.s32 $0x1B8B  }
0xa2: {  	_ =	swait.ge [sflag:s23], $0x1  }
0xa3: {  	[sflag:s23] =	ssyncset.done $0x0  }
0xa4: {  	s25 =	simm.s32 $0x1B8E;
	s24 =	sld [smem:$0x3FFE];
	[sflag:s23] =	ssyncadd.s32 $0xFFFFFFFF  }
0xa5: {  	s26 =	simm.s32 $execute0_lowered;
	[smem:$0x3FD2] =	sst s25  }
0xa6: {  	s4 =	sshll.u32 s26, $0x1;
	_ =	strace $0x8000004C;
	[dreg:$0x1] =	wrdreg $0xFFFFFFFF  }
0xa7: {  	s28 =	simm.s32 $_size_execute0_lowered;
	s2 =	sadd.s32 s2, s4;
	[dreg:$0x0] =	wrdreg $0x0  }
0xa8: {  	s4 =	sshll.u32 s28, $0x1;
	[dreg:$0x2] =	wrdreg s2  }
0xa9: {  	[dreg:$0x3] =	wrdreg s4  }
0xaa: {  	[dreg:$0x4] =	wrdreg $0xC0  }
0xab: {  	_ =	task [dreg:s6], $0x5FFFF  }
0xac: {  	[dreg:$0x1] =	wrdreg $0xFFFFFFFF  }
0xad: {  	[dreg:$0x0] =	wrdreg $0x60  }
0xae: {  	[dreg:$0x2] =	wrdreg s24  }
0xaf: {  	[dreg:$0x3] =	wrdreg $0xA8000  }
0xb0: {  	[dreg:$0x4] =	wrdreg $0x9  }
0xb1: {  	_ =	task.clear_ibuf [dreg:s6], $0x5FFFF;
	_ =	strace $0x9000004C  }
0xb2: {  	s29 =	simm.s32 $0x9;
	_ =	strace $0x8000004E  }
0xb3: {  	_ =	swait.ge [sflag:s29], $0x1  }
0xb4: {  	[sflag:s29] =	ssyncadd.s32 $0xFFFFFFFF  }
0xb5: {  	_ =	strace $0x9000004E  }
0xb6: {  	_ =	sfence  }
0xb7: {  	s30 =	sld [smem:$0x0];
	_ =	sdelay $0x2  }
0xb8: {  	s31 =	sshll.u32 s1, $0xD;
	s1 =	sshrl.u32 s1, $0x2  }
0xb9: {  	s3 =	sand.u32 $0x4000, s31;
	s1 =	sadd.s32 s1, s30  }
0xba: {  	s0 =	sor.u32 s3, s0;
	s1 =	sshll.u32 s1, $0x11  }
0xbb: {  	s0 =	sor.u32 s1, s0  }
0xbc: {  	s0 =	sadd.s32 $0x8F2B, s0  }
0xbd: {  	[sflag:s0] =	ssyncadd.remote.s32 $0x1  }
0xbe: {  	_ =	sfence.sel $0xFFFF  }
0xbf: {  	[dreg:$0x0] =	wrdreg $0xFFFFFFFF;
	(pc) =	sbr.abs _section_cstart, $3  }
0xc0: {  	[dreg:$0x1] =	wrdreg $0xFFFFFFFF  }
0xc1: {  	_ =	task.clear_ibuf [dreg:s6], $0x2FFFF;
	_ =	strace $0x9FFFFFFF  }
0xc2: {  	(tm) =	ssettm $0x7FFFFFFF  }
0xc3: {  	_ =	shalt  }
tec
execute0_lowered:
.L_overlay_start_1:
0x0: {  	(tag) =	ssettag $0x1  }
0x1: {  	s0 =	rddreg [dreg:$0x0]  }
0x2: {  	s1 =	rddreg [dreg:$0x1]  }
0x3: {  	s2 =	srdreg.scid;
	s4 =	simm.s32 $0x0;
	s10 =	stileid.u32  }
0x4: {  	s2 =	sand.u32 $0x1, s2;
	[smem:$0x7FF] =	sst s4;
	s5 =	smul.u32 $0x14000, s10  }
0x5: {  	s4 =	sadd.s32 $0x20E00, s0;
	s7 =	sadd.s32 $0x16E00, s0;
	s31 =	sadd.s32 $0xCE00, s0  }
0x6: {  	s8 =	sshll.u32 s10, $0x7;
	s3 =	smul.u32 $0x140000, s2;
	s6 =	sshll.u32 s2, $0x4  }
0x7: {  	_ =	strace $0x8000004D;
	s2 =	ssub.s32 $0x2, s2;
	s30 =	sor.u32 s10, s6  }
0x8: {  	s10 =	smul.u32 $0x50000, s10;
	s3 =	sadd.s32 s5, s3;
	s5 =	sshrl.u32 s30, $0x3  }
0x9: {  	s8 =	sand.u32 $0x380, s8;
	s9 =	sshrl.u32 s2, $0x1;
	s5 =	smul.u32 $0x14000, s5  }
0xa: {  	s2 =	ssub.s32 s2, s9;
	s3 =	sshrl.u32 s3, $0x3;
	s9 =	sshrl.u32 s10, $0x2  }
0xb: {  	s11 =	smax.u32 s2, $0x1;
	s0 =	sadd.s32 s3, s0;
	s5 =	sor.u32 s8, s5  }
0xc: {  	[dreg:$0x8] =	wrdreg s11;
	s0 =	sadd.s32 $0x48E00, s0;
	s8 =	sshrl.u32 s5, $0x3  }
0xd: {  	s3 =	sadd.s32 $0xA000, s5;
	[dreg:$0x7] =	wrdreg s0;
	s10 =	sadd.s32 s7, s8  }
0xe: {  	s5 =	sadd.s32 s9, s1;
	s8 =	sadd.s32 s31, s8;
	[dreg:$0x3] =	wrdreg s10  }
0xf: {  	s12 =	sadd.s32 $0x1000, s5;
	[dreg:$0x4] =	wrdreg s8  }
0x10: {  	s13 =	sadd.s32 $0x2000, s5;
	[dreg:$0x9] =	wrdreg s12  }
0x11: {  	s14 =	sadd.s32 $0x3000, s5;
	[dreg:$0xa] =	wrdreg s13  }
0x12: {  	s15 =	sadd.s32 $0x4000, s5;
	[dreg:$0xb] =	wrdreg s14  }
0x13: {  	s16 =	sadd.s32 $0x5000, s5;
	[dreg:$0xc] =	wrdreg s15  }
0x14: {  	s17 =	sadd.s32 $0x6000, s5;
	[dreg:$0xd] =	wrdreg s16  }
0x15: {  	s18 =	sadd.s32 $0x7000, s5;
	[dreg:$0xe] =	wrdreg s17  }
0x16: {  	s19 =	sadd.s32 $0x8000, s5;
	[dreg:$0xf] =	wrdreg s18  }
0x17: {  	s20 =	sadd.s32 $0x9000, s5;
	[dreg:$0x10] =	wrdreg s19  }
0x18: {  	s21 =	sadd.s32 $0xA000, s5;
	[dreg:$0x11] =	wrdreg s20  }
0x19: {  	s22 =	sadd.s32 $0xB000, s5;
	[dreg:$0x12] =	wrdreg s21  }
0x1a: {  	s23 =	sadd.s32 $0xC000, s5;
	[dreg:$0x13] =	wrdreg s22  }
0x1b: {  	s6 =	simm.s32 $0x400;
	s24 =	sadd.s32 $0xD000, s5;
	[dreg:$0x14] =	wrdreg s23  }
0x1c: {  	s2 =	simm.s32 $0x9;
	s25 =	sadd.s32 $0xE000, s5;
	[dreg:$0x15] =	wrdreg s24  }
0x1d: {  	s11 =	simm.s32 $0x4800;
	s26 =	sadd.s32 $0xF000, s5;
	[dreg:$0x16] =	wrdreg s25  }
0x1e: {  	s0 =	simm.s32 $0x2800;
	s28 =	sadd.s32 $0x10000, s5;
	[dreg:$0x17] =	wrdreg s26  }
0x1f: {  	s3 =	sshrl.u32 s3, $0x3;
	s29 =	sadd.s32 $0x11000, s5;
	[dreg:$0x18] =	wrdreg s28  }
0x20: {  	s30 =	sadd.s32 $0x12000, s5;
	s7 =	sadd.s32 s7, s3;
	[dreg:$0x19] =	wrdreg s29  }
0x21: {  	s3 =	sadd.s32 s31, s3;
	[dreg:$0x1a] =	wrdreg s30;
	s31 =	sadd.s32 $0x13000, s5  }
0x22: {  	s8 =	simm.s32 $0x20;
	s14 =	simm.s32 $0x6800;
	s16 =	simm.s32 $0x7800  }
.Ltmp0:
0x23: {  	s17 =	simm.s32 $0xC0;
	s18 =	simm.s32 $0x8800;
	(pc) =	sbr.rel .LBB2_1-.Ltmp0, $4  }
0x24: {  	s19 =	simm.s32 $0xE0;
	s20 =	simm.s32 $0x9800;
	s21 =	simm.s32 $0x1  }
0x25: {  	s22 =	simm.s32 $0x3;
	s23 =	simm.s32 $0x5;
	[dreg:$0x5] =	wrdreg s7  }
0x26: {  	s24 =	simm.s32 $0x7;
	s25 =	simm.s32 $0x8;
	[dreg:$0x6] =	wrdreg s3  }
0x27: {  	v0 =	vimm.f32 $0.0e+00;
	s26 =	simm.s32 $0x0;
	[dreg:$0x1b] =	wrdreg s31;
	s3 =	simm.s32 $0x80  }
.LBB2_9:
0x28: {  	_ =	swait.ge [sflag:s25], $0x1000  }
0x29: {  	[sflag:s25] =	ssyncset.done $0x0  }
0x2a: {  	[sflag:s25] =	ssyncadd.s32 $0xFFFFF000  }
0x2b: {  	[spmem:s1] =	stream.indirect.scatter.add.f32 [tilespmem:s20], [sflag:$0x9], $0x80, s9, s8, $0xb8;
	[tilespmem:$0x1E800] =	vst v63  }
0x2c: {  	_ =	swait.ge [sflag:s2], $0x1000  }
0x2d: {  	[sflag:s2] =	ssyncset.done $0x0  }
0x2e: {  	s7 =	stileid.u32;
	[sflag:s2] =	ssyncadd.s32 $0xFFFFF000  }
0x2f: {  	s7 =	sshll.u32 s7, $0x6;
	[bflag:$0x0] =	sbarrier.arrive $0xFFFF  }
0x30: {  	s30 =	sshrl.u32 s5, $0x3;
	s7 =	sor.u32 $0x1C09, s7;
	s10 =	rddreg [dreg:$0x7]  }
0x31: {  	[hbm:s10], [sflag:s7] =	dma.local [spmem:s30], $0x2800  }
0x32: {  	_ =	swait.ge [sflag:s2], $0x2800  }
0x33: {  	s26 =	sadd.s32 $0x1, s26;
	s31 =	rddreg [dreg:$0x8]  }
0x34: {  	p0 =	sne.s32 s26, s31  }
.Ltmp1:
0x35: {  	_ = 	snop;
	(pc) =	sbr.rel @!p0 .LBB2_10-.Ltmp1, $3  }
0x36: {  	_ =	sdelay $0x1  }
0x37: {  	[sflag:s2] =	ssyncset.done $0x0  }
0x38: {  	[sflag:s2] =	ssyncadd.s32 $0xFFFFD800  }
.LBB2_1:
0x39: {  	s9 =	simm.s32 $0x0  }
0x3a: {  	s7 =	sand.u32 $0x3E00, s9  }
0x3b: {  	s9 =	sand.u32 $0x70, s9;
	s10 =	sshrl.u32 s7, $0x2  }
0x3c: {  	s7 =	simm.s32 $0x40;
	s10 =	sor.u32 s9, s10;
	s9 =	simm.s32 $0x0  }
.LBB2_2:
0x3d: {  	p0 =	sne.s32 s7, $0x3FC0  }
0x3e: {  	[tilespmem:s10+$0x2800] =	vst v0;
	s9 =	sadd.s32 $0x10, s9;
	s10 =	smov.u32 s7;
	s7 =	sadd.s32 $0x40, s7  }
.Ltmp2:
0x3f: {  	(pc) =	sbr.rel @p0 .LBB2_2-.Ltmp2, $4  }
0x40: {  	_ = 	snop  }
0x41: {  	s10 =	sand.u32 $0x3E00, s10  }
0x42: {  	s12 =	sand.u32 $0x70, s9;
	s10 =	sshrl.u32 s10, $0x2  }
0x43: {  	s10 =	sor.u32 s12, s10  }
0x44: {  	[tilespmem:s10+$0x2800] =	vst v0  }
0x45: {  	[spmem:s5] =	stream.linear.scatter [tilespmem:s0], [sflag:$0x9], $0x1000, $0x38;
	[tilespmem:$0x1E800] =	vst v63  }
0x46: {  	_ =	swait.ge [sflag:s2], $0x1000  }
0x47: {  	[sflag:s2] =	ssyncset.done $0x0  }
0x48: {  	s7 =	rddreg [dreg:$0x9];
	[sflag:s2] =	ssyncadd.s32 $0xFFFFF000  }
0x49: {  	[spmem:s7] =	stream.linear.scatter [tilespmem:s0], [sflag:$0x9], $0x1000, $0x38;
	[tilespmem:$0x1E800] =	vst v63  }
0x4a: {  	_ =	swait.ge [sflag:s2], $0x1000  }
0x4b: {  	[sflag:s2] =	ssyncset.done $0x0  }
0x4c: {  	s31 =	rddreg [dreg:$0xa];
	[sflag:s2] =	ssyncadd.s32 $0xFFFFF000  }
0x4d: {  	[spmem:s31] =	stream.linear.scatter [tilespmem:s0], [sflag:$0x9], $0x1000, $0x38;
	[tilespmem:$0x1E800] =	vst v63  }
0x4e: {  	_ =	swait.ge [sflag:s2], $0x1000  }
0x4f: {  	[sflag:s2] =	ssyncset.done $0x0  }
0x50: {  	s9 =	rddreg [dreg:$0xb];
	[sflag:s2] =	ssyncadd.s32 $0xFFFFF000  }
0x51: {  	[spmem:s9] =	stream.linear.scatter [tilespmem:s0], [sflag:$0x9], $0x1000, $0x38;
	[tilespmem:$0x1E800] =	vst v63  }
0x52: {  	_ =	swait.ge [sflag:s2], $0x1000  }
0x53: {  	[sflag:s2] =	ssyncset.done $0x0  }
0x54: {  	s10 =	rddreg [dreg:$0xc];
	[sflag:s2] =	ssyncadd.s32 $0xFFFFF000  }
0x55: {  	[spmem:s10] =	stream.linear.scatter [tilespmem:s0], [sflag:$0x9], $0x1000, $0x38;
	[tilespmem:$0x1E800] =	vst v63  }
0x56: {  	_ =	swait.ge [sflag:s2], $0x1000  }
0x57: {  	[sflag:s2] =	ssyncset.done $0x0  }
0x58: {  	s12 =	rddreg [dreg:$0xd];
	[sflag:s2] =	ssyncadd.s32 $0xFFFFF000  }
0x59: {  	[spmem:s12] =	stream.linear.scatter [tilespmem:s0], [sflag:$0x9], $0x1000, $0x38;
	[tilespmem:$0x1E800] =	vst v63  }
0x5a: {  	_ =	swait.ge [sflag:s2], $0x1000  }
0x5b: {  	[sflag:s2] =	ssyncset.done $0x0  }
0x5c: {  	s13 =	rddreg [dreg:$0xe];
	[sflag:s2] =	ssyncadd.s32 $0xFFFFF000  }
0x5d: {  	[spmem:s13] =	stream.linear.scatter [tilespmem:s0], [sflag:$0x9], $0x1000, $0x38;
	[tilespmem:$0x1E800] =	vst v63  }
0x5e: {  	_ =	swait.ge [sflag:s2], $0x1000  }
0x5f: {  	[sflag:s2] =	ssyncset.done $0x0  }
0x60: {  	s15 =	rddreg [dreg:$0xf];
	[sflag:s2] =	ssyncadd.s32 $0xFFFFF000  }
0x61: {  	[spmem:s15] =	stream.linear.scatter [tilespmem:s0], [sflag:$0x9], $0x1000, $0x38;
	[tilespmem:$0x1E800] =	vst v63  }
0x62: {  	_ =	swait.ge [sflag:s2], $0x1000  }
0x63: {  	[sflag:s2] =	ssyncset.done $0x0  }
0x64: {  	s29 =	rddreg [dreg:$0x10];
	[sflag:s2] =	ssyncadd.s32 $0xFFFFF000  }
0x65: {  	[spmem:s29] =	stream.linear.scatter [tilespmem:s0], [sflag:$0x9], $0x1000, $0x38;
	[tilespmem:$0x1E800] =	vst v63  }
0x66: {  	_ =	swait.ge [sflag:s2], $0x1000  }
0x67: {  	[sflag:s2] =	ssyncset.done $0x0  }
0x68: {  	s30 =	rddreg [dreg:$0x11];
	[sflag:s2] =	ssyncadd.s32 $0xFFFFF000  }
0x69: {  	[spmem:s30] =	stream.linear.scatter [tilespmem:s0], [sflag:$0x9], $0x1000, $0x38;
	[tilespmem:$0x1E800] =	vst v63  }
0x6a: {  	_ =	swait.ge [sflag:s2], $0x1000  }
0x6b: {  	[sflag:s2] =	ssyncset.done $0x0  }
0x6c: {  	s31 =	rddreg [dreg:$0x12];
	[sflag:s2] =	ssyncadd.s32 $0xFFFFF000  }
0x6d: {  	[spmem:s31] =	stream.linear.scatter [tilespmem:s0], [sflag:$0x9], $0x1000, $0x38;
	[tilespmem:$0x1E800] =	vst v63  }
0x6e: {  	_ =	swait.ge [sflag:s2], $0x1000  }
0x6f: {  	[sflag:s2] =	ssyncset.done $0x0  }
0x70: {  	s9 =	rddreg [dreg:$0x13];
	[sflag:s2] =	ssyncadd.s32 $0xFFFFF000  }
0x71: {  	[spmem:s9] =	stream.linear.scatter [tilespmem:s0], [sflag:$0x9], $0x1000, $0x38;
	[tilespmem:$0x1E800] =	vst v63  }
0x72: {  	_ =	swait.ge [sflag:s2], $0x1000  }
0x73: {  	[sflag:s2] =	ssyncset.done $0x0  }
0x74: {  	s10 =	rddreg [dreg:$0x14];
	[sflag:s2] =	ssyncadd.s32 $0xFFFFF000  }
0x75: {  	[spmem:s10] =	stream.linear.scatter [tilespmem:s0], [sflag:$0x9], $0x1000, $0x38;
	[tilespmem:$0x1E800] =	vst v63  }
0x76: {  	_ =	swait.ge [sflag:s2], $0x1000  }
0x77: {  	[sflag:s2] =	ssyncset.done $0x0  }
0x78: {  	s12 =	rddreg [dreg:$0x15];
	[sflag:s2] =	ssyncadd.s32 $0xFFFFF000  }
0x79: {  	[spmem:s12] =	stream.linear.scatter [tilespmem:s0], [sflag:$0x9], $0x1000, $0x38;
	[tilespmem:$0x1E800] =	vst v63  }
0x7a: {  	_ =	swait.ge [sflag:s2], $0x1000  }
0x7b: {  	[sflag:s2] =	ssyncset.done $0x0  }
0x7c: {  	s13 =	rddreg [dreg:$0x16];
	[sflag:s2] =	ssyncadd.s32 $0xFFFFF000  }
0x7d: {  	[spmem:s13] =	stream.linear.scatter [tilespmem:s0], [sflag:$0x9], $0x1000, $0x38;
	[tilespmem:$0x1E800] =	vst v63  }
0x7e: {  	_ =	swait.ge [sflag:s2], $0x1000  }
0x7f: {  	[sflag:s2] =	ssyncset.done $0x0  }
0x80: {  	s15 =	rddreg [dreg:$0x17];
	[sflag:s2] =	ssyncadd.s32 $0xFFFFF000  }
0x81: {  	[spmem:s15] =	stream.linear.scatter [tilespmem:s0], [sflag:$0x9], $0x1000, $0x38;
	[tilespmem:$0x1E800] =	vst v63  }
0x82: {  	_ =	swait.ge [sflag:s2], $0x1000  }
0x83: {  	[sflag:s2] =	ssyncset.done $0x0  }
0x84: {  	s29 =	rddreg [dreg:$0x18];
	[sflag:s2] =	ssyncadd.s32 $0xFFFFF000  }
0x85: {  	[spmem:s29] =	stream.linear.scatter [tilespmem:s0], [sflag:$0x9], $0x1000, $0x38;
	[tilespmem:$0x1E800] =	vst v63  }
0x86: {  	_ =	swait.ge [sflag:s2], $0x1000  }
0x87: {  	[sflag:s2] =	ssyncset.done $0x0  }
0x88: {  	s30 =	rddreg [dreg:$0x19];
	[sflag:s2] =	ssyncadd.s32 $0xFFFFF000  }
0x89: {  	[spmem:s30] =	stream.linear.scatter [tilespmem:s0], [sflag:$0x9], $0x1000, $0x38;
	[tilespmem:$0x1E800] =	vst v63  }
0x8a: {  	_ =	swait.ge [sflag:s2], $0x1000  }
0x8b: {  	[sflag:s2] =	ssyncset.done $0x0  }
0x8c: {  	s31 =	rddreg [dreg:$0x1a];
	[sflag:s2] =	ssyncadd.s32 $0xFFFFF000  }
0x8d: {  	[spmem:s31] =	stream.linear.scatter [tilespmem:s0], [sflag:$0x9], $0x1000, $0x38;
	[tilespmem:$0x1E800] =	vst v63  }
0x8e: {  	_ =	swait.ge [sflag:s2], $0x1000  }
0x8f: {  	[sflag:s2] =	ssyncset.done $0x0  }
0x90: {  	s9 =	rddreg [dreg:$0x1b];
	[sflag:s2] =	ssyncadd.s32 $0xFFFFF000  }
0x91: {  	[spmem:s9] =	stream.linear.scatter [tilespmem:s0], [sflag:$0x9], $0x1000, $0x38;
	[tilespmem:$0x1E800] =	vst v63  }
0x92: {  	_ =	swait.ge [sflag:s2], $0x1000  }
0x93: {  	[sflag:s2] =	ssyncset.done $0x0  }
0x94: {  	[sflag:s2] =	ssyncadd.s32 $0xFFFFF000  }
0x95: {  	[bflag:$0x0] =	sbarrier.arrive $0xFFFF  }
0x96: {  	s28 =	simm.s32 $0x0;
	s10 =	rddreg [dreg:$0x3]  }
0x97: {  	[tilespmem:s28], [sflag:$0x9] =	stream.strided.gather [hbm4b:s10+s3], $0x1400, s6, s3, $0x38;
	[tilespmem:$0x1E800] =	vst v63  }
0x98: {  	_ =	swait.ge [sflag:s2], $0x1400  }
0x99: {  	[sflag:s2] =	ssyncset.done $0x0  }
0x9a: {  	s9 =	simm.s32 $0x1400;
	s12 =	rddreg [dreg:$0x4];
	[sflag:s2] =	ssyncadd.s32 $0xFFFFEC00  }
0x9b: {  	[tilespmem:s9], [sflag:$0x9] =	stream.strided.gather [hbm4b:s12+s3], $0x1400, s6, s3, $0x38;
	[tilespmem:$0x1E800] =	vst v63  }
0x9c: {  	_ =	swait.ge [sflag:s2], $0x1400  }
0x9d: {  	[sflag:s2] =	ssyncset.done $0x0  }
0x9e: {  	[sflag:s2] =	ssyncadd.s32 $0xFFFFEC00  }
0x9f: {  	[tilespmem:s0], [sflag:$0x1] =	stream.indirect.gather [hbm4b:s4+s8], $0x80, s28, s8, $0xb8;
	[tilespmem:$0x1E800] =	vst v63  }
0xa0: {  	s13 =	simm.s32 $0x3800  }
0xa1: {  	[tilespmem:s13], [sflag:$0x2] =	stream.indirect.gather [hbm4b:s4+s8], $0x80, s8, s8, $0xb8;
	[tilespmem:$0x1E800] =	vst v63  }
0xa2: {  	s15 =	simm.s32 $0x40  }
0xa3: {  	[tilespmem:s11], [sflag:$0x3] =	stream.indirect.gather [hbm4b:s4+s8], $0x80, s15, s8, $0xb8;
	[tilespmem:$0x1E800] =	vst v63  }
0xa4: {  	s29 =	simm.s32 $0x60;
	s30 =	simm.s32 $0x5800  }
0xa5: {  	[tilespmem:s30], [sflag:$0x4] =	stream.indirect.gather [hbm4b:s4+s8], $0x80, s29, s8, $0xb8;
	[tilespmem:$0x1E800] =	vst v63  }
0xa6: {  	_ = 	snop  }
0xa7: {  	[tilespmem:s14], [sflag:$0x5] =	stream.indirect.gather [hbm4b:s4+s8], $0x80, s3, s8, $0xb8;
	[tilespmem:$0x1E800] =	vst v63  }
0xa8: {  	s31 =	simm.s32 $0xA0  }
0xa9: {  	[tilespmem:s16], [sflag:$0x6] =	stream.indirect.gather [hbm4b:s4+s8], $0x80, s31, s8, $0xb8;
	[tilespmem:$0x1E800] =	vst v63  }
0xaa: {  	_ = 	snop  }
0xab: {  	[tilespmem:s18], [sflag:$0x7] =	stream.indirect.gather [hbm4b:s4+s8], $0x80, s17, s8, $0xb8;
	[tilespmem:$0x1E800] =	vst v63  }
0xac: {  	_ = 	snop  }
0xad: {  	[tilespmem:s20], [sflag:$0x8] =	stream.indirect.gather [hbm4b:s4+s8], $0x80, s19, s8, $0xb8;
	[tilespmem:$0x1E800] =	vst v63  }
.LBB2_4:
0xae: {  	_ =	swait.ge [sflag:s21], $0x1000  }
0xaf: {  	s7 =	sshra.s32 s28, $0x2;
	[sflag:s21] =	ssyncset.done $0x0  }
0xb0: {  	s9 =	sadd.s32 $0x1400, s7;
	[sflag:s21] =	ssyncadd.s32 $0xFFFFF000  }
0xb1: {  	[spmem:s1] =	stream.indirect.scatter.add.f32 [tilespmem:s0], [sflag:$0x9], $0x80, s9, s8, $0xb8;
	[tilespmem:$0x1E800] =	vst v63  }
0xb2: {  	_ =	swait.ge [sflag:s2], $0x1000  }
0xb3: {  	p0 =	seq.s32 s28, $0x4C00;
	[sflag:s2] =	ssyncset.done $0x0  }
0xb4: {  	s9 =	simm.s32 @p0 $0x2;
	[sflag:s2] =	ssyncadd.s32 $0xFFFFF000  }
0xb5: {  	_ =	swait.ge @p0 [sflag:s9], $0x1000  }
0xb6: {  	[sflag:s9] =	ssyncset.done @p0 $0x0  }
0xb7: {  	[sflag:s9] =	ssyncadd.s32 @p0 $0xFFFFF000;
	s9 =	sshra.s32 @p0 s28, $0x2  }
0xb8: {  	s31 =	simm.s32 @p0 $0x20;
	s12 =	simm.s32 @p0 $0x3800;
	s10 =	sadd.s32 @p0 $0x1420, s9  }
0xb9: {  	[spmem:s1] =	stream.indirect.scatter.add.f32 @p0 [tilespmem:s12], [sflag:$0x9], $0x80, s10, s31, $0xb8;
	[tilespmem:$0x1E800] =	vst v63  }
0xba: {  	s10 =	simm.s32 @p0 $0x9  }
0xbb: {  	_ =	swait.ge @p0 [sflag:s10], $0x1000  }
0xbc: {  	s29 =	sshra.s32 @!p0 s28, $0x2;
	s30 =	simm.s32 @!p0 $0x20;
	[sflag:s10] =	ssyncset.done @p0 $0x0  }
0xbd: {  	s13 =	simm.s32 @!p0 $0x2800;
	s12 =	sadd.s32 @!p0 $0x100, s29;
	[sflag:s10] =	ssyncadd.s32 @p0 $0xFFFFF000  }
0xbe: {  	[tilespmem:s13], [sflag:$0x1] =	stream.indirect.gather @!p0 [hbm4b:s4+s30], $0x80, s12, s30, $0xb8;
	[tilespmem:$0x1E800] =	vst v63  }
0xbf: {  	s12 =	simm.s32 @!p0 $0x2  }
0xc0: {  	_ =	swait.ge @!p0 [sflag:s12], $0x1000  }
0xc1: {  	[sflag:s12] =	ssyncset.done @!p0 $0x0  }
0xc2: {  	s13 =	simm.s32 @!p0 $0x3800;
	[sflag:s12] =	ssyncadd.s32 @!p0 $0xFFFFF000;
	s12 =	sadd.s32 @!p0 $0x1420, s29  }
0xc3: {  	[spmem:s1] =	stream.indirect.scatter.add.f32 @!p0 [tilespmem:s13], [sflag:$0x9], $0x80, s12, s30, $0xb8;
	[tilespmem:$0x1E800] =	vst v63  }
0xc4: {  	s12 =	simm.s32 @!p0 $0x9  }
0xc5: {  	_ =	swait.ge @!p0 [sflag:s12], $0x1000  }
0xc6: {  	[sflag:s12] =	ssyncset.done @!p0 $0x0  }
0xc7: {  	s15 =	sadd.s32 @!p0 $0x120, s29;
	[sflag:s12] =	ssyncadd.s32 @!p0 $0xFFFFF000  }
0xc8: {  	[tilespmem:s13], [sflag:$0x2] =	stream.indirect.gather @!p0 [hbm4b:s4+s30], $0x80, s15, s30, $0xb8;
	[tilespmem:$0x1E800] =	vst v63  }
0xc9: {  	_ =	swait.ge [sflag:s22], $0x1000  }
0xca: {  	[sflag:s22] =	ssyncset.done $0x0  }
0xcb: {  	s15 =	sadd.s32 $0x1440, s7;
	[sflag:s22] =	ssyncadd.s32 $0xFFFFF000  }
0xcc: {  	[spmem:s1] =	stream.indirect.scatter.add.f32 [tilespmem:s11], [sflag:$0x9], $0x80, s15, s8, $0xb8;
	[tilespmem:$0x1E800] =	vst v63  }
0xcd: {  	_ =	swait.ge [sflag:s2], $0x1000  }
0xce: {  	[sflag:s2] =	ssyncset.done $0x0  }
0xcf: {  	s13 =	simm.s32 @p0 $0x4;
	[sflag:s2] =	ssyncadd.s32 $0xFFFFF000  }
0xd0: {  	_ =	swait.ge @p0 [sflag:s13], $0x1000  }
0xd1: {  	[sflag:s13] =	ssyncset.done @p0 $0x0  }
0xd2: {  	s15 =	simm.s32 @p0 $0x5800;
	[sflag:s13] =	ssyncadd.s32 @p0 $0xFFFFF000;
	s13 =	sadd.s32 @p0 $0x1460, s9  }
0xd3: {  	[spmem:s1] =	stream.indirect.scatter.add.f32 @p0 [tilespmem:s15], [sflag:$0x9], $0x80, s13, s31, $0xb8;
	[tilespmem:$0x1E800] =	vst v63  }
0xd4: {  	_ =	swait.ge @p0 [sflag:s10], $0x1000  }
0xd5: {  	[sflag:s10] =	ssyncset.done @p0 $0x0  }
0xd6: {  	s13 =	sadd.s32 @!p0 $0x140, s29;
	s15 =	simm.s32 @!p0 $0x4800;
	[sflag:s10] =	ssyncadd.s32 @p0 $0xFFFFF000  }
0xd7: {  	[tilespmem:s15], [sflag:$0x3] =	stream.indirect.gather @!p0 [hbm4b:s4+s30], $0x80, s13, s30, $0xb8;
	[tilespmem:$0x1E800] =	vst v63  }
0xd8: {  	s13 =	simm.s32 @!p0 $0x4  }
0xd9: {  	_ =	swait.ge @!p0 [sflag:s13], $0x1000  }
0xda: {  	[sflag:s13] =	ssyncset.done @!p0 $0x0  }
0xdb: {  	s15 =	simm.s32 @!p0 $0x5800;
	[sflag:s13] =	ssyncadd.s32 @!p0 $0xFFFFF000;
	s13 =	sadd.s32 @!p0 $0x1460, s29  }
0xdc: {  	[spmem:s1] =	stream.indirect.scatter.add.f32 @!p0 [tilespmem:s15], [sflag:$0x9], $0x80, s13, s30, $0xb8;
	[tilespmem:$0x1E800] =	vst v63  }
0xdd: {  	_ =	swait.ge @!p0 [sflag:s12], $0x1000  }
0xde: {  	[sflag:s12] =	ssyncset.done @!p0 $0x0  }
0xdf: {  	s13 =	sadd.s32 @!p0 $0x160, s29;
	[sflag:s12] =	ssyncadd.s32 @!p0 $0xFFFFF000  }
0xe0: {  	[tilespmem:s15], [sflag:$0x4] =	stream.indirect.gather @!p0 [hbm4b:s4+s30], $0x80, s13, s30, $0xb8;
	[tilespmem:$0x1E800] =	vst v63  }
0xe1: {  	_ =	swait.ge [sflag:s23], $0x1000  }
0xe2: {  	[sflag:s23] =	ssyncset.done $0x0  }
0xe3: {  	s15 =	sadd.s32 $0x1480, s7;
	[sflag:s23] =	ssyncadd.s32 $0xFFFFF000  }
0xe4: {  	[spmem:s1] =	stream.indirect.scatter.add.f32 [tilespmem:s14], [sflag:$0x9], $0x80, s15, s8, $0xb8;
	[tilespmem:$0x1E800] =	vst v63  }
0xe5: {  	_ =	swait.ge [sflag:s2], $0x1000  }
0xe6: {  	[sflag:s2] =	ssyncset.done $0x0  }
0xe7: {  	s13 =	simm.s32 @p0 $0x6;
	[sflag:s2] =	ssyncadd.s32 $0xFFFFF000  }
0xe8: {  	_ =	swait.ge @p0 [sflag:s13], $0x1000  }
0xe9: {  	[sflag:s13] =	ssyncset.done @p0 $0x0  }
0xea: {  	s9 =	sadd.s32 @p0 $0x14A0, s9;
	[sflag:s13] =	ssyncadd.s32 @p0 $0xFFFFF000;
	s13 =	simm.s32 @p0 $0x7800  }
0xeb: {  	[spmem:s1] =	stream.indirect.scatter.add.f32 @p0 [tilespmem:s13], [sflag:$0x9], $0x80, s9, s31, $0xb8;
	[tilespmem:$0x1E800] =	vst v63  }
0xec: {  	_ =	swait.ge @p0 [sflag:s10], $0x1000  }
0xed: {  	[sflag:s10] =	ssyncset.done @p0 $0x0  }
0xee: {  	s9 =	sadd.s32 @!p0 $0x180, s29;
	[sflag:s10] =	ssyncadd.s32 @p0 $0xFFFFF000;
	s10 =	simm.s32 @!p0 $0x6800  }
0xef: {  	[tilespmem:s10], [sflag:$0x5] =	stream.indirect.gather @!p0 [hbm4b:s4+s30], $0x80, s9, s30, $0xb8;
	[tilespmem:$0x1E800] =	vst v63  }
0xf0: {  	s9 =	simm.s32 @!p0 $0x6  }
0xf1: {  	_ =	swait.ge @!p0 [sflag:s9], $0x1000  }
0xf2: {  	[sflag:s9] =	ssyncset.done @!p0 $0x0  }
0xf3: {  	s10 =	simm.s32 @!p0 $0x7800;
	[sflag:s9] =	ssyncadd.s32 @!p0 $0xFFFFF000;
	s9 =	sadd.s32 @!p0 $0x14A0, s29  }
0xf4: {  	[spmem:s1] =	stream.indirect.scatter.add.f32 @!p0 [tilespmem:s10], [sflag:$0x9], $0x80, s9, s30, $0xb8;
	[tilespmem:$0x1E800] =	vst v63  }
0xf5: {  	_ =	swait.ge @!p0 [sflag:s12], $0x1000  }
0xf6: {  	[sflag:s12] =	ssyncset.done @!p0 $0x0  }
0xf7: {  	s9 =	sadd.s32 @!p0 $0x1A0, s29;
	[sflag:s12] =	ssyncadd.s32 @!p0 $0xFFFFF000  }
0xf8: {  	[tilespmem:s10], [sflag:$0x6] =	stream.indirect.gather @!p0 [hbm4b:s4+s30], $0x80, s9, s30, $0xb8;
	[tilespmem:$0x1E800] =	vst v63  }
0xf9: {  	_ =	swait.ge [sflag:s24], $0x1000  }
0xfa: {  	[sflag:s24] =	ssyncset.done $0x0  }
.Ltmp3:
0xfb: {  	s31 =	sadd.s32 $0x14C0, s7;
	[sflag:s24] =	ssyncadd.s32 $0xFFFFF000;
	(pc) =	sbr.rel @p0 .LBB2_6-.Ltmp3, $4  }
0xfc: {  	[spmem:s1] =	stream.indirect.scatter.add.f32 [tilespmem:s18], [sflag:$0x9], $0x80, s31, s8, $0xb8;
	[tilespmem:$0x1E800] =	vst v63  }
0xfd: {  	_ =	swait.ge [sflag:s2], $0x1000  }
0xfe: {  	[sflag:s2] =	ssyncset.done $0x0  }
0xff: {  	s9 =	sadd.s32 $0x14E0, s7;
	[sflag:s2] =	ssyncadd.s32 $0xFFFFF000  }
0x100: {  	s10 =	sadd.s32 $0x1C0, s7  }
0x101: {  	[tilespmem:s18], [sflag:$0x7] =	stream.indirect.gather [hbm4b:s4+s8], $0x80, s10, s8, $0xb8;
	[tilespmem:$0x1E800] =	vst v63  }
0x102: {  	_ =	swait.ge [sflag:s25], $0x1000  }
0x103: {  	[sflag:s25] =	ssyncset.done $0x0  }
0x104: {  	[sflag:s25] =	ssyncadd.s32 $0xFFFFF000  }
0x105: {  	[spmem:s1] =	stream.indirect.scatter.add.f32 [tilespmem:s20], [sflag:$0x9], $0x80, s9, s8, $0xb8;
	[tilespmem:$0x1E800] =	vst v63  }
.Ltmp4:
0x106: {  	_ = 	snop;
	(pc) =	sbr.rel .LBB2_4-.Ltmp4, $4  }
0x107: {  	_ =	swait.ge [sflag:s2], $0x1000  }
0x108: {  	[sflag:s2] =	ssyncset.done $0x0  }
0x109: {  	s31 =	sadd.s32 $0x1E0, s7;
	s28 =	sadd.s32 $0x400, s28;
	[sflag:s2] =	ssyncadd.s32 $0xFFFFF000  }
0x10a: {  	[tilespmem:s20], [sflag:$0x8] =	stream.indirect.gather [hbm4b:s4+s8], $0x80, s31, s8, $0xb8;
	[tilespmem:$0x1E800] =	vst v63  }
.LBB2_6:
0x10b: {  	_ =	swait.ge [sflag:s25], $0x1000  }
0x10c: {  	[sflag:s25] =	ssyncset.done $0x0  }
0x10d: {  	[sflag:s25] =	ssyncadd.s32 $0xFFFFF000  }
0x10e: {  	[spmem:s1] =	stream.indirect.scatter.add.f32 [tilespmem:s20], [sflag:$0x9], $0x80, s9, s8, $0xb8;
	[tilespmem:$0x1E800] =	vst v63  }
0x10f: {  	_ =	swait.ge [sflag:s2], $0x1000  }
0x110: {  	[sflag:s2] =	ssyncset.done $0x0  }
0x111: {  	s28 =	simm.s32 $0x0;
	s7 =	rddreg [dreg:$0x5];
	[sflag:s2] =	ssyncadd.s32 $0xFFFFF000  }
0x112: {  	[tilespmem:s28], [sflag:$0x9] =	stream.strided.gather [hbm4b:s7+s3], $0x1400, s6, s3, $0x38;
	[tilespmem:$0x1E800] =	vst v63  }
0x113: {  	_ =	swait.ge [sflag:s2], $0x1400  }
0x114: {  	[sflag:s2] =	ssyncset.done $0x0  }
0x115: {  	s12 =	simm.s32 $0x1400;
	s10 =	rddreg [dreg:$0x6];
	[sflag:s2] =	ssyncadd.s32 $0xFFFFEC00  }
0x116: {  	[tilespmem:s12], [sflag:$0x9] =	stream.strided.gather [hbm4b:s10+s3], $0x1400, s6, s3, $0x38;
	[tilespmem:$0x1E800] =	vst v63  }
0x117: {  	_ =	swait.ge [sflag:s2], $0x1400  }
0x118: {  	[sflag:s2] =	ssyncset.done $0x0  }
0x119: {  	[sflag:s2] =	ssyncadd.s32 $0xFFFFEC00  }
0x11a: {  	[tilespmem:s0], [sflag:$0x1] =	stream.indirect.gather [hbm4b:s4+s8], $0x80, s28, s8, $0xb8;
	[tilespmem:$0x1E800] =	vst v63  }
0x11b: {  	s13 =	simm.s32 $0x3800  }
0x11c: {  	[tilespmem:s13], [sflag:$0x2] =	stream.indirect.gather [hbm4b:s4+s8], $0x80, s8, s8, $0xb8;
	[tilespmem:$0x1E800] =	vst v63  }
0x11d: {  	s15 =	simm.s32 $0x40  }
0x11e: {  	[tilespmem:s11], [sflag:$0x3] =	stream.indirect.gather [hbm4b:s4+s8], $0x80, s15, s8, $0xb8;
	[tilespmem:$0x1E800] =	vst v63  }
0x11f: {  	s29 =	simm.s32 $0x60;
	s30 =	simm.s32 $0x5800  }
0x120: {  	[tilespmem:s30], [sflag:$0x4] =	stream.indirect.gather [hbm4b:s4+s8], $0x80, s29, s8, $0xb8;
	[tilespmem:$0x1E800] =	vst v63  }
0x121: {  	_ = 	snop  }
0x122: {  	[tilespmem:s14], [sflag:$0x5] =	stream.indirect.gather [hbm4b:s4+s8], $0x80, s3, s8, $0xb8;
	[tilespmem:$0x1E800] =	vst v63  }
0x123: {  	s31 =	simm.s32 $0xA0  }
0x124: {  	[tilespmem:s16], [sflag:$0x6] =	stream.indirect.gather [hbm4b:s4+s8], $0x80, s31, s8, $0xb8;
	[tilespmem:$0x1E800] =	vst v63  }
0x125: {  	_ = 	snop  }
0x126: {  	[tilespmem:s18], [sflag:$0x7] =	stream.indirect.gather [hbm4b:s4+s8], $0x80, s17, s8, $0xb8;
	[tilespmem:$0x1E800] =	vst v63  }
0x127: {  	_ = 	snop  }
0x128: {  	[tilespmem:s20], [sflag:$0x8] =	stream.indirect.gather [hbm4b:s4+s8], $0x80, s19, s8, $0xb8;
	[tilespmem:$0x1E800] =	vst v63  }
.LBB2_7:
0x129: {  	_ =	swait.ge [sflag:s21], $0x1000  }
0x12a: {  	s7 =	sshra.s32 s28, $0x2;
	[sflag:s21] =	ssyncset.done $0x0  }
0x12b: {  	s9 =	sadd.s32 $0x1400, s7;
	[sflag:s21] =	ssyncadd.s32 $0xFFFFF000  }
0x12c: {  	[spmem:s1] =	stream.indirect.scatter.add.f32 [tilespmem:s0], [sflag:$0x9], $0x80, s9, s8, $0xb8;
	[tilespmem:$0x1E800] =	vst v63  }
0x12d: {  	_ =	swait.ge [sflag:s2], $0x1000  }
0x12e: {  	p0 =	seq.s32 s28, $0x4C00;
	[sflag:s2] =	ssyncset.done $0x0  }
0x12f: {  	s9 =	simm.s32 @p0 $0x2;
	[sflag:s2] =	ssyncadd.s32 $0xFFFFF000  }
0x130: {  	_ =	swait.ge @p0 [sflag:s9], $0x1000  }
0x131: {  	[sflag:s9] =	ssyncset.done @p0 $0x0  }
0x132: {  	s10 =	simm.s32 @p0 $0x20;
	[sflag:s9] =	ssyncadd.s32 @p0 $0xFFFFF000;
	s9 =	sshra.s32 @p0 s28, $0x2  }
0x133: {  	s13 =	simm.s32 @p0 $0x3800;
	s31 =	simm.s32 @p0 $0x9;
	s12 =	sadd.s32 @p0 $0x1420, s9  }
0x134: {  	[spmem:s1] =	stream.indirect.scatter.add.f32 @p0 [tilespmem:s13], [sflag:$0x9], $0x80, s12, s10, $0xb8;
	[tilespmem:$0x1E800] =	vst v63  }
0x135: {  	_ =	swait.ge @p0 [sflag:s31], $0x1000  }
0x136: {  	s29 =	sshra.s32 @!p0 s28, $0x2;
	s30 =	simm.s32 @!p0 $0x20;
	[sflag:s31] =	ssyncset.done @p0 $0x0  }
0x137: {  	s12 =	sadd.s32 @!p0 $0x100, s29;
	s13 =	simm.s32 @!p0 $0x2800;
	[sflag:s31] =	ssyncadd.s32 @p0 $0xFFFFF000  }
0x138: {  	[tilespmem:s13], [sflag:$0x1] =	stream.indirect.gather @!p0 [hbm4b:s4+s30], $0x80, s12, s30, $0xb8;
	[tilespmem:$0x1E800] =	vst v63  }
0x139: {  	s12 =	simm.s32 @!p0 $0x2  }
0x13a: {  	_ =	swait.ge @!p0 [sflag:s12], $0x1000  }
0x13b: {  	[sflag:s12] =	ssyncset.done @!p0 $0x0  }
0x13c: {  	s13 =	simm.s32 @!p0 $0x3800;
	[sflag:s12] =	ssyncadd.s32 @!p0 $0xFFFFF000;
	s12 =	sadd.s32 @!p0 $0x1420, s29  }
0x13d: {  	[spmem:s1] =	stream.indirect.scatter.add.f32 @!p0 [tilespmem:s13], [sflag:$0x9], $0x80, s12, s30, $0xb8;
	[tilespmem:$0x1E800] =	vst v63  }
0x13e: {  	s12 =	simm.s32 @!p0 $0x9  }
0x13f: {  	_ =	swait.ge @!p0 [sflag:s12], $0x1000  }
0x140: {  	[sflag:s12] =	ssyncset.done @!p0 $0x0  }
0x141: {  	s15 =	sadd.s32 @!p0 $0x120, s29;
	[sflag:s12] =	ssyncadd.s32 @!p0 $0xFFFFF000  }
0x142: {  	[tilespmem:s13], [sflag:$0x2] =	stream.indirect.gather @!p0 [hbm4b:s4+s30], $0x80, s15, s30, $0xb8;
	[tilespmem:$0x1E800] =	vst v63  }
0x143: {  	_ =	swait.ge [sflag:s22], $0x1000  }
0x144: {  	[sflag:s22] =	ssyncset.done $0x0  }
0x145: {  	s15 =	sadd.s32 $0x1440, s7;
	[sflag:s22] =	ssyncadd.s32 $0xFFFFF000  }
0x146: {  	[spmem:s1] =	stream.indirect.scatter.add.f32 [tilespmem:s11], [sflag:$0x9], $0x80, s15, s8, $0xb8;
	[tilespmem:$0x1E800] =	vst v63  }
0x147: {  	_ =	swait.ge [sflag:s2], $0x1000  }
0x148: {  	[sflag:s2] =	ssyncset.done $0x0  }
0x149: {  	s13 =	simm.s32 @p0 $0x4;
	[sflag:s2] =	ssyncadd.s32 $0xFFFFF000  }
0x14a: {  	_ =	swait.ge @p0 [sflag:s13], $0x1000  }
0x14b: {  	[sflag:s13] =	ssyncset.done @p0 $0x0  }
0x14c: {  	s15 =	simm.s32 @p0 $0x5800;
	[sflag:s13] =	ssyncadd.s32 @p0 $0xFFFFF000;
	s13 =	sadd.s32 @p0 $0x1460, s9  }
0x14d: {  	[spmem:s1] =	stream.indirect.scatter.add.f32 @p0 [tilespmem:s15], [sflag:$0x9], $0x80, s13, s10, $0xb8;
	[tilespmem:$0x1E800] =	vst v63  }
0x14e: {  	_ =	swait.ge @p0 [sflag:s31], $0x1000  }
0x14f: {  	[sflag:s31] =	ssyncset.done @p0 $0x0  }
0x150: {  	s13 =	sadd.s32 @!p0 $0x140, s29;
	s15 =	simm.s32 @!p0 $0x4800;
	[sflag:s31] =	ssyncadd.s32 @p0 $0xFFFFF000  }
0x151: {  	[tilespmem:s15], [sflag:$0x3] =	stream.indirect.gather @!p0 [hbm4b:s4+s30], $0x80, s13, s30, $0xb8;
	[tilespmem:$0x1E800] =	vst v63  }
0x152: {  	s13 =	simm.s32 @!p0 $0x4  }
0x153: {  	_ =	swait.ge @!p0 [sflag:s13], $0x1000  }
0x154: {  	[sflag:s13] =	ssyncset.done @!p0 $0x0  }
0x155: {  	s15 =	simm.s32 @!p0 $0x5800;
	[sflag:s13] =	ssyncadd.s32 @!p0 $0xFFFFF000;
	s13 =	sadd.s32 @!p0 $0x1460, s29  }
0x156: {  	[spmem:s1] =	stream.indirect.scatter.add.f32 @!p0 [tilespmem:s15], [sflag:$0x9], $0x80, s13, s30, $0xb8;
	[tilespmem:$0x1E800] =	vst v63  }
0x157: {  	_ =	swait.ge @!p0 [sflag:s12], $0x1000  }
0x158: {  	[sflag:s12] =	ssyncset.done @!p0 $0x0  }
0x159: {  	s13 =	sadd.s32 @!p0 $0x160, s29;
	[sflag:s12] =	ssyncadd.s32 @!p0 $0xFFFFF000  }
0x15a: {  	[tilespmem:s15], [sflag:$0x4] =	stream.indirect.gather @!p0 [hbm4b:s4+s30], $0x80, s13, s30, $0xb8;
	[tilespmem:$0x1E800] =	vst v63  }
0x15b: {  	_ =	swait.ge [sflag:s23], $0x1000  }
0x15c: {  	[sflag:s23] =	ssyncset.done $0x0  }
0x15d: {  	s15 =	sadd.s32 $0x1480, s7;
	[sflag:s23] =	ssyncadd.s32 $0xFFFFF000  }
0x15e: {  	[spmem:s1] =	stream.indirect.scatter.add.f32 [tilespmem:s14], [sflag:$0x9], $0x80, s15, s8, $0xb8;
	[tilespmem:$0x1E800] =	vst v63  }
0x15f: {  	_ =	swait.ge [sflag:s2], $0x1000  }
0x160: {  	[sflag:s2] =	ssyncset.done $0x0  }
0x161: {  	s13 =	simm.s32 @p0 $0x6;
	[sflag:s2] =	ssyncadd.s32 $0xFFFFF000  }
0x162: {  	_ =	swait.ge @p0 [sflag:s13], $0x1000  }
0x163: {  	[sflag:s13] =	ssyncset.done @p0 $0x0  }
0x164: {  	s9 =	sadd.s32 @p0 $0x14A0, s9;
	[sflag:s13] =	ssyncadd.s32 @p0 $0xFFFFF000;
	s13 =	simm.s32 @p0 $0x7800  }
0x165: {  	[spmem:s1] =	stream.indirect.scatter.add.f32 @p0 [tilespmem:s13], [sflag:$0x9], $0x80, s9, s10, $0xb8;
	[tilespmem:$0x1E800] =	vst v63  }
0x166: {  	_ =	swait.ge @p0 [sflag:s31], $0x1000  }
0x167: {  	[sflag:s31] =	ssyncset.done @p0 $0x0  }
0x168: {  	s9 =	sadd.s32 @!p0 $0x180, s29;
	s10 =	simm.s32 @!p0 $0x6800;
	[sflag:s31] =	ssyncadd.s32 @p0 $0xFFFFF000  }
0x169: {  	[tilespmem:s10], [sflag:$0x5] =	stream.indirect.gather @!p0 [hbm4b:s4+s30], $0x80, s9, s30, $0xb8;
	[tilespmem:$0x1E800] =	vst v63  }
0x16a: {  	s9 =	simm.s32 @!p0 $0x6  }
0x16b: {  	_ =	swait.ge @!p0 [sflag:s9], $0x1000  }
0x16c: {  	[sflag:s9] =	ssyncset.done @!p0 $0x0  }
0x16d: {  	s10 =	simm.s32 @!p0 $0x7800;
	[sflag:s9] =	ssyncadd.s32 @!p0 $0xFFFFF000;
	s9 =	sadd.s32 @!p0 $0x14A0, s29  }
0x16e: {  	[spmem:s1] =	stream.indirect.scatter.add.f32 @!p0 [tilespmem:s10], [sflag:$0x9], $0x80, s9, s30, $0xb8;
	[tilespmem:$0x1E800] =	vst v63  }
0x16f: {  	_ =	swait.ge @!p0 [sflag:s12], $0x1000  }
0x170: {  	[sflag:s12] =	ssyncset.done @!p0 $0x0  }
0x171: {  	s9 =	sadd.s32 @!p0 $0x1A0, s29;
	[sflag:s12] =	ssyncadd.s32 @!p0 $0xFFFFF000  }
0x172: {  	[tilespmem:s10], [sflag:$0x6] =	stream.indirect.gather @!p0 [hbm4b:s4+s30], $0x80, s9, s30, $0xb8;
	[tilespmem:$0x1E800] =	vst v63  }
0x173: {  	_ =	swait.ge [sflag:s24], $0x1000  }
0x174: {  	[sflag:s24] =	ssyncset.done $0x0  }
.Ltmp5:
0x175: {  	s31 =	sadd.s32 $0x14C0, s7;
	[sflag:s24] =	ssyncadd.s32 $0xFFFFF000;
	(pc) =	sbr.rel @p0 .LBB2_9-.Ltmp5, $4  }
0x176: {  	[spmem:s1] =	stream.indirect.scatter.add.f32 [tilespmem:s18], [sflag:$0x9], $0x80, s31, s8, $0xb8;
	[tilespmem:$0x1E800] =	vst v63  }
0x177: {  	_ =	swait.ge [sflag:s2], $0x1000  }
0x178: {  	[sflag:s2] =	ssyncset.done $0x0  }
0x179: {  	s9 =	sadd.s32 $0x14E0, s7;
	[sflag:s2] =	ssyncadd.s32 $0xFFFFF000  }
0x17a: {  	s10 =	sadd.s32 $0x1C0, s7  }
0x17b: {  	[tilespmem:s18], [sflag:$0x7] =	stream.indirect.gather [hbm4b:s4+s8], $0x80, s10, s8, $0xb8;
	[tilespmem:$0x1E800] =	vst v63  }
0x17c: {  	_ =	swait.ge [sflag:s25], $0x1000  }
0x17d: {  	[sflag:s25] =	ssyncset.done $0x0  }
0x17e: {  	[sflag:s25] =	ssyncadd.s32 $0xFFFFF000  }
0x17f: {  	[spmem:s1] =	stream.indirect.scatter.add.f32 [tilespmem:s20], [sflag:$0x9], $0x80, s9, s8, $0xb8;
	[tilespmem:$0x1E800] =	vst v63  }
.Ltmp6:
0x180: {  	_ = 	snop;
	(pc) =	sbr.rel .LBB2_7-.Ltmp6, $4  }
0x181: {  	_ =	swait.ge [sflag:s2], $0x1000  }
0x182: {  	[sflag:s2] =	ssyncset.done $0x0  }
0x183: {  	s31 =	sadd.s32 $0x1E0, s7;
	s28 =	sadd.s32 $0x400, s28;
	[sflag:s2] =	ssyncadd.s32 $0xFFFFF000  }
0x184: {  	[tilespmem:s20], [sflag:$0x8] =	stream.indirect.gather [hbm4b:s4+s8], $0x80, s31, s8, $0xb8;
	[tilespmem:$0x1E800] =	vst v63  }
.LBB2_10:
0x185: {  	_ =	sfence.sel $0x180000  }
0x186: {  	[bflag:$0x0] =	sbarrier.arrive $0xFFFF  }
0x187: {  	_ =	strace $0x9000004D  }
0x188: {  	s0 =	stileid.u32;
	[bflag:$0x2] =	sbarrier.arrive $0xFFFF  }
0x189: {  	p0 =	sne.s32 s0, $0x0;
	s0 =	rddreg [dreg:$0x2]  }
0x18a: {  	s0 =	sadd.s32 @!p0 $0x100000, s0  }
0x18b: {  	[sflag:s0] =	ssyncadd.tile.s32 @!p0 $0x1;
	_ =	shalt  }
.Lfunc_end2:
_tile_overlayer_lowered:
.L_overlay_start_2:
0x18c: {  	(tag) =	ssettag $0x2  }
0x18d: {  	s0 =	rddreg [dreg:$0x0];
	s2 =	stileid.u32  }
0x18e: {  	s1 =	rddreg [dreg:$0x1];
	p0 =	sne.s32 s2, $0x0  }
0x18f: {  	s3 =	rddreg [dreg:$0x2];
	[bflag:$0x3] =	sbarrier.arrive $0xFFFF;
	s2 =	simm.s32 @!p0 $0x1C09  }
0x190: {  	[timem:s3], [sflag:s2] =	dma.local @!p0 [hbm:s0], s1  }
0x191: {  	s0 =	simm.s32 @!p0 $0x9  }
0x192: {  	_ =	swait.ge @!p0 [sflag:s0], s1  }
0x193: {  	s1 =	ssub.s32 @!p0 $0x0, s1;
	[sflag:s0] =	ssyncset.done @!p0 $0x0  }
0x194: {  	[sflag:s0] =	ssyncadd.s32 @!p0 s1  }
0x195: {  	[bflag:$0x3] =	sbarrier.arrive $0xFFFF  }
0x196: {  	_ =	shalt  }

// kernel: kernel.9.cloned.1.call-start
scs
__scs_entry_jumppad:
0x0: {  	(pc) =	sbr.rel $0x88, $3  }
0x1: {  	(tag) =	ssettag $0x0;
	lr =	simm.s32 $0x1  }
0x2: {  	[smem:$0x3F93] =	sst lr;
	_ =	strace $0xD0000000  }
0x3: {  	_ = 	snop  }
0x4: {  	_ = 	snop  }
0x5: {  	_ = 	snop  }
0x6: {  	_ = 	snop  }
0x7: {  	_ = 	snop  }
__scs_overlays_trampoline_lowered:
0x8: {  	[smem:$0x3FA2] =	sst s0  }
0x9: {  	[smem:$0x3FA3] =	sst s1  }
0xa: {  	[smem:$0x3FA4] =	sst s2  }
0xb: {  	[smem:$0x3FA5] =	sst s3  }
0xc: {  	[smem:$0x3FA6] =	sst s4  }
0xd: {  	[smem:$0x3FA7] =	sst s5  }
0xe: {  	[smem:$0x3FA8] =	sst s6  }
0xf: {  	[smem:$0x3FA9] =	sst s7  }
0x10: {  	[smem:$0x3FAA] =	sst s8  }
0x11: {  	[smem:$0x3FAB] =	sst s9;
	s0 =	simm.s32 @!p0 $0x0  }
0x12: {  	s1 =	sld [smem:$0x3F91];
	s0 =	simm.s32 @p0 $0x1  }
0x13: {  	[smem:$0x3FAC] =	sst s0;
	s0 =	simm.s32 @!p1 $0x0  }
0x14: {  	s2 =	sld [smem:$0x3F90];
	s0 =	simm.s32 @p1 $0x1  }
0x15: {  	[smem:$0x3FAD] =	sst s0;
	s0 =	simm.s32 @!p2 $0x0  }
0x16: {  	s3 =	sld [smem:$0x3FDB];
	s0 =	simm.s32 @p2 $0x1  }
0x17: {  	s4 =	simm.s32 $0x1BF5;
	[smem:$0x3FAF] =	sst s0  }
0x18: {  	s0 =	sld [smem:$0x3F92];
	_ =	swait.ge [sflag:s4], $0x0  }
0x19: {  	s7 =	sld [smem:$0x3F93]  }
0x1a: {  	s8 =	sadd.s32 $0xFFFFE003, lr  }
0x1b: {  	s9 =	sadd.s32 $0xFFFFFEF7, lr;
	s5 =	simm.s32 $0xFFFFFFFF;
	p2 =	slt.u32 s8, $0xFFFFF086  }
0x1c: {  	p1 =	slt.u32 s9, $0xF7A;
	s5 =	simm.s32 @!p2 $0x0  }
0x1d: {  	s5 =	simm.s32 @p1 $0x1;
	p0 =	seq.s32 s7, s2  }
0x1e: {  	s7 =	smul.u32 @!p0 $0xF7A, s2;
	p2 =	seq.s32 @!p0 s5, $0x0  }
0x1f: {  	s9 =	smul.u32 $0xF7A, s1;
	s8 =	simm.s32 @!p0 $0x1BF5;
	p2 =	por !p2, p0  }
0x20: {  	[sflag:s8] =	ssyncset.s32 @!p0 $0xFFFFF086;
	s6 =	sadd.s32 @!p0 s3, s7;
	s7 =	simm.s32 @!p0 $0x108  }
0x21: {  	s3 =	sadd.s32 s3, s9;
	s6 =	sadd.s32 @!p0 $0x88, s6;
	s7 =	simm.s32 @p2 $0x1082  }
0x22: {  	[simem:s7], [sflag:s8] =	dma.local @!p0 [hbm:s6], $0xF7A  }
0x23: {  	s9 =	sor.u32 $0xD0000000, s2;
	s6 =	simm.s32 $0x108;
	_ =	swait.ge @!p0 [sflag:s8], $0x0  }
0x24: {  	s3 =	sadd.s32 $0x88, s3;
	s6 =	simm.s32 @!p1 $0x1082;
	[sflag:s4] =	ssyncset.s32 $0xFFFFF086  }
0x25: {  	[simem:s6], [sflag:s4] =	dma.local [hbm:s3], $0xF7A  }
0x26: {  	[smem:$0x3F93] =	sst s1;
	(tag) =	ssettag s2;
	_ =	strace s9  }
0x27: {  	s1 =	sld [smem:$0x3FA3]  }
0x28: {  	s2 =	sld [smem:$0x3FA4]  }
0x29: {  	s4 =	sld [smem:$0x3FA6]  }
0x2a: {  	p0 =	seq.s32 s5, $0x0;
	s5 =	sld [smem:$0x3FA7]  }
0x2b: {  	s6 =	sld [smem:$0x3FA8]  }
0x2c: {  	s7 =	sld [smem:$0x3FA9]  }
0x2d: {  	s3 =	simm.s32 $0x108;
	s8 =	sld [smem:$0x3FAA]  }
0x2e: {  	s3 =	simm.s32 @!p0 $0x1082;
	s9 =	sld [smem:$0x3FAB]  }
0x2f: {  	lr =	sadd.s32 s0, s3;
	s0 =	sld [smem:$0x3FA2]  }
0x30: {  	s3 =	sld [smem:$0x3FA5]  }
0x31: {  	[smem:$0x3FAE] =	sst s10  }
0x32: {  	s10 =	sld [smem:$0x3FAC];
	_ =	sdelay $0x3  }
0x33: {  	p0 =	seq.s32 s10, $0x1;
	s10 =	sld [smem:$0x3FAE];
	_ =	sdelay $0x3  }
0x34: {  	[smem:$0x3FAE] =	sst s10  }
0x35: {  	s10 =	sld [smem:$0x3FAD];
	_ =	sdelay $0x3  }
0x36: {  	p1 =	seq.s32 s10, $0x1;
	s10 =	sld [smem:$0x3FAE];
	_ =	sdelay $0x3  }
0x37: {  	[smem:$0x3FAE] =	sst s10  }
0x38: {  	s10 =	sld [smem:$0x3FAF]  }
0x39: {  	_ = 	snop;
	(pc) =	sbr.ind lr, $3  }
0x3a: {  	_ = 	snop  }
0x3b: {  	_ = 	snop  }
0x3c: {  	p2 =	seq.s32 s10, $0x1;
	s10 =	sld [smem:$0x3FAE]  }
0x3d: {  	_ =	shalt  }
0x3e: {  	_ =	shalt  }
0x3f: {  	_ =	shalt  }
0x40: {  	_ =	shalt  }
0x41: {  	_ =	shalt  }
0x42: {  	_ =	shalt  }
0x43: {  	_ =	shalt  }
0x44: {  	_ =	shalt  }
0x45: {  	_ =	shalt  }
0x46: {  	_ =	shalt  }
0x47: {  	_ =	shalt  }
0x48: {  	_ =	shalt  }
0x49: {  	_ =	shalt  }
0x4a: {  	_ =	shalt  }
0x4b: {  	_ =	shalt  }
0x4c: {  	_ =	shalt  }
0x4d: {  	_ =	shalt  }
0x4e: {  	_ =	shalt  }
0x4f: {  	_ =	shalt  }
0x50: {  	_ =	shalt  }
0x51: {  	_ =	shalt  }
0x52: {  	_ =	shalt  }
0x53: {  	_ =	shalt  }
0x54: {  	_ =	shalt  }
0x55: {  	_ =	shalt  }
0x56: {  	_ =	shalt  }
0x57: {  	_ =	shalt  }
0x58: {  	_ =	shalt  }
0x59: {  	_ =	shalt  }
0x5a: {  	_ =	shalt  }
0x5b: {  	_ =	shalt  }
0x5c: {  	_ =	shalt  }
0x5d: {  	_ =	shalt  }
0x5e: {  	_ =	shalt  }
0x5f: {  	_ =	shalt  }
0x60: {  	_ =	shalt  }
0x61: {  	_ =	shalt  }
0x62: {  	_ =	shalt  }
0x63: {  	_ =	shalt  }
0x64: {  	_ =	shalt  }
0x65: {  	_ =	shalt  }
0x66: {  	_ =	shalt  }
0x67: {  	_ =	shalt  }
0x68: {  	_ =	shalt  }
0x69: {  	_ =	shalt  }
0x6a: {  	_ =	shalt  }
0x6b: {  	_ =	shalt  }
0x6c: {  	_ =	shalt  }
0x6d: {  	_ =	shalt  }
0x6e: {  	_ =	shalt  }
0x6f: {  	_ =	shalt  }
0x70: {  	_ =	shalt  }
0x71: {  	_ =	shalt  }
0x72: {  	_ =	shalt  }
0x73: {  	_ =	shalt  }
0x74: {  	_ =	shalt  }
0x75: {  	_ =	shalt  }
0x76: {  	_ =	shalt  }
0x77: {  	_ =	shalt  }
0x78: {  	_ =	shalt  }
0x79: {  	_ =	shalt  }
0x7a: {  	_ =	shalt  }
0x7b: {  	_ =	shalt  }
0x7c: {  	_ =	shalt  }
0x7d: {  	_ =	shalt  }
0x7e: {  	_ =	shalt  }
0x7f: {  	_ =	shalt  }
0x80: {  	_ =	shalt  }
0x81: {  	_ =	shalt  }
0x82: {  	_ =	shalt  }
0x83: {  	_ =	shalt  }
0x84: {  	_ =	shalt  }
0x85: {  	_ =	shalt  }
0x86: {  	_ =	shalt  }
0x87: {  	_ =	shalt  }
.Lfunc_end0:
.L_simem_size_0:
called_computation_lowered:
.L_overlay_start_0:
0x88: {  	s2 =	sld [smem:$0x3FD9]  }
0x89: {  	s3 =	sld [smem:$0x3FFE];
	_ =	sdelay $0x1  }
0x8a: {  	s1 =	srdreg.scid  }
0x8b: {  	s0 =	sand.u32 $0x1, s1  }
0x8c: {  	s17 =	sshll.u32 s0, $0xA;
	s2 =	sadd.s32 s3, s2  }
0x8d: {  	s2 =	sadd.s32 s2, s17  }
0x8e: {  	[smem:$0x3FBA] =	sst s2  }
0x8f: {  	_ = 	snop  }
0x90: {  	s2 =	sld [smem:$0x3FD0];
	(tm) =	ssettm $0x1  }
0x91: {  	s18 =	sld [smem:$0x3FFB];
	_ =	sdelay $0x3  }
0x92: {  	_ =	strace s18  }
0x93: {  	s3 =	sld [smem:$0x3FFC];
	_ =	sdelay $0x3  }
0x94: {  	_ =	strace s3  }
0x95: {  	s3 =	sld [smem:$0x3FFD];
	_ =	sdelay $0x3  }
0x96: {  	_ =	strace s3  }
0x97: {  	_ =	strace $0x8FFFFFFF  }
0x98: {  	s19 =	sld [smem:$0x3FDB];
	_ =	sdelay $0x1  }
0x99: {  	s4 =	simm.s32 $_scs_section_size  }
0x9a: {  	s5 =	simm.s32 $_size__tile_overlayer_lowered;
	s6 =	simm.s32 $_tile_overlayer_lowered  }
0x9b: {  	s22 =	simm.s32 $0x1BFF;
	s21 =	sshll.u32 s6, $0x1;
	s3 =	sadd.s32 s4, s19  }
0x9c: {  	s7 =	simm.s32 $0x0;
	s20 =	sshll.u32 s5, $0x1;
	s5 =	sadd.s32 s21, s3  }
0x9d: {  	[timem:s7], [sflag:s22] =	dma.local [hbm:s5], s20  }
0x9e: {  	_ =	swait.ge [sflag:s22], s20  }
0x9f: {  	s4 =	ssub.s32 $0x0, s20;
	[sflag:s22] =	ssyncset.done $0x0  }
0xa0: {  	[sflag:s22] =	ssyncadd.s32 s4;
	_ =	sdelay $0x1  }
0xa1: {  	s23 =	simm.s32 $0x1B8B  }
0xa2: {  	_ =	swait.ge [sflag:s23], $0x1  }
0xa3: {  	[sflag:s23] =	ssyncset.done $0x0  }
0xa4: {  	s25 =	simm.s32 $0x1B8E;
	s24 =	sld [smem:$0x3FFE];
	[sflag:s23] =	ssyncadd.s32 $0xFFFFFFFF  }
0xa5: {  	s26 =	simm.s32 $execute0_lowered;
	[smem:$0x3FD2] =	sst s25  }
0xa6: {  	s5 =	sshll.u32 s26, $0x1;
	_ =	strace $0x80000046;
	[dreg:$0x1] =	wrdreg $0xFFFFFFFF  }
0xa7: {  	s28 =	simm.s32 $_size_execute0_lowered;
	s3 =	sadd.s32 s3, s5;
	[dreg:$0x0] =	wrdreg $0x0  }
0xa8: {  	s5 =	sshll.u32 s28, $0x1;
	[dreg:$0x2] =	wrdreg s3  }
0xa9: {  	[dreg:$0x3] =	wrdreg s5  }
0xaa: {  	[dreg:$0x4] =	wrdreg $0xC0  }
0xab: {  	_ =	task [dreg:s7], $0x5FFFF  }
0xac: {  	[dreg:$0x1] =	wrdreg $0xFFFFFFFF  }
0xad: {  	[dreg:$0x0] =	wrdreg $0x60  }
0xae: {  	[dreg:$0x2] =	wrdreg s24  }
0xaf: {  	[dreg:$0x3] =	wrdreg s2  }
0xb0: {  	[dreg:$0x4] =	wrdreg $0x2B000  }
0xb1: {  	[dreg:$0x5] =	wrdreg $0x9  }
0xb2: {  	_ =	task.clear_ibuf [dreg:s7], $0x6FFFF;
	_ =	strace $0x90000046  }
0xb3: {  	s29 =	simm.s32 $0x9;
	_ =	strace $0x80000048  }
0xb4: {  	_ =	swait.ge [sflag:s29], $0x1  }
0xb5: {  	[sflag:s29] =	ssyncadd.s32 $0xFFFFFFFF  }
0xb6: {  	_ =	strace $0x90000048  }
0xb7: {  	_ =	sfence  }
0xb8: {  	s30 =	sld [smem:$0x0];
	_ =	sdelay $0x2  }
0xb9: {  	s31 =	sshll.u32 s1, $0xD;
	s1 =	sshrl.u32 s1, $0x2  }
0xba: {  	s3 =	sand.u32 $0x4000, s31;
	s1 =	sadd.s32 s1, s30  }
0xbb: {  	s0 =	sor.u32 s3, s0;
	s1 =	sshll.u32 s1, $0x11  }
0xbc: {  	s0 =	sor.u32 s1, s0  }
0xbd: {  	s0 =	sadd.s32 $0x8F2B, s0  }
0xbe: {  	[sflag:s0] =	ssyncadd.remote.s32 $0x1  }
0xbf: {  	_ =	sfence.sel $0xFFFF  }
0xc0: {  	[dreg:$0x0] =	wrdreg $0xFFFFFFFF;
	(pc) =	sbr.abs _section_cstart, $3  }
0xc1: {  	[dreg:$0x1] =	wrdreg $0xFFFFFFFF  }
0xc2: {  	_ =	task.clear_ibuf [dreg:s7], $0x2FFFF;
	_ =	strace $0x9FFFFFFF  }
0xc3: {  	(tm) =	ssettm $0x7FFFFFFF  }
tec
execute0_lowered:
.L_overlay_start_1:
0x0: {  	(tag) =	ssettag $0x1  }
0x1: {  	s4 =	rddreg [dreg:$0x0]  }
0x2: {  	s6 =	rddreg [dreg:$0x1]  }
0x3: {  	s0 =	srdreg.scid;
	s2 =	rddreg [dreg:$0x2]  }
0x4: {  	s3 =	simm.s32 $0x0;
	s11 =	simm.s32 $0x2800;
	s14 =	simm.s32 $0x20  }
0x5: {  	s15 =	simm.s32 $0x10;
	s5 =	sand.u32 $0x1, s0;
	s0 =	stileid.u32  }
0x6: {  	s16 =	simm.s32 $0x0;
	[smem:$0x7FF] =	sst s3;
	s8 =	smul.u32 $0xA00, s0  }
0x7: {  	s1 =	sshll.u32 s5, $0x4;
	s9 =	ssub.s32 $0x2, s5;
	s10 =	smul.u32 $0x500, s0  }
0x8: {  	s5 =	sshll.u32 s5, $0x7;
	s12 =	sshll.u32 s0, $0x6;
	s7 =	sor.u32 s0, s1  }
0x9: {  	s1 =	rddreg [dreg:$0x3];
	_ =	strace $0x80000047;
	s28 =	sshrl.u32 s9, $0x1  }
0xa: {  	s12 =	sor.u32 $0x1C01, s12;
	s7 =	smul.u32 $0x500, s7;
	s9 =	ssub.s32 s9, s28  }
0xb: {  	s29 =	sshrl.u32 s8, $0x2;
	s30 =	sor.u32 s5, s10;
	s8 =	simm.s32 $0x2880  }
0xc: {  	s10 =	simm.s32 $0x80;
	s31 =	sshrl.u32 s30, $0x3;
	s7 =	sadd.s32 s7, s4  }
0xd: {  	s4 =	sadd.s32 s29, s2;
	s6 =	sadd.s32 s6, s31;
	s5 =	sadd.s32 $0x2E00, s7  }
0xe: {  	v0 =	vimm.f32 $1.000000000e+00;
	v1 =	vimm.f32 $0.0e+00;
	s7 =	smax.u32 s9, $0x1;
	s9 =	simm.s32 $0x1;
	s13 =	sshrl.u32 s4, $0x3  }
.LBB2_1:
0xf: {  	[tilespmem:$0x2800] =	vst v0  }
0x10: {  	[tilespmem:$0x2810] =	vst v0  }
0x11: {  	[tilespmem:$0x2820] =	vst v0  }
0x12: {  	[tilespmem:$0x2830] =	vst v0  }
0x13: {  	[tilespmem:$0x2840] =	vst v0  }
0x14: {  	[tilespmem:$0x2850] =	vst v0  }
0x15: {  	[tilespmem:$0x2860] =	vst v0  }
0x16: {  	[tilespmem:$0x2870] =	vst v0  }
0x17: {  	[tilespmem:$0x2880] =	vst v1  }
0x18: {  	[tilespmem:$0x2890] =	vst v1  }
0x19: {  	[tilespmem:$0x28A0] =	vst v1  }
0x1a: {  	[tilespmem:$0x28B0] =	vst v1  }
0x1b: {  	[tilespmem:$0x28C0] =	vst v1  }
0x1c: {  	[tilespmem:$0x28D0] =	vst v1  }
0x1d: {  	[tilespmem:$0x28E0] =	vst v1  }
0x1e: {  	[tilespmem:$0x28F0] =	vst v1  }
0x1f: {  	[tilespmem:$0x2900] =	vst v1  }
0x20: {  	[tilespmem:$0x2910] =	vst v1  }
0x21: {  	[tilespmem:$0x2920] =	vst v1  }
0x22: {  	[tilespmem:$0x2930] =	vst v1  }
0x23: {  	[tilespmem:$0x2940] =	vst v1  }
0x24: {  	[tilespmem:$0x2950] =	vst v1  }
0x25: {  	[tilespmem:$0x2960] =	vst v1  }
0x26: {  	[tilespmem:$0x2970] =	vst v1  }
0x27: {  	[tilespmem:$0x2980] =	vst v1  }
0x28: {  	[tilespmem:$0x2990] =	vst v1  }
0x29: {  	[tilespmem:$0x29A0] =	vst v1  }
0x2a: {  	[tilespmem:$0x29B0] =	vst v1  }
0x2b: {  	[tilespmem:$0x29C0] =	vst v1  }
0x2c: {  	[tilespmem:$0x29D0] =	vst v1  }
0x2d: {  	[tilespmem:$0x29E0] =	vst v1  }
0x2e: {  	[tilespmem:$0x29F0] =	vst v1  }
0x2f: {  	[tilespmem:$0x2A00] =	vst v1  }
0x30: {  	[tilespmem:$0x2A10] =	vst v1  }
0x31: {  	[tilespmem:$0x2A20] =	vst v1  }
0x32: {  	[tilespmem:$0x2A30] =	vst v1  }
0x33: {  	[tilespmem:$0x2A40] =	vst v1  }
0x34: {  	[tilespmem:$0x2A50] =	vst v1  }
0x35: {  	[tilespmem:$0x2A60] =	vst v1  }
0x36: {  	[tilespmem:$0x2A70] =	vst v1  }
0x37: {  	[tilespmem:$0x2A80] =	vst v1  }
0x38: {  	[tilespmem:$0x2A90] =	vst v1  }
0x39: {  	[tilespmem:$0x2AA0] =	vst v1  }
0x3a: {  	[tilespmem:$0x2AB0] =	vst v1  }
0x3b: {  	[tilespmem:$0x2AC0] =	vst v1  }
0x3c: {  	[tilespmem:$0x2AD0] =	vst v1  }
0x3d: {  	[tilespmem:$0x2AE0] =	vst v1  }
0x3e: {  	[tilespmem:$0x2AF0] =	vst v1  }
0x3f: {  	[spmem:s4] =	stream.linear.scatter [tilespmem:s8], [sflag:$0x1], $0x280, $0x38;
	[tilespmem:$0x2D80] =	vst v63  }
0x40: {  	_ =	swait.ge [sflag:s9], $0x280  }
0x41: {  	[sflag:s9] =	ssyncset.done $0x0  }
0x42: {  	[sflag:s9] =	ssyncadd.s32 $0xFFFFFD80  }
0x43: {  	[tilespmem:s3], [sflag:$0x1] =	stream.linear.gather [hbm4b:s5+s3], $0x2800, $0x38;
	[tilespmem:$0x2D80] =	vst v63  }
0x44: {  	_ =	swait.ge [sflag:s9], $0x2800  }
0x45: {  	[sflag:s9] =	ssyncset.done $0x0  }
0x46: {  	[sflag:s9] =	ssyncadd.s32 $0xFFFFD800  }
0x47: {  	s17 =	simm.s32 $0x0;
	[bflag:$0x0] =	sbarrier.arrive $0xFFFF  }
0x48: {  	[spmem:s2] =	stream.indirect.scatter.add.f32 [tilespmem:s11], [sflag:$0x1], $0x1, s17, s10, $0xb8;
	[tilespmem:$0x2D80] =	vst v63  }
0x49: {  	_ =	swait.ge [sflag:s9], $0x80  }
0x4a: {  	s17 =	simm.s32 $0x200;
	[sflag:s9] =	ssyncset.done $0x0  }
.LBB2_2:
0x4b: {  	s18 =	sshra.s32 s17, $0x2;
	[sflag:s9] =	ssyncadd.s32 $0xFFFFFF80;
	p0 =	sne.s32 s17, $0x9E00  }
0x4c: {  	[spmem:s2] =	stream.indirect.scatter.add.f32 [tilespmem:s11], [sflag:$0x1], $0x1, s18, s10, $0xb8;
	[tilespmem:$0x2D80] =	vst v63  }
.Ltmp0:
0x4d: {  	_ = 	snop;
	(pc) =	sbr.rel @p0 .LBB2_2-.Ltmp0, $4  }
0x4e: {  	_ = 	snop  }
0x4f: {  	s17 =	sadd.s32 $0x200, s17  }
0x50: {  	_ =	swait.ge [sflag:s9], $0x80  }
0x51: {  	[sflag:s9] =	ssyncset.done $0x0  }
0x52: {  	s16 =	sadd.s32 $0x1, s16  }
0x53: {  	[sflag:s9] =	ssyncadd.s32 $0xFFFFFF80;
	p0 =	sne.s32 s16, s7  }
.Ltmp1:
0x54: {  	[bflag:$0x0] =	sbarrier.arrive $0xFFFF;
	(pc) =	sbr.rel @p0 .LBB2_1-.Ltmp1, $4  }
0x55: {  	[hbm:s6@s14], [sflag:s12] =	dma.strided [spmem:s13@s15], $0x50, s9, $0x10   }
0x56: {  	_ =	swait.ge [sflag:s9], $0x50  }
0x57: {  	[sflag:s9] =	ssyncset.done $0x0  }
0x58: {  	[sflag:s9] =	ssyncadd.s32 $0xFFFFFFB0  }
0x59: {  	_ =	sfence.sel $0x180000  }
0x5a: {  	[bflag:$0x0] =	sbarrier.arrive $0xFFFF  }
0x5b: {  	p0 =	sne.s32 s0, $0x0;
	_ =	strace $0x90000047  }
0x5c: {  	s0 =	sadd.s32 @!p0 $0x100000, s1;
	[bflag:$0x2] =	sbarrier.arrive $0xFFFF  }
0x5d: {  	[sflag:s0] =	ssyncadd.tile.s32 @!p0 $0x1;
	_ =	shalt  }
.Lfunc_end2:
_tile_overlayer_lowered:
.L_overlay_start_2:
0x5e: {  	(tag) =	ssettag $0x2  }
0x5f: {  	s0 =	rddreg [dreg:$0x0];
	s2 =	stileid.u32  }
0x60: {  	s1 =	rddreg [dreg:$0x1];
	p0 =	sne.s32 s2, $0x0  }
0x61: {  	s3 =	rddreg [dreg:$0x2];
	[bflag:$0x3] =	sbarrier.arrive $0xFFFF;
	s2 =	simm.s32 @!p0 $0x1C01  }
0x62: {  	[timem:s3], [sflag:s2] =	dma.local @!p0 [hbm:s0], s1  }
0x63: {  	s0 =	simm.s32 @!p0 $0x1  }
0x64: {  	_ =	swait.ge @!p0 [sflag:s0], s1  }
0x65: {  	s1 =	ssub.s32 @!p0 $0x0, s1;
	[sflag:s0] =	ssyncset.done @!p0 $0x0  }
0x66: {  	[sflag:s0] =	ssyncadd.s32 @!p0 s1  }
0x67: {  	[bflag:$0x3] =	sbarrier.arrive $0xFFFF  }
0x68: {  	_ =	shalt  }

</sc_bundles>
